<compile_context>
chip_gen: v7x
topology: tpu7x:2x2x1
jax: 0.10.2.dev20260603
libtpu: 0.0.44.dev20260713+nightly
codegen_flags: <defaults>
</compile_context>

<pallas_src>
import functools

import jax
import jax.numpy as jnp
from jax import lax
from jax.experimental import pallas as pl
from jax.experimental.pallas import tpu as pltpu
from jax.experimental.pallas import tpu_sc as plsc

VOCAB = 100000
EMBED_DIM = 64
NUM_CLASSES = 4
BATCH = 16384
SEQ = 200

LANES = 16
RING = 8
NC, NS = 2, 16
NW = NC * NS
TOK = BATCH * SEQ
TOK_W = TOK // NW
CH = 128
KB = 16
NB = TOK_W // (CH * KB)
B_W = BATCH // NW
B_SC = BATCH // NC
V_CHUNK = 6256
V_LAST = VOCAB - (NS - 1) * V_CHUNK


def _project_body(emb_ref, w_ref, b_ref, o_ref):
    o_ref[...] = (
        jnp.dot(emb_ref[...], w_ref[...], preferred_element_type=jnp.float32)
        + b_ref[0:1, :]
    )


def _project(emb_table, wpad, bpad8):
    blk = 2000
    return pl.pallas_call(
        _project_body,
        grid=(VOCAB // blk,),
        in_specs=[
            pl.BlockSpec((blk, EMBED_DIM), lambda i: (i, 0)),
            pl.BlockSpec((EMBED_DIM, LANES), lambda i: (0, 0)),
            pl.BlockSpec((8, LANES), lambda i: (0, 0)),
        ],
        out_specs=pl.BlockSpec((blk, LANES), lambda i: (i, 0)),
        out_shape=jax.ShapeDtypeStruct((VOCAB, LANES), jnp.float32),
    )(emb_table, wpad, bpad8)


def _sc_pool(p16, ids3, pat3, zrows):
    mesh = plsc.VectorSubcoreMesh(core_axis_name="c", subcore_axis_name="s")

    @functools.partial(
        pl.kernel,
        out_type=jax.ShapeDtypeStruct((BATCH, LANES), jnp.float32),
        mesh=mesh,
        compiler_params=pltpu.CompilerParams(use_tc_tiling_on_sc=False),
        scratch_types=[
            pltpu.VMEM_SHARED((B_SC, LANES), jnp.float32),
            pltpu.VMEM((2, KB, CH), jnp.int32),
            pltpu.VMEM((2, KB, CH), jnp.int32),
            pltpu.VMEM((RING, CH, LANES), jnp.float32),
            pltpu.SemaphoreType.DMA,
            pltpu.SemaphoreType.DMA,
            pltpu.SemaphoreType.DMA,
        ],
    )
    def pool(p_hbm, ids_hbm, pat_hbm, z_hbm, out_hbm,
             acc_sh, ids_v, pat_v, gbuf, sem_i, sem_g, sem_s):
        c = lax.axis_index("c")
        s = lax.axis_index("s")
        w = c * NS + s

        def fire_loads(j, b):
            pltpu.async_copy(ids_hbm.at[w, pl.ds(j * KB, KB)], ids_v.at[b],
                             sem_i)
            pltpu.async_copy(pat_hbm.at[s, pl.ds(j * KB, KB)], pat_v.at[b],
                             sem_i)

        def wait_loads(j, b):
            pltpu.make_async_copy(ids_hbm.at[w, pl.ds(j * KB, KB)],
                                  ids_v.at[b], sem_i).wait()
            pltpu.make_async_copy(pat_hbm.at[s, pl.ds(j * KB, KB)],
                                  pat_v.at[b], sem_i).wait()

        def fire_gather(b, kk, q):
            pltpu.async_copy(p_hbm.at[ids_v.at[b, kk]], gbuf.at[q], sem_g)

        def wait_gather(b, kk, q):
            pltpu.make_async_copy(p_hbm.at[ids_v.at[b, kk]], gbuf.at[q],
                                  sem_g).wait()

        def fire_scatter(b, kk, q):
            pltpu.async_copy(gbuf.at[q], acc_sh.at[pat_v.at[b, kk]], sem_s,
                             add=True)

        def wait_scatter(b, kk, q):
            pltpu.make_async_copy(gbuf.at[q], acc_sh.at[pat_v.at[b, kk]],
                                  sem_s).wait()

        DEPTH = 4

        pltpu.sync_copy(z_hbm, acc_sh.at[pl.ds(s * B_W, B_W)])
        fire_loads(0, 0)
        wait_loads(0, 0)
        fire_loads(1, 1)
        for kk in range(DEPTH):
            fire_gather(0, kk, kk)

        @pl.loop(0, NB // 2)
        def _(g):
            for b in (0, 1):
                j = 2 * g + b
                for kk in range(KB):
                    q = kk % RING
                    wait_gather(b, kk, q)
                    if kk > 0:
                        wait_scatter(b, kk - 1, (kk - 1) % RING)
                    elif b == 1:
                        wait_scatter(0, KB - 1, (KB - 1) % RING)
                    else:
                        @pl.when(g >= 1)
                        def _():
                            wait_scatter(1, KB - 1, (KB - 1) % RING)

                    if kk == 0:
                        if b == 0:
                            @pl.when(g >= 1)
                            def _():
                                fire_loads(j + 1, 1)
                        else:
                            @pl.when(g < NB // 2 - 1)
                            def _():
                                fire_loads(j + 1, 0)

                    if kk < KB - DEPTH:
                        fire_gather(b, kk + DEPTH, (kk + DEPTH) % RING)
                    else:
                        if kk == KB - DEPTH:
                            @pl.when(j < NB - 1)
                            def _():
                                wait_loads(j + 1, 1 - b)
                        @pl.when(j < NB - 1)
                        def _():
                            fire_gather(1 - b, kk - (KB - DEPTH),
                                        (kk + DEPTH) % RING)
                    fire_scatter(b, kk, q)

        wait_scatter(1, KB - 1, (KB - 1) % RING)
        pltpu.sync_copy(acc_sh.at[pl.ds(s * B_W, B_W)],
                        out_hbm.at[pl.ds(c * B_SC + s * B_W, B_W)])

    return pool(p16, ids3, pat3, zrows)


def kernel(input_ids, emb_table, fc_w, fc_b):
    f32 = jnp.float32
    wpad = jnp.zeros((EMBED_DIM, LANES), f32)
    wpad = wpad.at[:, :NUM_CLASSES].set(fc_w.astype(f32).T / SEQ)
    bpad8 = jnp.zeros((8, LANES), f32)
    bpad8 = bpad8.at[:, :NUM_CLASSES].set(fc_b.astype(f32)[None, :] / SEQ)
    p16 = _project(emb_table, wpad, bpad8)

    ids3 = input_ids.astype(jnp.int32).reshape(NW, NB * KB, CH)
    tok = jnp.arange(TOK_W, dtype=jnp.int32) // SEQ
    pat3 = (tok[None, :]
            + jnp.arange(NS, dtype=jnp.int32)[:, None] * B_W
            ).reshape(NS, NB * KB, CH)
    zrows = jnp.zeros((B_W, LANES), f32)

    out16 = _sc_pool(p16, ids3, pat3, zrows)
    return out16[:, :NUM_CLASSES]

# --- scband reference (transcript-rebuilt; emitter-appended) ---
"""Pipeline reference for scband-simple-news-classifier-50912542327361 (READ-ONLY COPY).

The authoritative reference and input builder live on the scoring server;
editing this copy changes nothing except your own understanding.
"""

import jax, jax.numpy as jnp
import numpy as np

VOCAB = 100000
EMBED_DIM = 64
NUM_CLASSES = 4
BATCH = 16384
SEQ = 200

def setup_inputs(seed: int = 0) -> dict:
    key = jax.random.key(seed)
    k1, k2, k3, k4 = jax.random.split(key, 4)
    input_ids = jax.random.randint(k1, (BATCH, SEQ), 0, VOCAB, dtype=jnp.int64 if jax.config.jax_enable_x64 else jnp.int32)
    emb_table = jax.random.normal(k2, (VOCAB, EMBED_DIM), dtype=jnp.float32)
    fc_w = jax.random.normal(k3, (NUM_CLASSES, EMBED_DIM), dtype=jnp.float32) * (1.0 / np.sqrt(EMBED_DIM))
    fc_b = jax.random.normal(k4, (NUM_CLASSES,), dtype=jnp.float32) * 0.01
    return {"input_ids": input_ids, "emb_table": emb_table, "fc_w": fc_w, "fc_b": fc_b}

def reference(input_ids, emb_table, fc_w, fc_b):
    # nn.Embedding lookup -> gather
    embeds = jnp.take(emb_table, input_ids, axis=0)  # [B, L, D]
    # mean over sequence dim
    pooled = jnp.mean(embeds, axis=1)  # [B, D]
    # nn.Linear: x @ W.T + b
    logits = pooled @ fc_w.T + fc_b  # [B, num_classes]
    return logits

if __name__ == "__main__":
    import jax
    _d = setup_inputs()
    print(jax.jit(kernel)(*tuple(_d.values())))

</pallas_src>

<mosaic_0001>
#map = affine_map<(d0, d1) -> (0, 0)>
#map1 = affine_map<(d0, d1) -> (0, 0, 0)>
module attributes {stable_mosaic.version = 14 : i64} {
  func.func @pool(%arg0: i32, %arg1: i32, %arg2: memref<100000x16xf32, #tpu.memory_space<hbm>>, %arg3: memref<32x800x128xi32, #tpu.memory_space<hbm>>, %arg4: memref<16x800x128xi32, #tpu.memory_space<hbm>>, %arg5: memref<512x16xf32, #tpu.memory_space<hbm>>, %arg6: memref<16384x16xf32, #tpu.memory_space<hbm>>, %arg7: memref<8192x16xf32, #tpu.memory_space<vmem_shared>>, %arg8: memref<2x16x128xi32, #tpu.memory_space<vmem>>, %arg9: memref<2x16x128xi32, #tpu.memory_space<vmem>>, %arg10: memref<8x128x16xf32, #tpu.memory_space<vmem>>, %arg11: memref<!tpu.dma_semaphore, #tpu.memory_space<semaphore_mem>>, %arg12: memref<!tpu.dma_semaphore, #tpu.memory_space<semaphore_mem>>, %arg13: memref<!tpu.dma_semaphore, #tpu.memory_space<semaphore_mem>>) attributes {dimension_semantics = [#tpu.dimension_semantics<core_parallel>, #tpu.dimension_semantics<subcore_parallel>], iteration_bounds = array<i64: 2, 16>, scalar_prefetch = 0 : i64, scratch_operands = 7 : i64, tpu.core_type = #tpu.core_type<sc_vector_subcore>, window_params = [{transform_indices = #map}, {transform_indices = #map1}, {transform_indices = #map1}, {transform_indices = #map}, {transform_indices = #map}]} {
    %mul3A = arith.constant 16 : i32
    %mul3A_0 = arith.muli %arg0, %mul3A : i32
    %add3A = arith.addi %mul3A_0, %arg1 : i32
    %mul3A_1 = arith.constant 512 : i32
    %mul3A_2 = arith.muli %arg1, %mul3A_1 : i32
    "tpu.region"() ({
      %run_scoped3A = tpu.sem_alloc : memref<!tpu.dma_semaphore, #tpu.memory_space<semaphore_mem>>
      %dma_start3A_179 = arith.constant 0 : i32
      %dma_start3A_180 = tpu.memref_slice %arg7[%mul3A_2, %dma_start3A_179] : memref<8192x16xf32, #tpu.memory_space<vmem_shared>> -> memref<512x16xf32, #tpu.memory_space<vmem_shared>>
      tpu.enqueue_dma source(%arg5 : memref<512x16xf32, #tpu.memory_space<hbm>>) target(%dma_start3A_180 : memref<512x16xf32, #tpu.memory_space<vmem_shared>>) target_semaphore(%run_scoped3A : memref<!tpu.dma_semaphore, #tpu.memory_space<semaphore_mem>>)
      %dma_wait3A_181 = arith.constant 0 : i32
      %dma_wait3A_182 = tpu.memref_slice %arg7[%mul3A_2, %dma_wait3A_181] : memref<8192x16xf32, #tpu.memory_space<vmem_shared>> -> memref<512x16xf32, #tpu.memory_space<vmem_shared>>
      tpu.wait_dma2 semaphore(%run_scoped3A : memref<!tpu.dma_semaphore, #tpu.memory_space<semaphore_mem>>) src(%arg5 : memref<512x16xf32, #tpu.memory_space<hbm>>) dst(%dma_wait3A_182 : memref<512x16xf32, #tpu.memory_space<vmem_shared>>)
      tpu.yield
    }) : () -> ()
    %dma_start3A = arith.constant 0 : i32
    %dma_start3A_3 = arith.constant 0 : i32
    %dma_start3A_4 = arith.constant 0 : i32
    %dma_start3A_5 = tpu.memref_slice %arg8[%dma_start3A, %dma_start3A_3, %dma_start3A_4] : memref<2x16x128xi32, #tpu.memory_space<vmem>> -> memref<1x16x128xi32, #tpu.memory_space<vmem>>
    %dma_start3A_6 = tpu.memref_squeeze %dma_start3A_5 : memref<1x16x128xi32, #tpu.memory_space<vmem>> -> memref<16x128xi32, #tpu.memory_space<vmem>>
    %dma_start3A_7 = arith.constant 0 : i32
    %dma_start3A_8 = arith.constant 0 : i32
    %dma_start3A_9 = tpu.memref_slice %arg3[%add3A, %dma_start3A_7, %dma_start3A_8] : memref<32x800x128xi32, #tpu.memory_space<hbm>> -> memref<1x16x128xi32, #tpu.memory_space<hbm>>
    %dma_start3A_10 = tpu.memref_squeeze %dma_start3A_9 : memref<1x16x128xi32, #tpu.memory_space<hbm>> -> memref<16x128xi32, #tpu.memory_space<hbm>>
    %dma_start3A_11 = arith.constant 0 : i32
    %dma_start3A_12 = arith.constant 0 : i32
    %dma_start3A_13 = tpu.memref_slice %arg8[%dma_start3A, %dma_start3A_11, %dma_start3A_12] : memref<2x16x128xi32, #tpu.memory_space<vmem>> -> memref<1x16x128xi32, #tpu.memory_space<vmem>>
    %dma_start3A_14 = tpu.memref_squeeze %dma_start3A_13 : memref<1x16x128xi32, #tpu.memory_space<vmem>> -> memref<16x128xi32, #tpu.memory_space<vmem>>
    %dma_start3A_15 = arith.constant 0 : i32
    %dma_start3A_16 = arith.constant 0 : i32
    %dma_start3A_17 = tpu.memref_slice %arg3[%add3A, %dma_start3A_15, %dma_start3A_16] : memref<32x800x128xi32, #tpu.memory_space<hbm>> -> memref<1x16x128xi32, #tpu.memory_space<hbm>>
    %dma_start3A_18 = tpu.memref_squeeze %dma_start3A_17 : memref<1x16x128xi32, #tpu.memory_space<hbm>> -> memref<16x128xi32, #tpu.memory_space<hbm>>
    tpu.enqueue_dma source(%dma_start3A_18 : memref<16x128xi32, #tpu.memory_space<hbm>>) target(%dma_start3A_14 : memref<16x128xi32, #tpu.memory_space<vmem>>) target_semaphore(%arg11 : memref<!tpu.dma_semaphore, #tpu.memory_space<semaphore_mem>>)
    %dma_start3A_19 = arith.constant 0 : i32
    %dma_start3A_20 = arith.constant 0 : i32
    %dma_start3A_21 = arith.constant 0 : i32
    %dma_start3A_22 = tpu.memref_slice %arg9[%dma_start3A_19, %dma_start3A_20, %dma_start3A_21] : memref<2x16x128xi32, #tpu.memory_space<vmem>> -> memref<1x16x128xi32, #tpu.memory_space<vmem>>
    %dma_start3A_23 = tpu.memref_squeeze %dma_start3A_22 : memref<1x16x128xi32, #tpu.memory_space<vmem>> -> memref<16x128xi32, #tpu.memory_space<vmem>>
    %dma_start3A_24 = arith.constant 0 : i32
    %dma_start3A_25 = arith.constant 0 : i32
    %dma_start3A_26 = tpu.memref_slice %arg4[%arg1, %dma_start3A_24, %dma_start3A_25] : memref<16x800x128xi32, #tpu.memory_space<hbm>> -> memref<1x16x128xi32, #tpu.memory_space<hbm>>
    %dma_start3A_27 = tpu.memref_squeeze %dma_start3A_26 : memref<1x16x128xi32, #tpu.memory_space<hbm>> -> memref<16x128xi32, #tpu.memory_space<hbm>>
    %dma_start3A_28 = arith.constant 0 : i32
    %dma_start3A_29 = arith.constant 0 : i32
    %dma_start3A_30 = tpu.memref_slice %arg9[%dma_start3A_19, %dma_start3A_28, %dma_start3A_29] : memref<2x16x128xi32, #tpu.memory_space<vmem>> -> memref<1x16x128xi32, #tpu.memory_space<vmem>>
    %dma_start3A_31 = tpu.memref_squeeze %dma_start3A_30 : memref<1x16x128xi32, #tpu.memory_space<vmem>> -> memref<16x128xi32, #tpu.memory_space<vmem>>
    %dma_start3A_32 = arith.constant 0 : i32
    %dma_start3A_33 = arith.constant 0 : i32
    %dma_start3A_34 = tpu.memref_slice %arg4[%arg1, %dma_start3A_32, %dma_start3A_33] : memref<16x800x128xi32, #tpu.memory_space<hbm>> -> memref<1x16x128xi32, #tpu.memory_space<hbm>>
    %dma_start3A_35 = tpu.memref_squeeze %dma_start3A_34 : memref<1x16x128xi32, #tpu.memory_space<hbm>> -> memref<16x128xi32, #tpu.memory_space<hbm>>
    tpu.enqueue_dma source(%dma_start3A_35 : memref<16x128xi32, #tpu.memory_space<hbm>>) target(%dma_start3A_31 : memref<16x128xi32, #tpu.memory_space<vmem>>) target_semaphore(%arg11 : memref<!tpu.dma_semaphore, #tpu.memory_space<semaphore_mem>>)
    %dma_wait3A = arith.constant 0 : i32
    %dma_wait3A_36 = arith.constant 0 : i32
    %dma_wait3A_37 = arith.constant 0 : i32
    %dma_wait3A_38 = tpu.memref_slice %arg8[%dma_wait3A, %dma_wait3A_36, %dma_wait3A_37] : memref<2x16x128xi32, #tpu.memory_space<vmem>> -> memref<1x16x128xi32, #tpu.memory_space<vmem>>
    %dma_wait3A_39 = tpu.memref_squeeze %dma_wait3A_38 : memref<1x16x128xi32, #tpu.memory_space<vmem>> -> memref<16x128xi32, #tpu.memory_space<vmem>>
    %dma_wait3A_40 = arith.constant 0 : i32
    %dma_wait3A_41 = arith.constant 0 : i32
    %dma_wait3A_42 = tpu.memref_slice %arg3[%add3A, %dma_wait3A_40, %dma_wait3A_41] : memref<32x800x128xi32, #tpu.memory_space<hbm>> -> memref<1x16x128xi32, #tpu.memory_space<hbm>>
    %dma_wait3A_43 = tpu.memref_squeeze %dma_wait3A_42 : memref<1x16x128xi32, #tpu.memory_space<hbm>> -> memref<16x128xi32, #tpu.memory_space<hbm>>
    %dma_wait3A_44 = arith.constant 0 : i32
    %dma_wait3A_45 = arith.constant 0 : i32
    %dma_wait3A_46 = tpu.memref_slice %arg8[%dma_wait3A, %dma_wait3A_44, %dma_wait3A_45] : memref<2x16x128xi32, #tpu.memory_space<vmem>> -> memref<1x16x128xi32, #tpu.memory_space<vmem>>
    %dma_wait3A_47 = tpu.memref_squeeze %dma_wait3A_46 : memref<1x16x128xi32, #tpu.memory_space<vmem>> -> memref<16x128xi32, #tpu.memory_space<vmem>>
    %dma_wait3A_48 = arith.constant 0 : i32
    %dma_wait3A_49 = arith.constant 0 : i32
    %dma_wait3A_50 = tpu.memref_slice %arg3[%add3A, %dma_wait3A_48, %dma_wait3A_49] : memref<32x800x128xi32, #tpu.memory_space<hbm>> -> memref<1x16x128xi32, #tpu.memory_space<hbm>>
    %dma_wait3A_51 = tpu.memref_squeeze %dma_wait3A_50 : memref<1x16x128xi32, #tpu.memory_space<hbm>> -> memref<16x128xi32, #tpu.memory_space<hbm>>
    tpu.wait_dma2 semaphore(%arg11 : memref<!tpu.dma_semaphore, #tpu.memory_space<semaphore_mem>>) src(%dma_wait3A_51 : memref<16x128xi32, #tpu.memory_space<hbm>>) dst(%dma_wait3A_47 : memref<16x128xi32, #tpu.memory_space<vmem>>)
    %dma_wait3A_52 = arith.constant 0 : i32
    %dma_wait3A_53 = arith.constant 0 : i32
    %dma_wait3A_54 = arith.constant 0 : i32
    %dma_wait3A_55 = tpu.memref_slice %arg9[%dma_wait3A_52, %dma_wait3A_53, %dma_wait3A_54] : memref<2x16x128xi32, #tpu.memory_space<vmem>> -> memref<1x16x128xi32, #tpu.memory_space<vmem>>
    %dma_wait3A_56 = tpu.memref_squeeze %dma_wait3A_55 : memref<1x16x128xi32, #tpu.memory_space<vmem>> -> memref<16x128xi32, #tpu.memory_space<vmem>>
    %dma_wait3A_57 = arith.constant 0 : i32
    %dma_wait3A_58 = arith.constant 0 : i32
    %dma_wait3A_59 = tpu.memref_slice %arg4[%arg1, %dma_wait3A_57, %dma_wait3A_58] : memref<16x800x128xi32, #tpu.memory_space<hbm>> -> memref<1x16x128xi32, #tpu.memory_space<hbm>>
    %dma_wait3A_60 = tpu.memref_squeeze %dma_wait3A_59 : memref<1x16x128xi32, #tpu.memory_space<hbm>> -> memref<16x128xi32, #tpu.memory_space<hbm>>
    %dma_wait3A_61 = arith.constant 0 : i32
    %dma_wait3A_62 = arith.constant 0 : i32
    %dma_wait3A_63 = tpu.memref_slice %arg9[%dma_wait3A_52, %dma_wait3A_61, %dma_wait3A_62] : memref<2x16x128xi32, #tpu.memory_space<vmem>> -> memref<1x16x128xi32, #tpu.memory_space<vmem>>
    %dma_wait3A_64 = tpu.memref_squeeze %dma_wait3A_63 : memref<1x16x128xi32, #tpu.memory_space<vmem>> -> memref<16x128xi32, #tpu.memory_space<vmem>>
    %dma_wait3A_65 = arith.constant 0 : i32
    %dma_wait3A_66 = arith.constant 0 : i32
    %dma_wait3A_67 = tpu.memref_slice %arg4[%arg1, %dma_wait3A_65, %dma_wait3A_66] : memref<16x800x128xi32, #tpu.memory_space<hbm>> -> memref<1x16x128xi32, #tpu.memory_space<hbm>>
    %dma_wait3A_68 = tpu.memref_squeeze %dma_wait3A_67 : memref<1x16x128xi32, #tpu.memory_space<hbm>> -> memref<16x128xi32, #tpu.memory_space<hbm>>
    tpu.wait_dma2 semaphore(%arg11 : memref<!tpu.dma_semaphore, #tpu.memory_space<semaphore_mem>>) src(%dma_wait3A_68 : memref<16x128xi32, #tpu.memory_space<hbm>>) dst(%dma_wait3A_64 : memref<16x128xi32, #tpu.memory_space<vmem>>)
    %dma_start3A_69 = arith.constant 1 : i32
    %dma_start3A_70 = arith.constant 0 : i32
    %dma_start3A_71 = arith.constant 0 : i32
    %dma_start3A_72 = tpu.memref_slice %arg8[%dma_start3A_69, %dma_start3A_70, %dma_start3A_71] : memref<2x16x128xi32, #tpu.memory_space<vmem>> -> memref<1x16x128xi32, #tpu.memory_space<vmem>>
    %dma_start3A_73 = tpu.memref_squeeze %dma_start3A_72 : memref<1x16x128xi32, #tpu.memory_space<vmem>> -> memref<16x128xi32, #tpu.memory_space<vmem>>
    %dma_start3A_74 = arith.constant 16 : i32
    %dma_start3A_75 = arith.constant 0 : i32
    %dma_start3A_76 = tpu.memref_slice %arg3[%add3A, %dma_start3A_74, %dma_start3A_75] : memref<32x800x128xi32, #tpu.memory_space<hbm>> -> memref<1x16x128xi32, #tpu.memory_space<hbm>>
    %dma_start3A_77 = tpu.memref_squeeze %dma_start3A_76 : memref<1x16x128xi32, #tpu.memory_space<hbm>> -> memref<16x128xi32, #tpu.memory_space<hbm>>
    %dma_start3A_78 = arith.constant 0 : i32
    %dma_start3A_79 = arith.constant 0 : i32
    %dma_start3A_80 = tpu.memref_slice %arg8[%dma_start3A_69, %dma_start3A_78, %dma_start3A_79] : memref<2x16x128xi32, #tpu.memory_space<vmem>> -> memref<1x16x128xi32, #tpu.memory_space<vmem>>
    %dma_start3A_81 = tpu.memref_squeeze %dma_start3A_80 : memref<1x16x128xi32, #tpu.memory_space<vmem>> -> memref<16x128xi32, #tpu.memory_space<vmem>>
    %dma_start3A_82 = arith.constant 16 : i32
    %dma_start3A_83 = arith.constant 0 : i32
    %dma_start3A_84 = tpu.memref_slice %arg3[%add3A, %dma_start3A_82, %dma_start3A_83] : memref<32x800x128xi32, #tpu.memory_space<hbm>> -> memref<1x16x128xi32, #tpu.memory_space<hbm>>
    %dma_start3A_85 = tpu.memref_squeeze %dma_start3A_84 : memref<1x16x128xi32, #tpu.memory_space<hbm>> -> memref<16x128xi32, #tpu.memory_space<hbm>>
    tpu.enqueue_dma source(%dma_start3A_85 : memref<16x128xi32, #tpu.memory_space<hbm>>) target(%dma_start3A_81 : memref<16x128xi32, #tpu.memory_space<vmem>>) target_semaphore(%arg11 : memref<!tpu.dma_semaphore, #tpu.memory_space<semaphore_mem>>)
    %dma_start3A_86 = arith.constant 1 : i32
    %dma_start3A_87 = arith.constant 0 : i32
    %dma_start3A_88 = arith.constant 0 : i32
    %dma_start3A_89 = tpu.memref_slice %arg9[%dma_start3A_86, %dma_start3A_87, %dma_start3A_88] : memref<2x16x128xi32, #tpu.memory_space<vmem>> -> memref<1x16x128xi32, #tpu.memory_space<vmem>>
    %dma_start3A_90 = tpu.memref_squeeze %dma_start3A_89 : memref<1x16x128xi32, #tpu.memory_space<vmem>> -> memref<16x128xi32, #tpu.memory_space<vmem>>
    %dma_start3A_91 = arith.constant 16 : i32
    %dma_start3A_92 = arith.constant 0 : i32
    %dma_start3A_93 = tpu.memref_slice %arg4[%arg1, %dma_start3A_91, %dma_start3A_92] : memref<16x800x128xi32, #tpu.memory_space<hbm>> -> memref<1x16x128xi32, #tpu.memory_space<hbm>>
    %dma_start3A_94 = tpu.memref_squeeze %dma_start3A_93 : memref<1x16x128xi32, #tpu.memory_space<hbm>> -> memref<16x128xi32, #tpu.memory_space<hbm>>
    %dma_start3A_95 = arith.constant 0 : i32
    %dma_start3A_96 = arith.constant 0 : i32
    %dma_start3A_97 = tpu.memref_slice %arg9[%dma_start3A_86, %dma_start3A_95, %dma_start3A_96] : memref<2x16x128xi32, #tpu.memory_space<vmem>> -> memref<1x16x128xi32, #tpu.memory_space<vmem>>
    %dma_start3A_98 = tpu.memref_squeeze %dma_start3A_97 : memref<1x16x128xi32, #tpu.memory_space<vmem>> -> memref<16x128xi32, #tpu.memory_space<vmem>>
    %dma_start3A_99 = arith.constant 16 : i32
    %dma_start3A_100 = arith.constant 0 : i32
    %dma_start3A_101 = tpu.memref_slice %arg4[%arg1, %dma_start3A_99, %dma_start3A_100] : memref<16x800x128xi32, #tpu.memory_space<hbm>> -> memref<1x16x128xi32, #tpu.memory_space<hbm>>
    %dma_start3A_102 = tpu.memref_squeeze %dma_start3A_101 : memref<1x16x128xi32, #tpu.memory_space<hbm>> -> memref<16x128xi32, #tpu.memory_space<hbm>>
    tpu.enqueue_dma source(%dma_start3A_102 : memref<16x128xi32, #tpu.memory_space<hbm>>) target(%dma_start3A_98 : memref<16x128xi32, #tpu.memory_space<vmem>>) target_semaphore(%arg11 : memref<!tpu.dma_semaphore, #tpu.memory_space<semaphore_mem>>)
    %dma_start3A_103 = arith.constant 0 : i32
    %dma_start3A_104 = arith.constant 0 : i32
    %dma_start3A_105 = arith.constant 0 : i32
    %dma_start3A_106 = arith.constant 0 : i32
    %dma_start3A_107 = arith.constant 0 : i32
    %dma_start3A_108 = tpu.memref_slice %arg10[%dma_start3A_105, %dma_start3A_106, %dma_start3A_107] : memref<8x128x16xf32, #tpu.memory_space<vmem>> -> memref<1x128x16xf32, #tpu.memory_space<vmem>>
    %dma_start3A_109 = tpu.memref_squeeze %dma_start3A_108 : memref<1x128x16xf32, #tpu.memory_space<vmem>> -> memref<128x16xf32, #tpu.memory_space<vmem>>
    %dma_start3A_110 = arith.constant 0 : i32
    %dma_start3A_111 = tpu.memref_slice %arg8[%dma_start3A_103, %dma_start3A_104, %dma_start3A_110] : memref<2x16x128xi32, #tpu.memory_space<vmem>> -> memref<1x1x128xi32, #tpu.memory_space<vmem>>
    %dma_start3A_112 = tpu.memref_squeeze %dma_start3A_111 : memref<1x1x128xi32, #tpu.memory_space<vmem>> -> memref<128xi32, #tpu.memory_space<vmem>>
    %dma_start3A_113 = arith.constant 0 : i32
    %dma_start3A_114 = arith.constant 0 : i32
    %dma_start3A_115 = tpu.memref_slice %arg2[%dma_start3A_113, %dma_start3A_114] : memref<100000x16xf32, #tpu.memory_space<hbm>> -> memref<100000x16xf32, #tpu.memory_space<hbm>>
    tpu.enqueue_indirect_dma source(%dma_start3A_115 : memref<100000x16xf32, #tpu.memory_space<hbm>>) target(%dma_start3A_109 : memref<128x16xf32, #tpu.memory_space<vmem>>) offsets(%dma_start3A_112 : memref<128xi32, #tpu.memory_space<vmem>>) semaphore(%arg12 : memref<!tpu.dma_semaphore, #tpu.memory_space<semaphore_mem>>)
    %dma_start3A_116 = arith.constant 0 : i32
    %dma_start3A_117 = arith.constant 1 : i32
    %dma_start3A_118 = arith.constant 1 : i32
    %dma_start3A_119 = arith.constant 0 : i32
    %dma_start3A_120 = arith.constant 0 : i32
    %dma_start3A_121 = tpu.memref_slice %arg10[%dma_start3A_118, %dma_start3A_119, %dma_start3A_120] : memref<8x128x16xf32, #tpu.memory_space<vmem>> -> memref<1x128x16xf32, #tpu.memory_space<vmem>>
    %dma_start3A_122 = tpu.memref_squeeze %dma_start3A_121 : memref<1x128x16xf32, #tpu.memory_space<vmem>> -> memref<128x16xf32, #tpu.memory_space<vmem>>
    %dma_start3A_123 = arith.constant 0 : i32
    %dma_start3A_124 = tpu.memref_slice %arg8[%dma_start3A_116, %dma_start3A_117, %dma_start3A_123] : memref<2x16x128xi32, #tpu.memory_space<vmem>> -> memref<1x1x128xi32, #tpu.memory_space<vmem>>
    %dma_start3A_125 = tpu.memref_squeeze %dma_start3A_124 : memref<1x1x128xi32, #tpu.memory_space<vmem>> -> memref<128xi32, #tpu.memory_space<vmem>>
    %dma_start3A_126 = arith.constant 0 : i32
    %dma_start3A_127 = arith.constant 0 : i32
    %dma_start3A_128 = tpu.memref_slice %arg2[%dma_start3A_126, %dma_start3A_127] : memref<100000x16xf32, #tpu.memory_space<hbm>> -> memref<100000x16xf32, #tpu.memory_space<hbm>>
    tpu.enqueue_indirect_dma source(%dma_start3A_128 : memref<100000x16xf32, #tpu.memory_space<hbm>>) target(%dma_start3A_122 : memref<128x16xf32, #tpu.memory_space<vmem>>) offsets(%dma_start3A_125 : memref<128xi32, #tpu.memory_space<vmem>>) semaphore(%arg12 : memref<!tpu.dma_semaphore, #tpu.memory_space<semaphore_mem>>)
    %dma_start3A_129 = arith.constant 0 : i32
    %dma_start3A_130 = arith.constant 2 : i32
    %dma_start3A_131 = arith.constant 2 : i32
    %dma_start3A_132 = arith.constant 0 : i32
    %dma_start3A_133 = arith.constant 0 : i32
    %dma_start3A_134 = tpu.memref_slice %arg10[%dma_start3A_131, %dma_start3A_132, %dma_start3A_133] : memref<8x128x16xf32, #tpu.memory_space<vmem>> -> memref<1x128x16xf32, #tpu.memory_space<vmem>>
    %dma_start3A_135 = tpu.memref_squeeze %dma_start3A_134 : memref<1x128x16xf32, #tpu.memory_space<vmem>> -> memref<128x16xf32, #tpu.memory_space<vmem>>
    %dma_start3A_136 = arith.constant 0 : i32
    %dma_start3A_137 = tpu.memref_slice %arg8[%dma_start3A_129, %dma_start3A_130, %dma_start3A_136] : memref<2x16x128xi32, #tpu.memory_space<vmem>> -> memref<1x1x128xi32, #tpu.memory_space<vmem>>
    %dma_start3A_138 = tpu.memref_squeeze %dma_start3A_137 : memref<1x1x128xi32, #tpu.memory_space<vmem>> -> memref<128xi32, #tpu.memory_space<vmem>>
    %dma_start3A_139 = arith.constant 0 : i32
    %dma_start3A_140 = arith.constant 0 : i32
    %dma_start3A_141 = tpu.memref_slice %arg2[%dma_start3A_139, %dma_start3A_140] : memref<100000x16xf32, #tpu.memory_space<hbm>> -> memref<100000x16xf32, #tpu.memory_space<hbm>>
    tpu.enqueue_indirect_dma source(%dma_start3A_141 : memref<100000x16xf32, #tpu.memory_space<hbm>>) target(%dma_start3A_135 : memref<128x16xf32, #tpu.memory_space<vmem>>) offsets(%dma_start3A_138 : memref<128xi32, #tpu.memory_space<vmem>>) semaphore(%arg12 : memref<!tpu.dma_semaphore, #tpu.memory_space<semaphore_mem>>)
    %dma_start3A_142 = arith.constant 0 : i32
    %dma_start3A_143 = arith.constant 3 : i32
    %dma_start3A_144 = arith.constant 3 : i32
    %dma_start3A_145 = arith.constant 0 : i32
    %dma_start3A_146 = arith.constant 0 : i32
    %dma_start3A_147 = tpu.memref_slice %arg10[%dma_start3A_144, %dma_start3A_145, %dma_start3A_146] : memref<8x128x16xf32, #tpu.memory_space<vmem>> -> memref<1x128x16xf32, #tpu.memory_space<vmem>>
    %dma_start3A_148 = tpu.memref_squeeze %dma_start3A_147 : memref<1x128x16xf32, #tpu.memory_space<vmem>> -> memref<128x16xf32, #tpu.memory_space<vmem>>
    %dma_start3A_149 = arith.constant 0 : i32
    %dma_start3A_150 = tpu.memref_slice %arg8[%dma_start3A_142, %dma_start3A_143, %dma_start3A_149] : memref<2x16x128xi32, #tpu.memory_space<vmem>> -> memref<1x1x128xi32, #tpu.memory_space<vmem>>
    %dma_start3A_151 = tpu.memref_squeeze %dma_start3A_150 : memref<1x1x128xi32, #tpu.memory_space<vmem>> -> memref<128xi32, #tpu.memory_space<vmem>>
    %dma_start3A_152 = arith.constant 0 : i32
    %dma_start3A_153 = arith.constant 0 : i32
    %dma_start3A_154 = tpu.memref_slice %arg2[%dma_start3A_152, %dma_start3A_153] : memref<100000x16xf32, #tpu.memory_space<hbm>> -> memref<100000x16xf32, #tpu.memory_space<hbm>>
    tpu.enqueue_indirect_dma source(%dma_start3A_154 : memref<100000x16xf32, #tpu.memory_space<hbm>>) target(%dma_start3A_148 : memref<128x16xf32, #tpu.memory_space<vmem>>) offsets(%dma_start3A_151 : memref<128xi32, #tpu.memory_space<vmem>>) semaphore(%arg12 : memref<!tpu.dma_semaphore, #tpu.memory_space<semaphore_mem>>)
    %scan3A = arith.constant 0 : i32
    %scan3A_155 = arith.constant 25 : i32
    %scan3A_156 = arith.addi %scan3A, %scan3A_155 : i32
    %scan3A_157 = arith.constant 1 : i32
    scf.for %scan3A_179 = %scan3A to %scan3A_156 step %scan3A_157  : i32 {
      %mul3A_180 = arith.constant 1 : i32
      %mul3A_181 = arith.muli %scan3A_179, %mul3A_180 : i32
      %add3A_182 = arith.constant 0 : i32
      %add3A_183 = arith.addi %add3A_182, %mul3A_181 : i32
      %mul3A_184 = arith.constant 2 : i32
      %mul3A_185 = arith.muli %mul3A_184, %add3A_183 : i32
      %add3A_186 = arith.constant 0 : i32
      %add3A_187 = arith.addi %mul3A_185, %add3A_186 : i32
      %dma_wait3A_188 = arith.constant 0 : i32
      %dma_wait3A_189 = arith.constant 0 : i32
      %dma_wait3A_190 = arith.constant 0 : i32
      %dma_wait3A_191 = arith.constant 0 : i32
      %dma_wait3A_192 = arith.constant 0 : i32
      %dma_wait3A_193 = tpu.memref_slice %arg10[%dma_wait3A_190, %dma_wait3A_191, %dma_wait3A_192] : memref<8x128x16xf32, #tpu.memory_space<vmem>> -> memref<1x128x16xf32, #tpu.memory_space<vmem>>
      %dma_wait3A_194 = tpu.memref_squeeze %dma_wait3A_193 : memref<1x128x16xf32, #tpu.memory_space<vmem>> -> memref<128x16xf32, #tpu.memory_space<vmem>>
      %dma_wait3A_195 = arith.constant 0 : i32
      %dma_wait3A_196 = tpu.memref_slice %arg8[%dma_wait3A_188, %dma_wait3A_189, %dma_wait3A_195] : memref<2x16x128xi32, #tpu.memory_space<vmem>> -> memref<1x1x128xi32, #tpu.memory_space<vmem>>
      %dma_wait3A_197 = tpu.memref_squeeze %dma_wait3A_196 : memref<1x1x128xi32, #tpu.memory_space<vmem>> -> memref<128xi32, #tpu.memory_space<vmem>>
      %dma_wait3A_198 = arith.constant 0 : i32
      %dma_wait3A_199 = arith.constant 0 : i32
      %dma_wait3A_200 = tpu.memref_slice %arg2[%dma_wait3A_198, %dma_wait3A_199] : memref<100000x16xf32, #tpu.memory_space<hbm>> -> memref<100000x16xf32, #tpu.memory_space<hbm>>
      tpu.wait_indirect_dma semaphore(%arg12 : memref<!tpu.dma_semaphore, #tpu.memory_space<semaphore_mem>>) src(%dma_wait3A_200 : memref<100000x16xf32, #tpu.memory_space<hbm>>) dst(%dma_wait3A_194 : memref<128x16xf32, #tpu.memory_space<vmem>>)
      %ge3A = arith.constant 1 : i32
      %ge3A_201 = arith.cmpi sge, %add3A_183, %ge3A : i32
      %convert_element_type3A = arith.extui %ge3A_201 : i1 to i32
      %cond3A = arith.constant 0 : i32
      %cond3A_202 = arith.cmpi ne, %convert_element_type3A, %cond3A : i32
      scf.if %cond3A_202 {
        %dma_wait3A_1800 = arith.constant 7 : i32
        %dma_wait3A_1801 = arith.constant 1 : i32
        %dma_wait3A_1802 = arith.constant 15 : i32
        %dma_wait3A_1803 = arith.constant 0 : i32
        %dma_wait3A_1804 = arith.constant 0 : i32
        %dma_wait3A_1805 = tpu.memref_slice %arg10[%dma_wait3A_1800, %dma_wait3A_1803, %dma_wait3A_1804] : memref<8x128x16xf32, #tpu.memory_space<vmem>> -> memref<1x128x16xf32, #tpu.memory_space<vmem>>
        %dma_wait3A_1806 = tpu.memref_squeeze %dma_wait3A_1805 : memref<1x128x16xf32, #tpu.memory_space<vmem>> -> memref<128x16xf32, #tpu.memory_space<vmem>>
        %dma_wait3A_1807 = arith.constant 0 : i32
        %dma_wait3A_1808 = tpu.memref_slice %arg9[%dma_wait3A_1801, %dma_wait3A_1802, %dma_wait3A_1807] : memref<2x16x128xi32, #tpu.memory_space<vmem>> -> memref<1x1x128xi32, #tpu.memory_space<vmem>>
        %dma_wait3A_1809 = tpu.memref_squeeze %dma_wait3A_1808 : memref<1x1x128xi32, #tpu.memory_space<vmem>> -> memref<128xi32, #tpu.memory_space<vmem>>
        %dma_wait3A_1810 = arith.constant 0 : i32
        %dma_wait3A_1811 = arith.constant 0 : i32
        %dma_wait3A_1812 = tpu.memref_slice %arg7[%dma_wait3A_1810, %dma_wait3A_1811] : memref<8192x16xf32, #tpu.memory_space<vmem_shared>> -> memref<8192x16xf32, #tpu.memory_space<vmem_shared>>
        tpu.wait_indirect_dma semaphore(%arg13 : memref<!tpu.dma_semaphore, #tpu.memory_space<semaphore_mem>>) src(%dma_wait3A_1806 : memref<128x16xf32, #tpu.memory_space<vmem>>) dst(%dma_wait3A_1812 : memref<8192x16xf32, #tpu.memory_space<vmem_shared>>)
      } else {
      }
      %ge3A_203 = arith.constant 1 : i32
      %ge3A_204 = arith.cmpi sge, %add3A_183, %ge3A_203 : i32
      %convert_element_type3A_205 = arith.extui %ge3A_204 : i1 to i32
      %cond3A_206 = arith.constant 0 : i32
      %cond3A_207 = arith.cmpi ne, %convert_element_type3A_205, %cond3A_206 : i32
      scf.if %cond3A_207 {
        %add3A_1800 = arith.constant 1 : i32
        %add3A_1801 = arith.addi %add3A_187, %add3A_1800 : i32
        %mul3A_1802 = arith.constant 16 : i32
        %mul3A_1803 = arith.muli %add3A_1801, %mul3A_1802 : i32
        %dma_start3A_1804 = arith.constant 1 : i32
        %dma_start3A_1805 = arith.constant 0 : i32
        %dma_start3A_1806 = arith.constant 0 : i32
        %dma_start3A_1807 = tpu.memref_slice %arg8[%dma_start3A_1804, %dma_start3A_1805, %dma_start3A_1806] : memref<2x16x128xi32, #tpu.memory_space<vmem>> -> memref<1x16x128xi32, #tpu.memory_space<vmem>>
        %dma_start3A_1808 = tpu.memref_squeeze %dma_start3A_1807 : memref<1x16x128xi32, #tpu.memory_space<vmem>> -> memref<16x128xi32, #tpu.memory_space<vmem>>
        %dma_start3A_1809 = arith.constant 0 : i32
        %dma_start3A_1810 = tpu.memref_slice %arg3[%add3A, %mul3A_1803, %dma_start3A_1809] : memref<32x800x128xi32, #tpu.memory_space<hbm>> -> memref<1x16x128xi32, #tpu.memory_space<hbm>>
        %dma_start3A_1811 = tpu.memref_squeeze %dma_start3A_1810 : memref<1x16x128xi32, #tpu.memory_space<hbm>> -> memref<16x128xi32, #tpu.memory_space<hbm>>
        %dma_start3A_1812 = arith.constant 0 : i32
        %dma_start3A_1813 = arith.constant 0 : i32
        %dma_start3A_1814 = tpu.memref_slice %arg8[%dma_start3A_1804, %dma_start3A_1812, %dma_start3A_1813] : memref<2x16x128xi32, #tpu.memory_space<vmem>> -> memref<1x16x128xi32, #tpu.memory_space<vmem>>
        %dma_start3A_1815 = tpu.memref_squeeze %dma_start3A_1814 : memref<1x16x128xi32, #tpu.memory_space<vmem>> -> memref<16x128xi32, #tpu.memory_space<vmem>>
        %dma_start3A_1816 = arith.constant 0 : i32
        %dma_start3A_1817 = tpu.memref_slice %arg3[%add3A, %mul3A_1803, %dma_start3A_1816] : memref<32x800x128xi32, #tpu.memory_space<hbm>> -> memref<1x16x128xi32, #tpu.memory_space<hbm>>
        %dma_start3A_1818 = tpu.memref_squeeze %dma_start3A_1817 : memref<1x16x128xi32, #tpu.memory_space<hbm>> -> memref<16x128xi32, #tpu.memory_space<hbm>>
        tpu.enqueue_dma source(%dma_start3A_1818 : memref<16x128xi32, #tpu.memory_space<hbm>>) target(%dma_start3A_1815 : memref<16x128xi32, #tpu.memory_space<vmem>>) target_semaphore(%arg11 : memref<!tpu.dma_semaphore, #tpu.memory_space<semaphore_mem>>)
        %mul3A_1819 = arith.constant 16 : i32
        %mul3A_1820 = arith.muli %add3A_1801, %mul3A_1819 : i32
        %dma_start3A_1821 = arith.constant 1 : i32
        %dma_start3A_1822 = arith.constant 0 : i32
        %dma_start3A_1823 = arith.constant 0 : i32
        %dma_start3A_1824 = tpu.memref_slice %arg9[%dma_start3A_1821, %dma_start3A_1822, %dma_start3A_1823] : memref<2x16x128xi32, #tpu.memory_space<vmem>> -> memref<1x16x128xi32, #tpu.memory_space<vmem>>
        %dma_start3A_1825 = tpu.memref_squeeze %dma_start3A_1824 : memref<1x16x128xi32, #tpu.memory_space<vmem>> -> memref<16x128xi32, #tpu.memory_space<vmem>>
        %dma_start3A_1826 = arith.constant 0 : i32
        %dma_start3A_1827 = tpu.memref_slice %arg4[%arg1, %mul3A_1820, %dma_start3A_1826] : memref<16x800x128xi32, #tpu.memory_space<hbm>> -> memref<1x16x128xi32, #tpu.memory_space<hbm>>
        %dma_start3A_1828 = tpu.memref_squeeze %dma_start3A_1827 : memref<1x16x128xi32, #tpu.memory_space<hbm>> -> memref<16x128xi32, #tpu.memory_space<hbm>>
        %dma_start3A_1829 = arith.constant 0 : i32
        %dma_start3A_1830 = arith.constant 0 : i32
        %dma_start3A_1831 = tpu.memref_slice %arg9[%dma_start3A_1821, %dma_start3A_1829, %dma_start3A_1830] : memref<2x16x128xi32, #tpu.memory_space<vmem>> -> memref<1x16x128xi32, #tpu.memory_space<vmem>>
        %dma_start3A_1832 = tpu.memref_squeeze %dma_start3A_1831 : memref<1x16x128xi32, #tpu.memory_space<vmem>> -> memref<16x128xi32, #tpu.memory_space<vmem>>
        %dma_start3A_1833 = arith.constant 0 : i32
        %dma_start3A_1834 = tpu.memref_slice %arg4[%arg1, %mul3A_1820, %dma_start3A_1833] : memref<16x800x128xi32, #tpu.memory_space<hbm>> -> memref<1x16x128xi32, #tpu.memory_space<hbm>>
        %dma_start3A_1835 = tpu.memref_squeeze %dma_start3A_1834 : memref<1x16x128xi32, #tpu.memory_space<hbm>> -> memref<16x128xi32, #tpu.memory_space<hbm>>
        tpu.enqueue_dma source(%dma_start3A_1835 : memref<16x128xi32, #tpu.memory_space<hbm>>) target(%dma_start3A_1832 : memref<16x128xi32, #tpu.memory_space<vmem>>) target_semaphore(%arg11 : memref<!tpu.dma_semaphore, #tpu.memory_space<semaphore_mem>>)
      } else {
      }
      %dma_start3A_208 = arith.constant 0 : i32
      %dma_start3A_209 = arith.constant 4 : i32
      %dma_start3A_210 = arith.constant 4 : i32
      %dma_start3A_211 = arith.constant 0 : i32
      %dma_start3A_212 = arith.constant 0 : i32
      %dma_start3A_213 = tpu.memref_slice %arg10[%dma_start3A_210, %dma_start3A_211, %dma_start3A_212] : memref<8x128x16xf32, #tpu.memory_space<vmem>> -> memref<1x128x16xf32, #tpu.memory_space<vmem>>
      %dma_start3A_214 = tpu.memref_squeeze %dma_start3A_213 : memref<1x128x16xf32, #tpu.memory_space<vmem>> -> memref<128x16xf32, #tpu.memory_space<vmem>>
      %dma_start3A_215 = arith.constant 0 : i32
      %dma_start3A_216 = tpu.memref_slice %arg8[%dma_start3A_208, %dma_start3A_209, %dma_start3A_215] : memref<2x16x128xi32, #tpu.memory_space<vmem>> -> memref<1x1x128xi32, #tpu.memory_space<vmem>>
      %dma_start3A_217 = tpu.memref_squeeze %dma_start3A_216 : memref<1x1x128xi32, #tpu.memory_space<vmem>> -> memref<128xi32, #tpu.memory_space<vmem>>
      %dma_start3A_218 = arith.constant 0 : i32
      %dma_start3A_219 = arith.constant 0 : i32
      %dma_start3A_220 = tpu.memref_slice %arg2[%dma_start3A_218, %dma_start3A_219] : memref<100000x16xf32, #tpu.memory_space<hbm>> -> memref<100000x16xf32, #tpu.memory_space<hbm>>
      tpu.enqueue_indirect_dma source(%dma_start3A_220 : memref<100000x16xf32, #tpu.memory_space<hbm>>) target(%dma_start3A_214 : memref<128x16xf32, #tpu.memory_space<vmem>>) offsets(%dma_start3A_217 : memref<128xi32, #tpu.memory_space<vmem>>) semaphore(%arg12 : memref<!tpu.dma_semaphore, #tpu.memory_space<semaphore_mem>>)
      %dma_start3A_221 = arith.constant 0 : i32
      %dma_start3A_222 = arith.constant 0 : i32
      %dma_start3A_223 = arith.constant 0 : i32
      %dma_start3A_224 = arith.constant 0 : i32
      %dma_start3A_225 = arith.constant 0 : i32
      %dma_start3A_226 = tpu.memref_slice %arg10[%dma_start3A_221, %dma_start3A_224, %dma_start3A_225] : memref<8x128x16xf32, #tpu.memory_space<vmem>> -> memref<1x128x16xf32, #tpu.memory_space<vmem>>
      %dma_start3A_227 = tpu.memref_squeeze %dma_start3A_226 : memref<1x128x16xf32, #tpu.memory_space<vmem>> -> memref<128x16xf32, #tpu.memory_space<vmem>>
      %dma_start3A_228 = arith.constant 0 : i32
      %dma_start3A_229 = tpu.memref_slice %arg9[%dma_start3A_222, %dma_start3A_223, %dma_start3A_228] : memref<2x16x128xi32, #tpu.memory_space<vmem>> -> memref<1x1x128xi32, #tpu.memory_space<vmem>>
      %dma_start3A_230 = tpu.memref_squeeze %dma_start3A_229 : memref<1x1x128xi32, #tpu.memory_space<vmem>> -> memref<128xi32, #tpu.memory_space<vmem>>
      %dma_start3A_231 = arith.constant 0 : i32
      %dma_start3A_232 = arith.constant 0 : i32
      %dma_start3A_233 = tpu.memref_slice %arg7[%dma_start3A_231, %dma_start3A_232] : memref<8192x16xf32, #tpu.memory_space<vmem_shared>> -> memref<8192x16xf32, #tpu.memory_space<vmem_shared>>
      tpu.enqueue_indirect_dma source(%dma_start3A_227 : memref<128x16xf32, #tpu.memory_space<vmem>>) target(%dma_start3A_233 : memref<8192x16xf32, #tpu.memory_space<vmem_shared>>) offsets(%dma_start3A_230 : memref<128xi32, #tpu.memory_space<vmem>>) semaphore(%arg13 : memref<!tpu.dma_semaphore, #tpu.memory_space<semaphore_mem>>) {add = true}
      %dma_wait3A_234 = arith.constant 0 : i32
      %dma_wait3A_235 = arith.constant 1 : i32
      %dma_wait3A_236 = arith.constant 1 : i32
      %dma_wait3A_237 = arith.constant 0 : i32
      %dma_wait3A_238 = arith.constant 0 : i32
      %dma_wait3A_239 = tpu.memref_slice %arg10[%dma_wait3A_236, %dma_wait3A_237, %dma_wait3A_238] : memref<8x128x16xf32, #tpu.memory_space<vmem>> -> memref<1x128x16xf32, #tpu.memory_space<vmem>>
      %dma_wait3A_240 = tpu.memref_squeeze %dma_wait3A_239 : memref<1x128x16xf32, #tpu.memory_space<vmem>> -> memref<128x16xf32, #tpu.memory_space<vmem>>
      %dma_wait3A_241 = arith.constant 0 : i32
      %dma_wait3A_242 = tpu.memref_slice %arg8[%dma_wait3A_234, %dma_wait3A_235, %dma_wait3A_241] : memref<2x16x128xi32, #tpu.memory_space<vmem>> -> memref<1x1x128xi32, #tpu.memory_space<vmem>>
      %dma_wait3A_243 = tpu.memref_squeeze %dma_wait3A_242 : memref<1x1x128xi32, #tpu.memory_space<vmem>> -> memref<128xi32, #tpu.memory_space<vmem>>
      %dma_wait3A_244 = arith.constant 0 : i32
      %dma_wait3A_245 = arith.constant 0 : i32
      %dma_wait3A_246 = tpu.memref_slice %arg2[%dma_wait3A_244, %dma_wait3A_245] : memref<100000x16xf32, #tpu.memory_space<hbm>> -> memref<100000x16xf32, #tpu.memory_space<hbm>>
      tpu.wait_indirect_dma semaphore(%arg12 : memref<!tpu.dma_semaphore, #tpu.memory_space<semaphore_mem>>) src(%dma_wait3A_246 : memref<100000x16xf32, #tpu.memory_space<hbm>>) dst(%dma_wait3A_240 : memref<128x16xf32, #tpu.memory_space<vmem>>)
      %dma_wait3A_247 = arith.constant 0 : i32
      %dma_wait3A_248 = arith.constant 0 : i32
      %dma_wait3A_249 = arith.constant 0 : i32
      %dma_wait3A_250 = arith.constant 0 : i32
      %dma_wait3A_251 = arith.constant 0 : i32
      %dma_wait3A_252 = tpu.memref_slice %arg10[%dma_wait3A_247, %dma_wait3A_250, %dma_wait3A_251] : memref<8x128x16xf32, #tpu.memory_space<vmem>> -> memref<1x128x16xf32, #tpu.memory_space<vmem>>
      %dma_wait3A_253 = tpu.memref_squeeze %dma_wait3A_252 : memref<1x128x16xf32, #tpu.memory_space<vmem>> -> memref<128x16xf32, #tpu.memory_space<vmem>>
      %dma_wait3A_254 = arith.constant 0 : i32
      %dma_wait3A_255 = tpu.memref_slice %arg9[%dma_wait3A_248, %dma_wait3A_249, %dma_wait3A_254] : memref<2x16x128xi32, #tpu.memory_space<vmem>> -> memref<1x1x128xi32, #tpu.memory_space<vmem>>
      %dma_wait3A_256 = tpu.memref_squeeze %dma_wait3A_255 : memref<1x1x128xi32, #tpu.memory_space<vmem>> -> memref<128xi32, #tpu.memory_space<vmem>>
      %dma_wait3A_257 = arith.constant 0 : i32
      %dma_wait3A_258 = arith.constant 0 : i32
      %dma_wait3A_259 = tpu.memref_slice %arg7[%dma_wait3A_257, %dma_wait3A_258] : memref<8192x16xf32, #tpu.memory_space<vmem_shared>> -> memref<8192x16xf32, #tpu.memory_space<vmem_shared>>
      tpu.wait_indirect_dma semaphore(%arg13 : memref<!tpu.dma_semaphore, #tpu.memory_space<semaphore_mem>>) src(%dma_wait3A_253 : memref<128x16xf32, #tpu.memory_space<vmem>>) dst(%dma_wait3A_259 : memref<8192x16xf32, #tpu.memory_space<vmem_shared>>)
      %dma_start3A_260 = arith.constant 0 : i32
      %dma_start3A_261 = arith.constant 5 : i32
      %dma_start3A_262 = arith.constant 5 : i32
      %dma_start3A_263 = arith.constant 0 : i32
      %dma_start3A_264 = arith.constant 0 : i32
      %dma_start3A_265 = tpu.memref_slice %arg10[%dma_start3A_262, %dma_start3A_263, %dma_start3A_264] : memref<8x128x16xf32, #tpu.memory_space<vmem>> -> memref<1x128x16xf32, #tpu.memory_space<vmem>>
      %dma_start3A_266 = tpu.memref_squeeze %dma_start3A_265 : memref<1x128x16xf32, #tpu.memory_space<vmem>> -> memref<128x16xf32, #tpu.memory_space<vmem>>
      %dma_start3A_267 = arith.constant 0 : i32
      %dma_start3A_268 = tpu.memref_slice %arg8[%dma_start3A_260, %dma_start3A_261, %dma_start3A_267] : memref<2x16x128xi32, #tpu.memory_space<vmem>> -> memref<1x1x128xi32, #tpu.memory_space<vmem>>
      %dma_start3A_269 = tpu.memref_squeeze %dma_start3A_268 : memref<1x1x128xi32, #tpu.memory_space<vmem>> -> memref<128xi32, #tpu.memory_space<vmem>>
      %dma_start3A_270 = arith.constant 0 : i32
      %dma_start3A_271 = arith.constant 0 : i32
      %dma_start3A_272 = tpu.memref_slice %arg2[%dma_start3A_270, %dma_start3A_271] : memref<100000x16xf32, #tpu.memory_space<hbm>> -> memref<100000x16xf32, #tpu.memory_space<hbm>>
      tpu.enqueue_indirect_dma source(%dma_start3A_272 : memref<100000x16xf32, #tpu.memory_space<hbm>>) target(%dma_start3A_266 : memref<128x16xf32, #tpu.memory_space<vmem>>) offsets(%dma_start3A_269 : memref<128xi32, #tpu.memory_space<vmem>>) semaphore(%arg12 : memref<!tpu.dma_semaphore, #tpu.memory_space<semaphore_mem>>)
      %dma_start3A_273 = arith.constant 1 : i32
      %dma_start3A_274 = arith.constant 0 : i32
      %dma_start3A_275 = arith.constant 1 : i32
      %dma_start3A_276 = arith.constant 0 : i32
      %dma_start3A_277 = arith.constant 0 : i32
      %dma_start3A_278 = tpu.memref_slice %arg10[%dma_start3A_273, %dma_start3A_276, %dma_start3A_277] : memref<8x128x16xf32, #tpu.memory_space<vmem>> -> memref<1x128x16xf32, #tpu.memory_space<vmem>>
      %dma_start3A_279 = tpu.memref_squeeze %dma_start3A_278 : memref<1x128x16xf32, #tpu.memory_space<vmem>> -> memref<128x16xf32, #tpu.memory_space<vmem>>
      %dma_start3A_280 = arith.constant 0 : i32
      %dma_start3A_281 = tpu.memref_slice %arg9[%dma_start3A_274, %dma_start3A_275, %dma_start3A_280] : memref<2x16x128xi32, #tpu.memory_space<vmem>> -> memref<1x1x128xi32, #tpu.memory_space<vmem>>
      %dma_start3A_282 = tpu.memref_squeeze %dma_start3A_281 : memref<1x1x128xi32, #tpu.memory_space<vmem>> -> memref<128xi32, #tpu.memory_space<vmem>>
      %dma_start3A_283 = arith.constant 0 : i32
      %dma_start3A_284 = arith.constant 0 : i32
      %dma_start3A_285 = tpu.memref_slice %arg7[%dma_start3A_283, %dma_start3A_284] : memref<8192x16xf32, #tpu.memory_space<vmem_shared>> -> memref<8192x16xf32, #tpu.memory_space<vmem_shared>>
      tpu.enqueue_indirect_dma source(%dma_start3A_279 : memref<128x16xf32, #tpu.memory_space<vmem>>) target(%dma_start3A_285 : memref<8192x16xf32, #tpu.memory_space<vmem_shared>>) offsets(%dma_start3A_282 : memref<128xi32, #tpu.memory_space<vmem>>) semaphore(%arg13 : memref<!tpu.dma_semaphore, #tpu.memory_space<semaphore_mem>>) {add = true}
      %dma_wait3A_286 = arith.constant 0 : i32
      %dma_wait3A_287 = arith.constant 2 : i32
      %dma_wait3A_288 = arith.constant 2 : i32
      %dma_wait3A_289 = arith.constant 0 : i32
      %dma_wait3A_290 = arith.constant 0 : i32
      %dma_wait3A_291 = tpu.memref_slice %arg10[%dma_wait3A_288, %dma_wait3A_289, %dma_wait3A_290] : memref<8x128x16xf32, #tpu.memory_space<vmem>> -> memref<1x128x16xf32, #tpu.memory_space<vmem>>
      %dma_wait3A_292 = tpu.memref_squeeze %dma_wait3A_291 : memref<1x128x16xf32, #tpu.memory_space<vmem>> -> memref<128x16xf32, #tpu.memory_space<vmem>>
      %dma_wait3A_293 = arith.constant 0 : i32
      %dma_wait3A_294 = tpu.memref_slice %arg8[%dma_wait3A_286, %dma_wait3A_287, %dma_wait3A_293] : memref<2x16x128xi32, #tpu.memory_space<vmem>> -> memref<1x1x128xi32, #tpu.memory_space<vmem>>
      %dma_wait3A_295 = tpu.memref_squeeze %dma_wait3A_294 : memref<1x1x128xi32, #tpu.memory_space<vmem>> -> memref<128xi32, #tpu.memory_space<vmem>>
      %dma_wait3A_296 = arith.constant 0 : i32
      %dma_wait3A_297 = arith.constant 0 : i32
      %dma_wait3A_298 = tpu.memref_slice %arg2[%dma_wait3A_296, %dma_wait3A_297] : memref<100000x16xf32, #tpu.memory_space<hbm>> -> memref<100000x16xf32, #tpu.memory_space<hbm>>
      tpu.wait_indirect_dma semaphore(%arg12 : memref<!tpu.dma_semaphore, #tpu.memory_space<semaphore_mem>>) src(%dma_wait3A_298 : memref<100000x16xf32, #tpu.memory_space<hbm>>) dst(%dma_wait3A_292 : memref<128x16xf32, #tpu.memory_space<vmem>>)
      %dma_wait3A_299 = arith.constant 1 : i32
      %dma_wait3A_300 = arith.constant 0 : i32
      %dma_wait3A_301 = arith.constant 1 : i32
      %dma_wait3A_302 = arith.constant 0 : i32
      %dma_wait3A_303 = arith.constant 0 : i32
      %dma_wait3A_304 = tpu.memref_slice %arg10[%dma_wait3A_299, %dma_wait3A_302, %dma_wait3A_303] : memref<8x128x16xf32, #tpu.memory_space<vmem>> -> memref<1x128x16xf32, #tpu.memory_space<vmem>>
      %dma_wait3A_305 = tpu.memref_squeeze %dma_wait3A_304 : memref<1x128x16xf32, #tpu.memory_space<vmem>> -> memref<128x16xf32, #tpu.memory_space<vmem>>
      %dma_wait3A_306 = arith.constant 0 : i32
      %dma_wait3A_307 = tpu.memref_slice %arg9[%dma_wait3A_300, %dma_wait3A_301, %dma_wait3A_306] : memref<2x16x128xi32, #tpu.memory_space<vmem>> -> memref<1x1x128xi32, #tpu.memory_space<vmem>>
      %dma_wait3A_308 = tpu.memref_squeeze %dma_wait3A_307 : memref<1x1x128xi32, #tpu.memory_space<vmem>> -> memref<128xi32, #tpu.memory_space<vmem>>
      %dma_wait3A_309 = arith.constant 0 : i32
      %dma_wait3A_310 = arith.constant 0 : i32
      %dma_wait3A_311 = tpu.memref_slice %arg7[%dma_wait3A_309, %dma_wait3A_310] : memref<8192x16xf32, #tpu.memory_space<vmem_shared>> -> memref<8192x16xf32, #tpu.memory_space<vmem_shared>>
      tpu.wait_indirect_dma semaphore(%arg13 : memref<!tpu.dma_semaphore, #tpu.memory_space<semaphore_mem>>) src(%dma_wait3A_305 : memref<128x16xf32, #tpu.memory_space<vmem>>) dst(%dma_wait3A_311 : memref<8192x16xf32, #tpu.memory_space<vmem_shared>>)
      %dma_start3A_312 = arith.constant 0 : i32
      %dma_start3A_313 = arith.constant 6 : i32
      %dma_start3A_314 = arith.constant 6 : i32
      %dma_start3A_315 = arith.constant 0 : i32
      %dma_start3A_316 = arith.constant 0 : i32
      %dma_start3A_317 = tpu.memref_slice %arg10[%dma_start3A_314, %dma_start3A_315, %dma_start3A_316] : memref<8x128x16xf32, #tpu.memory_space<vmem>> -> memref<1x128x16xf32, #tpu.memory_space<vmem>>
      %dma_start3A_318 = tpu.memref_squeeze %dma_start3A_317 : memref<1x128x16xf32, #tpu.memory_space<vmem>> -> memref<128x16xf32, #tpu.memory_space<vmem>>
      %dma_start3A_319 = arith.constant 0 : i32
      %dma_start3A_320 = tpu.memref_slice %arg8[%dma_start3A_312, %dma_start3A_313, %dma_start3A_319] : memref<2x16x128xi32, #tpu.memory_space<vmem>> -> memref<1x1x128xi32, #tpu.memory_space<vmem>>
      %dma_start3A_321 = tpu.memref_squeeze %dma_start3A_320 : memref<1x1x128xi32, #tpu.memory_space<vmem>> -> memref<128xi32, #tpu.memory_space<vmem>>
      %dma_start3A_322 = arith.constant 0 : i32
      %dma_start3A_323 = arith.constant 0 : i32
      %dma_start3A_324 = tpu.memref_slice %arg2[%dma_start3A_322, %dma_start3A_323] : memref<100000x16xf32, #tpu.memory_space<hbm>> -> memref<100000x16xf32, #tpu.memory_space<hbm>>
      tpu.enqueue_indirect_dma source(%dma_start3A_324 : memref<100000x16xf32, #tpu.memory_space<hbm>>) target(%dma_start3A_318 : memref<128x16xf32, #tpu.memory_space<vmem>>) offsets(%dma_start3A_321 : memref<128xi32, #tpu.memory_space<vmem>>) semaphore(%arg12 : memref<!tpu.dma_semaphore, #tpu.memory_space<semaphore_mem>>)
      %dma_start3A_325 = arith.constant 2 : i32
      %dma_start3A_326 = arith.constant 0 : i32
      %dma_start3A_327 = arith.constant 2 : i32
      %dma_start3A_328 = arith.constant 0 : i32
      %dma_start3A_329 = arith.constant 0 : i32
      %dma_start3A_330 = tpu.memref_slice %arg10[%dma_start3A_325, %dma_start3A_328, %dma_start3A_329] : memref<8x128x16xf32, #tpu.memory_space<vmem>> -> memref<1x128x16xf32, #tpu.memory_space<vmem>>
      %dma_start3A_331 = tpu.memref_squeeze %dma_start3A_330 : memref<1x128x16xf32, #tpu.memory_space<vmem>> -> memref<128x16xf32, #tpu.memory_space<vmem>>
      %dma_start3A_332 = arith.constant 0 : i32
      %dma_start3A_333 = tpu.memref_slice %arg9[%dma_start3A_326, %dma_start3A_327, %dma_start3A_332] : memref<2x16x128xi32, #tpu.memory_space<vmem>> -> memref<1x1x128xi32, #tpu.memory_space<vmem>>
      %dma_start3A_334 = tpu.memref_squeeze %dma_start3A_333 : memref<1x1x128xi32, #tpu.memory_space<vmem>> -> memref<128xi32, #tpu.memory_space<vmem>>
      %dma_start3A_335 = arith.constant 0 : i32
      %dma_start3A_336 = arith.constant 0 : i32
      %dma_start3A_337 = tpu.memref_slice %arg7[%dma_start3A_335, %dma_start3A_336] : memref<8192x16xf32, #tpu.memory_space<vmem_shared>> -> memref<8192x16xf32, #tpu.memory_space<vmem_shared>>
      tpu.enqueue_indirect_dma source(%dma_start3A_331 : memref<128x16xf32, #tpu.memory_space<vmem>>) target(%dma_start3A_337 : memref<8192x16xf32, #tpu.memory_space<vmem_shared>>) offsets(%dma_start3A_334 : memref<128xi32, #tpu.memory_space<vmem>>) semaphore(%arg13 : memref<!tpu.dma_semaphore, #tpu.memory_space<semaphore_mem>>) {add = true}
      %dma_wait3A_338 = arith.constant 0 : i32
      %dma_wait3A_339 = arith.constant 3 : i32
      %dma_wait3A_340 = arith.constant 3 : i32
      %dma_wait3A_341 = arith.constant 0 : i32
      %dma_wait3A_342 = arith.constant 0 : i32
      %dma_wait3A_343 = tpu.memref_slice %arg10[%dma_wait3A_340, %dma_wait3A_341, %dma_wait3A_342] : memref<8x128x16xf32, #tpu.memory_space<vmem>> -> memref<1x128x16xf32, #tpu.memory_space<vmem>>
      %dma_wait3A_344 = tpu.memref_squeeze %dma_wait3A_343 : memref<1x128x16xf32, #tpu.memory_space<vmem>> -> memref<128x16xf32, #tpu.memory_space<vmem>>
      %dma_wait3A_345 = arith.constant 0 : i32
      %dma_wait3A_346 = tpu.memref_slice %arg8[%dma_wait3A_338, %dma_wait3A_339, %dma_wait3A_345] : memref<2x16x128xi32, #tpu.memory_space<vmem>> -> memref<1x1x128xi32, #tpu.memory_space<vmem>>
      %dma_wait3A_347 = tpu.memref_squeeze %dma_wait3A_346 : memref<1x1x128xi32, #tpu.memory_space<vmem>> -> memref<128xi32, #tpu.memory_space<vmem>>
      %dma_wait3A_348 = arith.constant 0 : i32
      %dma_wait3A_349 = arith.constant 0 : i32
      %dma_wait3A_350 = tpu.memref_slice %arg2[%dma_wait3A_348, %dma_wait3A_349] : memref<100000x16xf32, #tpu.memory_space<hbm>> -> memref<100000x16xf32, #tpu.memory_space<hbm>>
      tpu.wait_indirect_dma semaphore(%arg12 : memref<!tpu.dma_semaphore, #tpu.memory_space<semaphore_mem>>) src(%dma_wait3A_350 : memref<100000x16xf32, #tpu.memory_space<hbm>>) dst(%dma_wait3A_344 : memref<128x16xf32, #tpu.memory_space<vmem>>)
      %dma_wait3A_351 = arith.constant 2 : i32
      %dma_wait3A_352 = arith.constant 0 : i32
      %dma_wait3A_353 = arith.constant 2 : i32
      %dma_wait3A_354 = arith.constant 0 : i32
      %dma_wait3A_355 = arith.constant 0 : i32
      %dma_wait3A_356 = tpu.memref_slice %arg10[%dma_wait3A_351, %dma_wait3A_354, %dma_wait3A_355] : memref<8x128x16xf32, #tpu.memory_space<vmem>> -> memref<1x128x16xf32, #tpu.memory_space<vmem>>
      %dma_wait3A_357 = tpu.memref_squeeze %dma_wait3A_356 : memref<1x128x16xf32, #tpu.memory_space<vmem>> -> memref<128x16xf32, #tpu.memory_space<vmem>>
      %dma_wait3A_358 = arith.constant 0 : i32
      %dma_wait3A_359 = tpu.memref_slice %arg9[%dma_wait3A_352, %dma_wait3A_353, %dma_wait3A_358] : memref<2x16x128xi32, #tpu.memory_space<vmem>> -> memref<1x1x128xi32, #tpu.memory_space<vmem>>
      %dma_wait3A_360 = tpu.memref_squeeze %dma_wait3A_359 : memref<1x1x128xi32, #tpu.memory_space<vmem>> -> memref<128xi32, #tpu.memory_space<vmem>>
      %dma_wait3A_361 = arith.constant 0 : i32
      %dma_wait3A_362 = arith.constant 0 : i32
      %dma_wait3A_363 = tpu.memref_slice %arg7[%dma_wait3A_361, %dma_wait3A_362] : memref<8192x16xf32, #tpu.memory_space<vmem_shared>> -> memref<8192x16xf32, #tpu.memory_space<vmem_shared>>
      tpu.wait_indirect_dma semaphore(%arg13 : memref<!tpu.dma_semaphore, #tpu.memory_space<semaphore_mem>>) src(%dma_wait3A_357 : memref<128x16xf32, #tpu.memory_space<vmem>>) dst(%dma_wait3A_363 : memref<8192x16xf32, #tpu.memory_space<vmem_shared>>)
      %dma_start3A_364 = arith.constant 0 : i32
      %dma_start3A_365 = arith.constant 7 : i32
      %dma_start3A_366 = arith.constant 7 : i32
      %dma_start3A_367 = arith.constant 0 : i32
      %dma_start3A_368 = arith.constant 0 : i32
      %dma_start3A_369 = tpu.memref_slice %arg10[%dma_start3A_366, %dma_start3A_367, %dma_start3A_368] : memref<8x128x16xf32, #tpu.memory_space<vmem>> -> memref<1x128x16xf32, #tpu.memory_space<vmem>>
      %dma_start3A_370 = tpu.memref_squeeze %dma_start3A_369 : memref<1x128x16xf32, #tpu.memory_space<vmem>> -> memref<128x16xf32, #tpu.memory_space<vmem>>
      %dma_start3A_371 = arith.constant 0 : i32
      %dma_start3A_372 = tpu.memref_slice %arg8[%dma_start3A_364, %dma_start3A_365, %dma_start3A_371] : memref<2x16x128xi32, #tpu.memory_space<vmem>> -> memref<1x1x128xi32, #tpu.memory_space<vmem>>
      %dma_start3A_373 = tpu.memref_squeeze %dma_start3A_372 : memref<1x1x128xi32, #tpu.memory_space<vmem>> -> memref<128xi32, #tpu.memory_space<vmem>>
      %dma_start3A_374 = arith.constant 0 : i32
      %dma_start3A_375 = arith.constant 0 : i32
      %dma_start3A_376 = tpu.memref_slice %arg2[%dma_start3A_374, %dma_start3A_375] : memref<100000x16xf32, #tpu.memory_space<hbm>> -> memref<100000x16xf32, #tpu.memory_space<hbm>>
      tpu.enqueue_indirect_dma source(%dma_start3A_376 : memref<100000x16xf32, #tpu.memory_space<hbm>>) target(%dma_start3A_370 : memref<128x16xf32, #tpu.memory_space<vmem>>) offsets(%dma_start3A_373 : memref<128xi32, #tpu.memory_space<vmem>>) semaphore(%arg12 : memref<!tpu.dma_semaphore, #tpu.memory_space<semaphore_mem>>)
      %dma_start3A_377 = arith.constant 3 : i32
      %dma_start3A_378 = arith.constant 0 : i32
      %dma_start3A_379 = arith.constant 3 : i32
      %dma_start3A_380 = arith.constant 0 : i32
      %dma_start3A_381 = arith.constant 0 : i32
      %dma_start3A_382 = tpu.memref_slice %arg10[%dma_start3A_377, %dma_start3A_380, %dma_start3A_381] : memref<8x128x16xf32, #tpu.memory_space<vmem>> -> memref<1x128x16xf32, #tpu.memory_space<vmem>>
      %dma_start3A_383 = tpu.memref_squeeze %dma_start3A_382 : memref<1x128x16xf32, #tpu.memory_space<vmem>> -> memref<128x16xf32, #tpu.memory_space<vmem>>
      %dma_start3A_384 = arith.constant 0 : i32
      %dma_start3A_385 = tpu.memref_slice %arg9[%dma_start3A_378, %dma_start3A_379, %dma_start3A_384] : memref<2x16x128xi32, #tpu.memory_space<vmem>> -> memref<1x1x128xi32, #tpu.memory_space<vmem>>
      %dma_start3A_386 = tpu.memref_squeeze %dma_start3A_385 : memref<1x1x128xi32, #tpu.memory_space<vmem>> -> memref<128xi32, #tpu.memory_space<vmem>>
      %dma_start3A_387 = arith.constant 0 : i32
      %dma_start3A_388 = arith.constant 0 : i32
      %dma_start3A_389 = tpu.memref_slice %arg7[%dma_start3A_387, %dma_start3A_388] : memref<8192x16xf32, #tpu.memory_space<vmem_shared>> -> memref<8192x16xf32, #tpu.memory_space<vmem_shared>>
      tpu.enqueue_indirect_dma source(%dma_start3A_383 : memref<128x16xf32, #tpu.memory_space<vmem>>) target(%dma_start3A_389 : memref<8192x16xf32, #tpu.memory_space<vmem_shared>>) offsets(%dma_start3A_386 : memref<128xi32, #tpu.memory_space<vmem>>) semaphore(%arg13 : memref<!tpu.dma_semaphore, #tpu.memory_space<semaphore_mem>>) {add = true}
      %dma_wait3A_390 = arith.constant 0 : i32
      %dma_wait3A_391 = arith.constant 4 : i32
      %dma_wait3A_392 = arith.constant 4 : i32
      %dma_wait3A_393 = arith.constant 0 : i32
      %dma_wait3A_394 = arith.constant 0 : i32
      %dma_wait3A_395 = tpu.memref_slice %arg10[%dma_wait3A_392, %dma_wait3A_393, %dma_wait3A_394] : memref<8x128x16xf32, #tpu.memory_space<vmem>> -> memref<1x128x16xf32, #tpu.memory_space<vmem>>
      %dma_wait3A_396 = tpu.memref_squeeze %dma_wait3A_395 : memref<1x128x16xf32, #tpu.memory_space<vmem>> -> memref<128x16xf32, #tpu.memory_space<vmem>>
      %dma_wait3A_397 = arith.constant 0 : i32
      %dma_wait3A_398 = tpu.memref_slice %arg8[%dma_wait3A_390, %dma_wait3A_391, %dma_wait3A_397] : memref<2x16x128xi32, #tpu.memory_space<vmem>> -> memref<1x1x128xi32, #tpu.memory_space<vmem>>
      %dma_wait3A_399 = tpu.memref_squeeze %dma_wait3A_398 : memref<1x1x128xi32, #tpu.memory_space<vmem>> -> memref<128xi32, #tpu.memory_space<vmem>>
      %dma_wait3A_400 = arith.constant 0 : i32
      %dma_wait3A_401 = arith.constant 0 : i32
      %dma_wait3A_402 = tpu.memref_slice %arg2[%dma_wait3A_400, %dma_wait3A_401] : memref<100000x16xf32, #tpu.memory_space<hbm>> -> memref<100000x16xf32, #tpu.memory_space<hbm>>
      tpu.wait_indirect_dma semaphore(%arg12 : memref<!tpu.dma_semaphore, #tpu.memory_space<semaphore_mem>>) src(%dma_wait3A_402 : memref<100000x16xf32, #tpu.memory_space<hbm>>) dst(%dma_wait3A_396 : memref<128x16xf32, #tpu.memory_space<vmem>>)
      %dma_wait3A_403 = arith.constant 3 : i32
      %dma_wait3A_404 = arith.constant 0 : i32
      %dma_wait3A_405 = arith.constant 3 : i32
      %dma_wait3A_406 = arith.constant 0 : i32
      %dma_wait3A_407 = arith.constant 0 : i32
      %dma_wait3A_408 = tpu.memref_slice %arg10[%dma_wait3A_403, %dma_wait3A_406, %dma_wait3A_407] : memref<8x128x16xf32, #tpu.memory_space<vmem>> -> memref<1x128x16xf32, #tpu.memory_space<vmem>>
      %dma_wait3A_409 = tpu.memref_squeeze %dma_wait3A_408 : memref<1x128x16xf32, #tpu.memory_space<vmem>> -> memref<128x16xf32, #tpu.memory_space<vmem>>
      %dma_wait3A_410 = arith.constant 0 : i32
      %dma_wait3A_411 = tpu.memref_slice %arg9[%dma_wait3A_404, %dma_wait3A_405, %dma_wait3A_410] : memref<2x16x128xi32, #tpu.memory_space<vmem>> -> memref<1x1x128xi32, #tpu.memory_space<vmem>>
      %dma_wait3A_412 = tpu.memref_squeeze %dma_wait3A_411 : memref<1x1x128xi32, #tpu.memory_space<vmem>> -> memref<128xi32, #tpu.memory_space<vmem>>
      %dma_wait3A_413 = arith.constant 0 : i32
      %dma_wait3A_414 = arith.constant 0 : i32
      %dma_wait3A_415 = tpu.memref_slice %arg7[%dma_wait3A_413, %dma_wait3A_414] : memref<8192x16xf32, #tpu.memory_space<vmem_shared>> -> memref<8192x16xf32, #tpu.memory_space<vmem_shared>>
      tpu.wait_indirect_dma semaphore(%arg13 : memref<!tpu.dma_semaphore, #tpu.memory_space<semaphore_mem>>) src(%dma_wait3A_409 : memref<128x16xf32, #tpu.memory_space<vmem>>) dst(%dma_wait3A_415 : memref<8192x16xf32, #tpu.memory_space<vmem_shared>>)
      %dma_start3A_416 = arith.constant 0 : i32
      %dma_start3A_417 = arith.constant 8 : i32
      %dma_start3A_418 = arith.constant 0 : i32
      %dma_start3A_419 = arith.constant 0 : i32
      %dma_start3A_420 = arith.constant 0 : i32
      %dma_start3A_421 = tpu.memref_slice %arg10[%dma_start3A_418, %dma_start3A_419, %dma_start3A_420] : memref<8x128x16xf32, #tpu.memory_space<vmem>> -> memref<1x128x16xf32, #tpu.memory_space<vmem>>
      %dma_start3A_422 = tpu.memref_squeeze %dma_start3A_421 : memref<1x128x16xf32, #tpu.memory_space<vmem>> -> memref<128x16xf32, #tpu.memory_space<vmem>>
      %dma_start3A_423 = arith.constant 0 : i32
      %dma_start3A_424 = tpu.memref_slice %arg8[%dma_start3A_416, %dma_start3A_417, %dma_start3A_423] : memref<2x16x128xi32, #tpu.memory_space<vmem>> -> memref<1x1x128xi32, #tpu.memory_space<vmem>>
      %dma_start3A_425 = tpu.memref_squeeze %dma_start3A_424 : memref<1x1x128xi32, #tpu.memory_space<vmem>> -> memref<128xi32, #tpu.memory_space<vmem>>
      %dma_start3A_426 = arith.constant 0 : i32
      %dma_start3A_427 = arith.constant 0 : i32
      %dma_start3A_428 = tpu.memref_slice %arg2[%dma_start3A_426, %dma_start3A_427] : memref<100000x16xf32, #tpu.memory_space<hbm>> -> memref<100000x16xf32, #tpu.memory_space<hbm>>
      tpu.enqueue_indirect_dma source(%dma_start3A_428 : memref<100000x16xf32, #tpu.memory_space<hbm>>) target(%dma_start3A_422 : memref<128x16xf32, #tpu.memory_space<vmem>>) offsets(%dma_start3A_425 : memref<128xi32, #tpu.memory_space<vmem>>) semaphore(%arg12 : memref<!tpu.dma_semaphore, #tpu.memory_space<semaphore_mem>>)
      %dma_start3A_429 = arith.constant 4 : i32
      %dma_start3A_430 = arith.constant 0 : i32
      %dma_start3A_431 = arith.constant 4 : i32
      %dma_start3A_432 = arith.constant 0 : i32
      %dma_start3A_433 = arith.constant 0 : i32
      %dma_start3A_434 = tpu.memref_slice %arg10[%dma_start3A_429, %dma_start3A_432, %dma_start3A_433] : memref<8x128x16xf32, #tpu.memory_space<vmem>> -> memref<1x128x16xf32, #tpu.memory_space<vmem>>
      %dma_start3A_435 = tpu.memref_squeeze %dma_start3A_434 : memref<1x128x16xf32, #tpu.memory_space<vmem>> -> memref<128x16xf32, #tpu.memory_space<vmem>>
      %dma_start3A_436 = arith.constant 0 : i32
      %dma_start3A_437 = tpu.memref_slice %arg9[%dma_start3A_430, %dma_start3A_431, %dma_start3A_436] : memref<2x16x128xi32, #tpu.memory_space<vmem>> -> memref<1x1x128xi32, #tpu.memory_space<vmem>>
      %dma_start3A_438 = tpu.memref_squeeze %dma_start3A_437 : memref<1x1x128xi32, #tpu.memory_space<vmem>> -> memref<128xi32, #tpu.memory_space<vmem>>
      %dma_start3A_439 = arith.constant 0 : i32
      %dma_start3A_440 = arith.constant 0 : i32
      %dma_start3A_441 = tpu.memref_slice %arg7[%dma_start3A_439, %dma_start3A_440] : memref<8192x16xf32, #tpu.memory_space<vmem_shared>> -> memref<8192x16xf32, #tpu.memory_space<vmem_shared>>
      tpu.enqueue_indirect_dma source(%dma_start3A_435 : memref<128x16xf32, #tpu.memory_space<vmem>>) target(%dma_start3A_441 : memref<8192x16xf32, #tpu.memory_space<vmem_shared>>) offsets(%dma_start3A_438 : memref<128xi32, #tpu.memory_space<vmem>>) semaphore(%arg13 : memref<!tpu.dma_semaphore, #tpu.memory_space<semaphore_mem>>) {add = true}
      %dma_wait3A_442 = arith.constant 0 : i32
      %dma_wait3A_443 = arith.constant 5 : i32
      %dma_wait3A_444 = arith.constant 5 : i32
      %dma_wait3A_445 = arith.constant 0 : i32
      %dma_wait3A_446 = arith.constant 0 : i32
      %dma_wait3A_447 = tpu.memref_slice %arg10[%dma_wait3A_444, %dma_wait3A_445, %dma_wait3A_446] : memref<8x128x16xf32, #tpu.memory_space<vmem>> -> memref<1x128x16xf32, #tpu.memory_space<vmem>>
      %dma_wait3A_448 = tpu.memref_squeeze %dma_wait3A_447 : memref<1x128x16xf32, #tpu.memory_space<vmem>> -> memref<128x16xf32, #tpu.memory_space<vmem>>
      %dma_wait3A_449 = arith.constant 0 : i32
      %dma_wait3A_450 = tpu.memref_slice %arg8[%dma_wait3A_442, %dma_wait3A_443, %dma_wait3A_449] : memref<2x16x128xi32, #tpu.memory_space<vmem>> -> memref<1x1x128xi32, #tpu.memory_space<vmem>>
      %dma_wait3A_451 = tpu.memref_squeeze %dma_wait3A_450 : memref<1x1x128xi32, #tpu.memory_space<vmem>> -> memref<128xi32, #tpu.memory_space<vmem>>
      %dma_wait3A_452 = arith.constant 0 : i32
      %dma_wait3A_453 = arith.constant 0 : i32
      %dma_wait3A_454 = tpu.memref_slice %arg2[%dma_wait3A_452, %dma_wait3A_453] : memref<100000x16xf32, #tpu.memory_space<hbm>> -> memref<100000x16xf32, #tpu.memory_space<hbm>>
      tpu.wait_indirect_dma semaphore(%arg12 : memref<!tpu.dma_semaphore, #tpu.memory_space<semaphore_mem>>) src(%dma_wait3A_454 : memref<100000x16xf32, #tpu.memory_space<hbm>>) dst(%dma_wait3A_448 : memref<128x16xf32, #tpu.memory_space<vmem>>)
      %dma_wait3A_455 = arith.constant 4 : i32
      %dma_wait3A_456 = arith.constant 0 : i32
      %dma_wait3A_457 = arith.constant 4 : i32
      %dma_wait3A_458 = arith.constant 0 : i32
      %dma_wait3A_459 = arith.constant 0 : i32
      %dma_wait3A_460 = tpu.memref_slice %arg10[%dma_wait3A_455, %dma_wait3A_458, %dma_wait3A_459] : memref<8x128x16xf32, #tpu.memory_space<vmem>> -> memref<1x128x16xf32, #tpu.memory_space<vmem>>
      %dma_wait3A_461 = tpu.memref_squeeze %dma_wait3A_460 : memref<1x128x16xf32, #tpu.memory_space<vmem>> -> memref<128x16xf32, #tpu.memory_space<vmem>>
      %dma_wait3A_462 = arith.constant 0 : i32
      %dma_wait3A_463 = tpu.memref_slice %arg9[%dma_wait3A_456, %dma_wait3A_457, %dma_wait3A_462] : memref<2x16x128xi32, #tpu.memory_space<vmem>> -> memref<1x1x128xi32, #tpu.memory_space<vmem>>
      %dma_wait3A_464 = tpu.memref_squeeze %dma_wait3A_463 : memref<1x1x128xi32, #tpu.memory_space<vmem>> -> memref<128xi32, #tpu.memory_space<vmem>>
      %dma_wait3A_465 = arith.constant 0 : i32
      %dma_wait3A_466 = arith.constant 0 : i32
      %dma_wait3A_467 = tpu.memref_slice %arg7[%dma_wait3A_465, %dma_wait3A_466] : memref<8192x16xf32, #tpu.memory_space<vmem_shared>> -> memref<8192x16xf32, #tpu.memory_space<vmem_shared>>
      tpu.wait_indirect_dma semaphore(%arg13 : memref<!tpu.dma_semaphore, #tpu.memory_space<semaphore_mem>>) src(%dma_wait3A_461 : memref<128x16xf32, #tpu.memory_space<vmem>>) dst(%dma_wait3A_467 : memref<8192x16xf32, #tpu.memory_space<vmem_shared>>)
      %dma_start3A_468 = arith.constant 0 : i32
      %dma_start3A_469 = arith.constant 9 : i32
      %dma_start3A_470 = arith.constant 1 : i32
      %dma_start3A_471 = arith.constant 0 : i32
      %dma_start3A_472 = arith.constant 0 : i32
      %dma_start3A_473 = tpu.memref_slice %arg10[%dma_start3A_470, %dma_start3A_471, %dma_start3A_472] : memref<8x128x16xf32, #tpu.memory_space<vmem>> -> memref<1x128x16xf32, #tpu.memory_space<vmem>>
      %dma_start3A_474 = tpu.memref_squeeze %dma_start3A_473 : memref<1x128x16xf32, #tpu.memory_space<vmem>> -> memref<128x16xf32, #tpu.memory_space<vmem>>
      %dma_start3A_475 = arith.constant 0 : i32
      %dma_start3A_476 = tpu.memref_slice %arg8[%dma_start3A_468, %dma_start3A_469, %dma_start3A_475] : memref<2x16x128xi32, #tpu.memory_space<vmem>> -> memref<1x1x128xi32, #tpu.memory_space<vmem>>
      %dma_start3A_477 = tpu.memref_squeeze %dma_start3A_476 : memref<1x1x128xi32, #tpu.memory_space<vmem>> -> memref<128xi32, #tpu.memory_space<vmem>>
      %dma_start3A_478 = arith.constant 0 : i32
      %dma_start3A_479 = arith.constant 0 : i32
      %dma_start3A_480 = tpu.memref_slice %arg2[%dma_start3A_478, %dma_start3A_479] : memref<100000x16xf32, #tpu.memory_space<hbm>> -> memref<100000x16xf32, #tpu.memory_space<hbm>>
      tpu.enqueue_indirect_dma source(%dma_start3A_480 : memref<100000x16xf32, #tpu.memory_space<hbm>>) target(%dma_start3A_474 : memref<128x16xf32, #tpu.memory_space<vmem>>) offsets(%dma_start3A_477 : memref<128xi32, #tpu.memory_space<vmem>>) semaphore(%arg12 : memref<!tpu.dma_semaphore, #tpu.memory_space<semaphore_mem>>)
      %dma_start3A_481 = arith.constant 5 : i32
      %dma_start3A_482 = arith.constant 0 : i32
      %dma_start3A_483 = arith.constant 5 : i32
      %dma_start3A_484 = arith.constant 0 : i32
      %dma_start3A_485 = arith.constant 0 : i32
      %dma_start3A_486 = tpu.memref_slice %arg10[%dma_start3A_481, %dma_start3A_484, %dma_start3A_485] : memref<8x128x16xf32, #tpu.memory_space<vmem>> -> memref<1x128x16xf32, #tpu.memory_space<vmem>>
      %dma_start3A_487 = tpu.memref_squeeze %dma_start3A_486 : memref<1x128x16xf32, #tpu.memory_space<vmem>> -> memref<128x16xf32, #tpu.memory_space<vmem>>
      %dma_start3A_488 = arith.constant 0 : i32
      %dma_start3A_489 = tpu.memref_slice %arg9[%dma_start3A_482, %dma_start3A_483, %dma_start3A_488] : memref<2x16x128xi32, #tpu.memory_space<vmem>> -> memref<1x1x128xi32, #tpu.memory_space<vmem>>
      %dma_start3A_490 = tpu.memref_squeeze %dma_start3A_489 : memref<1x1x128xi32, #tpu.memory_space<vmem>> -> memref<128xi32, #tpu.memory_space<vmem>>
      %dma_start3A_491 = arith.constant 0 : i32
      %dma_start3A_492 = arith.constant 0 : i32
      %dma_start3A_493 = tpu.memref_slice %arg7[%dma_start3A_491, %dma_start3A_492] : memref<8192x16xf32, #tpu.memory_space<vmem_shared>> -> memref<8192x16xf32, #tpu.memory_space<vmem_shared>>
      tpu.enqueue_indirect_dma source(%dma_start3A_487 : memref<128x16xf32, #tpu.memory_space<vmem>>) target(%dma_start3A_493 : memref<8192x16xf32, #tpu.memory_space<vmem_shared>>) offsets(%dma_start3A_490 : memref<128xi32, #tpu.memory_space<vmem>>) semaphore(%arg13 : memref<!tpu.dma_semaphore, #tpu.memory_space<semaphore_mem>>) {add = true}
      %dma_wait3A_494 = arith.constant 0 : i32
      %dma_wait3A_495 = arith.constant 6 : i32
      %dma_wait3A_496 = arith.constant 6 : i32
      %dma_wait3A_497 = arith.constant 0 : i32
      %dma_wait3A_498 = arith.constant 0 : i32
      %dma_wait3A_499 = tpu.memref_slice %arg10[%dma_wait3A_496, %dma_wait3A_497, %dma_wait3A_498] : memref<8x128x16xf32, #tpu.memory_space<vmem>> -> memref<1x128x16xf32, #tpu.memory_space<vmem>>
      %dma_wait3A_500 = tpu.memref_squeeze %dma_wait3A_499 : memref<1x128x16xf32, #tpu.memory_space<vmem>> -> memref<128x16xf32, #tpu.memory_space<vmem>>
      %dma_wait3A_501 = arith.constant 0 : i32
      %dma_wait3A_502 = tpu.memref_slice %arg8[%dma_wait3A_494, %dma_wait3A_495, %dma_wait3A_501] : memref<2x16x128xi32, #tpu.memory_space<vmem>> -> memref<1x1x128xi32, #tpu.memory_space<vmem>>
      %dma_wait3A_503 = tpu.memref_squeeze %dma_wait3A_502 : memref<1x1x128xi32, #tpu.memory_space<vmem>> -> memref<128xi32, #tpu.memory_space<vmem>>
      %dma_wait3A_504 = arith.constant 0 : i32
      %dma_wait3A_505 = arith.constant 0 : i32
      %dma_wait3A_506 = tpu.memref_slice %arg2[%dma_wait3A_504, %dma_wait3A_505] : memref<100000x16xf32, #tpu.memory_space<hbm>> -> memref<100000x16xf32, #tpu.memory_space<hbm>>
      tpu.wait_indirect_dma semaphore(%arg12 : memref<!tpu.dma_semaphore, #tpu.memory_space<semaphore_mem>>) src(%dma_wait3A_506 : memref<100000x16xf32, #tpu.memory_space<hbm>>) dst(%dma_wait3A_500 : memref<128x16xf32, #tpu.memory_space<vmem>>)
      %dma_wait3A_507 = arith.constant 5 : i32
      %dma_wait3A_508 = arith.constant 0 : i32
      %dma_wait3A_509 = arith.constant 5 : i32
      %dma_wait3A_510 = arith.constant 0 : i32
      %dma_wait3A_511 = arith.constant 0 : i32
      %dma_wait3A_512 = tpu.memref_slice %arg10[%dma_wait3A_507, %dma_wait3A_510, %dma_wait3A_511] : memref<8x128x16xf32, #tpu.memory_space<vmem>> -> memref<1x128x16xf32, #tpu.memory_space<vmem>>
      %dma_wait3A_513 = tpu.memref_squeeze %dma_wait3A_512 : memref<1x128x16xf32, #tpu.memory_space<vmem>> -> memref<128x16xf32, #tpu.memory_space<vmem>>
      %dma_wait3A_514 = arith.constant 0 : i32
      %dma_wait3A_515 = tpu.memref_slice %arg9[%dma_wait3A_508, %dma_wait3A_509, %dma_wait3A_514] : memref<2x16x128xi32, #tpu.memory_space<vmem>> -> memref<1x1x128xi32, #tpu.memory_space<vmem>>
      %dma_wait3A_516 = tpu.memref_squeeze %dma_wait3A_515 : memref<1x1x128xi32, #tpu.memory_space<vmem>> -> memref<128xi32, #tpu.memory_space<vmem>>
      %dma_wait3A_517 = arith.constant 0 : i32
      %dma_wait3A_518 = arith.constant 0 : i32
      %dma_wait3A_519 = tpu.memref_slice %arg7[%dma_wait3A_517, %dma_wait3A_518] : memref<8192x16xf32, #tpu.memory_space<vmem_shared>> -> memref<8192x16xf32, #tpu.memory_space<vmem_shared>>
      tpu.wait_indirect_dma semaphore(%arg13 : memref<!tpu.dma_semaphore, #tpu.memory_space<semaphore_mem>>) src(%dma_wait3A_513 : memref<128x16xf32, #tpu.memory_space<vmem>>) dst(%dma_wait3A_519 : memref<8192x16xf32, #tpu.memory_space<vmem_shared>>)
      %dma_start3A_520 = arith.constant 0 : i32
      %dma_start3A_521 = arith.constant 10 : i32
      %dma_start3A_522 = arith.constant 2 : i32
      %dma_start3A_523 = arith.constant 0 : i32
      %dma_start3A_524 = arith.constant 0 : i32
      %dma_start3A_525 = tpu.memref_slice %arg10[%dma_start3A_522, %dma_start3A_523, %dma_start3A_524] : memref<8x128x16xf32, #tpu.memory_space<vmem>> -> memref<1x128x16xf32, #tpu.memory_space<vmem>>
      %dma_start3A_526 = tpu.memref_squeeze %dma_start3A_525 : memref<1x128x16xf32, #tpu.memory_space<vmem>> -> memref<128x16xf32, #tpu.memory_space<vmem>>
      %dma_start3A_527 = arith.constant 0 : i32
      %dma_start3A_528 = tpu.memref_slice %arg8[%dma_start3A_520, %dma_start3A_521, %dma_start3A_527] : memref<2x16x128xi32, #tpu.memory_space<vmem>> -> memref<1x1x128xi32, #tpu.memory_space<vmem>>
      %dma_start3A_529 = tpu.memref_squeeze %dma_start3A_528 : memref<1x1x128xi32, #tpu.memory_space<vmem>> -> memref<128xi32, #tpu.memory_space<vmem>>
      %dma_start3A_530 = arith.constant 0 : i32
      %dma_start3A_531 = arith.constant 0 : i32
      %dma_start3A_532 = tpu.memref_slice %arg2[%dma_start3A_530, %dma_start3A_531] : memref<100000x16xf32, #tpu.memory_space<hbm>> -> memref<100000x16xf32, #tpu.memory_space<hbm>>
      tpu.enqueue_indirect_dma source(%dma_start3A_532 : memref<100000x16xf32, #tpu.memory_space<hbm>>) target(%dma_start3A_526 : memref<128x16xf32, #tpu.memory_space<vmem>>) offsets(%dma_start3A_529 : memref<128xi32, #tpu.memory_space<vmem>>) semaphore(%arg12 : memref<!tpu.dma_semaphore, #tpu.memory_space<semaphore_mem>>)
      %dma_start3A_533 = arith.constant 6 : i32
      %dma_start3A_534 = arith.constant 0 : i32
      %dma_start3A_535 = arith.constant 6 : i32
      %dma_start3A_536 = arith.constant 0 : i32
      %dma_start3A_537 = arith.constant 0 : i32
      %dma_start3A_538 = tpu.memref_slice %arg10[%dma_start3A_533, %dma_start3A_536, %dma_start3A_537] : memref<8x128x16xf32, #tpu.memory_space<vmem>> -> memref<1x128x16xf32, #tpu.memory_space<vmem>>
      %dma_start3A_539 = tpu.memref_squeeze %dma_start3A_538 : memref<1x128x16xf32, #tpu.memory_space<vmem>> -> memref<128x16xf32, #tpu.memory_space<vmem>>
      %dma_start3A_540 = arith.constant 0 : i32
      %dma_start3A_541 = tpu.memref_slice %arg9[%dma_start3A_534, %dma_start3A_535, %dma_start3A_540] : memref<2x16x128xi32, #tpu.memory_space<vmem>> -> memref<1x1x128xi32, #tpu.memory_space<vmem>>
      %dma_start3A_542 = tpu.memref_squeeze %dma_start3A_541 : memref<1x1x128xi32, #tpu.memory_space<vmem>> -> memref<128xi32, #tpu.memory_space<vmem>>
      %dma_start3A_543 = arith.constant 0 : i32
      %dma_start3A_544 = arith.constant 0 : i32
      %dma_start3A_545 = tpu.memref_slice %arg7[%dma_start3A_543, %dma_start3A_544] : memref<8192x16xf32, #tpu.memory_space<vmem_shared>> -> memref<8192x16xf32, #tpu.memory_space<vmem_shared>>
      tpu.enqueue_indirect_dma source(%dma_start3A_539 : memref<128x16xf32, #tpu.memory_space<vmem>>) target(%dma_start3A_545 : memref<8192x16xf32, #tpu.memory_space<vmem_shared>>) offsets(%dma_start3A_542 : memref<128xi32, #tpu.memory_space<vmem>>) semaphore(%arg13 : memref<!tpu.dma_semaphore, #tpu.memory_space<semaphore_mem>>) {add = true}
      %dma_wait3A_546 = arith.constant 0 : i32
      %dma_wait3A_547 = arith.constant 7 : i32
      %dma_wait3A_548 = arith.constant 7 : i32
      %dma_wait3A_549 = arith.constant 0 : i32
      %dma_wait3A_550 = arith.constant 0 : i32
      %dma_wait3A_551 = tpu.memref_slice %arg10[%dma_wait3A_548, %dma_wait3A_549, %dma_wait3A_550] : memref<8x128x16xf32, #tpu.memory_space<vmem>> -> memref<1x128x16xf32, #tpu.memory_space<vmem>>
      %dma_wait3A_552 = tpu.memref_squeeze %dma_wait3A_551 : memref<1x128x16xf32, #tpu.memory_space<vmem>> -> memref<128x16xf32, #tpu.memory_space<vmem>>
      %dma_wait3A_553 = arith.constant 0 : i32
      %dma_wait3A_554 = tpu.memref_slice %arg8[%dma_wait3A_546, %dma_wait3A_547, %dma_wait3A_553] : memref<2x16x128xi32, #tpu.memory_space<vmem>> -> memref<1x1x128xi32, #tpu.memory_space<vmem>>
      %dma_wait3A_555 = tpu.memref_squeeze %dma_wait3A_554 : memref<1x1x128xi32, #tpu.memory_space<vmem>> -> memref<128xi32, #tpu.memory_space<vmem>>
      %dma_wait3A_556 = arith.constant 0 : i32
      %dma_wait3A_557 = arith.constant 0 : i32
      %dma_wait3A_558 = tpu.memref_slice %arg2[%dma_wait3A_556, %dma_wait3A_557] : memref<100000x16xf32, #tpu.memory_space<hbm>> -> memref<100000x16xf32, #tpu.memory_space<hbm>>
      tpu.wait_indirect_dma semaphore(%arg12 : memref<!tpu.dma_semaphore, #tpu.memory_space<semaphore_mem>>) src(%dma_wait3A_558 : memref<100000x16xf32, #tpu.memory_space<hbm>>) dst(%dma_wait3A_552 : memref<128x16xf32, #tpu.memory_space<vmem>>)
      %dma_wait3A_559 = arith.constant 6 : i32
      %dma_wait3A_560 = arith.constant 0 : i32
      %dma_wait3A_561 = arith.constant 6 : i32
      %dma_wait3A_562 = arith.constant 0 : i32
      %dma_wait3A_563 = arith.constant 0 : i32
      %dma_wait3A_564 = tpu.memref_slice %arg10[%dma_wait3A_559, %dma_wait3A_562, %dma_wait3A_563] : memref<8x128x16xf32, #tpu.memory_space<vmem>> -> memref<1x128x16xf32, #tpu.memory_space<vmem>>
      %dma_wait3A_565 = tpu.memref_squeeze %dma_wait3A_564 : memref<1x128x16xf32, #tpu.memory_space<vmem>> -> memref<128x16xf32, #tpu.memory_space<vmem>>
      %dma_wait3A_566 = arith.constant 0 : i32
      %dma_wait3A_567 = tpu.memref_slice %arg9[%dma_wait3A_560, %dma_wait3A_561, %dma_wait3A_566] : memref<2x16x128xi32, #tpu.memory_space<vmem>> -> memref<1x1x128xi32, #tpu.memory_space<vmem>>
      %dma_wait3A_568 = tpu.memref_squeeze %dma_wait3A_567 : memref<1x1x128xi32, #tpu.memory_space<vmem>> -> memref<128xi32, #tpu.memory_space<vmem>>
      %dma_wait3A_569 = arith.constant 0 : i32
      %dma_wait3A_570 = arith.constant 0 : i32
      %dma_wait3A_571 = tpu.memref_slice %arg7[%dma_wait3A_569, %dma_wait3A_570] : memref<8192x16xf32, #tpu.memory_space<vmem_shared>> -> memref<8192x16xf32, #tpu.memory_space<vmem_shared>>
      tpu.wait_indirect_dma semaphore(%arg13 : memref<!tpu.dma_semaphore, #tpu.memory_space<semaphore_mem>>) src(%dma_wait3A_565 : memref<128x16xf32, #tpu.memory_space<vmem>>) dst(%dma_wait3A_571 : memref<8192x16xf32, #tpu.memory_space<vmem_shared>>)
      %dma_start3A_572 = arith.constant 0 : i32
      %dma_start3A_573 = arith.constant 11 : i32
      %dma_start3A_574 = arith.constant 3 : i32
      %dma_start3A_575 = arith.constant 0 : i32
      %dma_start3A_576 = arith.constant 0 : i32
      %dma_start3A_577 = tpu.memref_slice %arg10[%dma_start3A_574, %dma_start3A_575, %dma_start3A_576] : memref<8x128x16xf32, #tpu.memory_space<vmem>> -> memref<1x128x16xf32, #tpu.memory_space<vmem>>
      %dma_start3A_578 = tpu.memref_squeeze %dma_start3A_577 : memref<1x128x16xf32, #tpu.memory_space<vmem>> -> memref<128x16xf32, #tpu.memory_space<vmem>>
      %dma_start3A_579 = arith.constant 0 : i32
      %dma_start3A_580 = tpu.memref_slice %arg8[%dma_start3A_572, %dma_start3A_573, %dma_start3A_579] : memref<2x16x128xi32, #tpu.memory_space<vmem>> -> memref<1x1x128xi32, #tpu.memory_space<vmem>>
      %dma_start3A_581 = tpu.memref_squeeze %dma_start3A_580 : memref<1x1x128xi32, #tpu.memory_space<vmem>> -> memref<128xi32, #tpu.memory_space<vmem>>
      %dma_start3A_582 = arith.constant 0 : i32
      %dma_start3A_583 = arith.constant 0 : i32
      %dma_start3A_584 = tpu.memref_slice %arg2[%dma_start3A_582, %dma_start3A_583] : memref<100000x16xf32, #tpu.memory_space<hbm>> -> memref<100000x16xf32, #tpu.memory_space<hbm>>
      tpu.enqueue_indirect_dma source(%dma_start3A_584 : memref<100000x16xf32, #tpu.memory_space<hbm>>) target(%dma_start3A_578 : memref<128x16xf32, #tpu.memory_space<vmem>>) offsets(%dma_start3A_581 : memref<128xi32, #tpu.memory_space<vmem>>) semaphore(%arg12 : memref<!tpu.dma_semaphore, #tpu.memory_space<semaphore_mem>>)
      %dma_start3A_585 = arith.constant 7 : i32
      %dma_start3A_586 = arith.constant 0 : i32
      %dma_start3A_587 = arith.constant 7 : i32
      %dma_start3A_588 = arith.constant 0 : i32
      %dma_start3A_589 = arith.constant 0 : i32
      %dma_start3A_590 = tpu.memref_slice %arg10[%dma_start3A_585, %dma_start3A_588, %dma_start3A_589] : memref<8x128x16xf32, #tpu.memory_space<vmem>> -> memref<1x128x16xf32, #tpu.memory_space<vmem>>
      %dma_start3A_591 = tpu.memref_squeeze %dma_start3A_590 : memref<1x128x16xf32, #tpu.memory_space<vmem>> -> memref<128x16xf32, #tpu.memory_space<vmem>>
      %dma_start3A_592 = arith.constant 0 : i32
      %dma_start3A_593 = tpu.memref_slice %arg9[%dma_start3A_586, %dma_start3A_587, %dma_start3A_592] : memref<2x16x128xi32, #tpu.memory_space<vmem>> -> memref<1x1x128xi32, #tpu.memory_space<vmem>>
      %dma_start3A_594 = tpu.memref_squeeze %dma_start3A_593 : memref<1x1x128xi32, #tpu.memory_space<vmem>> -> memref<128xi32, #tpu.memory_space<vmem>>
      %dma_start3A_595 = arith.constant 0 : i32
      %dma_start3A_596 = arith.constant 0 : i32
      %dma_start3A_597 = tpu.memref_slice %arg7[%dma_start3A_595, %dma_start3A_596] : memref<8192x16xf32, #tpu.memory_space<vmem_shared>> -> memref<8192x16xf32, #tpu.memory_space<vmem_shared>>
      tpu.enqueue_indirect_dma source(%dma_start3A_591 : memref<128x16xf32, #tpu.memory_space<vmem>>) target(%dma_start3A_597 : memref<8192x16xf32, #tpu.memory_space<vmem_shared>>) offsets(%dma_start3A_594 : memref<128xi32, #tpu.memory_space<vmem>>) semaphore(%arg13 : memref<!tpu.dma_semaphore, #tpu.memory_space<semaphore_mem>>) {add = true}
      %dma_wait3A_598 = arith.constant 0 : i32
      %dma_wait3A_599 = arith.constant 8 : i32
      %dma_wait3A_600 = arith.constant 0 : i32
      %dma_wait3A_601 = arith.constant 0 : i32
      %dma_wait3A_602 = arith.constant 0 : i32
      %dma_wait3A_603 = tpu.memref_slice %arg10[%dma_wait3A_600, %dma_wait3A_601, %dma_wait3A_602] : memref<8x128x16xf32, #tpu.memory_space<vmem>> -> memref<1x128x16xf32, #tpu.memory_space<vmem>>
      %dma_wait3A_604 = tpu.memref_squeeze %dma_wait3A_603 : memref<1x128x16xf32, #tpu.memory_space<vmem>> -> memref<128x16xf32, #tpu.memory_space<vmem>>
      %dma_wait3A_605 = arith.constant 0 : i32
      %dma_wait3A_606 = tpu.memref_slice %arg8[%dma_wait3A_598, %dma_wait3A_599, %dma_wait3A_605] : memref<2x16x128xi32, #tpu.memory_space<vmem>> -> memref<1x1x128xi32, #tpu.memory_space<vmem>>
      %dma_wait3A_607 = tpu.memref_squeeze %dma_wait3A_606 : memref<1x1x128xi32, #tpu.memory_space<vmem>> -> memref<128xi32, #tpu.memory_space<vmem>>
      %dma_wait3A_608 = arith.constant 0 : i32
      %dma_wait3A_609 = arith.constant 0 : i32
      %dma_wait3A_610 = tpu.memref_slice %arg2[%dma_wait3A_608, %dma_wait3A_609] : memref<100000x16xf32, #tpu.memory_space<hbm>> -> memref<100000x16xf32, #tpu.memory_space<hbm>>
      tpu.wait_indirect_dma semaphore(%arg12 : memref<!tpu.dma_semaphore, #tpu.memory_space<semaphore_mem>>) src(%dma_wait3A_610 : memref<100000x16xf32, #tpu.memory_space<hbm>>) dst(%dma_wait3A_604 : memref<128x16xf32, #tpu.memory_space<vmem>>)
      %dma_wait3A_611 = arith.constant 7 : i32
      %dma_wait3A_612 = arith.constant 0 : i32
      %dma_wait3A_613 = arith.constant 7 : i32
      %dma_wait3A_614 = arith.constant 0 : i32
      %dma_wait3A_615 = arith.constant 0 : i32
      %dma_wait3A_616 = tpu.memref_slice %arg10[%dma_wait3A_611, %dma_wait3A_614, %dma_wait3A_615] : memref<8x128x16xf32, #tpu.memory_space<vmem>> -> memref<1x128x16xf32, #tpu.memory_space<vmem>>
      %dma_wait3A_617 = tpu.memref_squeeze %dma_wait3A_616 : memref<1x128x16xf32, #tpu.memory_space<vmem>> -> memref<128x16xf32, #tpu.memory_space<vmem>>
      %dma_wait3A_618 = arith.constant 0 : i32
      %dma_wait3A_619 = tpu.memref_slice %arg9[%dma_wait3A_612, %dma_wait3A_613, %dma_wait3A_618] : memref<2x16x128xi32, #tpu.memory_space<vmem>> -> memref<1x1x128xi32, #tpu.memory_space<vmem>>
      %dma_wait3A_620 = tpu.memref_squeeze %dma_wait3A_619 : memref<1x1x128xi32, #tpu.memory_space<vmem>> -> memref<128xi32, #tpu.memory_space<vmem>>
      %dma_wait3A_621 = arith.constant 0 : i32
      %dma_wait3A_622 = arith.constant 0 : i32
      %dma_wait3A_623 = tpu.memref_slice %arg7[%dma_wait3A_621, %dma_wait3A_622] : memref<8192x16xf32, #tpu.memory_space<vmem_shared>> -> memref<8192x16xf32, #tpu.memory_space<vmem_shared>>
      tpu.wait_indirect_dma semaphore(%arg13 : memref<!tpu.dma_semaphore, #tpu.memory_space<semaphore_mem>>) src(%dma_wait3A_617 : memref<128x16xf32, #tpu.memory_space<vmem>>) dst(%dma_wait3A_623 : memref<8192x16xf32, #tpu.memory_space<vmem_shared>>)
      %dma_start3A_624 = arith.constant 0 : i32
      %dma_start3A_625 = arith.constant 12 : i32
      %dma_start3A_626 = arith.constant 4 : i32
      %dma_start3A_627 = arith.constant 0 : i32
      %dma_start3A_628 = arith.constant 0 : i32
      %dma_start3A_629 = tpu.memref_slice %arg10[%dma_start3A_626, %dma_start3A_627, %dma_start3A_628] : memref<8x128x16xf32, #tpu.memory_space<vmem>> -> memref<1x128x16xf32, #tpu.memory_space<vmem>>
      %dma_start3A_630 = tpu.memref_squeeze %dma_start3A_629 : memref<1x128x16xf32, #tpu.memory_space<vmem>> -> memref<128x16xf32, #tpu.memory_space<vmem>>
      %dma_start3A_631 = arith.constant 0 : i32
      %dma_start3A_632 = tpu.memref_slice %arg8[%dma_start3A_624, %dma_start3A_625, %dma_start3A_631] : memref<2x16x128xi32, #tpu.memory_space<vmem>> -> memref<1x1x128xi32, #tpu.memory_space<vmem>>
      %dma_start3A_633 = tpu.memref_squeeze %dma_start3A_632 : memref<1x1x128xi32, #tpu.memory_space<vmem>> -> memref<128xi32, #tpu.memory_space<vmem>>
      %dma_start3A_634 = arith.constant 0 : i32
      %dma_start3A_635 = arith.constant 0 : i32
      %dma_start3A_636 = tpu.memref_slice %arg2[%dma_start3A_634, %dma_start3A_635] : memref<100000x16xf32, #tpu.memory_space<hbm>> -> memref<100000x16xf32, #tpu.memory_space<hbm>>
      tpu.enqueue_indirect_dma source(%dma_start3A_636 : memref<100000x16xf32, #tpu.memory_space<hbm>>) target(%dma_start3A_630 : memref<128x16xf32, #tpu.memory_space<vmem>>) offsets(%dma_start3A_633 : memref<128xi32, #tpu.memory_space<vmem>>) semaphore(%arg12 : memref<!tpu.dma_semaphore, #tpu.memory_space<semaphore_mem>>)
      %dma_start3A_637 = arith.constant 0 : i32
      %dma_start3A_638 = arith.constant 0 : i32
      %dma_start3A_639 = arith.constant 8 : i32
      %dma_start3A_640 = arith.constant 0 : i32
      %dma_start3A_641 = arith.constant 0 : i32
      %dma_start3A_642 = tpu.memref_slice %arg10[%dma_start3A_637, %dma_start3A_640, %dma_start3A_641] : memref<8x128x16xf32, #tpu.memory_space<vmem>> -> memref<1x128x16xf32, #tpu.memory_space<vmem>>
      %dma_start3A_643 = tpu.memref_squeeze %dma_start3A_642 : memref<1x128x16xf32, #tpu.memory_space<vmem>> -> memref<128x16xf32, #tpu.memory_space<vmem>>
      %dma_start3A_644 = arith.constant 0 : i32
      %dma_start3A_645 = tpu.memref_slice %arg9[%dma_start3A_638, %dma_start3A_639, %dma_start3A_644] : memref<2x16x128xi32, #tpu.memory_space<vmem>> -> memref<1x1x128xi32, #tpu.memory_space<vmem>>
      %dma_start3A_646 = tpu.memref_squeeze %dma_start3A_645 : memref<1x1x128xi32, #tpu.memory_space<vmem>> -> memref<128xi32, #tpu.memory_space<vmem>>
      %dma_start3A_647 = arith.constant 0 : i32
      %dma_start3A_648 = arith.constant 0 : i32
      %dma_start3A_649 = tpu.memref_slice %arg7[%dma_start3A_647, %dma_start3A_648] : memref<8192x16xf32, #tpu.memory_space<vmem_shared>> -> memref<8192x16xf32, #tpu.memory_space<vmem_shared>>
      tpu.enqueue_indirect_dma source(%dma_start3A_643 : memref<128x16xf32, #tpu.memory_space<vmem>>) target(%dma_start3A_649 : memref<8192x16xf32, #tpu.memory_space<vmem_shared>>) offsets(%dma_start3A_646 : memref<128xi32, #tpu.memory_space<vmem>>) semaphore(%arg13 : memref<!tpu.dma_semaphore, #tpu.memory_space<semaphore_mem>>) {add = true}
      %dma_wait3A_650 = arith.constant 0 : i32
      %dma_wait3A_651 = arith.constant 9 : i32
      %dma_wait3A_652 = arith.constant 1 : i32
      %dma_wait3A_653 = arith.constant 0 : i32
      %dma_wait3A_654 = arith.constant 0 : i32
      %dma_wait3A_655 = tpu.memref_slice %arg10[%dma_wait3A_652, %dma_wait3A_653, %dma_wait3A_654] : memref<8x128x16xf32, #tpu.memory_space<vmem>> -> memref<1x128x16xf32, #tpu.memory_space<vmem>>
      %dma_wait3A_656 = tpu.memref_squeeze %dma_wait3A_655 : memref<1x128x16xf32, #tpu.memory_space<vmem>> -> memref<128x16xf32, #tpu.memory_space<vmem>>
      %dma_wait3A_657 = arith.constant 0 : i32
      %dma_wait3A_658 = tpu.memref_slice %arg8[%dma_wait3A_650, %dma_wait3A_651, %dma_wait3A_657] : memref<2x16x128xi32, #tpu.memory_space<vmem>> -> memref<1x1x128xi32, #tpu.memory_space<vmem>>
      %dma_wait3A_659 = tpu.memref_squeeze %dma_wait3A_658 : memref<1x1x128xi32, #tpu.memory_space<vmem>> -> memref<128xi32, #tpu.memory_space<vmem>>
      %dma_wait3A_660 = arith.constant 0 : i32
      %dma_wait3A_661 = arith.constant 0 : i32
      %dma_wait3A_662 = tpu.memref_slice %arg2[%dma_wait3A_660, %dma_wait3A_661] : memref<100000x16xf32, #tpu.memory_space<hbm>> -> memref<100000x16xf32, #tpu.memory_space<hbm>>
      tpu.wait_indirect_dma semaphore(%arg12 : memref<!tpu.dma_semaphore, #tpu.memory_space<semaphore_mem>>) src(%dma_wait3A_662 : memref<100000x16xf32, #tpu.memory_space<hbm>>) dst(%dma_wait3A_656 : memref<128x16xf32, #tpu.memory_space<vmem>>)
      %dma_wait3A_663 = arith.constant 0 : i32
      %dma_wait3A_664 = arith.constant 0 : i32
      %dma_wait3A_665 = arith.constant 8 : i32
      %dma_wait3A_666 = arith.constant 0 : i32
      %dma_wait3A_667 = arith.constant 0 : i32
      %dma_wait3A_668 = tpu.memref_slice %arg10[%dma_wait3A_663, %dma_wait3A_666, %dma_wait3A_667] : memref<8x128x16xf32, #tpu.memory_space<vmem>> -> memref<1x128x16xf32, #tpu.memory_space<vmem>>
      %dma_wait3A_669 = tpu.memref_squeeze %dma_wait3A_668 : memref<1x128x16xf32, #tpu.memory_space<vmem>> -> memref<128x16xf32, #tpu.memory_space<vmem>>
      %dma_wait3A_670 = arith.constant 0 : i32
      %dma_wait3A_671 = tpu.memref_slice %arg9[%dma_wait3A_664, %dma_wait3A_665, %dma_wait3A_670] : memref<2x16x128xi32, #tpu.memory_space<vmem>> -> memref<1x1x128xi32, #tpu.memory_space<vmem>>
      %dma_wait3A_672 = tpu.memref_squeeze %dma_wait3A_671 : memref<1x1x128xi32, #tpu.memory_space<vmem>> -> memref<128xi32, #tpu.memory_space<vmem>>
      %dma_wait3A_673 = arith.constant 0 : i32
      %dma_wait3A_674 = arith.constant 0 : i32
      %dma_wait3A_675 = tpu.memref_slice %arg7[%dma_wait3A_673, %dma_wait3A_674] : memref<8192x16xf32, #tpu.memory_space<vmem_shared>> -> memref<8192x16xf32, #tpu.memory_space<vmem_shared>>
      tpu.wait_indirect_dma semaphore(%arg13 : memref<!tpu.dma_semaphore, #tpu.memory_space<semaphore_mem>>) src(%dma_wait3A_669 : memref<128x16xf32, #tpu.memory_space<vmem>>) dst(%dma_wait3A_675 : memref<8192x16xf32, #tpu.memory_space<vmem_shared>>)
      %dma_start3A_676 = arith.constant 0 : i32
      %dma_start3A_677 = arith.constant 13 : i32
      %dma_start3A_678 = arith.constant 5 : i32
      %dma_start3A_679 = arith.constant 0 : i32
      %dma_start3A_680 = arith.constant 0 : i32
      %dma_start3A_681 = tpu.memref_slice %arg10[%dma_start3A_678, %dma_start3A_679, %dma_start3A_680] : memref<8x128x16xf32, #tpu.memory_space<vmem>> -> memref<1x128x16xf32, #tpu.memory_space<vmem>>
      %dma_start3A_682 = tpu.memref_squeeze %dma_start3A_681 : memref<1x128x16xf32, #tpu.memory_space<vmem>> -> memref<128x16xf32, #tpu.memory_space<vmem>>
      %dma_start3A_683 = arith.constant 0 : i32
      %dma_start3A_684 = tpu.memref_slice %arg8[%dma_start3A_676, %dma_start3A_677, %dma_start3A_683] : memref<2x16x128xi32, #tpu.memory_space<vmem>> -> memref<1x1x128xi32, #tpu.memory_space<vmem>>
      %dma_start3A_685 = tpu.memref_squeeze %dma_start3A_684 : memref<1x1x128xi32, #tpu.memory_space<vmem>> -> memref<128xi32, #tpu.memory_space<vmem>>
      %dma_start3A_686 = arith.constant 0 : i32
      %dma_start3A_687 = arith.constant 0 : i32
      %dma_start3A_688 = tpu.memref_slice %arg2[%dma_start3A_686, %dma_start3A_687] : memref<100000x16xf32, #tpu.memory_space<hbm>> -> memref<100000x16xf32, #tpu.memory_space<hbm>>
      tpu.enqueue_indirect_dma source(%dma_start3A_688 : memref<100000x16xf32, #tpu.memory_space<hbm>>) target(%dma_start3A_682 : memref<128x16xf32, #tpu.memory_space<vmem>>) offsets(%dma_start3A_685 : memref<128xi32, #tpu.memory_space<vmem>>) semaphore(%arg12 : memref<!tpu.dma_semaphore, #tpu.memory_space<semaphore_mem>>)
      %dma_start3A_689 = arith.constant 1 : i32
      %dma_start3A_690 = arith.constant 0 : i32
      %dma_start3A_691 = arith.constant 9 : i32
      %dma_start3A_692 = arith.constant 0 : i32
      %dma_start3A_693 = arith.constant 0 : i32
      %dma_start3A_694 = tpu.memref_slice %arg10[%dma_start3A_689, %dma_start3A_692, %dma_start3A_693] : memref<8x128x16xf32, #tpu.memory_space<vmem>> -> memref<1x128x16xf32, #tpu.memory_space<vmem>>
      %dma_start3A_695 = tpu.memref_squeeze %dma_start3A_694 : memref<1x128x16xf32, #tpu.memory_space<vmem>> -> memref<128x16xf32, #tpu.memory_space<vmem>>
      %dma_start3A_696 = arith.constant 0 : i32
      %dma_start3A_697 = tpu.memref_slice %arg9[%dma_start3A_690, %dma_start3A_691, %dma_start3A_696] : memref<2x16x128xi32, #tpu.memory_space<vmem>> -> memref<1x1x128xi32, #tpu.memory_space<vmem>>
      %dma_start3A_698 = tpu.memref_squeeze %dma_start3A_697 : memref<1x1x128xi32, #tpu.memory_space<vmem>> -> memref<128xi32, #tpu.memory_space<vmem>>
      %dma_start3A_699 = arith.constant 0 : i32
      %dma_start3A_700 = arith.constant 0 : i32
      %dma_start3A_701 = tpu.memref_slice %arg7[%dma_start3A_699, %dma_start3A_700] : memref<8192x16xf32, #tpu.memory_space<vmem_shared>> -> memref<8192x16xf32, #tpu.memory_space<vmem_shared>>
      tpu.enqueue_indirect_dma source(%dma_start3A_695 : memref<128x16xf32, #tpu.memory_space<vmem>>) target(%dma_start3A_701 : memref<8192x16xf32, #tpu.memory_space<vmem_shared>>) offsets(%dma_start3A_698 : memref<128xi32, #tpu.memory_space<vmem>>) semaphore(%arg13 : memref<!tpu.dma_semaphore, #tpu.memory_space<semaphore_mem>>) {add = true}
      %dma_wait3A_702 = arith.constant 0 : i32
      %dma_wait3A_703 = arith.constant 10 : i32
      %dma_wait3A_704 = arith.constant 2 : i32
      %dma_wait3A_705 = arith.constant 0 : i32
      %dma_wait3A_706 = arith.constant 0 : i32
      %dma_wait3A_707 = tpu.memref_slice %arg10[%dma_wait3A_704, %dma_wait3A_705, %dma_wait3A_706] : memref<8x128x16xf32, #tpu.memory_space<vmem>> -> memref<1x128x16xf32, #tpu.memory_space<vmem>>
      %dma_wait3A_708 = tpu.memref_squeeze %dma_wait3A_707 : memref<1x128x16xf32, #tpu.memory_space<vmem>> -> memref<128x16xf32, #tpu.memory_space<vmem>>
      %dma_wait3A_709 = arith.constant 0 : i32
      %dma_wait3A_710 = tpu.memref_slice %arg8[%dma_wait3A_702, %dma_wait3A_703, %dma_wait3A_709] : memref<2x16x128xi32, #tpu.memory_space<vmem>> -> memref<1x1x128xi32, #tpu.memory_space<vmem>>
      %dma_wait3A_711 = tpu.memref_squeeze %dma_wait3A_710 : memref<1x1x128xi32, #tpu.memory_space<vmem>> -> memref<128xi32, #tpu.memory_space<vmem>>
      %dma_wait3A_712 = arith.constant 0 : i32
      %dma_wait3A_713 = arith.constant 0 : i32
      %dma_wait3A_714 = tpu.memref_slice %arg2[%dma_wait3A_712, %dma_wait3A_713] : memref<100000x16xf32, #tpu.memory_space<hbm>> -> memref<100000x16xf32, #tpu.memory_space<hbm>>
      tpu.wait_indirect_dma semaphore(%arg12 : memref<!tpu.dma_semaphore, #tpu.memory_space<semaphore_mem>>) src(%dma_wait3A_714 : memref<100000x16xf32, #tpu.memory_space<hbm>>) dst(%dma_wait3A_708 : memref<128x16xf32, #tpu.memory_space<vmem>>)
      %dma_wait3A_715 = arith.constant 1 : i32
      %dma_wait3A_716 = arith.constant 0 : i32
      %dma_wait3A_717 = arith.constant 9 : i32
      %dma_wait3A_718 = arith.constant 0 : i32
      %dma_wait3A_719 = arith.constant 0 : i32
      %dma_wait3A_720 = tpu.memref_slice %arg10[%dma_wait3A_715, %dma_wait3A_718, %dma_wait3A_719] : memref<8x128x16xf32, #tpu.memory_space<vmem>> -> memref<1x128x16xf32, #tpu.memory_space<vmem>>
      %dma_wait3A_721 = tpu.memref_squeeze %dma_wait3A_720 : memref<1x128x16xf32, #tpu.memory_space<vmem>> -> memref<128x16xf32, #tpu.memory_space<vmem>>
      %dma_wait3A_722 = arith.constant 0 : i32
      %dma_wait3A_723 = tpu.memref_slice %arg9[%dma_wait3A_716, %dma_wait3A_717, %dma_wait3A_722] : memref<2x16x128xi32, #tpu.memory_space<vmem>> -> memref<1x1x128xi32, #tpu.memory_space<vmem>>
      %dma_wait3A_724 = tpu.memref_squeeze %dma_wait3A_723 : memref<1x1x128xi32, #tpu.memory_space<vmem>> -> memref<128xi32, #tpu.memory_space<vmem>>
      %dma_wait3A_725 = arith.constant 0 : i32
      %dma_wait3A_726 = arith.constant 0 : i32
      %dma_wait3A_727 = tpu.memref_slice %arg7[%dma_wait3A_725, %dma_wait3A_726] : memref<8192x16xf32, #tpu.memory_space<vmem_shared>> -> memref<8192x16xf32, #tpu.memory_space<vmem_shared>>
      tpu.wait_indirect_dma semaphore(%arg13 : memref<!tpu.dma_semaphore, #tpu.memory_space<semaphore_mem>>) src(%dma_wait3A_721 : memref<128x16xf32, #tpu.memory_space<vmem>>) dst(%dma_wait3A_727 : memref<8192x16xf32, #tpu.memory_space<vmem_shared>>)
      %dma_start3A_728 = arith.constant 0 : i32
      %dma_start3A_729 = arith.constant 14 : i32
      %dma_start3A_730 = arith.constant 6 : i32
      %dma_start3A_731 = arith.constant 0 : i32
      %dma_start3A_732 = arith.constant 0 : i32
      %dma_start3A_733 = tpu.memref_slice %arg10[%dma_start3A_730, %dma_start3A_731, %dma_start3A_732] : memref<8x128x16xf32, #tpu.memory_space<vmem>> -> memref<1x128x16xf32, #tpu.memory_space<vmem>>
      %dma_start3A_734 = tpu.memref_squeeze %dma_start3A_733 : memref<1x128x16xf32, #tpu.memory_space<vmem>> -> memref<128x16xf32, #tpu.memory_space<vmem>>
      %dma_start3A_735 = arith.constant 0 : i32
      %dma_start3A_736 = tpu.memref_slice %arg8[%dma_start3A_728, %dma_start3A_729, %dma_start3A_735] : memref<2x16x128xi32, #tpu.memory_space<vmem>> -> memref<1x1x128xi32, #tpu.memory_space<vmem>>
      %dma_start3A_737 = tpu.memref_squeeze %dma_start3A_736 : memref<1x1x128xi32, #tpu.memory_space<vmem>> -> memref<128xi32, #tpu.memory_space<vmem>>
      %dma_start3A_738 = arith.constant 0 : i32
      %dma_start3A_739 = arith.constant 0 : i32
      %dma_start3A_740 = tpu.memref_slice %arg2[%dma_start3A_738, %dma_start3A_739] : memref<100000x16xf32, #tpu.memory_space<hbm>> -> memref<100000x16xf32, #tpu.memory_space<hbm>>
      tpu.enqueue_indirect_dma source(%dma_start3A_740 : memref<100000x16xf32, #tpu.memory_space<hbm>>) target(%dma_start3A_734 : memref<128x16xf32, #tpu.memory_space<vmem>>) offsets(%dma_start3A_737 : memref<128xi32, #tpu.memory_space<vmem>>) semaphore(%arg12 : memref<!tpu.dma_semaphore, #tpu.memory_space<semaphore_mem>>)
      %dma_start3A_741 = arith.constant 2 : i32
      %dma_start3A_742 = arith.constant 0 : i32
      %dma_start3A_743 = arith.constant 10 : i32
      %dma_start3A_744 = arith.constant 0 : i32
      %dma_start3A_745 = arith.constant 0 : i32
      %dma_start3A_746 = tpu.memref_slice %arg10[%dma_start3A_741, %dma_start3A_744, %dma_start3A_745] : memref<8x128x16xf32, #tpu.memory_space<vmem>> -> memref<1x128x16xf32, #tpu.memory_space<vmem>>
      %dma_start3A_747 = tpu.memref_squeeze %dma_start3A_746 : memref<1x128x16xf32, #tpu.memory_space<vmem>> -> memref<128x16xf32, #tpu.memory_space<vmem>>
      %dma_start3A_748 = arith.constant 0 : i32
      %dma_start3A_749 = tpu.memref_slice %arg9[%dma_start3A_742, %dma_start3A_743, %dma_start3A_748] : memref<2x16x128xi32, #tpu.memory_space<vmem>> -> memref<1x1x128xi32, #tpu.memory_space<vmem>>
      %dma_start3A_750 = tpu.memref_squeeze %dma_start3A_749 : memref<1x1x128xi32, #tpu.memory_space<vmem>> -> memref<128xi32, #tpu.memory_space<vmem>>
      %dma_start3A_751 = arith.constant 0 : i32
      %dma_start3A_752 = arith.constant 0 : i32
      %dma_start3A_753 = tpu.memref_slice %arg7[%dma_start3A_751, %dma_start3A_752] : memref<8192x16xf32, #tpu.memory_space<vmem_shared>> -> memref<8192x16xf32, #tpu.memory_space<vmem_shared>>
      tpu.enqueue_indirect_dma source(%dma_start3A_747 : memref<128x16xf32, #tpu.memory_space<vmem>>) target(%dma_start3A_753 : memref<8192x16xf32, #tpu.memory_space<vmem_shared>>) offsets(%dma_start3A_750 : memref<128xi32, #tpu.memory_space<vmem>>) semaphore(%arg13 : memref<!tpu.dma_semaphore, #tpu.memory_space<semaphore_mem>>) {add = true}
      %dma_wait3A_754 = arith.constant 0 : i32
      %dma_wait3A_755 = arith.constant 11 : i32
      %dma_wait3A_756 = arith.constant 3 : i32
      %dma_wait3A_757 = arith.constant 0 : i32
      %dma_wait3A_758 = arith.constant 0 : i32
      %dma_wait3A_759 = tpu.memref_slice %arg10[%dma_wait3A_756, %dma_wait3A_757, %dma_wait3A_758] : memref<8x128x16xf32, #tpu.memory_space<vmem>> -> memref<1x128x16xf32, #tpu.memory_space<vmem>>
      %dma_wait3A_760 = tpu.memref_squeeze %dma_wait3A_759 : memref<1x128x16xf32, #tpu.memory_space<vmem>> -> memref<128x16xf32, #tpu.memory_space<vmem>>
      %dma_wait3A_761 = arith.constant 0 : i32
      %dma_wait3A_762 = tpu.memref_slice %arg8[%dma_wait3A_754, %dma_wait3A_755, %dma_wait3A_761] : memref<2x16x128xi32, #tpu.memory_space<vmem>> -> memref<1x1x128xi32, #tpu.memory_space<vmem>>
      %dma_wait3A_763 = tpu.memref_squeeze %dma_wait3A_762 : memref<1x1x128xi32, #tpu.memory_space<vmem>> -> memref<128xi32, #tpu.memory_space<vmem>>
      %dma_wait3A_764 = arith.constant 0 : i32
      %dma_wait3A_765 = arith.constant 0 : i32
      %dma_wait3A_766 = tpu.memref_slice %arg2[%dma_wait3A_764, %dma_wait3A_765] : memref<100000x16xf32, #tpu.memory_space<hbm>> -> memref<100000x16xf32, #tpu.memory_space<hbm>>
      tpu.wait_indirect_dma semaphore(%arg12 : memref<!tpu.dma_semaphore, #tpu.memory_space<semaphore_mem>>) src(%dma_wait3A_766 : memref<100000x16xf32, #tpu.memory_space<hbm>>) dst(%dma_wait3A_760 : memref<128x16xf32, #tpu.memory_space<vmem>>)
      %dma_wait3A_767 = arith.constant 2 : i32
      %dma_wait3A_768 = arith.constant 0 : i32
      %dma_wait3A_769 = arith.constant 10 : i32
      %dma_wait3A_770 = arith.constant 0 : i32
      %dma_wait3A_771 = arith.constant 0 : i32
      %dma_wait3A_772 = tpu.memref_slice %arg10[%dma_wait3A_767, %dma_wait3A_770, %dma_wait3A_771] : memref<8x128x16xf32, #tpu.memory_space<vmem>> -> memref<1x128x16xf32, #tpu.memory_space<vmem>>
      %dma_wait3A_773 = tpu.memref_squeeze %dma_wait3A_772 : memref<1x128x16xf32, #tpu.memory_space<vmem>> -> memref<128x16xf32, #tpu.memory_space<vmem>>
      %dma_wait3A_774 = arith.constant 0 : i32
      %dma_wait3A_775 = tpu.memref_slice %arg9[%dma_wait3A_768, %dma_wait3A_769, %dma_wait3A_774] : memref<2x16x128xi32, #tpu.memory_space<vmem>> -> memref<1x1x128xi32, #tpu.memory_space<vmem>>
      %dma_wait3A_776 = tpu.memref_squeeze %dma_wait3A_775 : memref<1x1x128xi32, #tpu.memory_space<vmem>> -> memref<128xi32, #tpu.memory_space<vmem>>
      %dma_wait3A_777 = arith.constant 0 : i32
      %dma_wait3A_778 = arith.constant 0 : i32
      %dma_wait3A_779 = tpu.memref_slice %arg7[%dma_wait3A_777, %dma_wait3A_778] : memref<8192x16xf32, #tpu.memory_space<vmem_shared>> -> memref<8192x16xf32, #tpu.memory_space<vmem_shared>>
      tpu.wait_indirect_dma semaphore(%arg13 : memref<!tpu.dma_semaphore, #tpu.memory_space<semaphore_mem>>) src(%dma_wait3A_773 : memref<128x16xf32, #tpu.memory_space<vmem>>) dst(%dma_wait3A_779 : memref<8192x16xf32, #tpu.memory_space<vmem_shared>>)
      %dma_start3A_780 = arith.constant 0 : i32
      %dma_start3A_781 = arith.constant 15 : i32
      %dma_start3A_782 = arith.constant 7 : i32
      %dma_start3A_783 = arith.constant 0 : i32
      %dma_start3A_784 = arith.constant 0 : i32
      %dma_start3A_785 = tpu.memref_slice %arg10[%dma_start3A_782, %dma_start3A_783, %dma_start3A_784] : memref<8x128x16xf32, #tpu.memory_space<vmem>> -> memref<1x128x16xf32, #tpu.memory_space<vmem>>
      %dma_start3A_786 = tpu.memref_squeeze %dma_start3A_785 : memref<1x128x16xf32, #tpu.memory_space<vmem>> -> memref<128x16xf32, #tpu.memory_space<vmem>>
      %dma_start3A_787 = arith.constant 0 : i32
      %dma_start3A_788 = tpu.memref_slice %arg8[%dma_start3A_780, %dma_start3A_781, %dma_start3A_787] : memref<2x16x128xi32, #tpu.memory_space<vmem>> -> memref<1x1x128xi32, #tpu.memory_space<vmem>>
      %dma_start3A_789 = tpu.memref_squeeze %dma_start3A_788 : memref<1x1x128xi32, #tpu.memory_space<vmem>> -> memref<128xi32, #tpu.memory_space<vmem>>
      %dma_start3A_790 = arith.constant 0 : i32
      %dma_start3A_791 = arith.constant 0 : i32
      %dma_start3A_792 = tpu.memref_slice %arg2[%dma_start3A_790, %dma_start3A_791] : memref<100000x16xf32, #tpu.memory_space<hbm>> -> memref<100000x16xf32, #tpu.memory_space<hbm>>
      tpu.enqueue_indirect_dma source(%dma_start3A_792 : memref<100000x16xf32, #tpu.memory_space<hbm>>) target(%dma_start3A_786 : memref<128x16xf32, #tpu.memory_space<vmem>>) offsets(%dma_start3A_789 : memref<128xi32, #tpu.memory_space<vmem>>) semaphore(%arg12 : memref<!tpu.dma_semaphore, #tpu.memory_space<semaphore_mem>>)
      %dma_start3A_793 = arith.constant 3 : i32
      %dma_start3A_794 = arith.constant 0 : i32
      %dma_start3A_795 = arith.constant 11 : i32
      %dma_start3A_796 = arith.constant 0 : i32
      %dma_start3A_797 = arith.constant 0 : i32
      %dma_start3A_798 = tpu.memref_slice %arg10[%dma_start3A_793, %dma_start3A_796, %dma_start3A_797] : memref<8x128x16xf32, #tpu.memory_space<vmem>> -> memref<1x128x16xf32, #tpu.memory_space<vmem>>
      %dma_start3A_799 = tpu.memref_squeeze %dma_start3A_798 : memref<1x128x16xf32, #tpu.memory_space<vmem>> -> memref<128x16xf32, #tpu.memory_space<vmem>>
      %dma_start3A_800 = arith.constant 0 : i32
      %dma_start3A_801 = tpu.memref_slice %arg9[%dma_start3A_794, %dma_start3A_795, %dma_start3A_800] : memref<2x16x128xi32, #tpu.memory_space<vmem>> -> memref<1x1x128xi32, #tpu.memory_space<vmem>>
      %dma_start3A_802 = tpu.memref_squeeze %dma_start3A_801 : memref<1x1x128xi32, #tpu.memory_space<vmem>> -> memref<128xi32, #tpu.memory_space<vmem>>
      %dma_start3A_803 = arith.constant 0 : i32
      %dma_start3A_804 = arith.constant 0 : i32
      %dma_start3A_805 = tpu.memref_slice %arg7[%dma_start3A_803, %dma_start3A_804] : memref<8192x16xf32, #tpu.memory_space<vmem_shared>> -> memref<8192x16xf32, #tpu.memory_space<vmem_shared>>
      tpu.enqueue_indirect_dma source(%dma_start3A_799 : memref<128x16xf32, #tpu.memory_space<vmem>>) target(%dma_start3A_805 : memref<8192x16xf32, #tpu.memory_space<vmem_shared>>) offsets(%dma_start3A_802 : memref<128xi32, #tpu.memory_space<vmem>>) semaphore(%arg13 : memref<!tpu.dma_semaphore, #tpu.memory_space<semaphore_mem>>) {add = true}
      %dma_wait3A_806 = arith.constant 0 : i32
      %dma_wait3A_807 = arith.constant 12 : i32
      %dma_wait3A_808 = arith.constant 4 : i32
      %dma_wait3A_809 = arith.constant 0 : i32
      %dma_wait3A_810 = arith.constant 0 : i32
      %dma_wait3A_811 = tpu.memref_slice %arg10[%dma_wait3A_808, %dma_wait3A_809, %dma_wait3A_810] : memref<8x128x16xf32, #tpu.memory_space<vmem>> -> memref<1x128x16xf32, #tpu.memory_space<vmem>>
      %dma_wait3A_812 = tpu.memref_squeeze %dma_wait3A_811 : memref<1x128x16xf32, #tpu.memory_space<vmem>> -> memref<128x16xf32, #tpu.memory_space<vmem>>
      %dma_wait3A_813 = arith.constant 0 : i32
      %dma_wait3A_814 = tpu.memref_slice %arg8[%dma_wait3A_806, %dma_wait3A_807, %dma_wait3A_813] : memref<2x16x128xi32, #tpu.memory_space<vmem>> -> memref<1x1x128xi32, #tpu.memory_space<vmem>>
      %dma_wait3A_815 = tpu.memref_squeeze %dma_wait3A_814 : memref<1x1x128xi32, #tpu.memory_space<vmem>> -> memref<128xi32, #tpu.memory_space<vmem>>
      %dma_wait3A_816 = arith.constant 0 : i32
      %dma_wait3A_817 = arith.constant 0 : i32
      %dma_wait3A_818 = tpu.memref_slice %arg2[%dma_wait3A_816, %dma_wait3A_817] : memref<100000x16xf32, #tpu.memory_space<hbm>> -> memref<100000x16xf32, #tpu.memory_space<hbm>>
      tpu.wait_indirect_dma semaphore(%arg12 : memref<!tpu.dma_semaphore, #tpu.memory_space<semaphore_mem>>) src(%dma_wait3A_818 : memref<100000x16xf32, #tpu.memory_space<hbm>>) dst(%dma_wait3A_812 : memref<128x16xf32, #tpu.memory_space<vmem>>)
      %dma_wait3A_819 = arith.constant 3 : i32
      %dma_wait3A_820 = arith.constant 0 : i32
      %dma_wait3A_821 = arith.constant 11 : i32
      %dma_wait3A_822 = arith.constant 0 : i32
      %dma_wait3A_823 = arith.constant 0 : i32
      %dma_wait3A_824 = tpu.memref_slice %arg10[%dma_wait3A_819, %dma_wait3A_822, %dma_wait3A_823] : memref<8x128x16xf32, #tpu.memory_space<vmem>> -> memref<1x128x16xf32, #tpu.memory_space<vmem>>
      %dma_wait3A_825 = tpu.memref_squeeze %dma_wait3A_824 : memref<1x128x16xf32, #tpu.memory_space<vmem>> -> memref<128x16xf32, #tpu.memory_space<vmem>>
      %dma_wait3A_826 = arith.constant 0 : i32
      %dma_wait3A_827 = tpu.memref_slice %arg9[%dma_wait3A_820, %dma_wait3A_821, %dma_wait3A_826] : memref<2x16x128xi32, #tpu.memory_space<vmem>> -> memref<1x1x128xi32, #tpu.memory_space<vmem>>
      %dma_wait3A_828 = tpu.memref_squeeze %dma_wait3A_827 : memref<1x1x128xi32, #tpu.memory_space<vmem>> -> memref<128xi32, #tpu.memory_space<vmem>>
      %dma_wait3A_829 = arith.constant 0 : i32
      %dma_wait3A_830 = arith.constant 0 : i32
      %dma_wait3A_831 = tpu.memref_slice %arg7[%dma_wait3A_829, %dma_wait3A_830] : memref<8192x16xf32, #tpu.memory_space<vmem_shared>> -> memref<8192x16xf32, #tpu.memory_space<vmem_shared>>
      tpu.wait_indirect_dma semaphore(%arg13 : memref<!tpu.dma_semaphore, #tpu.memory_space<semaphore_mem>>) src(%dma_wait3A_825 : memref<128x16xf32, #tpu.memory_space<vmem>>) dst(%dma_wait3A_831 : memref<8192x16xf32, #tpu.memory_space<vmem_shared>>)
      %lt3A = arith.constant 49 : i32
      %lt3A_832 = arith.cmpi slt, %add3A_187, %lt3A : i32
      %convert_element_type3A_833 = arith.extui %lt3A_832 : i1 to i32
      %cond3A_834 = arith.constant 0 : i32
      %cond3A_835 = arith.cmpi ne, %convert_element_type3A_833, %cond3A_834 : i32
      scf.if %cond3A_835 {
        %add3A_1800 = arith.constant 1 : i32
        %add3A_1801 = arith.addi %add3A_187, %add3A_1800 : i32
        %mul3A_1802 = arith.constant 16 : i32
        %mul3A_1803 = arith.muli %add3A_1801, %mul3A_1802 : i32
        %dma_wait3A_1804 = arith.constant 1 : i32
        %dma_wait3A_1805 = arith.constant 0 : i32
        %dma_wait3A_1806 = arith.constant 0 : i32
        %dma_wait3A_1807 = tpu.memref_slice %arg8[%dma_wait3A_1804, %dma_wait3A_1805, %dma_wait3A_1806] : memref<2x16x128xi32, #tpu.memory_space<vmem>> -> memref<1x16x128xi32, #tpu.memory_space<vmem>>
        %dma_wait3A_1808 = tpu.memref_squeeze %dma_wait3A_1807 : memref<1x16x128xi32, #tpu.memory_space<vmem>> -> memref<16x128xi32, #tpu.memory_space<vmem>>
        %dma_wait3A_1809 = arith.constant 0 : i32
        %dma_wait3A_1810 = tpu.memref_slice %arg3[%add3A, %mul3A_1803, %dma_wait3A_1809] : memref<32x800x128xi32, #tpu.memory_space<hbm>> -> memref<1x16x128xi32, #tpu.memory_space<hbm>>
        %dma_wait3A_1811 = tpu.memref_squeeze %dma_wait3A_1810 : memref<1x16x128xi32, #tpu.memory_space<hbm>> -> memref<16x128xi32, #tpu.memory_space<hbm>>
        %dma_wait3A_1812 = arith.constant 0 : i32
        %dma_wait3A_1813 = arith.constant 0 : i32
        %dma_wait3A_1814 = tpu.memref_slice %arg8[%dma_wait3A_1804, %dma_wait3A_1812, %dma_wait3A_1813] : memref<2x16x128xi32, #tpu.memory_space<vmem>> -> memref<1x16x128xi32, #tpu.memory_space<vmem>>
        %dma_wait3A_1815 = tpu.memref_squeeze %dma_wait3A_1814 : memref<1x16x128xi32, #tpu.memory_space<vmem>> -> memref<16x128xi32, #tpu.memory_space<vmem>>
        %dma_wait3A_1816 = arith.constant 0 : i32
        %dma_wait3A_1817 = tpu.memref_slice %arg3[%add3A, %mul3A_1803, %dma_wait3A_1816] : memref<32x800x128xi32, #tpu.memory_space<hbm>> -> memref<1x16x128xi32, #tpu.memory_space<hbm>>
        %dma_wait3A_1818 = tpu.memref_squeeze %dma_wait3A_1817 : memref<1x16x128xi32, #tpu.memory_space<hbm>> -> memref<16x128xi32, #tpu.memory_space<hbm>>
        tpu.wait_dma2 semaphore(%arg11 : memref<!tpu.dma_semaphore, #tpu.memory_space<semaphore_mem>>) src(%dma_wait3A_1818 : memref<16x128xi32, #tpu.memory_space<hbm>>) dst(%dma_wait3A_1815 : memref<16x128xi32, #tpu.memory_space<vmem>>)
        %mul3A_1819 = arith.constant 16 : i32
        %mul3A_1820 = arith.muli %add3A_1801, %mul3A_1819 : i32
        %dma_wait3A_1821 = arith.constant 1 : i32
        %dma_wait3A_1822 = arith.constant 0 : i32
        %dma_wait3A_1823 = arith.constant 0 : i32
        %dma_wait3A_1824 = tpu.memref_slice %arg9[%dma_wait3A_1821, %dma_wait3A_1822, %dma_wait3A_1823] : memref<2x16x128xi32, #tpu.memory_space<vmem>> -> memref<1x16x128xi32, #tpu.memory_space<vmem>>
        %dma_wait3A_1825 = tpu.memref_squeeze %dma_wait3A_1824 : memref<1x16x128xi32, #tpu.memory_space<vmem>> -> memref<16x128xi32, #tpu.memory_space<vmem>>
        %dma_wait3A_1826 = arith.constant 0 : i32
        %dma_wait3A_1827 = tpu.memref_slice %arg4[%arg1, %mul3A_1820, %dma_wait3A_1826] : memref<16x800x128xi32, #tpu.memory_space<hbm>> -> memref<1x16x128xi32, #tpu.memory_space<hbm>>
        %dma_wait3A_1828 = tpu.memref_squeeze %dma_wait3A_1827 : memref<1x16x128xi32, #tpu.memory_space<hbm>> -> memref<16x128xi32, #tpu.memory_space<hbm>>
        %dma_wait3A_1829 = arith.constant 0 : i32
        %dma_wait3A_1830 = arith.constant 0 : i32
        %dma_wait3A_1831 = tpu.memref_slice %arg9[%dma_wait3A_1821, %dma_wait3A_1829, %dma_wait3A_1830] : memref<2x16x128xi32, #tpu.memory_space<vmem>> -> memref<1x16x128xi32, #tpu.memory_space<vmem>>
        %dma_wait3A_1832 = tpu.memref_squeeze %dma_wait3A_1831 : memref<1x16x128xi32, #tpu.memory_space<vmem>> -> memref<16x128xi32, #tpu.memory_space<vmem>>
        %dma_wait3A_1833 = arith.constant 0 : i32
        %dma_wait3A_1834 = tpu.memref_slice %arg4[%arg1, %mul3A_1820, %dma_wait3A_1833] : memref<16x800x128xi32, #tpu.memory_space<hbm>> -> memref<1x16x128xi32, #tpu.memory_space<hbm>>
        %dma_wait3A_1835 = tpu.memref_squeeze %dma_wait3A_1834 : memref<1x16x128xi32, #tpu.memory_space<hbm>> -> memref<16x128xi32, #tpu.memory_space<hbm>>
        tpu.wait_dma2 semaphore(%arg11 : memref<!tpu.dma_semaphore, #tpu.memory_space<semaphore_mem>>) src(%dma_wait3A_1835 : memref<16x128xi32, #tpu.memory_space<hbm>>) dst(%dma_wait3A_1832 : memref<16x128xi32, #tpu.memory_space<vmem>>)
      } else {
      }
      %lt3A_836 = arith.constant 49 : i32
      %lt3A_837 = arith.cmpi slt, %add3A_187, %lt3A_836 : i32
      %convert_element_type3A_838 = arith.extui %lt3A_837 : i1 to i32
      %cond3A_839 = arith.constant 0 : i32
      %cond3A_840 = arith.cmpi ne, %convert_element_type3A_838, %cond3A_839 : i32
      scf.if %cond3A_840 {
        %dma_start3A_1800 = arith.constant 1 : i32
        %dma_start3A_1801 = arith.constant 0 : i32
        %dma_start3A_1802 = arith.constant 0 : i32
        %dma_start3A_1803 = arith.constant 0 : i32
        %dma_start3A_1804 = arith.constant 0 : i32
        %dma_start3A_1805 = tpu.memref_slice %arg10[%dma_start3A_1802, %dma_start3A_1803, %dma_start3A_1804] : memref<8x128x16xf32, #tpu.memory_space<vmem>> -> memref<1x128x16xf32, #tpu.memory_space<vmem>>
        %dma_start3A_1806 = tpu.memref_squeeze %dma_start3A_1805 : memref<1x128x16xf32, #tpu.memory_space<vmem>> -> memref<128x16xf32, #tpu.memory_space<vmem>>
        %dma_start3A_1807 = arith.constant 0 : i32
        %dma_start3A_1808 = tpu.memref_slice %arg8[%dma_start3A_1800, %dma_start3A_1801, %dma_start3A_1807] : memref<2x16x128xi32, #tpu.memory_space<vmem>> -> memref<1x1x128xi32, #tpu.memory_space<vmem>>
        %dma_start3A_1809 = tpu.memref_squeeze %dma_start3A_1808 : memref<1x1x128xi32, #tpu.memory_space<vmem>> -> memref<128xi32, #tpu.memory_space<vmem>>
        %dma_start3A_1810 = arith.constant 0 : i32
        %dma_start3A_1811 = arith.constant 0 : i32
        %dma_start3A_1812 = tpu.memref_slice %arg2[%dma_start3A_1810, %dma_start3A_1811] : memref<100000x16xf32, #tpu.memory_space<hbm>> -> memref<100000x16xf32, #tpu.memory_space<hbm>>
        tpu.enqueue_indirect_dma source(%dma_start3A_1812 : memref<100000x16xf32, #tpu.memory_space<hbm>>) target(%dma_start3A_1806 : memref<128x16xf32, #tpu.memory_space<vmem>>) offsets(%dma_start3A_1809 : memref<128xi32, #tpu.memory_space<vmem>>) semaphore(%arg12 : memref<!tpu.dma_semaphore, #tpu.memory_space<semaphore_mem>>)
      } else {
      }
      %dma_start3A_841 = arith.constant 4 : i32
      %dma_start3A_842 = arith.constant 0 : i32
      %dma_start3A_843 = arith.constant 12 : i32
      %dma_start3A_844 = arith.constant 0 : i32
      %dma_start3A_845 = arith.constant 0 : i32
      %dma_start3A_846 = tpu.memref_slice %arg10[%dma_start3A_841, %dma_start3A_844, %dma_start3A_845] : memref<8x128x16xf32, #tpu.memory_space<vmem>> -> memref<1x128x16xf32, #tpu.memory_space<vmem>>
      %dma_start3A_847 = tpu.memref_squeeze %dma_start3A_846 : memref<1x128x16xf32, #tpu.memory_space<vmem>> -> memref<128x16xf32, #tpu.memory_space<vmem>>
      %dma_start3A_848 = arith.constant 0 : i32
      %dma_start3A_849 = tpu.memref_slice %arg9[%dma_start3A_842, %dma_start3A_843, %dma_start3A_848] : memref<2x16x128xi32, #tpu.memory_space<vmem>> -> memref<1x1x128xi32, #tpu.memory_space<vmem>>
      %dma_start3A_850 = tpu.memref_squeeze %dma_start3A_849 : memref<1x1x128xi32, #tpu.memory_space<vmem>> -> memref<128xi32, #tpu.memory_space<vmem>>
      %dma_start3A_851 = arith.constant 0 : i32
      %dma_start3A_852 = arith.constant 0 : i32
      %dma_start3A_853 = tpu.memref_slice %arg7[%dma_start3A_851, %dma_start3A_852] : memref<8192x16xf32, #tpu.memory_space<vmem_shared>> -> memref<8192x16xf32, #tpu.memory_space<vmem_shared>>
      tpu.enqueue_indirect_dma source(%dma_start3A_847 : memref<128x16xf32, #tpu.memory_space<vmem>>) target(%dma_start3A_853 : memref<8192x16xf32, #tpu.memory_space<vmem_shared>>) offsets(%dma_start3A_850 : memref<128xi32, #tpu.memory_space<vmem>>) semaphore(%arg13 : memref<!tpu.dma_semaphore, #tpu.memory_space<semaphore_mem>>) {add = true}
      %dma_wait3A_854 = arith.constant 0 : i32
      %dma_wait3A_855 = arith.constant 13 : i32
      %dma_wait3A_856 = arith.constant 5 : i32
      %dma_wait3A_857 = arith.constant 0 : i32
      %dma_wait3A_858 = arith.constant 0 : i32
      %dma_wait3A_859 = tpu.memref_slice %arg10[%dma_wait3A_856, %dma_wait3A_857, %dma_wait3A_858] : memref<8x128x16xf32, #tpu.memory_space<vmem>> -> memref<1x128x16xf32, #tpu.memory_space<vmem>>
      %dma_wait3A_860 = tpu.memref_squeeze %dma_wait3A_859 : memref<1x128x16xf32, #tpu.memory_space<vmem>> -> memref<128x16xf32, #tpu.memory_space<vmem>>
      %dma_wait3A_861 = arith.constant 0 : i32
      %dma_wait3A_862 = tpu.memref_slice %arg8[%dma_wait3A_854, %dma_wait3A_855, %dma_wait3A_861] : memref<2x16x128xi32, #tpu.memory_space<vmem>> -> memref<1x1x128xi32, #tpu.memory_space<vmem>>
      %dma_wait3A_863 = tpu.memref_squeeze %dma_wait3A_862 : memref<1x1x128xi32, #tpu.memory_space<vmem>> -> memref<128xi32, #tpu.memory_space<vmem>>
      %dma_wait3A_864 = arith.constant 0 : i32
      %dma_wait3A_865 = arith.constant 0 : i32
      %dma_wait3A_866 = tpu.memref_slice %arg2[%dma_wait3A_864, %dma_wait3A_865] : memref<100000x16xf32, #tpu.memory_space<hbm>> -> memref<100000x16xf32, #tpu.memory_space<hbm>>
      tpu.wait_indirect_dma semaphore(%arg12 : memref<!tpu.dma_semaphore, #tpu.memory_space<semaphore_mem>>) src(%dma_wait3A_866 : memref<100000x16xf32, #tpu.memory_space<hbm>>) dst(%dma_wait3A_860 : memref<128x16xf32, #tpu.memory_space<vmem>>)
      %dma_wait3A_867 = arith.constant 4 : i32
      %dma_wait3A_868 = arith.constant 0 : i32
      %dma_wait3A_869 = arith.constant 12 : i32
      %dma_wait3A_870 = arith.constant 0 : i32
      %dma_wait3A_871 = arith.constant 0 : i32
      %dma_wait3A_872 = tpu.memref_slice %arg10[%dma_wait3A_867, %dma_wait3A_870, %dma_wait3A_871] : memref<8x128x16xf32, #tpu.memory_space<vmem>> -> memref<1x128x16xf32, #tpu.memory_space<vmem>>
      %dma_wait3A_873 = tpu.memref_squeeze %dma_wait3A_872 : memref<1x128x16xf32, #tpu.memory_space<vmem>> -> memref<128x16xf32, #tpu.memory_space<vmem>>
      %dma_wait3A_874 = arith.constant 0 : i32
      %dma_wait3A_875 = tpu.memref_slice %arg9[%dma_wait3A_868, %dma_wait3A_869, %dma_wait3A_874] : memref<2x16x128xi32, #tpu.memory_space<vmem>> -> memref<1x1x128xi32, #tpu.memory_space<vmem>>
      %dma_wait3A_876 = tpu.memref_squeeze %dma_wait3A_875 : memref<1x1x128xi32, #tpu.memory_space<vmem>> -> memref<128xi32, #tpu.memory_space<vmem>>
      %dma_wait3A_877 = arith.constant 0 : i32
      %dma_wait3A_878 = arith.constant 0 : i32
      %dma_wait3A_879 = tpu.memref_slice %arg7[%dma_wait3A_877, %dma_wait3A_878] : memref<8192x16xf32, #tpu.memory_space<vmem_shared>> -> memref<8192x16xf32, #tpu.memory_space<vmem_shared>>
      tpu.wait_indirect_dma semaphore(%arg13 : memref<!tpu.dma_semaphore, #tpu.memory_space<semaphore_mem>>) src(%dma_wait3A_873 : memref<128x16xf32, #tpu.memory_space<vmem>>) dst(%dma_wait3A_879 : memref<8192x16xf32, #tpu.memory_space<vmem_shared>>)
      %lt3A_880 = arith.constant 49 : i32
      %lt3A_881 = arith.cmpi slt, %add3A_187, %lt3A_880 : i32
      %convert_element_type3A_882 = arith.extui %lt3A_881 : i1 to i32
      %cond3A_883 = arith.constant 0 : i32
      %cond3A_884 = arith.cmpi ne, %convert_element_type3A_882, %cond3A_883 : i32
      scf.if %cond3A_884 {
        %dma_start3A_1800 = arith.constant 1 : i32
        %dma_start3A_1801 = arith.constant 1 : i32
        %dma_start3A_1802 = arith.constant 1 : i32
        %dma_start3A_1803 = arith.constant 0 : i32
        %dma_start3A_1804 = arith.constant 0 : i32
        %dma_start3A_1805 = tpu.memref_slice %arg10[%dma_start3A_1802, %dma_start3A_1803, %dma_start3A_1804] : memref<8x128x16xf32, #tpu.memory_space<vmem>> -> memref<1x128x16xf32, #tpu.memory_space<vmem>>
        %dma_start3A_1806 = tpu.memref_squeeze %dma_start3A_1805 : memref<1x128x16xf32, #tpu.memory_space<vmem>> -> memref<128x16xf32, #tpu.memory_space<vmem>>
        %dma_start3A_1807 = arith.constant 0 : i32
        %dma_start3A_1808 = tpu.memref_slice %arg8[%dma_start3A_1800, %dma_start3A_1801, %dma_start3A_1807] : memref<2x16x128xi32, #tpu.memory_space<vmem>> -> memref<1x1x128xi32, #tpu.memory_space<vmem>>
        %dma_start3A_1809 = tpu.memref_squeeze %dma_start3A_1808 : memref<1x1x128xi32, #tpu.memory_space<vmem>> -> memref<128xi32, #tpu.memory_space<vmem>>
        %dma_start3A_1810 = arith.constant 0 : i32
        %dma_start3A_1811 = arith.constant 0 : i32
        %dma_start3A_1812 = tpu.memref_slice %arg2[%dma_start3A_1810, %dma_start3A_1811] : memref<100000x16xf32, #tpu.memory_space<hbm>> -> memref<100000x16xf32, #tpu.memory_space<hbm>>
        tpu.enqueue_indirect_dma source(%dma_start3A_1812 : memref<100000x16xf32, #tpu.memory_space<hbm>>) target(%dma_start3A_1806 : memref<128x16xf32, #tpu.memory_space<vmem>>) offsets(%dma_start3A_1809 : memref<128xi32, #tpu.memory_space<vmem>>) semaphore(%arg12 : memref<!tpu.dma_semaphore, #tpu.memory_space<semaphore_mem>>)
      } else {
      }
      %dma_start3A_885 = arith.constant 5 : i32
      %dma_start3A_886 = arith.constant 0 : i32
      %dma_start3A_887 = arith.constant 13 : i32
      %dma_start3A_888 = arith.constant 0 : i32
      %dma_start3A_889 = arith.constant 0 : i32
      %dma_start3A_890 = tpu.memref_slice %arg10[%dma_start3A_885, %dma_start3A_888, %dma_start3A_889] : memref<8x128x16xf32, #tpu.memory_space<vmem>> -> memref<1x128x16xf32, #tpu.memory_space<vmem>>
      %dma_start3A_891 = tpu.memref_squeeze %dma_start3A_890 : memref<1x128x16xf32, #tpu.memory_space<vmem>> -> memref<128x16xf32, #tpu.memory_space<vmem>>
      %dma_start3A_892 = arith.constant 0 : i32
      %dma_start3A_893 = tpu.memref_slice %arg9[%dma_start3A_886, %dma_start3A_887, %dma_start3A_892] : memref<2x16x128xi32, #tpu.memory_space<vmem>> -> memref<1x1x128xi32, #tpu.memory_space<vmem>>
      %dma_start3A_894 = tpu.memref_squeeze %dma_start3A_893 : memref<1x1x128xi32, #tpu.memory_space<vmem>> -> memref<128xi32, #tpu.memory_space<vmem>>
      %dma_start3A_895 = arith.constant 0 : i32
      %dma_start3A_896 = arith.constant 0 : i32
      %dma_start3A_897 = tpu.memref_slice %arg7[%dma_start3A_895, %dma_start3A_896] : memref<8192x16xf32, #tpu.memory_space<vmem_shared>> -> memref<8192x16xf32, #tpu.memory_space<vmem_shared>>
      tpu.enqueue_indirect_dma source(%dma_start3A_891 : memref<128x16xf32, #tpu.memory_space<vmem>>) target(%dma_start3A_897 : memref<8192x16xf32, #tpu.memory_space<vmem_shared>>) offsets(%dma_start3A_894 : memref<128xi32, #tpu.memory_space<vmem>>) semaphore(%arg13 : memref<!tpu.dma_semaphore, #tpu.memory_space<semaphore_mem>>) {add = true}
      %dma_wait3A_898 = arith.constant 0 : i32
      %dma_wait3A_899 = arith.constant 14 : i32
      %dma_wait3A_900 = arith.constant 6 : i32
      %dma_wait3A_901 = arith.constant 0 : i32
      %dma_wait3A_902 = arith.constant 0 : i32
      %dma_wait3A_903 = tpu.memref_slice %arg10[%dma_wait3A_900, %dma_wait3A_901, %dma_wait3A_902] : memref<8x128x16xf32, #tpu.memory_space<vmem>> -> memref<1x128x16xf32, #tpu.memory_space<vmem>>
      %dma_wait3A_904 = tpu.memref_squeeze %dma_wait3A_903 : memref<1x128x16xf32, #tpu.memory_space<vmem>> -> memref<128x16xf32, #tpu.memory_space<vmem>>
      %dma_wait3A_905 = arith.constant 0 : i32
      %dma_wait3A_906 = tpu.memref_slice %arg8[%dma_wait3A_898, %dma_wait3A_899, %dma_wait3A_905] : memref<2x16x128xi32, #tpu.memory_space<vmem>> -> memref<1x1x128xi32, #tpu.memory_space<vmem>>
      %dma_wait3A_907 = tpu.memref_squeeze %dma_wait3A_906 : memref<1x1x128xi32, #tpu.memory_space<vmem>> -> memref<128xi32, #tpu.memory_space<vmem>>
      %dma_wait3A_908 = arith.constant 0 : i32
      %dma_wait3A_909 = arith.constant 0 : i32
      %dma_wait3A_910 = tpu.memref_slice %arg2[%dma_wait3A_908, %dma_wait3A_909] : memref<100000x16xf32, #tpu.memory_space<hbm>> -> memref<100000x16xf32, #tpu.memory_space<hbm>>
      tpu.wait_indirect_dma semaphore(%arg12 : memref<!tpu.dma_semaphore, #tpu.memory_space<semaphore_mem>>) src(%dma_wait3A_910 : memref<100000x16xf32, #tpu.memory_space<hbm>>) dst(%dma_wait3A_904 : memref<128x16xf32, #tpu.memory_space<vmem>>)
      %dma_wait3A_911 = arith.constant 5 : i32
      %dma_wait3A_912 = arith.constant 0 : i32
      %dma_wait3A_913 = arith.constant 13 : i32
      %dma_wait3A_914 = arith.constant 0 : i32
      %dma_wait3A_915 = arith.constant 0 : i32
      %dma_wait3A_916 = tpu.memref_slice %arg10[%dma_wait3A_911, %dma_wait3A_914, %dma_wait3A_915] : memref<8x128x16xf32, #tpu.memory_space<vmem>> -> memref<1x128x16xf32, #tpu.memory_space<vmem>>
      %dma_wait3A_917 = tpu.memref_squeeze %dma_wait3A_916 : memref<1x128x16xf32, #tpu.memory_space<vmem>> -> memref<128x16xf32, #tpu.memory_space<vmem>>
      %dma_wait3A_918 = arith.constant 0 : i32
      %dma_wait3A_919 = tpu.memref_slice %arg9[%dma_wait3A_912, %dma_wait3A_913, %dma_wait3A_918] : memref<2x16x128xi32, #tpu.memory_space<vmem>> -> memref<1x1x128xi32, #tpu.memory_space<vmem>>
      %dma_wait3A_920 = tpu.memref_squeeze %dma_wait3A_919 : memref<1x1x128xi32, #tpu.memory_space<vmem>> -> memref<128xi32, #tpu.memory_space<vmem>>
      %dma_wait3A_921 = arith.constant 0 : i32
      %dma_wait3A_922 = arith.constant 0 : i32
      %dma_wait3A_923 = tpu.memref_slice %arg7[%dma_wait3A_921, %dma_wait3A_922] : memref<8192x16xf32, #tpu.memory_space<vmem_shared>> -> memref<8192x16xf32, #tpu.memory_space<vmem_shared>>
      tpu.wait_indirect_dma semaphore(%arg13 : memref<!tpu.dma_semaphore, #tpu.memory_space<semaphore_mem>>) src(%dma_wait3A_917 : memref<128x16xf32, #tpu.memory_space<vmem>>) dst(%dma_wait3A_923 : memref<8192x16xf32, #tpu.memory_space<vmem_shared>>)
      %lt3A_924 = arith.constant 49 : i32
      %lt3A_925 = arith.cmpi slt, %add3A_187, %lt3A_924 : i32
      %convert_element_type3A_926 = arith.extui %lt3A_925 : i1 to i32
      %cond3A_927 = arith.constant 0 : i32
      %cond3A_928 = arith.cmpi ne, %convert_element_type3A_926, %cond3A_927 : i32
      scf.if %cond3A_928 {
        %dma_start3A_1800 = arith.constant 1 : i32
        %dma_start3A_1801 = arith.constant 2 : i32
        %dma_start3A_1802 = arith.constant 2 : i32
        %dma_start3A_1803 = arith.constant 0 : i32
        %dma_start3A_1804 = arith.constant 0 : i32
        %dma_start3A_1805 = tpu.memref_slice %arg10[%dma_start3A_1802, %dma_start3A_1803, %dma_start3A_1804] : memref<8x128x16xf32, #tpu.memory_space<vmem>> -> memref<1x128x16xf32, #tpu.memory_space<vmem>>
        %dma_start3A_1806 = tpu.memref_squeeze %dma_start3A_1805 : memref<1x128x16xf32, #tpu.memory_space<vmem>> -> memref<128x16xf32, #tpu.memory_space<vmem>>
        %dma_start3A_1807 = arith.constant 0 : i32
        %dma_start3A_1808 = tpu.memref_slice %arg8[%dma_start3A_1800, %dma_start3A_1801, %dma_start3A_1807] : memref<2x16x128xi32, #tpu.memory_space<vmem>> -> memref<1x1x128xi32, #tpu.memory_space<vmem>>
        %dma_start3A_1809 = tpu.memref_squeeze %dma_start3A_1808 : memref<1x1x128xi32, #tpu.memory_space<vmem>> -> memref<128xi32, #tpu.memory_space<vmem>>
        %dma_start3A_1810 = arith.constant 0 : i32
        %dma_start3A_1811 = arith.constant 0 : i32
        %dma_start3A_1812 = tpu.memref_slice %arg2[%dma_start3A_1810, %dma_start3A_1811] : memref<100000x16xf32, #tpu.memory_space<hbm>> -> memref<100000x16xf32, #tpu.memory_space<hbm>>
        tpu.enqueue_indirect_dma source(%dma_start3A_1812 : memref<100000x16xf32, #tpu.memory_space<hbm>>) target(%dma_start3A_1806 : memref<128x16xf32, #tpu.memory_space<vmem>>) offsets(%dma_start3A_1809 : memref<128xi32, #tpu.memory_space<vmem>>) semaphore(%arg12 : memref<!tpu.dma_semaphore, #tpu.memory_space<semaphore_mem>>)
      } else {
      }
      %dma_start3A_929 = arith.constant 6 : i32
      %dma_start3A_930 = arith.constant 0 : i32
      %dma_start3A_931 = arith.constant 14 : i32
      %dma_start3A_932 = arith.constant 0 : i32
      %dma_start3A_933 = arith.constant 0 : i32
      %dma_start3A_934 = tpu.memref_slice %arg10[%dma_start3A_929, %dma_start3A_932, %dma_start3A_933] : memref<8x128x16xf32, #tpu.memory_space<vmem>> -> memref<1x128x16xf32, #tpu.memory_space<vmem>>
      %dma_start3A_935 = tpu.memref_squeeze %dma_start3A_934 : memref<1x128x16xf32, #tpu.memory_space<vmem>> -> memref<128x16xf32, #tpu.memory_space<vmem>>
      %dma_start3A_936 = arith.constant 0 : i32
      %dma_start3A_937 = tpu.memref_slice %arg9[%dma_start3A_930, %dma_start3A_931, %dma_start3A_936] : memref<2x16x128xi32, #tpu.memory_space<vmem>> -> memref<1x1x128xi32, #tpu.memory_space<vmem>>
      %dma_start3A_938 = tpu.memref_squeeze %dma_start3A_937 : memref<1x1x128xi32, #tpu.memory_space<vmem>> -> memref<128xi32, #tpu.memory_space<vmem>>
      %dma_start3A_939 = arith.constant 0 : i32
      %dma_start3A_940 = arith.constant 0 : i32
      %dma_start3A_941 = tpu.memref_slice %arg7[%dma_start3A_939, %dma_start3A_940] : memref<8192x16xf32, #tpu.memory_space<vmem_shared>> -> memref<8192x16xf32, #tpu.memory_space<vmem_shared>>
      tpu.enqueue_indirect_dma source(%dma_start3A_935 : memref<128x16xf32, #tpu.memory_space<vmem>>) target(%dma_start3A_941 : memref<8192x16xf32, #tpu.memory_space<vmem_shared>>) offsets(%dma_start3A_938 : memref<128xi32, #tpu.memory_space<vmem>>) semaphore(%arg13 : memref<!tpu.dma_semaphore, #tpu.memory_space<semaphore_mem>>) {add = true}
      %dma_wait3A_942 = arith.constant 0 : i32
      %dma_wait3A_943 = arith.constant 15 : i32
      %dma_wait3A_944 = arith.constant 7 : i32
      %dma_wait3A_945 = arith.constant 0 : i32
      %dma_wait3A_946 = arith.constant 0 : i32
      %dma_wait3A_947 = tpu.memref_slice %arg10[%dma_wait3A_944, %dma_wait3A_945, %dma_wait3A_946] : memref<8x128x16xf32, #tpu.memory_space<vmem>> -> memref<1x128x16xf32, #tpu.memory_space<vmem>>
      %dma_wait3A_948 = tpu.memref_squeeze %dma_wait3A_947 : memref<1x128x16xf32, #tpu.memory_space<vmem>> -> memref<128x16xf32, #tpu.memory_space<vmem>>
      %dma_wait3A_949 = arith.constant 0 : i32
      %dma_wait3A_950 = tpu.memref_slice %arg8[%dma_wait3A_942, %dma_wait3A_943, %dma_wait3A_949] : memref<2x16x128xi32, #tpu.memory_space<vmem>> -> memref<1x1x128xi32, #tpu.memory_space<vmem>>
      %dma_wait3A_951 = tpu.memref_squeeze %dma_wait3A_950 : memref<1x1x128xi32, #tpu.memory_space<vmem>> -> memref<128xi32, #tpu.memory_space<vmem>>
      %dma_wait3A_952 = arith.constant 0 : i32
      %dma_wait3A_953 = arith.constant 0 : i32
      %dma_wait3A_954 = tpu.memref_slice %arg2[%dma_wait3A_952, %dma_wait3A_953] : memref<100000x16xf32, #tpu.memory_space<hbm>> -> memref<100000x16xf32, #tpu.memory_space<hbm>>
      tpu.wait_indirect_dma semaphore(%arg12 : memref<!tpu.dma_semaphore, #tpu.memory_space<semaphore_mem>>) src(%dma_wait3A_954 : memref<100000x16xf32, #tpu.memory_space<hbm>>) dst(%dma_wait3A_948 : memref<128x16xf32, #tpu.memory_space<vmem>>)
      %dma_wait3A_955 = arith.constant 6 : i32
      %dma_wait3A_956 = arith.constant 0 : i32
      %dma_wait3A_957 = arith.constant 14 : i32
      %dma_wait3A_958 = arith.constant 0 : i32
      %dma_wait3A_959 = arith.constant 0 : i32
      %dma_wait3A_960 = tpu.memref_slice %arg10[%dma_wait3A_955, %dma_wait3A_958, %dma_wait3A_959] : memref<8x128x16xf32, #tpu.memory_space<vmem>> -> memref<1x128x16xf32, #tpu.memory_space<vmem>>
      %dma_wait3A_961 = tpu.memref_squeeze %dma_wait3A_960 : memref<1x128x16xf32, #tpu.memory_space<vmem>> -> memref<128x16xf32, #tpu.memory_space<vmem>>
      %dma_wait3A_962 = arith.constant 0 : i32
      %dma_wait3A_963 = tpu.memref_slice %arg9[%dma_wait3A_956, %dma_wait3A_957, %dma_wait3A_962] : memref<2x16x128xi32, #tpu.memory_space<vmem>> -> memref<1x1x128xi32, #tpu.memory_space<vmem>>
      %dma_wait3A_964 = tpu.memref_squeeze %dma_wait3A_963 : memref<1x1x128xi32, #tpu.memory_space<vmem>> -> memref<128xi32, #tpu.memory_space<vmem>>
      %dma_wait3A_965 = arith.constant 0 : i32
      %dma_wait3A_966 = arith.constant 0 : i32
      %dma_wait3A_967 = tpu.memref_slice %arg7[%dma_wait3A_965, %dma_wait3A_966] : memref<8192x16xf32, #tpu.memory_space<vmem_shared>> -> memref<8192x16xf32, #tpu.memory_space<vmem_shared>>
      tpu.wait_indirect_dma semaphore(%arg13 : memref<!tpu.dma_semaphore, #tpu.memory_space<semaphore_mem>>) src(%dma_wait3A_961 : memref<128x16xf32, #tpu.memory_space<vmem>>) dst(%dma_wait3A_967 : memref<8192x16xf32, #tpu.memory_space<vmem_shared>>)
      %lt3A_968 = arith.constant 49 : i32
      %lt3A_969 = arith.cmpi slt, %add3A_187, %lt3A_968 : i32
      %convert_element_type3A_970 = arith.extui %lt3A_969 : i1 to i32
      %cond3A_971 = arith.constant 0 : i32
      %cond3A_972 = arith.cmpi ne, %convert_element_type3A_970, %cond3A_971 : i32
      scf.if %cond3A_972 {
        %dma_start3A_1800 = arith.constant 1 : i32
        %dma_start3A_1801 = arith.constant 3 : i32
        %dma_start3A_1802 = arith.constant 3 : i32
        %dma_start3A_1803 = arith.constant 0 : i32
        %dma_start3A_1804 = arith.constant 0 : i32
        %dma_start3A_1805 = tpu.memref_slice %arg10[%dma_start3A_1802, %dma_start3A_1803, %dma_start3A_1804] : memref<8x128x16xf32, #tpu.memory_space<vmem>> -> memref<1x128x16xf32, #tpu.memory_space<vmem>>
        %dma_start3A_1806 = tpu.memref_squeeze %dma_start3A_1805 : memref<1x128x16xf32, #tpu.memory_space<vmem>> -> memref<128x16xf32, #tpu.memory_space<vmem>>
        %dma_start3A_1807 = arith.constant 0 : i32
        %dma_start3A_1808 = tpu.memref_slice %arg8[%dma_start3A_1800, %dma_start3A_1801, %dma_start3A_1807] : memref<2x16x128xi32, #tpu.memory_space<vmem>> -> memref<1x1x128xi32, #tpu.memory_space<vmem>>
        %dma_start3A_1809 = tpu.memref_squeeze %dma_start3A_1808 : memref<1x1x128xi32, #tpu.memory_space<vmem>> -> memref<128xi32, #tpu.memory_space<vmem>>
        %dma_start3A_1810 = arith.constant 0 : i32
        %dma_start3A_1811 = arith.constant 0 : i32
        %dma_start3A_1812 = tpu.memref_slice %arg2[%dma_start3A_1810, %dma_start3A_1811] : memref<100000x16xf32, #tpu.memory_space<hbm>> -> memref<100000x16xf32, #tpu.memory_space<hbm>>
        tpu.enqueue_indirect_dma source(%dma_start3A_1812 : memref<100000x16xf32, #tpu.memory_space<hbm>>) target(%dma_start3A_1806 : memref<128x16xf32, #tpu.memory_space<vmem>>) offsets(%dma_start3A_1809 : memref<128xi32, #tpu.memory_space<vmem>>) semaphore(%arg12 : memref<!tpu.dma_semaphore, #tpu.memory_space<semaphore_mem>>)
      } else {
      }
      %dma_start3A_973 = arith.constant 7 : i32
      %dma_start3A_974 = arith.constant 0 : i32
      %dma_start3A_975 = arith.constant 15 : i32
      %dma_start3A_976 = arith.constant 0 : i32
      %dma_start3A_977 = arith.constant 0 : i32
      %dma_start3A_978 = tpu.memref_slice %arg10[%dma_start3A_973, %dma_start3A_976, %dma_start3A_977] : memref<8x128x16xf32, #tpu.memory_space<vmem>> -> memref<1x128x16xf32, #tpu.memory_space<vmem>>
      %dma_start3A_979 = tpu.memref_squeeze %dma_start3A_978 : memref<1x128x16xf32, #tpu.memory_space<vmem>> -> memref<128x16xf32, #tpu.memory_space<vmem>>
      %dma_start3A_980 = arith.constant 0 : i32
      %dma_start3A_981 = tpu.memref_slice %arg9[%dma_start3A_974, %dma_start3A_975, %dma_start3A_980] : memref<2x16x128xi32, #tpu.memory_space<vmem>> -> memref<1x1x128xi32, #tpu.memory_space<vmem>>
      %dma_start3A_982 = tpu.memref_squeeze %dma_start3A_981 : memref<1x1x128xi32, #tpu.memory_space<vmem>> -> memref<128xi32, #tpu.memory_space<vmem>>
      %dma_start3A_983 = arith.constant 0 : i32
      %dma_start3A_984 = arith.constant 0 : i32
      %dma_start3A_985 = tpu.memref_slice %arg7[%dma_start3A_983, %dma_start3A_984] : memref<8192x16xf32, #tpu.memory_space<vmem_shared>> -> memref<8192x16xf32, #tpu.memory_space<vmem_shared>>
      tpu.enqueue_indirect_dma source(%dma_start3A_979 : memref<128x16xf32, #tpu.memory_space<vmem>>) target(%dma_start3A_985 : memref<8192x16xf32, #tpu.memory_space<vmem_shared>>) offsets(%dma_start3A_982 : memref<128xi32, #tpu.memory_space<vmem>>) semaphore(%arg13 : memref<!tpu.dma_semaphore, #tpu.memory_space<semaphore_mem>>) {add = true}
      %mul3A_986 = arith.constant 2 : i32
      %mul3A_987 = arith.muli %mul3A_986, %add3A_183 : i32
      %add3A_988 = arith.constant 1 : i32
      %add3A_989 = arith.addi %mul3A_987, %add3A_988 : i32
      %dma_wait3A_990 = arith.constant 1 : i32
      %dma_wait3A_991 = arith.constant 0 : i32
      %dma_wait3A_992 = arith.constant 0 : i32
      %dma_wait3A_993 = arith.constant 0 : i32
      %dma_wait3A_994 = arith.constant 0 : i32
      %dma_wait3A_995 = tpu.memref_slice %arg10[%dma_wait3A_992, %dma_wait3A_993, %dma_wait3A_994] : memref<8x128x16xf32, #tpu.memory_space<vmem>> -> memref<1x128x16xf32, #tpu.memory_space<vmem>>
      %dma_wait3A_996 = tpu.memref_squeeze %dma_wait3A_995 : memref<1x128x16xf32, #tpu.memory_space<vmem>> -> memref<128x16xf32, #tpu.memory_space<vmem>>
      %dma_wait3A_997 = arith.constant 0 : i32
      %dma_wait3A_998 = tpu.memref_slice %arg8[%dma_wait3A_990, %dma_wait3A_991, %dma_wait3A_997] : memref<2x16x128xi32, #tpu.memory_space<vmem>> -> memref<1x1x128xi32, #tpu.memory_space<vmem>>
      %dma_wait3A_999 = tpu.memref_squeeze %dma_wait3A_998 : memref<1x1x128xi32, #tpu.memory_space<vmem>> -> memref<128xi32, #tpu.memory_space<vmem>>
      %dma_wait3A_1000 = arith.constant 0 : i32
      %dma_wait3A_1001 = arith.constant 0 : i32
      %dma_wait3A_1002 = tpu.memref_slice %arg2[%dma_wait3A_1000, %dma_wait3A_1001] : memref<100000x16xf32, #tpu.memory_space<hbm>> -> memref<100000x16xf32, #tpu.memory_space<hbm>>
      tpu.wait_indirect_dma semaphore(%arg12 : memref<!tpu.dma_semaphore, #tpu.memory_space<semaphore_mem>>) src(%dma_wait3A_1002 : memref<100000x16xf32, #tpu.memory_space<hbm>>) dst(%dma_wait3A_996 : memref<128x16xf32, #tpu.memory_space<vmem>>)
      %dma_wait3A_1003 = arith.constant 7 : i32
      %dma_wait3A_1004 = arith.constant 0 : i32
      %dma_wait3A_1005 = arith.constant 15 : i32
      %dma_wait3A_1006 = arith.constant 0 : i32
      %dma_wait3A_1007 = arith.constant 0 : i32
      %dma_wait3A_1008 = tpu.memref_slice %arg10[%dma_wait3A_1003, %dma_wait3A_1006, %dma_wait3A_1007] : memref<8x128x16xf32, #tpu.memory_space<vmem>> -> memref<1x128x16xf32, #tpu.memory_space<vmem>>
      %dma_wait3A_1009 = tpu.memref_squeeze %dma_wait3A_1008 : memref<1x128x16xf32, #tpu.memory_space<vmem>> -> memref<128x16xf32, #tpu.memory_space<vmem>>
      %dma_wait3A_1010 = arith.constant 0 : i32
      %dma_wait3A_1011 = tpu.memref_slice %arg9[%dma_wait3A_1004, %dma_wait3A_1005, %dma_wait3A_1010] : memref<2x16x128xi32, #tpu.memory_space<vmem>> -> memref<1x1x128xi32, #tpu.memory_space<vmem>>
      %dma_wait3A_1012 = tpu.memref_squeeze %dma_wait3A_1011 : memref<1x1x128xi32, #tpu.memory_space<vmem>> -> memref<128xi32, #tpu.memory_space<vmem>>
      %dma_wait3A_1013 = arith.constant 0 : i32
      %dma_wait3A_1014 = arith.constant 0 : i32
      %dma_wait3A_1015 = tpu.memref_slice %arg7[%dma_wait3A_1013, %dma_wait3A_1014] : memref<8192x16xf32, #tpu.memory_space<vmem_shared>> -> memref<8192x16xf32, #tpu.memory_space<vmem_shared>>
      tpu.wait_indirect_dma semaphore(%arg13 : memref<!tpu.dma_semaphore, #tpu.memory_space<semaphore_mem>>) src(%dma_wait3A_1009 : memref<128x16xf32, #tpu.memory_space<vmem>>) dst(%dma_wait3A_1015 : memref<8192x16xf32, #tpu.memory_space<vmem_shared>>)
      %lt3A_1016 = arith.constant 24 : i32
      %lt3A_1017 = arith.cmpi slt, %add3A_183, %lt3A_1016 : i32
      %convert_element_type3A_1018 = arith.extui %lt3A_1017 : i1 to i32
      %cond3A_1019 = arith.constant 0 : i32
      %cond3A_1020 = arith.cmpi ne, %convert_element_type3A_1018, %cond3A_1019 : i32
      scf.if %cond3A_1020 {
        %add3A_1800 = arith.constant 1 : i32
        %add3A_1801 = arith.addi %add3A_989, %add3A_1800 : i32
        %mul3A_1802 = arith.constant 16 : i32
        %mul3A_1803 = arith.muli %add3A_1801, %mul3A_1802 : i32
        %dma_start3A_1804 = arith.constant 0 : i32
        %dma_start3A_1805 = arith.constant 0 : i32
        %dma_start3A_1806 = arith.constant 0 : i32
        %dma_start3A_1807 = tpu.memref_slice %arg8[%dma_start3A_1804, %dma_start3A_1805, %dma_start3A_1806] : memref<2x16x128xi32, #tpu.memory_space<vmem>> -> memref<1x16x128xi32, #tpu.memory_space<vmem>>
        %dma_start3A_1808 = tpu.memref_squeeze %dma_start3A_1807 : memref<1x16x128xi32, #tpu.memory_space<vmem>> -> memref<16x128xi32, #tpu.memory_space<vmem>>
        %dma_start3A_1809 = arith.constant 0 : i32
        %dma_start3A_1810 = tpu.memref_slice %arg3[%add3A, %mul3A_1803, %dma_start3A_1809] : memref<32x800x128xi32, #tpu.memory_space<hbm>> -> memref<1x16x128xi32, #tpu.memory_space<hbm>>
        %dma_start3A_1811 = tpu.memref_squeeze %dma_start3A_1810 : memref<1x16x128xi32, #tpu.memory_space<hbm>> -> memref<16x128xi32, #tpu.memory_space<hbm>>
        %dma_start3A_1812 = arith.constant 0 : i32
        %dma_start3A_1813 = arith.constant 0 : i32
        %dma_start3A_1814 = tpu.memref_slice %arg8[%dma_start3A_1804, %dma_start3A_1812, %dma_start3A_1813] : memref<2x16x128xi32, #tpu.memory_space<vmem>> -> memref<1x16x128xi32, #tpu.memory_space<vmem>>
        %dma_start3A_1815 = tpu.memref_squeeze %dma_start3A_1814 : memref<1x16x128xi32, #tpu.memory_space<vmem>> -> memref<16x128xi32, #tpu.memory_space<vmem>>
        %dma_start3A_1816 = arith.constant 0 : i32
        %dma_start3A_1817 = tpu.memref_slice %arg3[%add3A, %mul3A_1803, %dma_start3A_1816] : memref<32x800x128xi32, #tpu.memory_space<hbm>> -> memref<1x16x128xi32, #tpu.memory_space<hbm>>
        %dma_start3A_1818 = tpu.memref_squeeze %dma_start3A_1817 : memref<1x16x128xi32, #tpu.memory_space<hbm>> -> memref<16x128xi32, #tpu.memory_space<hbm>>
        tpu.enqueue_dma source(%dma_start3A_1818 : memref<16x128xi32, #tpu.memory_space<hbm>>) target(%dma_start3A_1815 : memref<16x128xi32, #tpu.memory_space<vmem>>) target_semaphore(%arg11 : memref<!tpu.dma_semaphore, #tpu.memory_space<semaphore_mem>>)
        %mul3A_1819 = arith.constant 16 : i32
        %mul3A_1820 = arith.muli %add3A_1801, %mul3A_1819 : i32
        %dma_start3A_1821 = arith.constant 0 : i32
        %dma_start3A_1822 = arith.constant 0 : i32
        %dma_start3A_1823 = arith.constant 0 : i32
        %dma_start3A_1824 = tpu.memref_slice %arg9[%dma_start3A_1821, %dma_start3A_1822, %dma_start3A_1823] : memref<2x16x128xi32, #tpu.memory_space<vmem>> -> memref<1x16x128xi32, #tpu.memory_space<vmem>>
        %dma_start3A_1825 = tpu.memref_squeeze %dma_start3A_1824 : memref<1x16x128xi32, #tpu.memory_space<vmem>> -> memref<16x128xi32, #tpu.memory_space<vmem>>
        %dma_start3A_1826 = arith.constant 0 : i32
        %dma_start3A_1827 = tpu.memref_slice %arg4[%arg1, %mul3A_1820, %dma_start3A_1826] : memref<16x800x128xi32, #tpu.memory_space<hbm>> -> memref<1x16x128xi32, #tpu.memory_space<hbm>>
        %dma_start3A_1828 = tpu.memref_squeeze %dma_start3A_1827 : memref<1x16x128xi32, #tpu.memory_space<hbm>> -> memref<16x128xi32, #tpu.memory_space<hbm>>
        %dma_start3A_1829 = arith.constant 0 : i32
        %dma_start3A_1830 = arith.constant 0 : i32
        %dma_start3A_1831 = tpu.memref_slice %arg9[%dma_start3A_1821, %dma_start3A_1829, %dma_start3A_1830] : memref<2x16x128xi32, #tpu.memory_space<vmem>> -> memref<1x16x128xi32, #tpu.memory_space<vmem>>
        %dma_start3A_1832 = tpu.memref_squeeze %dma_start3A_1831 : memref<1x16x128xi32, #tpu.memory_space<vmem>> -> memref<16x128xi32, #tpu.memory_space<vmem>>
        %dma_start3A_1833 = arith.constant 0 : i32
        %dma_start3A_1834 = tpu.memref_slice %arg4[%arg1, %mul3A_1820, %dma_start3A_1833] : memref<16x800x128xi32, #tpu.memory_space<hbm>> -> memref<1x16x128xi32, #tpu.memory_space<hbm>>
        %dma_start3A_1835 = tpu.memref_squeeze %dma_start3A_1834 : memref<1x16x128xi32, #tpu.memory_space<hbm>> -> memref<16x128xi32, #tpu.memory_space<hbm>>
        tpu.enqueue_dma source(%dma_start3A_1835 : memref<16x128xi32, #tpu.memory_space<hbm>>) target(%dma_start3A_1832 : memref<16x128xi32, #tpu.memory_space<vmem>>) target_semaphore(%arg11 : memref<!tpu.dma_semaphore, #tpu.memory_space<semaphore_mem>>)
      } else {
      }
      %dma_start3A_1021 = arith.constant 1 : i32
      %dma_start3A_1022 = arith.constant 4 : i32
      %dma_start3A_1023 = arith.constant 4 : i32
      %dma_start3A_1024 = arith.constant 0 : i32
      %dma_start3A_1025 = arith.constant 0 : i32
      %dma_start3A_1026 = tpu.memref_slice %arg10[%dma_start3A_1023, %dma_start3A_1024, %dma_start3A_1025] : memref<8x128x16xf32, #tpu.memory_space<vmem>> -> memref<1x128x16xf32, #tpu.memory_space<vmem>>
      %dma_start3A_1027 = tpu.memref_squeeze %dma_start3A_1026 : memref<1x128x16xf32, #tpu.memory_space<vmem>> -> memref<128x16xf32, #tpu.memory_space<vmem>>
      %dma_start3A_1028 = arith.constant 0 : i32
      %dma_start3A_1029 = tpu.memref_slice %arg8[%dma_start3A_1021, %dma_start3A_1022, %dma_start3A_1028] : memref<2x16x128xi32, #tpu.memory_space<vmem>> -> memref<1x1x128xi32, #tpu.memory_space<vmem>>
      %dma_start3A_1030 = tpu.memref_squeeze %dma_start3A_1029 : memref<1x1x128xi32, #tpu.memory_space<vmem>> -> memref<128xi32, #tpu.memory_space<vmem>>
      %dma_start3A_1031 = arith.constant 0 : i32
      %dma_start3A_1032 = arith.constant 0 : i32
      %dma_start3A_1033 = tpu.memref_slice %arg2[%dma_start3A_1031, %dma_start3A_1032] : memref<100000x16xf32, #tpu.memory_space<hbm>> -> memref<100000x16xf32, #tpu.memory_space<hbm>>
      tpu.enqueue_indirect_dma source(%dma_start3A_1033 : memref<100000x16xf32, #tpu.memory_space<hbm>>) target(%dma_start3A_1027 : memref<128x16xf32, #tpu.memory_space<vmem>>) offsets(%dma_start3A_1030 : memref<128xi32, #tpu.memory_space<vmem>>) semaphore(%arg12 : memref<!tpu.dma_semaphore, #tpu.memory_space<semaphore_mem>>)
      %dma_start3A_1034 = arith.constant 0 : i32
      %dma_start3A_1035 = arith.constant 1 : i32
      %dma_start3A_1036 = arith.constant 0 : i32
      %dma_start3A_1037 = arith.constant 0 : i32
      %dma_start3A_1038 = arith.constant 0 : i32
      %dma_start3A_1039 = tpu.memref_slice %arg10[%dma_start3A_1034, %dma_start3A_1037, %dma_start3A_1038] : memref<8x128x16xf32, #tpu.memory_space<vmem>> -> memref<1x128x16xf32, #tpu.memory_space<vmem>>
      %dma_start3A_1040 = tpu.memref_squeeze %dma_start3A_1039 : memref<1x128x16xf32, #tpu.memory_space<vmem>> -> memref<128x16xf32, #tpu.memory_space<vmem>>
      %dma_start3A_1041 = arith.constant 0 : i32
      %dma_start3A_1042 = tpu.memref_slice %arg9[%dma_start3A_1035, %dma_start3A_1036, %dma_start3A_1041] : memref<2x16x128xi32, #tpu.memory_space<vmem>> -> memref<1x1x128xi32, #tpu.memory_space<vmem>>
      %dma_start3A_1043 = tpu.memref_squeeze %dma_start3A_1042 : memref<1x1x128xi32, #tpu.memory_space<vmem>> -> memref<128xi32, #tpu.memory_space<vmem>>
      %dma_start3A_1044 = arith.constant 0 : i32
      %dma_start3A_1045 = arith.constant 0 : i32
      %dma_start3A_1046 = tpu.memref_slice %arg7[%dma_start3A_1044, %dma_start3A_1045] : memref<8192x16xf32, #tpu.memory_space<vmem_shared>> -> memref<8192x16xf32, #tpu.memory_space<vmem_shared>>
      tpu.enqueue_indirect_dma source(%dma_start3A_1040 : memref<128x16xf32, #tpu.memory_space<vmem>>) target(%dma_start3A_1046 : memref<8192x16xf32, #tpu.memory_space<vmem_shared>>) offsets(%dma_start3A_1043 : memref<128xi32, #tpu.memory_space<vmem>>) semaphore(%arg13 : memref<!tpu.dma_semaphore, #tpu.memory_space<semaphore_mem>>) {add = true}
      %dma_wait3A_1047 = arith.constant 1 : i32
      %dma_wait3A_1048 = arith.constant 1 : i32
      %dma_wait3A_1049 = arith.constant 1 : i32
      %dma_wait3A_1050 = arith.constant 0 : i32
      %dma_wait3A_1051 = arith.constant 0 : i32
      %dma_wait3A_1052 = tpu.memref_slice %arg10[%dma_wait3A_1049, %dma_wait3A_1050, %dma_wait3A_1051] : memref<8x128x16xf32, #tpu.memory_space<vmem>> -> memref<1x128x16xf32, #tpu.memory_space<vmem>>
      %dma_wait3A_1053 = tpu.memref_squeeze %dma_wait3A_1052 : memref<1x128x16xf32, #tpu.memory_space<vmem>> -> memref<128x16xf32, #tpu.memory_space<vmem>>
      %dma_wait3A_1054 = arith.constant 0 : i32
      %dma_wait3A_1055 = tpu.memref_slice %arg8[%dma_wait3A_1047, %dma_wait3A_1048, %dma_wait3A_1054] : memref<2x16x128xi32, #tpu.memory_space<vmem>> -> memref<1x1x128xi32, #tpu.memory_space<vmem>>
      %dma_wait3A_1056 = tpu.memref_squeeze %dma_wait3A_1055 : memref<1x1x128xi32, #tpu.memory_space<vmem>> -> memref<128xi32, #tpu.memory_space<vmem>>
      %dma_wait3A_1057 = arith.constant 0 : i32
      %dma_wait3A_1058 = arith.constant 0 : i32
      %dma_wait3A_1059 = tpu.memref_slice %arg2[%dma_wait3A_1057, %dma_wait3A_1058] : memref<100000x16xf32, #tpu.memory_space<hbm>> -> memref<100000x16xf32, #tpu.memory_space<hbm>>
      tpu.wait_indirect_dma semaphore(%arg12 : memref<!tpu.dma_semaphore, #tpu.memory_space<semaphore_mem>>) src(%dma_wait3A_1059 : memref<100000x16xf32, #tpu.memory_space<hbm>>) dst(%dma_wait3A_1053 : memref<128x16xf32, #tpu.memory_space<vmem>>)
      %dma_wait3A_1060 = arith.constant 0 : i32
      %dma_wait3A_1061 = arith.constant 1 : i32
      %dma_wait3A_1062 = arith.constant 0 : i32
      %dma_wait3A_1063 = arith.constant 0 : i32
      %dma_wait3A_1064 = arith.constant 0 : i32
      %dma_wait3A_1065 = tpu.memref_slice %arg10[%dma_wait3A_1060, %dma_wait3A_1063, %dma_wait3A_1064] : memref<8x128x16xf32, #tpu.memory_space<vmem>> -> memref<1x128x16xf32, #tpu.memory_space<vmem>>
      %dma_wait3A_1066 = tpu.memref_squeeze %dma_wait3A_1065 : memref<1x128x16xf32, #tpu.memory_space<vmem>> -> memref<128x16xf32, #tpu.memory_space<vmem>>
      %dma_wait3A_1067 = arith.constant 0 : i32
      %dma_wait3A_1068 = tpu.memref_slice %arg9[%dma_wait3A_1061, %dma_wait3A_1062, %dma_wait3A_1067] : memref<2x16x128xi32, #tpu.memory_space<vmem>> -> memref<1x1x128xi32, #tpu.memory_space<vmem>>
      %dma_wait3A_1069 = tpu.memref_squeeze %dma_wait3A_1068 : memref<1x1x128xi32, #tpu.memory_space<vmem>> -> memref<128xi32, #tpu.memory_space<vmem>>
      %dma_wait3A_1070 = arith.constant 0 : i32
      %dma_wait3A_1071 = arith.constant 0 : i32
      %dma_wait3A_1072 = tpu.memref_slice %arg7[%dma_wait3A_1070, %dma_wait3A_1071] : memref<8192x16xf32, #tpu.memory_space<vmem_shared>> -> memref<8192x16xf32, #tpu.memory_space<vmem_shared>>
      tpu.wait_indirect_dma semaphore(%arg13 : memref<!tpu.dma_semaphore, #tpu.memory_space<semaphore_mem>>) src(%dma_wait3A_1066 : memref<128x16xf32, #tpu.memory_space<vmem>>) dst(%dma_wait3A_1072 : memref<8192x16xf32, #tpu.memory_space<vmem_shared>>)
      %dma_start3A_1073 = arith.constant 1 : i32
      %dma_start3A_1074 = arith.constant 5 : i32
      %dma_start3A_1075 = arith.constant 5 : i32
      %dma_start3A_1076 = arith.constant 0 : i32
      %dma_start3A_1077 = arith.constant 0 : i32
      %dma_start3A_1078 = tpu.memref_slice %arg10[%dma_start3A_1075, %dma_start3A_1076, %dma_start3A_1077] : memref<8x128x16xf32, #tpu.memory_space<vmem>> -> memref<1x128x16xf32, #tpu.memory_space<vmem>>
      %dma_start3A_1079 = tpu.memref_squeeze %dma_start3A_1078 : memref<1x128x16xf32, #tpu.memory_space<vmem>> -> memref<128x16xf32, #tpu.memory_space<vmem>>
      %dma_start3A_1080 = arith.constant 0 : i32
      %dma_start3A_1081 = tpu.memref_slice %arg8[%dma_start3A_1073, %dma_start3A_1074, %dma_start3A_1080] : memref<2x16x128xi32, #tpu.memory_space<vmem>> -> memref<1x1x128xi32, #tpu.memory_space<vmem>>
      %dma_start3A_1082 = tpu.memref_squeeze %dma_start3A_1081 : memref<1x1x128xi32, #tpu.memory_space<vmem>> -> memref<128xi32, #tpu.memory_space<vmem>>
      %dma_start3A_1083 = arith.constant 0 : i32
      %dma_start3A_1084 = arith.constant 0 : i32
      %dma_start3A_1085 = tpu.memref_slice %arg2[%dma_start3A_1083, %dma_start3A_1084] : memref<100000x16xf32, #tpu.memory_space<hbm>> -> memref<100000x16xf32, #tpu.memory_space<hbm>>
      tpu.enqueue_indirect_dma source(%dma_start3A_1085 : memref<100000x16xf32, #tpu.memory_space<hbm>>) target(%dma_start3A_1079 : memref<128x16xf32, #tpu.memory_space<vmem>>) offsets(%dma_start3A_1082 : memref<128xi32, #tpu.memory_space<vmem>>) semaphore(%arg12 : memref<!tpu.dma_semaphore, #tpu.memory_space<semaphore_mem>>)
      %dma_start3A_1086 = arith.constant 1 : i32
      %dma_start3A_1087 = arith.constant 1 : i32
      %dma_start3A_1088 = arith.constant 1 : i32
      %dma_start3A_1089 = arith.constant 0 : i32
      %dma_start3A_1090 = arith.constant 0 : i32
      %dma_start3A_1091 = tpu.memref_slice %arg10[%dma_start3A_1086, %dma_start3A_1089, %dma_start3A_1090] : memref<8x128x16xf32, #tpu.memory_space<vmem>> -> memref<1x128x16xf32, #tpu.memory_space<vmem>>
      %dma_start3A_1092 = tpu.memref_squeeze %dma_start3A_1091 : memref<1x128x16xf32, #tpu.memory_space<vmem>> -> memref<128x16xf32, #tpu.memory_space<vmem>>
      %dma_start3A_1093 = arith.constant 0 : i32
      %dma_start3A_1094 = tpu.memref_slice %arg9[%dma_start3A_1087, %dma_start3A_1088, %dma_start3A_1093] : memref<2x16x128xi32, #tpu.memory_space<vmem>> -> memref<1x1x128xi32, #tpu.memory_space<vmem>>
      %dma_start3A_1095 = tpu.memref_squeeze %dma_start3A_1094 : memref<1x1x128xi32, #tpu.memory_space<vmem>> -> memref<128xi32, #tpu.memory_space<vmem>>
      %dma_start3A_1096 = arith.constant 0 : i32
      %dma_start3A_1097 = arith.constant 0 : i32
      %dma_start3A_1098 = tpu.memref_slice %arg7[%dma_start3A_1096, %dma_start3A_1097] : memref<8192x16xf32, #tpu.memory_space<vmem_shared>> -> memref<8192x16xf32, #tpu.memory_space<vmem_shared>>
      tpu.enqueue_indirect_dma source(%dma_start3A_1092 : memref<128x16xf32, #tpu.memory_space<vmem>>) target(%dma_start3A_1098 : memref<8192x16xf32, #tpu.memory_space<vmem_shared>>) offsets(%dma_start3A_1095 : memref<128xi32, #tpu.memory_space<vmem>>) semaphore(%arg13 : memref<!tpu.dma_semaphore, #tpu.memory_space<semaphore_mem>>) {add = true}
      %dma_wait3A_1099 = arith.constant 1 : i32
      %dma_wait3A_1100 = arith.constant 2 : i32
      %dma_wait3A_1101 = arith.constant 2 : i32
      %dma_wait3A_1102 = arith.constant 0 : i32
      %dma_wait3A_1103 = arith.constant 0 : i32
      %dma_wait3A_1104 = tpu.memref_slice %arg10[%dma_wait3A_1101, %dma_wait3A_1102, %dma_wait3A_1103] : memref<8x128x16xf32, #tpu.memory_space<vmem>> -> memref<1x128x16xf32, #tpu.memory_space<vmem>>
      %dma_wait3A_1105 = tpu.memref_squeeze %dma_wait3A_1104 : memref<1x128x16xf32, #tpu.memory_space<vmem>> -> memref<128x16xf32, #tpu.memory_space<vmem>>
      %dma_wait3A_1106 = arith.constant 0 : i32
      %dma_wait3A_1107 = tpu.memref_slice %arg8[%dma_wait3A_1099, %dma_wait3A_1100, %dma_wait3A_1106] : memref<2x16x128xi32, #tpu.memory_space<vmem>> -> memref<1x1x128xi32, #tpu.memory_space<vmem>>
      %dma_wait3A_1108 = tpu.memref_squeeze %dma_wait3A_1107 : memref<1x1x128xi32, #tpu.memory_space<vmem>> -> memref<128xi32, #tpu.memory_space<vmem>>
      %dma_wait3A_1109 = arith.constant 0 : i32
      %dma_wait3A_1110 = arith.constant 0 : i32
      %dma_wait3A_1111 = tpu.memref_slice %arg2[%dma_wait3A_1109, %dma_wait3A_1110] : memref<100000x16xf32, #tpu.memory_space<hbm>> -> memref<100000x16xf32, #tpu.memory_space<hbm>>
      tpu.wait_indirect_dma semaphore(%arg12 : memref<!tpu.dma_semaphore, #tpu.memory_space<semaphore_mem>>) src(%dma_wait3A_1111 : memref<100000x16xf32, #tpu.memory_space<hbm>>) dst(%dma_wait3A_1105 : memref<128x16xf32, #tpu.memory_space<vmem>>)
      %dma_wait3A_1112 = arith.constant 1 : i32
      %dma_wait3A_1113 = arith.constant 1 : i32
      %dma_wait3A_1114 = arith.constant 1 : i32
      %dma_wait3A_1115 = arith.constant 0 : i32
      %dma_wait3A_1116 = arith.constant 0 : i32
      %dma_wait3A_1117 = tpu.memref_slice %arg10[%dma_wait3A_1112, %dma_wait3A_1115, %dma_wait3A_1116] : memref<8x128x16xf32, #tpu.memory_space<vmem>> -> memref<1x128x16xf32, #tpu.memory_space<vmem>>
      %dma_wait3A_1118 = tpu.memref_squeeze %dma_wait3A_1117 : memref<1x128x16xf32, #tpu.memory_space<vmem>> -> memref<128x16xf32, #tpu.memory_space<vmem>>
      %dma_wait3A_1119 = arith.constant 0 : i32
      %dma_wait3A_1120 = tpu.memref_slice %arg9[%dma_wait3A_1113, %dma_wait3A_1114, %dma_wait3A_1119] : memref<2x16x128xi32, #tpu.memory_space<vmem>> -> memref<1x1x128xi32, #tpu.memory_space<vmem>>
      %dma_wait3A_1121 = tpu.memref_squeeze %dma_wait3A_1120 : memref<1x1x128xi32, #tpu.memory_space<vmem>> -> memref<128xi32, #tpu.memory_space<vmem>>
      %dma_wait3A_1122 = arith.constant 0 : i32
      %dma_wait3A_1123 = arith.constant 0 : i32
      %dma_wait3A_1124 = tpu.memref_slice %arg7[%dma_wait3A_1122, %dma_wait3A_1123] : memref<8192x16xf32, #tpu.memory_space<vmem_shared>> -> memref<8192x16xf32, #tpu.memory_space<vmem_shared>>
      tpu.wait_indirect_dma semaphore(%arg13 : memref<!tpu.dma_semaphore, #tpu.memory_space<semaphore_mem>>) src(%dma_wait3A_1118 : memref<128x16xf32, #tpu.memory_space<vmem>>) dst(%dma_wait3A_1124 : memref<8192x16xf32, #tpu.memory_space<vmem_shared>>)
      %dma_start3A_1125 = arith.constant 1 : i32
      %dma_start3A_1126 = arith.constant 6 : i32
      %dma_start3A_1127 = arith.constant 6 : i32
      %dma_start3A_1128 = arith.constant 0 : i32
      %dma_start3A_1129 = arith.constant 0 : i32
      %dma_start3A_1130 = tpu.memref_slice %arg10[%dma_start3A_1127, %dma_start3A_1128, %dma_start3A_1129] : memref<8x128x16xf32, #tpu.memory_space<vmem>> -> memref<1x128x16xf32, #tpu.memory_space<vmem>>
      %dma_start3A_1131 = tpu.memref_squeeze %dma_start3A_1130 : memref<1x128x16xf32, #tpu.memory_space<vmem>> -> memref<128x16xf32, #tpu.memory_space<vmem>>
      %dma_start3A_1132 = arith.constant 0 : i32
      %dma_start3A_1133 = tpu.memref_slice %arg8[%dma_start3A_1125, %dma_start3A_1126, %dma_start3A_1132] : memref<2x16x128xi32, #tpu.memory_space<vmem>> -> memref<1x1x128xi32, #tpu.memory_space<vmem>>
      %dma_start3A_1134 = tpu.memref_squeeze %dma_start3A_1133 : memref<1x1x128xi32, #tpu.memory_space<vmem>> -> memref<128xi32, #tpu.memory_space<vmem>>
      %dma_start3A_1135 = arith.constant 0 : i32
      %dma_start3A_1136 = arith.constant 0 : i32
      %dma_start3A_1137 = tpu.memref_slice %arg2[%dma_start3A_1135, %dma_start3A_1136] : memref<100000x16xf32, #tpu.memory_space<hbm>> -> memref<100000x16xf32, #tpu.memory_space<hbm>>
      tpu.enqueue_indirect_dma source(%dma_start3A_1137 : memref<100000x16xf32, #tpu.memory_space<hbm>>) target(%dma_start3A_1131 : memref<128x16xf32, #tpu.memory_space<vmem>>) offsets(%dma_start3A_1134 : memref<128xi32, #tpu.memory_space<vmem>>) semaphore(%arg12 : memref<!tpu.dma_semaphore, #tpu.memory_space<semaphore_mem>>)
      %dma_start3A_1138 = arith.constant 2 : i32
      %dma_start3A_1139 = arith.constant 1 : i32
      %dma_start3A_1140 = arith.constant 2 : i32
      %dma_start3A_1141 = arith.constant 0 : i32
      %dma_start3A_1142 = arith.constant 0 : i32
      %dma_start3A_1143 = tpu.memref_slice %arg10[%dma_start3A_1138, %dma_start3A_1141, %dma_start3A_1142] : memref<8x128x16xf32, #tpu.memory_space<vmem>> -> memref<1x128x16xf32, #tpu.memory_space<vmem>>
      %dma_start3A_1144 = tpu.memref_squeeze %dma_start3A_1143 : memref<1x128x16xf32, #tpu.memory_space<vmem>> -> memref<128x16xf32, #tpu.memory_space<vmem>>
      %dma_start3A_1145 = arith.constant 0 : i32
      %dma_start3A_1146 = tpu.memref_slice %arg9[%dma_start3A_1139, %dma_start3A_1140, %dma_start3A_1145] : memref<2x16x128xi32, #tpu.memory_space<vmem>> -> memref<1x1x128xi32, #tpu.memory_space<vmem>>
      %dma_start3A_1147 = tpu.memref_squeeze %dma_start3A_1146 : memref<1x1x128xi32, #tpu.memory_space<vmem>> -> memref<128xi32, #tpu.memory_space<vmem>>
      %dma_start3A_1148 = arith.constant 0 : i32
      %dma_start3A_1149 = arith.constant 0 : i32
      %dma_start3A_1150 = tpu.memref_slice %arg7[%dma_start3A_1148, %dma_start3A_1149] : memref<8192x16xf32, #tpu.memory_space<vmem_shared>> -> memref<8192x16xf32, #tpu.memory_space<vmem_shared>>
      tpu.enqueue_indirect_dma source(%dma_start3A_1144 : memref<128x16xf32, #tpu.memory_space<vmem>>) target(%dma_start3A_1150 : memref<8192x16xf32, #tpu.memory_space<vmem_shared>>) offsets(%dma_start3A_1147 : memref<128xi32, #tpu.memory_space<vmem>>) semaphore(%arg13 : memref<!tpu.dma_semaphore, #tpu.memory_space<semaphore_mem>>) {add = true}
      %dma_wait3A_1151 = arith.constant 1 : i32
      %dma_wait3A_1152 = arith.constant 3 : i32
      %dma_wait3A_1153 = arith.constant 3 : i32
      %dma_wait3A_1154 = arith.constant 0 : i32
      %dma_wait3A_1155 = arith.constant 0 : i32
      %dma_wait3A_1156 = tpu.memref_slice %arg10[%dma_wait3A_1153, %dma_wait3A_1154, %dma_wait3A_1155] : memref<8x128x16xf32, #tpu.memory_space<vmem>> -> memref<1x128x16xf32, #tpu.memory_space<vmem>>
      %dma_wait3A_1157 = tpu.memref_squeeze %dma_wait3A_1156 : memref<1x128x16xf32, #tpu.memory_space<vmem>> -> memref<128x16xf32, #tpu.memory_space<vmem>>
      %dma_wait3A_1158 = arith.constant 0 : i32
      %dma_wait3A_1159 = tpu.memref_slice %arg8[%dma_wait3A_1151, %dma_wait3A_1152, %dma_wait3A_1158] : memref<2x16x128xi32, #tpu.memory_space<vmem>> -> memref<1x1x128xi32, #tpu.memory_space<vmem>>
      %dma_wait3A_1160 = tpu.memref_squeeze %dma_wait3A_1159 : memref<1x1x128xi32, #tpu.memory_space<vmem>> -> memref<128xi32, #tpu.memory_space<vmem>>
      %dma_wait3A_1161 = arith.constant 0 : i32
      %dma_wait3A_1162 = arith.constant 0 : i32
      %dma_wait3A_1163 = tpu.memref_slice %arg2[%dma_wait3A_1161, %dma_wait3A_1162] : memref<100000x16xf32, #tpu.memory_space<hbm>> -> memref<100000x16xf32, #tpu.memory_space<hbm>>
      tpu.wait_indirect_dma semaphore(%arg12 : memref<!tpu.dma_semaphore, #tpu.memory_space<semaphore_mem>>) src(%dma_wait3A_1163 : memref<100000x16xf32, #tpu.memory_space<hbm>>) dst(%dma_wait3A_1157 : memref<128x16xf32, #tpu.memory_space<vmem>>)
      %dma_wait3A_1164 = arith.constant 2 : i32
      %dma_wait3A_1165 = arith.constant 1 : i32
      %dma_wait3A_1166 = arith.constant 2 : i32
      %dma_wait3A_1167 = arith.constant 0 : i32
      %dma_wait3A_1168 = arith.constant 0 : i32
      %dma_wait3A_1169 = tpu.memref_slice %arg10[%dma_wait3A_1164, %dma_wait3A_1167, %dma_wait3A_1168] : memref<8x128x16xf32, #tpu.memory_space<vmem>> -> memref<1x128x16xf32, #tpu.memory_space<vmem>>
      %dma_wait3A_1170 = tpu.memref_squeeze %dma_wait3A_1169 : memref<1x128x16xf32, #tpu.memory_space<vmem>> -> memref<128x16xf32, #tpu.memory_space<vmem>>
      %dma_wait3A_1171 = arith.constant 0 : i32
      %dma_wait3A_1172 = tpu.memref_slice %arg9[%dma_wait3A_1165, %dma_wait3A_1166, %dma_wait3A_1171] : memref<2x16x128xi32, #tpu.memory_space<vmem>> -> memref<1x1x128xi32, #tpu.memory_space<vmem>>
      %dma_wait3A_1173 = tpu.memref_squeeze %dma_wait3A_1172 : memref<1x1x128xi32, #tpu.memory_space<vmem>> -> memref<128xi32, #tpu.memory_space<vmem>>
      %dma_wait3A_1174 = arith.constant 0 : i32
      %dma_wait3A_1175 = arith.constant 0 : i32
      %dma_wait3A_1176 = tpu.memref_slice %arg7[%dma_wait3A_1174, %dma_wait3A_1175] : memref<8192x16xf32, #tpu.memory_space<vmem_shared>> -> memref<8192x16xf32, #tpu.memory_space<vmem_shared>>
      tpu.wait_indirect_dma semaphore(%arg13 : memref<!tpu.dma_semaphore, #tpu.memory_space<semaphore_mem>>) src(%dma_wait3A_1170 : memref<128x16xf32, #tpu.memory_space<vmem>>) dst(%dma_wait3A_1176 : memref<8192x16xf32, #tpu.memory_space<vmem_shared>>)
      %dma_start3A_1177 = arith.constant 1 : i32
      %dma_start3A_1178 = arith.constant 7 : i32
      %dma_start3A_1179 = arith.constant 7 : i32
      %dma_start3A_1180 = arith.constant 0 : i32
      %dma_start3A_1181 = arith.constant 0 : i32
      %dma_start3A_1182 = tpu.memref_slice %arg10[%dma_start3A_1179, %dma_start3A_1180, %dma_start3A_1181] : memref<8x128x16xf32, #tpu.memory_space<vmem>> -> memref<1x128x16xf32, #tpu.memory_space<vmem>>
      %dma_start3A_1183 = tpu.memref_squeeze %dma_start3A_1182 : memref<1x128x16xf32, #tpu.memory_space<vmem>> -> memref<128x16xf32, #tpu.memory_space<vmem>>
      %dma_start3A_1184 = arith.constant 0 : i32
      %dma_start3A_1185 = tpu.memref_slice %arg8[%dma_start3A_1177, %dma_start3A_1178, %dma_start3A_1184] : memref<2x16x128xi32, #tpu.memory_space<vmem>> -> memref<1x1x128xi32, #tpu.memory_space<vmem>>
      %dma_start3A_1186 = tpu.memref_squeeze %dma_start3A_1185 : memref<1x1x128xi32, #tpu.memory_space<vmem>> -> memref<128xi32, #tpu.memory_space<vmem>>
      %dma_start3A_1187 = arith.constant 0 : i32
      %dma_start3A_1188 = arith.constant 0 : i32
      %dma_start3A_1189 = tpu.memref_slice %arg2[%dma_start3A_1187, %dma_start3A_1188] : memref<100000x16xf32, #tpu.memory_space<hbm>> -> memref<100000x16xf32, #tpu.memory_space<hbm>>
      tpu.enqueue_indirect_dma source(%dma_start3A_1189 : memref<100000x16xf32, #tpu.memory_space<hbm>>) target(%dma_start3A_1183 : memref<128x16xf32, #tpu.memory_space<vmem>>) offsets(%dma_start3A_1186 : memref<128xi32, #tpu.memory_space<vmem>>) semaphore(%arg12 : memref<!tpu.dma_semaphore, #tpu.memory_space<semaphore_mem>>)
      %dma_start3A_1190 = arith.constant 3 : i32
      %dma_start3A_1191 = arith.constant 1 : i32
      %dma_start3A_1192 = arith.constant 3 : i32
      %dma_start3A_1193 = arith.constant 0 : i32
      %dma_start3A_1194 = arith.constant 0 : i32
      %dma_start3A_1195 = tpu.memref_slice %arg10[%dma_start3A_1190, %dma_start3A_1193, %dma_start3A_1194] : memref<8x128x16xf32, #tpu.memory_space<vmem>> -> memref<1x128x16xf32, #tpu.memory_space<vmem>>
      %dma_start3A_1196 = tpu.memref_squeeze %dma_start3A_1195 : memref<1x128x16xf32, #tpu.memory_space<vmem>> -> memref<128x16xf32, #tpu.memory_space<vmem>>
      %dma_start3A_1197 = arith.constant 0 : i32
      %dma_start3A_1198 = tpu.memref_slice %arg9[%dma_start3A_1191, %dma_start3A_1192, %dma_start3A_1197] : memref<2x16x128xi32, #tpu.memory_space<vmem>> -> memref<1x1x128xi32, #tpu.memory_space<vmem>>
      %dma_start3A_1199 = tpu.memref_squeeze %dma_start3A_1198 : memref<1x1x128xi32, #tpu.memory_space<vmem>> -> memref<128xi32, #tpu.memory_space<vmem>>
      %dma_start3A_1200 = arith.constant 0 : i32
      %dma_start3A_1201 = arith.constant 0 : i32
      %dma_start3A_1202 = tpu.memref_slice %arg7[%dma_start3A_1200, %dma_start3A_1201] : memref<8192x16xf32, #tpu.memory_space<vmem_shared>> -> memref<8192x16xf32, #tpu.memory_space<vmem_shared>>
      tpu.enqueue_indirect_dma source(%dma_start3A_1196 : memref<128x16xf32, #tpu.memory_space<vmem>>) target(%dma_start3A_1202 : memref<8192x16xf32, #tpu.memory_space<vmem_shared>>) offsets(%dma_start3A_1199 : memref<128xi32, #tpu.memory_space<vmem>>) semaphore(%arg13 : memref<!tpu.dma_semaphore, #tpu.memory_space<semaphore_mem>>) {add = true}
      %dma_wait3A_1203 = arith.constant 1 : i32
      %dma_wait3A_1204 = arith.constant 4 : i32
      %dma_wait3A_1205 = arith.constant 4 : i32
      %dma_wait3A_1206 = arith.constant 0 : i32
      %dma_wait3A_1207 = arith.constant 0 : i32
      %dma_wait3A_1208 = tpu.memref_slice %arg10[%dma_wait3A_1205, %dma_wait3A_1206, %dma_wait3A_1207] : memref<8x128x16xf32, #tpu.memory_space<vmem>> -> memref<1x128x16xf32, #tpu.memory_space<vmem>>
      %dma_wait3A_1209 = tpu.memref_squeeze %dma_wait3A_1208 : memref<1x128x16xf32, #tpu.memory_space<vmem>> -> memref<128x16xf32, #tpu.memory_space<vmem>>
      %dma_wait3A_1210 = arith.constant 0 : i32
      %dma_wait3A_1211 = tpu.memref_slice %arg8[%dma_wait3A_1203, %dma_wait3A_1204, %dma_wait3A_1210] : memref<2x16x128xi32, #tpu.memory_space<vmem>> -> memref<1x1x128xi32, #tpu.memory_space<vmem>>
      %dma_wait3A_1212 = tpu.memref_squeeze %dma_wait3A_1211 : memref<1x1x128xi32, #tpu.memory_space<vmem>> -> memref<128xi32, #tpu.memory_space<vmem>>
      %dma_wait3A_1213 = arith.constant 0 : i32
      %dma_wait3A_1214 = arith.constant 0 : i32
      %dma_wait3A_1215 = tpu.memref_slice %arg2[%dma_wait3A_1213, %dma_wait3A_1214] : memref<100000x16xf32, #tpu.memory_space<hbm>> -> memref<100000x16xf32, #tpu.memory_space<hbm>>
      tpu.wait_indirect_dma semaphore(%arg12 : memref<!tpu.dma_semaphore, #tpu.memory_space<semaphore_mem>>) src(%dma_wait3A_1215 : memref<100000x16xf32, #tpu.memory_space<hbm>>) dst(%dma_wait3A_1209 : memref<128x16xf32, #tpu.memory_space<vmem>>)
      %dma_wait3A_1216 = arith.constant 3 : i32
      %dma_wait3A_1217 = arith.constant 1 : i32
      %dma_wait3A_1218 = arith.constant 3 : i32
      %dma_wait3A_1219 = arith.constant 0 : i32
      %dma_wait3A_1220 = arith.constant 0 : i32
      %dma_wait3A_1221 = tpu.memref_slice %arg10[%dma_wait3A_1216, %dma_wait3A_1219, %dma_wait3A_1220] : memref<8x128x16xf32, #tpu.memory_space<vmem>> -> memref<1x128x16xf32, #tpu.memory_space<vmem>>
      %dma_wait3A_1222 = tpu.memref_squeeze %dma_wait3A_1221 : memref<1x128x16xf32, #tpu.memory_space<vmem>> -> memref<128x16xf32, #tpu.memory_space<vmem>>
      %dma_wait3A_1223 = arith.constant 0 : i32
      %dma_wait3A_1224 = tpu.memref_slice %arg9[%dma_wait3A_1217, %dma_wait3A_1218, %dma_wait3A_1223] : memref<2x16x128xi32, #tpu.memory_space<vmem>> -> memref<1x1x128xi32, #tpu.memory_space<vmem>>
      %dma_wait3A_1225 = tpu.memref_squeeze %dma_wait3A_1224 : memref<1x1x128xi32, #tpu.memory_space<vmem>> -> memref<128xi32, #tpu.memory_space<vmem>>
      %dma_wait3A_1226 = arith.constant 0 : i32
      %dma_wait3A_1227 = arith.constant 0 : i32
      %dma_wait3A_1228 = tpu.memref_slice %arg7[%dma_wait3A_1226, %dma_wait3A_1227] : memref<8192x16xf32, #tpu.memory_space<vmem_shared>> -> memref<8192x16xf32, #tpu.memory_space<vmem_shared>>
      tpu.wait_indirect_dma semaphore(%arg13 : memref<!tpu.dma_semaphore, #tpu.memory_space<semaphore_mem>>) src(%dma_wait3A_1222 : memref<128x16xf32, #tpu.memory_space<vmem>>) dst(%dma_wait3A_1228 : memref<8192x16xf32, #tpu.memory_space<vmem_shared>>)
      %dma_start3A_1229 = arith.constant 1 : i32
      %dma_start3A_1230 = arith.constant 8 : i32
      %dma_start3A_1231 = arith.constant 0 : i32
      %dma_start3A_1232 = arith.constant 0 : i32
      %dma_start3A_1233 = arith.constant 0 : i32
      %dma_start3A_1234 = tpu.memref_slice %arg10[%dma_start3A_1231, %dma_start3A_1232, %dma_start3A_1233] : memref<8x128x16xf32, #tpu.memory_space<vmem>> -> memref<1x128x16xf32, #tpu.memory_space<vmem>>
      %dma_start3A_1235 = tpu.memref_squeeze %dma_start3A_1234 : memref<1x128x16xf32, #tpu.memory_space<vmem>> -> memref<128x16xf32, #tpu.memory_space<vmem>>
      %dma_start3A_1236 = arith.constant 0 : i32
      %dma_start3A_1237 = tpu.memref_slice %arg8[%dma_start3A_1229, %dma_start3A_1230, %dma_start3A_1236] : memref<2x16x128xi32, #tpu.memory_space<vmem>> -> memref<1x1x128xi32, #tpu.memory_space<vmem>>
      %dma_start3A_1238 = tpu.memref_squeeze %dma_start3A_1237 : memref<1x1x128xi32, #tpu.memory_space<vmem>> -> memref<128xi32, #tpu.memory_space<vmem>>
      %dma_start3A_1239 = arith.constant 0 : i32
      %dma_start3A_1240 = arith.constant 0 : i32
      %dma_start3A_1241 = tpu.memref_slice %arg2[%dma_start3A_1239, %dma_start3A_1240] : memref<100000x16xf32, #tpu.memory_space<hbm>> -> memref<100000x16xf32, #tpu.memory_space<hbm>>
      tpu.enqueue_indirect_dma source(%dma_start3A_1241 : memref<100000x16xf32, #tpu.memory_space<hbm>>) target(%dma_start3A_1235 : memref<128x16xf32, #tpu.memory_space<vmem>>) offsets(%dma_start3A_1238 : memref<128xi32, #tpu.memory_space<vmem>>) semaphore(%arg12 : memref<!tpu.dma_semaphore, #tpu.memory_space<semaphore_mem>>)
      %dma_start3A_1242 = arith.constant 4 : i32
      %dma_start3A_1243 = arith.constant 1 : i32
      %dma_start3A_1244 = arith.constant 4 : i32
      %dma_start3A_1245 = arith.constant 0 : i32
      %dma_start3A_1246 = arith.constant 0 : i32
      %dma_start3A_1247 = tpu.memref_slice %arg10[%dma_start3A_1242, %dma_start3A_1245, %dma_start3A_1246] : memref<8x128x16xf32, #tpu.memory_space<vmem>> -> memref<1x128x16xf32, #tpu.memory_space<vmem>>
      %dma_start3A_1248 = tpu.memref_squeeze %dma_start3A_1247 : memref<1x128x16xf32, #tpu.memory_space<vmem>> -> memref<128x16xf32, #tpu.memory_space<vmem>>
      %dma_start3A_1249 = arith.constant 0 : i32
      %dma_start3A_1250 = tpu.memref_slice %arg9[%dma_start3A_1243, %dma_start3A_1244, %dma_start3A_1249] : memref<2x16x128xi32, #tpu.memory_space<vmem>> -> memref<1x1x128xi32, #tpu.memory_space<vmem>>
      %dma_start3A_1251 = tpu.memref_squeeze %dma_start3A_1250 : memref<1x1x128xi32, #tpu.memory_space<vmem>> -> memref<128xi32, #tpu.memory_space<vmem>>
      %dma_start3A_1252 = arith.constant 0 : i32
      %dma_start3A_1253 = arith.constant 0 : i32
      %dma_start3A_1254 = tpu.memref_slice %arg7[%dma_start3A_1252, %dma_start3A_1253] : memref<8192x16xf32, #tpu.memory_space<vmem_shared>> -> memref<8192x16xf32, #tpu.memory_space<vmem_shared>>
      tpu.enqueue_indirect_dma source(%dma_start3A_1248 : memref<128x16xf32, #tpu.memory_space<vmem>>) target(%dma_start3A_1254 : memref<8192x16xf32, #tpu.memory_space<vmem_shared>>) offsets(%dma_start3A_1251 : memref<128xi32, #tpu.memory_space<vmem>>) semaphore(%arg13 : memref<!tpu.dma_semaphore, #tpu.memory_space<semaphore_mem>>) {add = true}
      %dma_wait3A_1255 = arith.constant 1 : i32
      %dma_wait3A_1256 = arith.constant 5 : i32
      %dma_wait3A_1257 = arith.constant 5 : i32
      %dma_wait3A_1258 = arith.constant 0 : i32
      %dma_wait3A_1259 = arith.constant 0 : i32
      %dma_wait3A_1260 = tpu.memref_slice %arg10[%dma_wait3A_1257, %dma_wait3A_1258, %dma_wait3A_1259] : memref<8x128x16xf32, #tpu.memory_space<vmem>> -> memref<1x128x16xf32, #tpu.memory_space<vmem>>
      %dma_wait3A_1261 = tpu.memref_squeeze %dma_wait3A_1260 : memref<1x128x16xf32, #tpu.memory_space<vmem>> -> memref<128x16xf32, #tpu.memory_space<vmem>>
      %dma_wait3A_1262 = arith.constant 0 : i32
      %dma_wait3A_1263 = tpu.memref_slice %arg8[%dma_wait3A_1255, %dma_wait3A_1256, %dma_wait3A_1262] : memref<2x16x128xi32, #tpu.memory_space<vmem>> -> memref<1x1x128xi32, #tpu.memory_space<vmem>>
      %dma_wait3A_1264 = tpu.memref_squeeze %dma_wait3A_1263 : memref<1x1x128xi32, #tpu.memory_space<vmem>> -> memref<128xi32, #tpu.memory_space<vmem>>
      %dma_wait3A_1265 = arith.constant 0 : i32
      %dma_wait3A_1266 = arith.constant 0 : i32
      %dma_wait3A_1267 = tpu.memref_slice %arg2[%dma_wait3A_1265, %dma_wait3A_1266] : memref<100000x16xf32, #tpu.memory_space<hbm>> -> memref<100000x16xf32, #tpu.memory_space<hbm>>
      tpu.wait_indirect_dma semaphore(%arg12 : memref<!tpu.dma_semaphore, #tpu.memory_space<semaphore_mem>>) src(%dma_wait3A_1267 : memref<100000x16xf32, #tpu.memory_space<hbm>>) dst(%dma_wait3A_1261 : memref<128x16xf32, #tpu.memory_space<vmem>>)
      %dma_wait3A_1268 = arith.constant 4 : i32
      %dma_wait3A_1269 = arith.constant 1 : i32
      %dma_wait3A_1270 = arith.constant 4 : i32
      %dma_wait3A_1271 = arith.constant 0 : i32
      %dma_wait3A_1272 = arith.constant 0 : i32
      %dma_wait3A_1273 = tpu.memref_slice %arg10[%dma_wait3A_1268, %dma_wait3A_1271, %dma_wait3A_1272] : memref<8x128x16xf32, #tpu.memory_space<vmem>> -> memref<1x128x16xf32, #tpu.memory_space<vmem>>
      %dma_wait3A_1274 = tpu.memref_squeeze %dma_wait3A_1273 : memref<1x128x16xf32, #tpu.memory_space<vmem>> -> memref<128x16xf32, #tpu.memory_space<vmem>>
      %dma_wait3A_1275 = arith.constant 0 : i32
      %dma_wait3A_1276 = tpu.memref_slice %arg9[%dma_wait3A_1269, %dma_wait3A_1270, %dma_wait3A_1275] : memref<2x16x128xi32, #tpu.memory_space<vmem>> -> memref<1x1x128xi32, #tpu.memory_space<vmem>>
      %dma_wait3A_1277 = tpu.memref_squeeze %dma_wait3A_1276 : memref<1x1x128xi32, #tpu.memory_space<vmem>> -> memref<128xi32, #tpu.memory_space<vmem>>
      %dma_wait3A_1278 = arith.constant 0 : i32
      %dma_wait3A_1279 = arith.constant 0 : i32
      %dma_wait3A_1280 = tpu.memref_slice %arg7[%dma_wait3A_1278, %dma_wait3A_1279] : memref<8192x16xf32, #tpu.memory_space<vmem_shared>> -> memref<8192x16xf32, #tpu.memory_space<vmem_shared>>
      tpu.wait_indirect_dma semaphore(%arg13 : memref<!tpu.dma_semaphore, #tpu.memory_space<semaphore_mem>>) src(%dma_wait3A_1274 : memref<128x16xf32, #tpu.memory_space<vmem>>) dst(%dma_wait3A_1280 : memref<8192x16xf32, #tpu.memory_space<vmem_shared>>)
      %dma_start3A_1281 = arith.constant 1 : i32
      %dma_start3A_1282 = arith.constant 9 : i32
      %dma_start3A_1283 = arith.constant 1 : i32
      %dma_start3A_1284 = arith.constant 0 : i32
      %dma_start3A_1285 = arith.constant 0 : i32
      %dma_start3A_1286 = tpu.memref_slice %arg10[%dma_start3A_1283, %dma_start3A_1284, %dma_start3A_1285] : memref<8x128x16xf32, #tpu.memory_space<vmem>> -> memref<1x128x16xf32, #tpu.memory_space<vmem>>
      %dma_start3A_1287 = tpu.memref_squeeze %dma_start3A_1286 : memref<1x128x16xf32, #tpu.memory_space<vmem>> -> memref<128x16xf32, #tpu.memory_space<vmem>>
      %dma_start3A_1288 = arith.constant 0 : i32
      %dma_start3A_1289 = tpu.memref_slice %arg8[%dma_start3A_1281, %dma_start3A_1282, %dma_start3A_1288] : memref<2x16x128xi32, #tpu.memory_space<vmem>> -> memref<1x1x128xi32, #tpu.memory_space<vmem>>
      %dma_start3A_1290 = tpu.memref_squeeze %dma_start3A_1289 : memref<1x1x128xi32, #tpu.memory_space<vmem>> -> memref<128xi32, #tpu.memory_space<vmem>>
      %dma_start3A_1291 = arith.constant 0 : i32
      %dma_start3A_1292 = arith.constant 0 : i32
      %dma_start3A_1293 = tpu.memref_slice %arg2[%dma_start3A_1291, %dma_start3A_1292] : memref<100000x16xf32, #tpu.memory_space<hbm>> -> memref<100000x16xf32, #tpu.memory_space<hbm>>
      tpu.enqueue_indirect_dma source(%dma_start3A_1293 : memref<100000x16xf32, #tpu.memory_space<hbm>>) target(%dma_start3A_1287 : memref<128x16xf32, #tpu.memory_space<vmem>>) offsets(%dma_start3A_1290 : memref<128xi32, #tpu.memory_space<vmem>>) semaphore(%arg12 : memref<!tpu.dma_semaphore, #tpu.memory_space<semaphore_mem>>)
      %dma_start3A_1294 = arith.constant 5 : i32
      %dma_start3A_1295 = arith.constant 1 : i32
      %dma_start3A_1296 = arith.constant 5 : i32
      %dma_start3A_1297 = arith.constant 0 : i32
      %dma_start3A_1298 = arith.constant 0 : i32
      %dma_start3A_1299 = tpu.memref_slice %arg10[%dma_start3A_1294, %dma_start3A_1297, %dma_start3A_1298] : memref<8x128x16xf32, #tpu.memory_space<vmem>> -> memref<1x128x16xf32, #tpu.memory_space<vmem>>
      %dma_start3A_1300 = tpu.memref_squeeze %dma_start3A_1299 : memref<1x128x16xf32, #tpu.memory_space<vmem>> -> memref<128x16xf32, #tpu.memory_space<vmem>>
      %dma_start3A_1301 = arith.constant 0 : i32
      %dma_start3A_1302 = tpu.memref_slice %arg9[%dma_start3A_1295, %dma_start3A_1296, %dma_start3A_1301] : memref<2x16x128xi32, #tpu.memory_space<vmem>> -> memref<1x1x128xi32, #tpu.memory_space<vmem>>
      %dma_start3A_1303 = tpu.memref_squeeze %dma_start3A_1302 : memref<1x1x128xi32, #tpu.memory_space<vmem>> -> memref<128xi32, #tpu.memory_space<vmem>>
      %dma_start3A_1304 = arith.constant 0 : i32
      %dma_start3A_1305 = arith.constant 0 : i32
      %dma_start3A_1306 = tpu.memref_slice %arg7[%dma_start3A_1304, %dma_start3A_1305] : memref<8192x16xf32, #tpu.memory_space<vmem_shared>> -> memref<8192x16xf32, #tpu.memory_space<vmem_shared>>
      tpu.enqueue_indirect_dma source(%dma_start3A_1300 : memref<128x16xf32, #tpu.memory_space<vmem>>) target(%dma_start3A_1306 : memref<8192x16xf32, #tpu.memory_space<vmem_shared>>) offsets(%dma_start3A_1303 : memref<128xi32, #tpu.memory_space<vmem>>) semaphore(%arg13 : memref<!tpu.dma_semaphore, #tpu.memory_space<semaphore_mem>>) {add = true}
      %dma_wait3A_1307 = arith.constant 1 : i32
      %dma_wait3A_1308 = arith.constant 6 : i32
      %dma_wait3A_1309 = arith.constant 6 : i32
      %dma_wait3A_1310 = arith.constant 0 : i32
      %dma_wait3A_1311 = arith.constant 0 : i32
      %dma_wait3A_1312 = tpu.memref_slice %arg10[%dma_wait3A_1309, %dma_wait3A_1310, %dma_wait3A_1311] : memref<8x128x16xf32, #tpu.memory_space<vmem>> -> memref<1x128x16xf32, #tpu.memory_space<vmem>>
      %dma_wait3A_1313 = tpu.memref_squeeze %dma_wait3A_1312 : memref<1x128x16xf32, #tpu.memory_space<vmem>> -> memref<128x16xf32, #tpu.memory_space<vmem>>
      %dma_wait3A_1314 = arith.constant 0 : i32
      %dma_wait3A_1315 = tpu.memref_slice %arg8[%dma_wait3A_1307, %dma_wait3A_1308, %dma_wait3A_1314] : memref<2x16x128xi32, #tpu.memory_space<vmem>> -> memref<1x1x128xi32, #tpu.memory_space<vmem>>
      %dma_wait3A_1316 = tpu.memref_squeeze %dma_wait3A_1315 : memref<1x1x128xi32, #tpu.memory_space<vmem>> -> memref<128xi32, #tpu.memory_space<vmem>>
      %dma_wait3A_1317 = arith.constant 0 : i32
      %dma_wait3A_1318 = arith.constant 0 : i32
      %dma_wait3A_1319 = tpu.memref_slice %arg2[%dma_wait3A_1317, %dma_wait3A_1318] : memref<100000x16xf32, #tpu.memory_space<hbm>> -> memref<100000x16xf32, #tpu.memory_space<hbm>>
      tpu.wait_indirect_dma semaphore(%arg12 : memref<!tpu.dma_semaphore, #tpu.memory_space<semaphore_mem>>) src(%dma_wait3A_1319 : memref<100000x16xf32, #tpu.memory_space<hbm>>) dst(%dma_wait3A_1313 : memref<128x16xf32, #tpu.memory_space<vmem>>)
      %dma_wait3A_1320 = arith.constant 5 : i32
      %dma_wait3A_1321 = arith.constant 1 : i32
      %dma_wait3A_1322 = arith.constant 5 : i32
      %dma_wait3A_1323 = arith.constant 0 : i32
      %dma_wait3A_1324 = arith.constant 0 : i32
      %dma_wait3A_1325 = tpu.memref_slice %arg10[%dma_wait3A_1320, %dma_wait3A_1323, %dma_wait3A_1324] : memref<8x128x16xf32, #tpu.memory_space<vmem>> -> memref<1x128x16xf32, #tpu.memory_space<vmem>>
      %dma_wait3A_1326 = tpu.memref_squeeze %dma_wait3A_1325 : memref<1x128x16xf32, #tpu.memory_space<vmem>> -> memref<128x16xf32, #tpu.memory_space<vmem>>
      %dma_wait3A_1327 = arith.constant 0 : i32
      %dma_wait3A_1328 = tpu.memref_slice %arg9[%dma_wait3A_1321, %dma_wait3A_1322, %dma_wait3A_1327] : memref<2x16x128xi32, #tpu.memory_space<vmem>> -> memref<1x1x128xi32, #tpu.memory_space<vmem>>
      %dma_wait3A_1329 = tpu.memref_squeeze %dma_wait3A_1328 : memref<1x1x128xi32, #tpu.memory_space<vmem>> -> memref<128xi32, #tpu.memory_space<vmem>>
      %dma_wait3A_1330 = arith.constant 0 : i32
      %dma_wait3A_1331 = arith.constant 0 : i32
      %dma_wait3A_1332 = tpu.memref_slice %arg7[%dma_wait3A_1330, %dma_wait3A_1331] : memref<8192x16xf32, #tpu.memory_space<vmem_shared>> -> memref<8192x16xf32, #tpu.memory_space<vmem_shared>>
      tpu.wait_indirect_dma semaphore(%arg13 : memref<!tpu.dma_semaphore, #tpu.memory_space<semaphore_mem>>) src(%dma_wait3A_1326 : memref<128x16xf32, #tpu.memory_space<vmem>>) dst(%dma_wait3A_1332 : memref<8192x16xf32, #tpu.memory_space<vmem_shared>>)
      %dma_start3A_1333 = arith.constant 1 : i32
      %dma_start3A_1334 = arith.constant 10 : i32
      %dma_start3A_1335 = arith.constant 2 : i32
      %dma_start3A_1336 = arith.constant 0 : i32
      %dma_start3A_1337 = arith.constant 0 : i32
      %dma_start3A_1338 = tpu.memref_slice %arg10[%dma_start3A_1335, %dma_start3A_1336, %dma_start3A_1337] : memref<8x128x16xf32, #tpu.memory_space<vmem>> -> memref<1x128x16xf32, #tpu.memory_space<vmem>>
      %dma_start3A_1339 = tpu.memref_squeeze %dma_start3A_1338 : memref<1x128x16xf32, #tpu.memory_space<vmem>> -> memref<128x16xf32, #tpu.memory_space<vmem>>
      %dma_start3A_1340 = arith.constant 0 : i32
      %dma_start3A_1341 = tpu.memref_slice %arg8[%dma_start3A_1333, %dma_start3A_1334, %dma_start3A_1340] : memref<2x16x128xi32, #tpu.memory_space<vmem>> -> memref<1x1x128xi32, #tpu.memory_space<vmem>>
      %dma_start3A_1342 = tpu.memref_squeeze %dma_start3A_1341 : memref<1x1x128xi32, #tpu.memory_space<vmem>> -> memref<128xi32, #tpu.memory_space<vmem>>
      %dma_start3A_1343 = arith.constant 0 : i32
      %dma_start3A_1344 = arith.constant 0 : i32
      %dma_start3A_1345 = tpu.memref_slice %arg2[%dma_start3A_1343, %dma_start3A_1344] : memref<100000x16xf32, #tpu.memory_space<hbm>> -> memref<100000x16xf32, #tpu.memory_space<hbm>>
      tpu.enqueue_indirect_dma source(%dma_start3A_1345 : memref<100000x16xf32, #tpu.memory_space<hbm>>) target(%dma_start3A_1339 : memref<128x16xf32, #tpu.memory_space<vmem>>) offsets(%dma_start3A_1342 : memref<128xi32, #tpu.memory_space<vmem>>) semaphore(%arg12 : memref<!tpu.dma_semaphore, #tpu.memory_space<semaphore_mem>>)
      %dma_start3A_1346 = arith.constant 6 : i32
      %dma_start3A_1347 = arith.constant 1 : i32
      %dma_start3A_1348 = arith.constant 6 : i32
      %dma_start3A_1349 = arith.constant 0 : i32
      %dma_start3A_1350 = arith.constant 0 : i32
      %dma_start3A_1351 = tpu.memref_slice %arg10[%dma_start3A_1346, %dma_start3A_1349, %dma_start3A_1350] : memref<8x128x16xf32, #tpu.memory_space<vmem>> -> memref<1x128x16xf32, #tpu.memory_space<vmem>>
      %dma_start3A_1352 = tpu.memref_squeeze %dma_start3A_1351 : memref<1x128x16xf32, #tpu.memory_space<vmem>> -> memref<128x16xf32, #tpu.memory_space<vmem>>
      %dma_start3A_1353 = arith.constant 0 : i32
      %dma_start3A_1354 = tpu.memref_slice %arg9[%dma_start3A_1347, %dma_start3A_1348, %dma_start3A_1353] : memref<2x16x128xi32, #tpu.memory_space<vmem>> -> memref<1x1x128xi32, #tpu.memory_space<vmem>>
      %dma_start3A_1355 = tpu.memref_squeeze %dma_start3A_1354 : memref<1x1x128xi32, #tpu.memory_space<vmem>> -> memref<128xi32, #tpu.memory_space<vmem>>
      %dma_start3A_1356 = arith.constant 0 : i32
      %dma_start3A_1357 = arith.constant 0 : i32
      %dma_start3A_1358 = tpu.memref_slice %arg7[%dma_start3A_1356, %dma_start3A_1357] : memref<8192x16xf32, #tpu.memory_space<vmem_shared>> -> memref<8192x16xf32, #tpu.memory_space<vmem_shared>>
      tpu.enqueue_indirect_dma source(%dma_start3A_1352 : memref<128x16xf32, #tpu.memory_space<vmem>>) target(%dma_start3A_1358 : memref<8192x16xf32, #tpu.memory_space<vmem_shared>>) offsets(%dma_start3A_1355 : memref<128xi32, #tpu.memory_space<vmem>>) semaphore(%arg13 : memref<!tpu.dma_semaphore, #tpu.memory_space<semaphore_mem>>) {add = true}
      %dma_wait3A_1359 = arith.constant 1 : i32
      %dma_wait3A_1360 = arith.constant 7 : i32
      %dma_wait3A_1361 = arith.constant 7 : i32
      %dma_wait3A_1362 = arith.constant 0 : i32
      %dma_wait3A_1363 = arith.constant 0 : i32
      %dma_wait3A_1364 = tpu.memref_slice %arg10[%dma_wait3A_1361, %dma_wait3A_1362, %dma_wait3A_1363] : memref<8x128x16xf32, #tpu.memory_space<vmem>> -> memref<1x128x16xf32, #tpu.memory_space<vmem>>
      %dma_wait3A_1365 = tpu.memref_squeeze %dma_wait3A_1364 : memref<1x128x16xf32, #tpu.memory_space<vmem>> -> memref<128x16xf32, #tpu.memory_space<vmem>>
      %dma_wait3A_1366 = arith.constant 0 : i32
      %dma_wait3A_1367 = tpu.memref_slice %arg8[%dma_wait3A_1359, %dma_wait3A_1360, %dma_wait3A_1366] : memref<2x16x128xi32, #tpu.memory_space<vmem>> -> memref<1x1x128xi32, #tpu.memory_space<vmem>>
      %dma_wait3A_1368 = tpu.memref_squeeze %dma_wait3A_1367 : memref<1x1x128xi32, #tpu.memory_space<vmem>> -> memref<128xi32, #tpu.memory_space<vmem>>
      %dma_wait3A_1369 = arith.constant 0 : i32
      %dma_wait3A_1370 = arith.constant 0 : i32
      %dma_wait3A_1371 = tpu.memref_slice %arg2[%dma_wait3A_1369, %dma_wait3A_1370] : memref<100000x16xf32, #tpu.memory_space<hbm>> -> memref<100000x16xf32, #tpu.memory_space<hbm>>
      tpu.wait_indirect_dma semaphore(%arg12 : memref<!tpu.dma_semaphore, #tpu.memory_space<semaphore_mem>>) src(%dma_wait3A_1371 : memref<100000x16xf32, #tpu.memory_space<hbm>>) dst(%dma_wait3A_1365 : memref<128x16xf32, #tpu.memory_space<vmem>>)
      %dma_wait3A_1372 = arith.constant 6 : i32
      %dma_wait3A_1373 = arith.constant 1 : i32
      %dma_wait3A_1374 = arith.constant 6 : i32
      %dma_wait3A_1375 = arith.constant 0 : i32
      %dma_wait3A_1376 = arith.constant 0 : i32
      %dma_wait3A_1377 = tpu.memref_slice %arg10[%dma_wait3A_1372, %dma_wait3A_1375, %dma_wait3A_1376] : memref<8x128x16xf32, #tpu.memory_space<vmem>> -> memref<1x128x16xf32, #tpu.memory_space<vmem>>
      %dma_wait3A_1378 = tpu.memref_squeeze %dma_wait3A_1377 : memref<1x128x16xf32, #tpu.memory_space<vmem>> -> memref<128x16xf32, #tpu.memory_space<vmem>>
      %dma_wait3A_1379 = arith.constant 0 : i32
      %dma_wait3A_1380 = tpu.memref_slice %arg9[%dma_wait3A_1373, %dma_wait3A_1374, %dma_wait3A_1379] : memref<2x16x128xi32, #tpu.memory_space<vmem>> -> memref<1x1x128xi32, #tpu.memory_space<vmem>>
      %dma_wait3A_1381 = tpu.memref_squeeze %dma_wait3A_1380 : memref<1x1x128xi32, #tpu.memory_space<vmem>> -> memref<128xi32, #tpu.memory_space<vmem>>
      %dma_wait3A_1382 = arith.constant 0 : i32
      %dma_wait3A_1383 = arith.constant 0 : i32
      %dma_wait3A_1384 = tpu.memref_slice %arg7[%dma_wait3A_1382, %dma_wait3A_1383] : memref<8192x16xf32, #tpu.memory_space<vmem_shared>> -> memref<8192x16xf32, #tpu.memory_space<vmem_shared>>
      tpu.wait_indirect_dma semaphore(%arg13 : memref<!tpu.dma_semaphore, #tpu.memory_space<semaphore_mem>>) src(%dma_wait3A_1378 : memref<128x16xf32, #tpu.memory_space<vmem>>) dst(%dma_wait3A_1384 : memref<8192x16xf32, #tpu.memory_space<vmem_shared>>)
      %dma_start3A_1385 = arith.constant 1 : i32
      %dma_start3A_1386 = arith.constant 11 : i32
      %dma_start3A_1387 = arith.constant 3 : i32
      %dma_start3A_1388 = arith.constant 0 : i32
      %dma_start3A_1389 = arith.constant 0 : i32
      %dma_start3A_1390 = tpu.memref_slice %arg10[%dma_start3A_1387, %dma_start3A_1388, %dma_start3A_1389] : memref<8x128x16xf32, #tpu.memory_space<vmem>> -> memref<1x128x16xf32, #tpu.memory_space<vmem>>
      %dma_start3A_1391 = tpu.memref_squeeze %dma_start3A_1390 : memref<1x128x16xf32, #tpu.memory_space<vmem>> -> memref<128x16xf32, #tpu.memory_space<vmem>>
      %dma_start3A_1392 = arith.constant 0 : i32
      %dma_start3A_1393 = tpu.memref_slice %arg8[%dma_start3A_1385, %dma_start3A_1386, %dma_start3A_1392] : memref<2x16x128xi32, #tpu.memory_space<vmem>> -> memref<1x1x128xi32, #tpu.memory_space<vmem>>
      %dma_start3A_1394 = tpu.memref_squeeze %dma_start3A_1393 : memref<1x1x128xi32, #tpu.memory_space<vmem>> -> memref<128xi32, #tpu.memory_space<vmem>>
      %dma_start3A_1395 = arith.constant 0 : i32
      %dma_start3A_1396 = arith.constant 0 : i32
      %dma_start3A_1397 = tpu.memref_slice %arg2[%dma_start3A_1395, %dma_start3A_1396] : memref<100000x16xf32, #tpu.memory_space<hbm>> -> memref<100000x16xf32, #tpu.memory_space<hbm>>
      tpu.enqueue_indirect_dma source(%dma_start3A_1397 : memref<100000x16xf32, #tpu.memory_space<hbm>>) target(%dma_start3A_1391 : memref<128x16xf32, #tpu.memory_space<vmem>>) offsets(%dma_start3A_1394 : memref<128xi32, #tpu.memory_space<vmem>>) semaphore(%arg12 : memref<!tpu.dma_semaphore, #tpu.memory_space<semaphore_mem>>)
      %dma_start3A_1398 = arith.constant 7 : i32
      %dma_start3A_1399 = arith.constant 1 : i32
      %dma_start3A_1400 = arith.constant 7 : i32
      %dma_start3A_1401 = arith.constant 0 : i32
      %dma_start3A_1402 = arith.constant 0 : i32
      %dma_start3A_1403 = tpu.memref_slice %arg10[%dma_start3A_1398, %dma_start3A_1401, %dma_start3A_1402] : memref<8x128x16xf32, #tpu.memory_space<vmem>> -> memref<1x128x16xf32, #tpu.memory_space<vmem>>
      %dma_start3A_1404 = tpu.memref_squeeze %dma_start3A_1403 : memref<1x128x16xf32, #tpu.memory_space<vmem>> -> memref<128x16xf32, #tpu.memory_space<vmem>>
      %dma_start3A_1405 = arith.constant 0 : i32
      %dma_start3A_1406 = tpu.memref_slice %arg9[%dma_start3A_1399, %dma_start3A_1400, %dma_start3A_1405] : memref<2x16x128xi32, #tpu.memory_space<vmem>> -> memref<1x1x128xi32, #tpu.memory_space<vmem>>
      %dma_start3A_1407 = tpu.memref_squeeze %dma_start3A_1406 : memref<1x1x128xi32, #tpu.memory_space<vmem>> -> memref<128xi32, #tpu.memory_space<vmem>>
      %dma_start3A_1408 = arith.constant 0 : i32
      %dma_start3A_1409 = arith.constant 0 : i32
      %dma_start3A_1410 = tpu.memref_slice %arg7[%dma_start3A_1408, %dma_start3A_1409] : memref<8192x16xf32, #tpu.memory_space<vmem_shared>> -> memref<8192x16xf32, #tpu.memory_space<vmem_shared>>
      tpu.enqueue_indirect_dma source(%dma_start3A_1404 : memref<128x16xf32, #tpu.memory_space<vmem>>) target(%dma_start3A_1410 : memref<8192x16xf32, #tpu.memory_space<vmem_shared>>) offsets(%dma_start3A_1407 : memref<128xi32, #tpu.memory_space<vmem>>) semaphore(%arg13 : memref<!tpu.dma_semaphore, #tpu.memory_space<semaphore_mem>>) {add = true}
      %dma_wait3A_1411 = arith.constant 1 : i32
      %dma_wait3A_1412 = arith.constant 8 : i32
      %dma_wait3A_1413 = arith.constant 0 : i32
      %dma_wait3A_1414 = arith.constant 0 : i32
      %dma_wait3A_1415 = arith.constant 0 : i32
      %dma_wait3A_1416 = tpu.memref_slice %arg10[%dma_wait3A_1413, %dma_wait3A_1414, %dma_wait3A_1415] : memref<8x128x16xf32, #tpu.memory_space<vmem>> -> memref<1x128x16xf32, #tpu.memory_space<vmem>>
      %dma_wait3A_1417 = tpu.memref_squeeze %dma_wait3A_1416 : memref<1x128x16xf32, #tpu.memory_space<vmem>> -> memref<128x16xf32, #tpu.memory_space<vmem>>
      %dma_wait3A_1418 = arith.constant 0 : i32
      %dma_wait3A_1419 = tpu.memref_slice %arg8[%dma_wait3A_1411, %dma_wait3A_1412, %dma_wait3A_1418] : memref<2x16x128xi32, #tpu.memory_space<vmem>> -> memref<1x1x128xi32, #tpu.memory_space<vmem>>
      %dma_wait3A_1420 = tpu.memref_squeeze %dma_wait3A_1419 : memref<1x1x128xi32, #tpu.memory_space<vmem>> -> memref<128xi32, #tpu.memory_space<vmem>>
      %dma_wait3A_1421 = arith.constant 0 : i32
      %dma_wait3A_1422 = arith.constant 0 : i32
      %dma_wait3A_1423 = tpu.memref_slice %arg2[%dma_wait3A_1421, %dma_wait3A_1422] : memref<100000x16xf32, #tpu.memory_space<hbm>> -> memref<100000x16xf32, #tpu.memory_space<hbm>>
      tpu.wait_indirect_dma semaphore(%arg12 : memref<!tpu.dma_semaphore, #tpu.memory_space<semaphore_mem>>) src(%dma_wait3A_1423 : memref<100000x16xf32, #tpu.memory_space<hbm>>) dst(%dma_wait3A_1417 : memref<128x16xf32, #tpu.memory_space<vmem>>)
      %dma_wait3A_1424 = arith.constant 7 : i32
      %dma_wait3A_1425 = arith.constant 1 : i32
      %dma_wait3A_1426 = arith.constant 7 : i32
      %dma_wait3A_1427 = arith.constant 0 : i32
      %dma_wait3A_1428 = arith.constant 0 : i32
      %dma_wait3A_1429 = tpu.memref_slice %arg10[%dma_wait3A_1424, %dma_wait3A_1427, %dma_wait3A_1428] : memref<8x128x16xf32, #tpu.memory_space<vmem>> -> memref<1x128x16xf32, #tpu.memory_space<vmem>>
      %dma_wait3A_1430 = tpu.memref_squeeze %dma_wait3A_1429 : memref<1x128x16xf32, #tpu.memory_space<vmem>> -> memref<128x16xf32, #tpu.memory_space<vmem>>
      %dma_wait3A_1431 = arith.constant 0 : i32
      %dma_wait3A_1432 = tpu.memref_slice %arg9[%dma_wait3A_1425, %dma_wait3A_1426, %dma_wait3A_1431] : memref<2x16x128xi32, #tpu.memory_space<vmem>> -> memref<1x1x128xi32, #tpu.memory_space<vmem>>
      %dma_wait3A_1433 = tpu.memref_squeeze %dma_wait3A_1432 : memref<1x1x128xi32, #tpu.memory_space<vmem>> -> memref<128xi32, #tpu.memory_space<vmem>>
      %dma_wait3A_1434 = arith.constant 0 : i32
      %dma_wait3A_1435 = arith.constant 0 : i32
      %dma_wait3A_1436 = tpu.memref_slice %arg7[%dma_wait3A_1434, %dma_wait3A_1435] : memref<8192x16xf32, #tpu.memory_space<vmem_shared>> -> memref<8192x16xf32, #tpu.memory_space<vmem_shared>>
      tpu.wait_indirect_dma semaphore(%arg13 : memref<!tpu.dma_semaphore, #tpu.memory_space<semaphore_mem>>) src(%dma_wait3A_1430 : memref<128x16xf32, #tpu.memory_space<vmem>>) dst(%dma_wait3A_1436 : memref<8192x16xf32, #tpu.memory_space<vmem_shared>>)
      %dma_start3A_1437 = arith.constant 1 : i32
      %dma_start3A_1438 = arith.constant 12 : i32
      %dma_start3A_1439 = arith.constant 4 : i32
      %dma_start3A_1440 = arith.constant 0 : i32
      %dma_start3A_1441 = arith.constant 0 : i32
      %dma_start3A_1442 = tpu.memref_slice %arg10[%dma_start3A_1439, %dma_start3A_1440, %dma_start3A_1441] : memref<8x128x16xf32, #tpu.memory_space<vmem>> -> memref<1x128x16xf32, #tpu.memory_space<vmem>>
      %dma_start3A_1443 = tpu.memref_squeeze %dma_start3A_1442 : memref<1x128x16xf32, #tpu.memory_space<vmem>> -> memref<128x16xf32, #tpu.memory_space<vmem>>
      %dma_start3A_1444 = arith.constant 0 : i32
      %dma_start3A_1445 = tpu.memref_slice %arg8[%dma_start3A_1437, %dma_start3A_1438, %dma_start3A_1444] : memref<2x16x128xi32, #tpu.memory_space<vmem>> -> memref<1x1x128xi32, #tpu.memory_space<vmem>>
      %dma_start3A_1446 = tpu.memref_squeeze %dma_start3A_1445 : memref<1x1x128xi32, #tpu.memory_space<vmem>> -> memref<128xi32, #tpu.memory_space<vmem>>
      %dma_start3A_1447 = arith.constant 0 : i32
      %dma_start3A_1448 = arith.constant 0 : i32
      %dma_start3A_1449 = tpu.memref_slice %arg2[%dma_start3A_1447, %dma_start3A_1448] : memref<100000x16xf32, #tpu.memory_space<hbm>> -> memref<100000x16xf32, #tpu.memory_space<hbm>>
      tpu.enqueue_indirect_dma source(%dma_start3A_1449 : memref<100000x16xf32, #tpu.memory_space<hbm>>) target(%dma_start3A_1443 : memref<128x16xf32, #tpu.memory_space<vmem>>) offsets(%dma_start3A_1446 : memref<128xi32, #tpu.memory_space<vmem>>) semaphore(%arg12 : memref<!tpu.dma_semaphore, #tpu.memory_space<semaphore_mem>>)
      %dma_start3A_1450 = arith.constant 0 : i32
      %dma_start3A_1451 = arith.constant 1 : i32
      %dma_start3A_1452 = arith.constant 8 : i32
      %dma_start3A_1453 = arith.constant 0 : i32
      %dma_start3A_1454 = arith.constant 0 : i32
      %dma_start3A_1455 = tpu.memref_slice %arg10[%dma_start3A_1450, %dma_start3A_1453, %dma_start3A_1454] : memref<8x128x16xf32, #tpu.memory_space<vmem>> -> memref<1x128x16xf32, #tpu.memory_space<vmem>>
      %dma_start3A_1456 = tpu.memref_squeeze %dma_start3A_1455 : memref<1x128x16xf32, #tpu.memory_space<vmem>> -> memref<128x16xf32, #tpu.memory_space<vmem>>
      %dma_start3A_1457 = arith.constant 0 : i32
      %dma_start3A_1458 = tpu.memref_slice %arg9[%dma_start3A_1451, %dma_start3A_1452, %dma_start3A_1457] : memref<2x16x128xi32, #tpu.memory_space<vmem>> -> memref<1x1x128xi32, #tpu.memory_space<vmem>>
      %dma_start3A_1459 = tpu.memref_squeeze %dma_start3A_1458 : memref<1x1x128xi32, #tpu.memory_space<vmem>> -> memref<128xi32, #tpu.memory_space<vmem>>
      %dma_start3A_1460 = arith.constant 0 : i32
      %dma_start3A_1461 = arith.constant 0 : i32
      %dma_start3A_1462 = tpu.memref_slice %arg7[%dma_start3A_1460, %dma_start3A_1461] : memref<8192x16xf32, #tpu.memory_space<vmem_shared>> -> memref<8192x16xf32, #tpu.memory_space<vmem_shared>>
      tpu.enqueue_indirect_dma source(%dma_start3A_1456 : memref<128x16xf32, #tpu.memory_space<vmem>>) target(%dma_start3A_1462 : memref<8192x16xf32, #tpu.memory_space<vmem_shared>>) offsets(%dma_start3A_1459 : memref<128xi32, #tpu.memory_space<vmem>>) semaphore(%arg13 : memref<!tpu.dma_semaphore, #tpu.memory_space<semaphore_mem>>) {add = true}
      %dma_wait3A_1463 = arith.constant 1 : i32
      %dma_wait3A_1464 = arith.constant 9 : i32
      %dma_wait3A_1465 = arith.constant 1 : i32
      %dma_wait3A_1466 = arith.constant 0 : i32
      %dma_wait3A_1467 = arith.constant 0 : i32
      %dma_wait3A_1468 = tpu.memref_slice %arg10[%dma_wait3A_1465, %dma_wait3A_1466, %dma_wait3A_1467] : memref<8x128x16xf32, #tpu.memory_space<vmem>> -> memref<1x128x16xf32, #tpu.memory_space<vmem>>
      %dma_wait3A_1469 = tpu.memref_squeeze %dma_wait3A_1468 : memref<1x128x16xf32, #tpu.memory_space<vmem>> -> memref<128x16xf32, #tpu.memory_space<vmem>>
      %dma_wait3A_1470 = arith.constant 0 : i32
      %dma_wait3A_1471 = tpu.memref_slice %arg8[%dma_wait3A_1463, %dma_wait3A_1464, %dma_wait3A_1470] : memref<2x16x128xi32, #tpu.memory_space<vmem>> -> memref<1x1x128xi32, #tpu.memory_space<vmem>>
      %dma_wait3A_1472 = tpu.memref_squeeze %dma_wait3A_1471 : memref<1x1x128xi32, #tpu.memory_space<vmem>> -> memref<128xi32, #tpu.memory_space<vmem>>
      %dma_wait3A_1473 = arith.constant 0 : i32
      %dma_wait3A_1474 = arith.constant 0 : i32
      %dma_wait3A_1475 = tpu.memref_slice %arg2[%dma_wait3A_1473, %dma_wait3A_1474] : memref<100000x16xf32, #tpu.memory_space<hbm>> -> memref<100000x16xf32, #tpu.memory_space<hbm>>
      tpu.wait_indirect_dma semaphore(%arg12 : memref<!tpu.dma_semaphore, #tpu.memory_space<semaphore_mem>>) src(%dma_wait3A_1475 : memref<100000x16xf32, #tpu.memory_space<hbm>>) dst(%dma_wait3A_1469 : memref<128x16xf32, #tpu.memory_space<vmem>>)
      %dma_wait3A_1476 = arith.constant 0 : i32
      %dma_wait3A_1477 = arith.constant 1 : i32
      %dma_wait3A_1478 = arith.constant 8 : i32
      %dma_wait3A_1479 = arith.constant 0 : i32
      %dma_wait3A_1480 = arith.constant 0 : i32
      %dma_wait3A_1481 = tpu.memref_slice %arg10[%dma_wait3A_1476, %dma_wait3A_1479, %dma_wait3A_1480] : memref<8x128x16xf32, #tpu.memory_space<vmem>> -> memref<1x128x16xf32, #tpu.memory_space<vmem>>
      %dma_wait3A_1482 = tpu.memref_squeeze %dma_wait3A_1481 : memref<1x128x16xf32, #tpu.memory_space<vmem>> -> memref<128x16xf32, #tpu.memory_space<vmem>>
      %dma_wait3A_1483 = arith.constant 0 : i32
      %dma_wait3A_1484 = tpu.memref_slice %arg9[%dma_wait3A_1477, %dma_wait3A_1478, %dma_wait3A_1483] : memref<2x16x128xi32, #tpu.memory_space<vmem>> -> memref<1x1x128xi32, #tpu.memory_space<vmem>>
      %dma_wait3A_1485 = tpu.memref_squeeze %dma_wait3A_1484 : memref<1x1x128xi32, #tpu.memory_space<vmem>> -> memref<128xi32, #tpu.memory_space<vmem>>
      %dma_wait3A_1486 = arith.constant 0 : i32
      %dma_wait3A_1487 = arith.constant 0 : i32
      %dma_wait3A_1488 = tpu.memref_slice %arg7[%dma_wait3A_1486, %dma_wait3A_1487] : memref<8192x16xf32, #tpu.memory_space<vmem_shared>> -> memref<8192x16xf32, #tpu.memory_space<vmem_shared>>
      tpu.wait_indirect_dma semaphore(%arg13 : memref<!tpu.dma_semaphore, #tpu.memory_space<semaphore_mem>>) src(%dma_wait3A_1482 : memref<128x16xf32, #tpu.memory_space<vmem>>) dst(%dma_wait3A_1488 : memref<8192x16xf32, #tpu.memory_space<vmem_shared>>)
      %dma_start3A_1489 = arith.constant 1 : i32
      %dma_start3A_1490 = arith.constant 13 : i32
      %dma_start3A_1491 = arith.constant 5 : i32
      %dma_start3A_1492 = arith.constant 0 : i32
      %dma_start3A_1493 = arith.constant 0 : i32
      %dma_start3A_1494 = tpu.memref_slice %arg10[%dma_start3A_1491, %dma_start3A_1492, %dma_start3A_1493] : memref<8x128x16xf32, #tpu.memory_space<vmem>> -> memref<1x128x16xf32, #tpu.memory_space<vmem>>
      %dma_start3A_1495 = tpu.memref_squeeze %dma_start3A_1494 : memref<1x128x16xf32, #tpu.memory_space<vmem>> -> memref<128x16xf32, #tpu.memory_space<vmem>>
      %dma_start3A_1496 = arith.constant 0 : i32
      %dma_start3A_1497 = tpu.memref_slice %arg8[%dma_start3A_1489, %dma_start3A_1490, %dma_start3A_1496] : memref<2x16x128xi32, #tpu.memory_space<vmem>> -> memref<1x1x128xi32, #tpu.memory_space<vmem>>
      %dma_start3A_1498 = tpu.memref_squeeze %dma_start3A_1497 : memref<1x1x128xi32, #tpu.memory_space<vmem>> -> memref<128xi32, #tpu.memory_space<vmem>>
      %dma_start3A_1499 = arith.constant 0 : i32
      %dma_start3A_1500 = arith.constant 0 : i32
      %dma_start3A_1501 = tpu.memref_slice %arg2[%dma_start3A_1499, %dma_start3A_1500] : memref<100000x16xf32, #tpu.memory_space<hbm>> -> memref<100000x16xf32, #tpu.memory_space<hbm>>
      tpu.enqueue_indirect_dma source(%dma_start3A_1501 : memref<100000x16xf32, #tpu.memory_space<hbm>>) target(%dma_start3A_1495 : memref<128x16xf32, #tpu.memory_space<vmem>>) offsets(%dma_start3A_1498 : memref<128xi32, #tpu.memory_space<vmem>>) semaphore(%arg12 : memref<!tpu.dma_semaphore, #tpu.memory_space<semaphore_mem>>)
      %dma_start3A_1502 = arith.constant 1 : i32
      %dma_start3A_1503 = arith.constant 1 : i32
      %dma_start3A_1504 = arith.constant 9 : i32
      %dma_start3A_1505 = arith.constant 0 : i32
      %dma_start3A_1506 = arith.constant 0 : i32
      %dma_start3A_1507 = tpu.memref_slice %arg10[%dma_start3A_1502, %dma_start3A_1505, %dma_start3A_1506] : memref<8x128x16xf32, #tpu.memory_space<vmem>> -> memref<1x128x16xf32, #tpu.memory_space<vmem>>
      %dma_start3A_1508 = tpu.memref_squeeze %dma_start3A_1507 : memref<1x128x16xf32, #tpu.memory_space<vmem>> -> memref<128x16xf32, #tpu.memory_space<vmem>>
      %dma_start3A_1509 = arith.constant 0 : i32
      %dma_start3A_1510 = tpu.memref_slice %arg9[%dma_start3A_1503, %dma_start3A_1504, %dma_start3A_1509] : memref<2x16x128xi32, #tpu.memory_space<vmem>> -> memref<1x1x128xi32, #tpu.memory_space<vmem>>
      %dma_start3A_1511 = tpu.memref_squeeze %dma_start3A_1510 : memref<1x1x128xi32, #tpu.memory_space<vmem>> -> memref<128xi32, #tpu.memory_space<vmem>>
      %dma_start3A_1512 = arith.constant 0 : i32
      %dma_start3A_1513 = arith.constant 0 : i32
      %dma_start3A_1514 = tpu.memref_slice %arg7[%dma_start3A_1512, %dma_start3A_1513] : memref<8192x16xf32, #tpu.memory_space<vmem_shared>> -> memref<8192x16xf32, #tpu.memory_space<vmem_shared>>
      tpu.enqueue_indirect_dma source(%dma_start3A_1508 : memref<128x16xf32, #tpu.memory_space<vmem>>) target(%dma_start3A_1514 : memref<8192x16xf32, #tpu.memory_space<vmem_shared>>) offsets(%dma_start3A_1511 : memref<128xi32, #tpu.memory_space<vmem>>) semaphore(%arg13 : memref<!tpu.dma_semaphore, #tpu.memory_space<semaphore_mem>>) {add = true}
      %dma_wait3A_1515 = arith.constant 1 : i32
      %dma_wait3A_1516 = arith.constant 10 : i32
      %dma_wait3A_1517 = arith.constant 2 : i32
      %dma_wait3A_1518 = arith.constant 0 : i32
      %dma_wait3A_1519 = arith.constant 0 : i32
      %dma_wait3A_1520 = tpu.memref_slice %arg10[%dma_wait3A_1517, %dma_wait3A_1518, %dma_wait3A_1519] : memref<8x128x16xf32, #tpu.memory_space<vmem>> -> memref<1x128x16xf32, #tpu.memory_space<vmem>>
      %dma_wait3A_1521 = tpu.memref_squeeze %dma_wait3A_1520 : memref<1x128x16xf32, #tpu.memory_space<vmem>> -> memref<128x16xf32, #tpu.memory_space<vmem>>
      %dma_wait3A_1522 = arith.constant 0 : i32
      %dma_wait3A_1523 = tpu.memref_slice %arg8[%dma_wait3A_1515, %dma_wait3A_1516, %dma_wait3A_1522] : memref<2x16x128xi32, #tpu.memory_space<vmem>> -> memref<1x1x128xi32, #tpu.memory_space<vmem>>
      %dma_wait3A_1524 = tpu.memref_squeeze %dma_wait3A_1523 : memref<1x1x128xi32, #tpu.memory_space<vmem>> -> memref<128xi32, #tpu.memory_space<vmem>>
      %dma_wait3A_1525 = arith.constant 0 : i32
      %dma_wait3A_1526 = arith.constant 0 : i32
      %dma_wait3A_1527 = tpu.memref_slice %arg2[%dma_wait3A_1525, %dma_wait3A_1526] : memref<100000x16xf32, #tpu.memory_space<hbm>> -> memref<100000x16xf32, #tpu.memory_space<hbm>>
      tpu.wait_indirect_dma semaphore(%arg12 : memref<!tpu.dma_semaphore, #tpu.memory_space<semaphore_mem>>) src(%dma_wait3A_1527 : memref<100000x16xf32, #tpu.memory_space<hbm>>) dst(%dma_wait3A_1521 : memref<128x16xf32, #tpu.memory_space<vmem>>)
      %dma_wait3A_1528 = arith.constant 1 : i32
      %dma_wait3A_1529 = arith.constant 1 : i32
      %dma_wait3A_1530 = arith.constant 9 : i32
      %dma_wait3A_1531 = arith.constant 0 : i32
      %dma_wait3A_1532 = arith.constant 0 : i32
      %dma_wait3A_1533 = tpu.memref_slice %arg10[%dma_wait3A_1528, %dma_wait3A_1531, %dma_wait3A_1532] : memref<8x128x16xf32, #tpu.memory_space<vmem>> -> memref<1x128x16xf32, #tpu.memory_space<vmem>>
      %dma_wait3A_1534 = tpu.memref_squeeze %dma_wait3A_1533 : memref<1x128x16xf32, #tpu.memory_space<vmem>> -> memref<128x16xf32, #tpu.memory_space<vmem>>
      %dma_wait3A_1535 = arith.constant 0 : i32
      %dma_wait3A_1536 = tpu.memref_slice %arg9[%dma_wait3A_1529, %dma_wait3A_1530, %dma_wait3A_1535] : memref<2x16x128xi32, #tpu.memory_space<vmem>> -> memref<1x1x128xi32, #tpu.memory_space<vmem>>
      %dma_wait3A_1537 = tpu.memref_squeeze %dma_wait3A_1536 : memref<1x1x128xi32, #tpu.memory_space<vmem>> -> memref<128xi32, #tpu.memory_space<vmem>>
      %dma_wait3A_1538 = arith.constant 0 : i32
      %dma_wait3A_1539 = arith.constant 0 : i32
      %dma_wait3A_1540 = tpu.memref_slice %arg7[%dma_wait3A_1538, %dma_wait3A_1539] : memref<8192x16xf32, #tpu.memory_space<vmem_shared>> -> memref<8192x16xf32, #tpu.memory_space<vmem_shared>>
      tpu.wait_indirect_dma semaphore(%arg13 : memref<!tpu.dma_semaphore, #tpu.memory_space<semaphore_mem>>) src(%dma_wait3A_1534 : memref<128x16xf32, #tpu.memory_space<vmem>>) dst(%dma_wait3A_1540 : memref<8192x16xf32, #tpu.memory_space<vmem_shared>>)
      %dma_start3A_1541 = arith.constant 1 : i32
      %dma_start3A_1542 = arith.constant 14 : i32
      %dma_start3A_1543 = arith.constant 6 : i32
      %dma_start3A_1544 = arith.constant 0 : i32
      %dma_start3A_1545 = arith.constant 0 : i32
      %dma_start3A_1546 = tpu.memref_slice %arg10[%dma_start3A_1543, %dma_start3A_1544, %dma_start3A_1545] : memref<8x128x16xf32, #tpu.memory_space<vmem>> -> memref<1x128x16xf32, #tpu.memory_space<vmem>>
      %dma_start3A_1547 = tpu.memref_squeeze %dma_start3A_1546 : memref<1x128x16xf32, #tpu.memory_space<vmem>> -> memref<128x16xf32, #tpu.memory_space<vmem>>
      %dma_start3A_1548 = arith.constant 0 : i32
      %dma_start3A_1549 = tpu.memref_slice %arg8[%dma_start3A_1541, %dma_start3A_1542, %dma_start3A_1548] : memref<2x16x128xi32, #tpu.memory_space<vmem>> -> memref<1x1x128xi32, #tpu.memory_space<vmem>>
      %dma_start3A_1550 = tpu.memref_squeeze %dma_start3A_1549 : memref<1x1x128xi32, #tpu.memory_space<vmem>> -> memref<128xi32, #tpu.memory_space<vmem>>
      %dma_start3A_1551 = arith.constant 0 : i32
      %dma_start3A_1552 = arith.constant 0 : i32
      %dma_start3A_1553 = tpu.memref_slice %arg2[%dma_start3A_1551, %dma_start3A_1552] : memref<100000x16xf32, #tpu.memory_space<hbm>> -> memref<100000x16xf32, #tpu.memory_space<hbm>>
      tpu.enqueue_indirect_dma source(%dma_start3A_1553 : memref<100000x16xf32, #tpu.memory_space<hbm>>) target(%dma_start3A_1547 : memref<128x16xf32, #tpu.memory_space<vmem>>) offsets(%dma_start3A_1550 : memref<128xi32, #tpu.memory_space<vmem>>) semaphore(%arg12 : memref<!tpu.dma_semaphore, #tpu.memory_space<semaphore_mem>>)
      %dma_start3A_1554 = arith.constant 2 : i32
      %dma_start3A_1555 = arith.constant 1 : i32
      %dma_start3A_1556 = arith.constant 10 : i32
      %dma_start3A_1557 = arith.constant 0 : i32
      %dma_start3A_1558 = arith.constant 0 : i32
      %dma_start3A_1559 = tpu.memref_slice %arg10[%dma_start3A_1554, %dma_start3A_1557, %dma_start3A_1558] : memref<8x128x16xf32, #tpu.memory_space<vmem>> -> memref<1x128x16xf32, #tpu.memory_space<vmem>>
      %dma_start3A_1560 = tpu.memref_squeeze %dma_start3A_1559 : memref<1x128x16xf32, #tpu.memory_space<vmem>> -> memref<128x16xf32, #tpu.memory_space<vmem>>
      %dma_start3A_1561 = arith.constant 0 : i32
      %dma_start3A_1562 = tpu.memref_slice %arg9[%dma_start3A_1555, %dma_start3A_1556, %dma_start3A_1561] : memref<2x16x128xi32, #tpu.memory_space<vmem>> -> memref<1x1x128xi32, #tpu.memory_space<vmem>>
      %dma_start3A_1563 = tpu.memref_squeeze %dma_start3A_1562 : memref<1x1x128xi32, #tpu.memory_space<vmem>> -> memref<128xi32, #tpu.memory_space<vmem>>
      %dma_start3A_1564 = arith.constant 0 : i32
      %dma_start3A_1565 = arith.constant 0 : i32
      %dma_start3A_1566 = tpu.memref_slice %arg7[%dma_start3A_1564, %dma_start3A_1565] : memref<8192x16xf32, #tpu.memory_space<vmem_shared>> -> memref<8192x16xf32, #tpu.memory_space<vmem_shared>>
      tpu.enqueue_indirect_dma source(%dma_start3A_1560 : memref<128x16xf32, #tpu.memory_space<vmem>>) target(%dma_start3A_1566 : memref<8192x16xf32, #tpu.memory_space<vmem_shared>>) offsets(%dma_start3A_1563 : memref<128xi32, #tpu.memory_space<vmem>>) semaphore(%arg13 : memref<!tpu.dma_semaphore, #tpu.memory_space<semaphore_mem>>) {add = true}
      %dma_wait3A_1567 = arith.constant 1 : i32
      %dma_wait3A_1568 = arith.constant 11 : i32
      %dma_wait3A_1569 = arith.constant 3 : i32
      %dma_wait3A_1570 = arith.constant 0 : i32
      %dma_wait3A_1571 = arith.constant 0 : i32
      %dma_wait3A_1572 = tpu.memref_slice %arg10[%dma_wait3A_1569, %dma_wait3A_1570, %dma_wait3A_1571] : memref<8x128x16xf32, #tpu.memory_space<vmem>> -> memref<1x128x16xf32, #tpu.memory_space<vmem>>
      %dma_wait3A_1573 = tpu.memref_squeeze %dma_wait3A_1572 : memref<1x128x16xf32, #tpu.memory_space<vmem>> -> memref<128x16xf32, #tpu.memory_space<vmem>>
      %dma_wait3A_1574 = arith.constant 0 : i32
      %dma_wait3A_1575 = tpu.memref_slice %arg8[%dma_wait3A_1567, %dma_wait3A_1568, %dma_wait3A_1574] : memref<2x16x128xi32, #tpu.memory_space<vmem>> -> memref<1x1x128xi32, #tpu.memory_space<vmem>>
      %dma_wait3A_1576 = tpu.memref_squeeze %dma_wait3A_1575 : memref<1x1x128xi32, #tpu.memory_space<vmem>> -> memref<128xi32, #tpu.memory_space<vmem>>
      %dma_wait3A_1577 = arith.constant 0 : i32
      %dma_wait3A_1578 = arith.constant 0 : i32
      %dma_wait3A_1579 = tpu.memref_slice %arg2[%dma_wait3A_1577, %dma_wait3A_1578] : memref<100000x16xf32, #tpu.memory_space<hbm>> -> memref<100000x16xf32, #tpu.memory_space<hbm>>
      tpu.wait_indirect_dma semaphore(%arg12 : memref<!tpu.dma_semaphore, #tpu.memory_space<semaphore_mem>>) src(%dma_wait3A_1579 : memref<100000x16xf32, #tpu.memory_space<hbm>>) dst(%dma_wait3A_1573 : memref<128x16xf32, #tpu.memory_space<vmem>>)
      %dma_wait3A_1580 = arith.constant 2 : i32
      %dma_wait3A_1581 = arith.constant 1 : i32
      %dma_wait3A_1582 = arith.constant 10 : i32
      %dma_wait3A_1583 = arith.constant 0 : i32
      %dma_wait3A_1584 = arith.constant 0 : i32
      %dma_wait3A_1585 = tpu.memref_slice %arg10[%dma_wait3A_1580, %dma_wait3A_1583, %dma_wait3A_1584] : memref<8x128x16xf32, #tpu.memory_space<vmem>> -> memref<1x128x16xf32, #tpu.memory_space<vmem>>
      %dma_wait3A_1586 = tpu.memref_squeeze %dma_wait3A_1585 : memref<1x128x16xf32, #tpu.memory_space<vmem>> -> memref<128x16xf32, #tpu.memory_space<vmem>>
      %dma_wait3A_1587 = arith.constant 0 : i32
      %dma_wait3A_1588 = tpu.memref_slice %arg9[%dma_wait3A_1581, %dma_wait3A_1582, %dma_wait3A_1587] : memref<2x16x128xi32, #tpu.memory_space<vmem>> -> memref<1x1x128xi32, #tpu.memory_space<vmem>>
      %dma_wait3A_1589 = tpu.memref_squeeze %dma_wait3A_1588 : memref<1x1x128xi32, #tpu.memory_space<vmem>> -> memref<128xi32, #tpu.memory_space<vmem>>
      %dma_wait3A_1590 = arith.constant 0 : i32
      %dma_wait3A_1591 = arith.constant 0 : i32
      %dma_wait3A_1592 = tpu.memref_slice %arg7[%dma_wait3A_1590, %dma_wait3A_1591] : memref<8192x16xf32, #tpu.memory_space<vmem_shared>> -> memref<8192x16xf32, #tpu.memory_space<vmem_shared>>
      tpu.wait_indirect_dma semaphore(%arg13 : memref<!tpu.dma_semaphore, #tpu.memory_space<semaphore_mem>>) src(%dma_wait3A_1586 : memref<128x16xf32, #tpu.memory_space<vmem>>) dst(%dma_wait3A_1592 : memref<8192x16xf32, #tpu.memory_space<vmem_shared>>)
      %dma_start3A_1593 = arith.constant 1 : i32
      %dma_start3A_1594 = arith.constant 15 : i32
      %dma_start3A_1595 = arith.constant 7 : i32
      %dma_start3A_1596 = arith.constant 0 : i32
      %dma_start3A_1597 = arith.constant 0 : i32
      %dma_start3A_1598 = tpu.memref_slice %arg10[%dma_start3A_1595, %dma_start3A_1596, %dma_start3A_1597] : memref<8x128x16xf32, #tpu.memory_space<vmem>> -> memref<1x128x16xf32, #tpu.memory_space<vmem>>
      %dma_start3A_1599 = tpu.memref_squeeze %dma_start3A_1598 : memref<1x128x16xf32, #tpu.memory_space<vmem>> -> memref<128x16xf32, #tpu.memory_space<vmem>>
      %dma_start3A_1600 = arith.constant 0 : i32
      %dma_start3A_1601 = tpu.memref_slice %arg8[%dma_start3A_1593, %dma_start3A_1594, %dma_start3A_1600] : memref<2x16x128xi32, #tpu.memory_space<vmem>> -> memref<1x1x128xi32, #tpu.memory_space<vmem>>
      %dma_start3A_1602 = tpu.memref_squeeze %dma_start3A_1601 : memref<1x1x128xi32, #tpu.memory_space<vmem>> -> memref<128xi32, #tpu.memory_space<vmem>>
      %dma_start3A_1603 = arith.constant 0 : i32
      %dma_start3A_1604 = arith.constant 0 : i32
      %dma_start3A_1605 = tpu.memref_slice %arg2[%dma_start3A_1603, %dma_start3A_1604] : memref<100000x16xf32, #tpu.memory_space<hbm>> -> memref<100000x16xf32, #tpu.memory_space<hbm>>
      tpu.enqueue_indirect_dma source(%dma_start3A_1605 : memref<100000x16xf32, #tpu.memory_space<hbm>>) target(%dma_start3A_1599 : memref<128x16xf32, #tpu.memory_space<vmem>>) offsets(%dma_start3A_1602 : memref<128xi32, #tpu.memory_space<vmem>>) semaphore(%arg12 : memref<!tpu.dma_semaphore, #tpu.memory_space<semaphore_mem>>)
      %dma_start3A_1606 = arith.constant 3 : i32
      %dma_start3A_1607 = arith.constant 1 : i32
      %dma_start3A_1608 = arith.constant 11 : i32
      %dma_start3A_1609 = arith.constant 0 : i32
      %dma_start3A_1610 = arith.constant 0 : i32
      %dma_start3A_1611 = tpu.memref_slice %arg10[%dma_start3A_1606, %dma_start3A_1609, %dma_start3A_1610] : memref<8x128x16xf32, #tpu.memory_space<vmem>> -> memref<1x128x16xf32, #tpu.memory_space<vmem>>
      %dma_start3A_1612 = tpu.memref_squeeze %dma_start3A_1611 : memref<1x128x16xf32, #tpu.memory_space<vmem>> -> memref<128x16xf32, #tpu.memory_space<vmem>>
      %dma_start3A_1613 = arith.constant 0 : i32
      %dma_start3A_1614 = tpu.memref_slice %arg9[%dma_start3A_1607, %dma_start3A_1608, %dma_start3A_1613] : memref<2x16x128xi32, #tpu.memory_space<vmem>> -> memref<1x1x128xi32, #tpu.memory_space<vmem>>
      %dma_start3A_1615 = tpu.memref_squeeze %dma_start3A_1614 : memref<1x1x128xi32, #tpu.memory_space<vmem>> -> memref<128xi32, #tpu.memory_space<vmem>>
      %dma_start3A_1616 = arith.constant 0 : i32
      %dma_start3A_1617 = arith.constant 0 : i32
      %dma_start3A_1618 = tpu.memref_slice %arg7[%dma_start3A_1616, %dma_start3A_1617] : memref<8192x16xf32, #tpu.memory_space<vmem_shared>> -> memref<8192x16xf32, #tpu.memory_space<vmem_shared>>
      tpu.enqueue_indirect_dma source(%dma_start3A_1612 : memref<128x16xf32, #tpu.memory_space<vmem>>) target(%dma_start3A_1618 : memref<8192x16xf32, #tpu.memory_space<vmem_shared>>) offsets(%dma_start3A_1615 : memref<128xi32, #tpu.memory_space<vmem>>) semaphore(%arg13 : memref<!tpu.dma_semaphore, #tpu.memory_space<semaphore_mem>>) {add = true}
      %dma_wait3A_1619 = arith.constant 1 : i32
      %dma_wait3A_1620 = arith.constant 12 : i32
      %dma_wait3A_1621 = arith.constant 4 : i32
      %dma_wait3A_1622 = arith.constant 0 : i32
      %dma_wait3A_1623 = arith.constant 0 : i32
      %dma_wait3A_1624 = tpu.memref_slice %arg10[%dma_wait3A_1621, %dma_wait3A_1622, %dma_wait3A_1623] : memref<8x128x16xf32, #tpu.memory_space<vmem>> -> memref<1x128x16xf32, #tpu.memory_space<vmem>>
      %dma_wait3A_1625 = tpu.memref_squeeze %dma_wait3A_1624 : memref<1x128x16xf32, #tpu.memory_space<vmem>> -> memref<128x16xf32, #tpu.memory_space<vmem>>
      %dma_wait3A_1626 = arith.constant 0 : i32
      %dma_wait3A_1627 = tpu.memref_slice %arg8[%dma_wait3A_1619, %dma_wait3A_1620, %dma_wait3A_1626] : memref<2x16x128xi32, #tpu.memory_space<vmem>> -> memref<1x1x128xi32, #tpu.memory_space<vmem>>
      %dma_wait3A_1628 = tpu.memref_squeeze %dma_wait3A_1627 : memref<1x1x128xi32, #tpu.memory_space<vmem>> -> memref<128xi32, #tpu.memory_space<vmem>>
      %dma_wait3A_1629 = arith.constant 0 : i32
      %dma_wait3A_1630 = arith.constant 0 : i32
      %dma_wait3A_1631 = tpu.memref_slice %arg2[%dma_wait3A_1629, %dma_wait3A_1630] : memref<100000x16xf32, #tpu.memory_space<hbm>> -> memref<100000x16xf32, #tpu.memory_space<hbm>>
      tpu.wait_indirect_dma semaphore(%arg12 : memref<!tpu.dma_semaphore, #tpu.memory_space<semaphore_mem>>) src(%dma_wait3A_1631 : memref<100000x16xf32, #tpu.memory_space<hbm>>) dst(%dma_wait3A_1625 : memref<128x16xf32, #tpu.memory_space<vmem>>)
      %dma_wait3A_1632 = arith.constant 3 : i32
      %dma_wait3A_1633 = arith.constant 1 : i32
      %dma_wait3A_1634 = arith.constant 11 : i32
      %dma_wait3A_1635 = arith.constant 0 : i32
      %dma_wait3A_1636 = arith.constant 0 : i32
      %dma_wait3A_1637 = tpu.memref_slice %arg10[%dma_wait3A_1632, %dma_wait3A_1635, %dma_wait3A_1636] : memref<8x128x16xf32, #tpu.memory_space<vmem>> -> memref<1x128x16xf32, #tpu.memory_space<vmem>>
      %dma_wait3A_1638 = tpu.memref_squeeze %dma_wait3A_1637 : memref<1x128x16xf32, #tpu.memory_space<vmem>> -> memref<128x16xf32, #tpu.memory_space<vmem>>
      %dma_wait3A_1639 = arith.constant 0 : i32
      %dma_wait3A_1640 = tpu.memref_slice %arg9[%dma_wait3A_1633, %dma_wait3A_1634, %dma_wait3A_1639] : memref<2x16x128xi32, #tpu.memory_space<vmem>> -> memref<1x1x128xi32, #tpu.memory_space<vmem>>
      %dma_wait3A_1641 = tpu.memref_squeeze %dma_wait3A_1640 : memref<1x1x128xi32, #tpu.memory_space<vmem>> -> memref<128xi32, #tpu.memory_space<vmem>>
      %dma_wait3A_1642 = arith.constant 0 : i32
      %dma_wait3A_1643 = arith.constant 0 : i32
      %dma_wait3A_1644 = tpu.memref_slice %arg7[%dma_wait3A_1642, %dma_wait3A_1643] : memref<8192x16xf32, #tpu.memory_space<vmem_shared>> -> memref<8192x16xf32, #tpu.memory_space<vmem_shared>>
      tpu.wait_indirect_dma semaphore(%arg13 : memref<!tpu.dma_semaphore, #tpu.memory_space<semaphore_mem>>) src(%dma_wait3A_1638 : memref<128x16xf32, #tpu.memory_space<vmem>>) dst(%dma_wait3A_1644 : memref<8192x16xf32, #tpu.memory_space<vmem_shared>>)
      %lt3A_1645 = arith.constant 49 : i32
      %lt3A_1646 = arith.cmpi slt, %add3A_989, %lt3A_1645 : i32
      %convert_element_type3A_1647 = arith.extui %lt3A_1646 : i1 to i32
      %cond3A_1648 = arith.constant 0 : i32
      %cond3A_1649 = arith.cmpi ne, %convert_element_type3A_1647, %cond3A_1648 : i32
      scf.if %cond3A_1649 {
        %add3A_1800 = arith.constant 1 : i32
        %add3A_1801 = arith.addi %add3A_989, %add3A_1800 : i32
        %mul3A_1802 = arith.constant 16 : i32
        %mul3A_1803 = arith.muli %add3A_1801, %mul3A_1802 : i32
        %dma_wait3A_1804 = arith.constant 0 : i32
        %dma_wait3A_1805 = arith.constant 0 : i32
        %dma_wait3A_1806 = arith.constant 0 : i32
        %dma_wait3A_1807 = tpu.memref_slice %arg8[%dma_wait3A_1804, %dma_wait3A_1805, %dma_wait3A_1806] : memref<2x16x128xi32, #tpu.memory_space<vmem>> -> memref<1x16x128xi32, #tpu.memory_space<vmem>>
        %dma_wait3A_1808 = tpu.memref_squeeze %dma_wait3A_1807 : memref<1x16x128xi32, #tpu.memory_space<vmem>> -> memref<16x128xi32, #tpu.memory_space<vmem>>
        %dma_wait3A_1809 = arith.constant 0 : i32
        %dma_wait3A_1810 = tpu.memref_slice %arg3[%add3A, %mul3A_1803, %dma_wait3A_1809] : memref<32x800x128xi32, #tpu.memory_space<hbm>> -> memref<1x16x128xi32, #tpu.memory_space<hbm>>
        %dma_wait3A_1811 = tpu.memref_squeeze %dma_wait3A_1810 : memref<1x16x128xi32, #tpu.memory_space<hbm>> -> memref<16x128xi32, #tpu.memory_space<hbm>>
        %dma_wait3A_1812 = arith.constant 0 : i32
        %dma_wait3A_1813 = arith.constant 0 : i32
        %dma_wait3A_1814 = tpu.memref_slice %arg8[%dma_wait3A_1804, %dma_wait3A_1812, %dma_wait3A_1813] : memref<2x16x128xi32, #tpu.memory_space<vmem>> -> memref<1x16x128xi32, #tpu.memory_space<vmem>>
        %dma_wait3A_1815 = tpu.memref_squeeze %dma_wait3A_1814 : memref<1x16x128xi32, #tpu.memory_space<vmem>> -> memref<16x128xi32, #tpu.memory_space<vmem>>
        %dma_wait3A_1816 = arith.constant 0 : i32
        %dma_wait3A_1817 = tpu.memref_slice %arg3[%add3A, %mul3A_1803, %dma_wait3A_1816] : memref<32x800x128xi32, #tpu.memory_space<hbm>> -> memref<1x16x128xi32, #tpu.memory_space<hbm>>
        %dma_wait3A_1818 = tpu.memref_squeeze %dma_wait3A_1817 : memref<1x16x128xi32, #tpu.memory_space<hbm>> -> memref<16x128xi32, #tpu.memory_space<hbm>>
        tpu.wait_dma2 semaphore(%arg11 : memref<!tpu.dma_semaphore, #tpu.memory_space<semaphore_mem>>) src(%dma_wait3A_1818 : memref<16x128xi32, #tpu.memory_space<hbm>>) dst(%dma_wait3A_1815 : memref<16x128xi32, #tpu.memory_space<vmem>>)
        %mul3A_1819 = arith.constant 16 : i32
        %mul3A_1820 = arith.muli %add3A_1801, %mul3A_1819 : i32
        %dma_wait3A_1821 = arith.constant 0 : i32
        %dma_wait3A_1822 = arith.constant 0 : i32
        %dma_wait3A_1823 = arith.constant 0 : i32
        %dma_wait3A_1824 = tpu.memref_slice %arg9[%dma_wait3A_1821, %dma_wait3A_1822, %dma_wait3A_1823] : memref<2x16x128xi32, #tpu.memory_space<vmem>> -> memref<1x16x128xi32, #tpu.memory_space<vmem>>
        %dma_wait3A_1825 = tpu.memref_squeeze %dma_wait3A_1824 : memref<1x16x128xi32, #tpu.memory_space<vmem>> -> memref<16x128xi32, #tpu.memory_space<vmem>>
        %dma_wait3A_1826 = arith.constant 0 : i32
        %dma_wait3A_1827 = tpu.memref_slice %arg4[%arg1, %mul3A_1820, %dma_wait3A_1826] : memref<16x800x128xi32, #tpu.memory_space<hbm>> -> memref<1x16x128xi32, #tpu.memory_space<hbm>>
        %dma_wait3A_1828 = tpu.memref_squeeze %dma_wait3A_1827 : memref<1x16x128xi32, #tpu.memory_space<hbm>> -> memref<16x128xi32, #tpu.memory_space<hbm>>
        %dma_wait3A_1829 = arith.constant 0 : i32
        %dma_wait3A_1830 = arith.constant 0 : i32
        %dma_wait3A_1831 = tpu.memref_slice %arg9[%dma_wait3A_1821, %dma_wait3A_1829, %dma_wait3A_1830] : memref<2x16x128xi32, #tpu.memory_space<vmem>> -> memref<1x16x128xi32, #tpu.memory_space<vmem>>
        %dma_wait3A_1832 = tpu.memref_squeeze %dma_wait3A_1831 : memref<1x16x128xi32, #tpu.memory_space<vmem>> -> memref<16x128xi32, #tpu.memory_space<vmem>>
        %dma_wait3A_1833 = arith.constant 0 : i32
        %dma_wait3A_1834 = tpu.memref_slice %arg4[%arg1, %mul3A_1820, %dma_wait3A_1833] : memref<16x800x128xi32, #tpu.memory_space<hbm>> -> memref<1x16x128xi32, #tpu.memory_space<hbm>>
        %dma_wait3A_1835 = tpu.memref_squeeze %dma_wait3A_1834 : memref<1x16x128xi32, #tpu.memory_space<hbm>> -> memref<16x128xi32, #tpu.memory_space<hbm>>
        tpu.wait_dma2 semaphore(%arg11 : memref<!tpu.dma_semaphore, #tpu.memory_space<semaphore_mem>>) src(%dma_wait3A_1835 : memref<16x128xi32, #tpu.memory_space<hbm>>) dst(%dma_wait3A_1832 : memref<16x128xi32, #tpu.memory_space<vmem>>)
      } else {
      }
      %lt3A_1650 = arith.constant 49 : i32
      %lt3A_1651 = arith.cmpi slt, %add3A_989, %lt3A_1650 : i32
      %convert_element_type3A_1652 = arith.extui %lt3A_1651 : i1 to i32
      %cond3A_1653 = arith.constant 0 : i32
      %cond3A_1654 = arith.cmpi ne, %convert_element_type3A_1652, %cond3A_1653 : i32
      scf.if %cond3A_1654 {
        %dma_start3A_1800 = arith.constant 0 : i32
        %dma_start3A_1801 = arith.constant 0 : i32
        %dma_start3A_1802 = arith.constant 0 : i32
        %dma_start3A_1803 = arith.constant 0 : i32
        %dma_start3A_1804 = arith.constant 0 : i32
        %dma_start3A_1805 = tpu.memref_slice %arg10[%dma_start3A_1802, %dma_start3A_1803, %dma_start3A_1804] : memref<8x128x16xf32, #tpu.memory_space<vmem>> -> memref<1x128x16xf32, #tpu.memory_space<vmem>>
        %dma_start3A_1806 = tpu.memref_squeeze %dma_start3A_1805 : memref<1x128x16xf32, #tpu.memory_space<vmem>> -> memref<128x16xf32, #tpu.memory_space<vmem>>
        %dma_start3A_1807 = arith.constant 0 : i32
        %dma_start3A_1808 = tpu.memref_slice %arg8[%dma_start3A_1800, %dma_start3A_1801, %dma_start3A_1807] : memref<2x16x128xi32, #tpu.memory_space<vmem>> -> memref<1x1x128xi32, #tpu.memory_space<vmem>>
        %dma_start3A_1809 = tpu.memref_squeeze %dma_start3A_1808 : memref<1x1x128xi32, #tpu.memory_space<vmem>> -> memref<128xi32, #tpu.memory_space<vmem>>
        %dma_start3A_1810 = arith.constant 0 : i32
        %dma_start3A_1811 = arith.constant 0 : i32
        %dma_start3A_1812 = tpu.memref_slice %arg2[%dma_start3A_1810, %dma_start3A_1811] : memref<100000x16xf32, #tpu.memory_space<hbm>> -> memref<100000x16xf32, #tpu.memory_space<hbm>>
        tpu.enqueue_indirect_dma source(%dma_start3A_1812 : memref<100000x16xf32, #tpu.memory_space<hbm>>) target(%dma_start3A_1806 : memref<128x16xf32, #tpu.memory_space<vmem>>) offsets(%dma_start3A_1809 : memref<128xi32, #tpu.memory_space<vmem>>) semaphore(%arg12 : memref<!tpu.dma_semaphore, #tpu.memory_space<semaphore_mem>>)
      } else {
      }
      %dma_start3A_1655 = arith.constant 4 : i32
      %dma_start3A_1656 = arith.constant 1 : i32
      %dma_start3A_1657 = arith.constant 12 : i32
      %dma_start3A_1658 = arith.constant 0 : i32
      %dma_start3A_1659 = arith.constant 0 : i32
      %dma_start3A_1660 = tpu.memref_slice %arg10[%dma_start3A_1655, %dma_start3A_1658, %dma_start3A_1659] : memref<8x128x16xf32, #tpu.memory_space<vmem>> -> memref<1x128x16xf32, #tpu.memory_space<vmem>>
      %dma_start3A_1661 = tpu.memref_squeeze %dma_start3A_1660 : memref<1x128x16xf32, #tpu.memory_space<vmem>> -> memref<128x16xf32, #tpu.memory_space<vmem>>
      %dma_start3A_1662 = arith.constant 0 : i32
      %dma_start3A_1663 = tpu.memref_slice %arg9[%dma_start3A_1656, %dma_start3A_1657, %dma_start3A_1662] : memref<2x16x128xi32, #tpu.memory_space<vmem>> -> memref<1x1x128xi32, #tpu.memory_space<vmem>>
      %dma_start3A_1664 = tpu.memref_squeeze %dma_start3A_1663 : memref<1x1x128xi32, #tpu.memory_space<vmem>> -> memref<128xi32, #tpu.memory_space<vmem>>
      %dma_start3A_1665 = arith.constant 0 : i32
      %dma_start3A_1666 = arith.constant 0 : i32
      %dma_start3A_1667 = tpu.memref_slice %arg7[%dma_start3A_1665, %dma_start3A_1666] : memref<8192x16xf32, #tpu.memory_space<vmem_shared>> -> memref<8192x16xf32, #tpu.memory_space<vmem_shared>>
      tpu.enqueue_indirect_dma source(%dma_start3A_1661 : memref<128x16xf32, #tpu.memory_space<vmem>>) target(%dma_start3A_1667 : memref<8192x16xf32, #tpu.memory_space<vmem_shared>>) offsets(%dma_start3A_1664 : memref<128xi32, #tpu.memory_space<vmem>>) semaphore(%arg13 : memref<!tpu.dma_semaphore, #tpu.memory_space<semaphore_mem>>) {add = true}
      %dma_wait3A_1668 = arith.constant 1 : i32
      %dma_wait3A_1669 = arith.constant 13 : i32
      %dma_wait3A_1670 = arith.constant 5 : i32
      %dma_wait3A_1671 = arith.constant 0 : i32
      %dma_wait3A_1672 = arith.constant 0 : i32
      %dma_wait3A_1673 = tpu.memref_slice %arg10[%dma_wait3A_1670, %dma_wait3A_1671, %dma_wait3A_1672] : memref<8x128x16xf32, #tpu.memory_space<vmem>> -> memref<1x128x16xf32, #tpu.memory_space<vmem>>
      %dma_wait3A_1674 = tpu.memref_squeeze %dma_wait3A_1673 : memref<1x128x16xf32, #tpu.memory_space<vmem>> -> memref<128x16xf32, #tpu.memory_space<vmem>>
      %dma_wait3A_1675 = arith.constant 0 : i32
      %dma_wait3A_1676 = tpu.memref_slice %arg8[%dma_wait3A_1668, %dma_wait3A_1669, %dma_wait3A_1675] : memref<2x16x128xi32, #tpu.memory_space<vmem>> -> memref<1x1x128xi32, #tpu.memory_space<vmem>>
      %dma_wait3A_1677 = tpu.memref_squeeze %dma_wait3A_1676 : memref<1x1x128xi32, #tpu.memory_space<vmem>> -> memref<128xi32, #tpu.memory_space<vmem>>
      %dma_wait3A_1678 = arith.constant 0 : i32
      %dma_wait3A_1679 = arith.constant 0 : i32
      %dma_wait3A_1680 = tpu.memref_slice %arg2[%dma_wait3A_1678, %dma_wait3A_1679] : memref<100000x16xf32, #tpu.memory_space<hbm>> -> memref<100000x16xf32, #tpu.memory_space<hbm>>
      tpu.wait_indirect_dma semaphore(%arg12 : memref<!tpu.dma_semaphore, #tpu.memory_space<semaphore_mem>>) src(%dma_wait3A_1680 : memref<100000x16xf32, #tpu.memory_space<hbm>>) dst(%dma_wait3A_1674 : memref<128x16xf32, #tpu.memory_space<vmem>>)
      %dma_wait3A_1681 = arith.constant 4 : i32
      %dma_wait3A_1682 = arith.constant 1 : i32
      %dma_wait3A_1683 = arith.constant 12 : i32
      %dma_wait3A_1684 = arith.constant 0 : i32
      %dma_wait3A_1685 = arith.constant 0 : i32
      %dma_wait3A_1686 = tpu.memref_slice %arg10[%dma_wait3A_1681, %dma_wait3A_1684, %dma_wait3A_1685] : memref<8x128x16xf32, #tpu.memory_space<vmem>> -> memref<1x128x16xf32, #tpu.memory_space<vmem>>
      %dma_wait3A_1687 = tpu.memref_squeeze %dma_wait3A_1686 : memref<1x128x16xf32, #tpu.memory_space<vmem>> -> memref<128x16xf32, #tpu.memory_space<vmem>>
      %dma_wait3A_1688 = arith.constant 0 : i32
      %dma_wait3A_1689 = tpu.memref_slice %arg9[%dma_wait3A_1682, %dma_wait3A_1683, %dma_wait3A_1688] : memref<2x16x128xi32, #tpu.memory_space<vmem>> -> memref<1x1x128xi32, #tpu.memory_space<vmem>>
      %dma_wait3A_1690 = tpu.memref_squeeze %dma_wait3A_1689 : memref<1x1x128xi32, #tpu.memory_space<vmem>> -> memref<128xi32, #tpu.memory_space<vmem>>
      %dma_wait3A_1691 = arith.constant 0 : i32
      %dma_wait3A_1692 = arith.constant 0 : i32
      %dma_wait3A_1693 = tpu.memref_slice %arg7[%dma_wait3A_1691, %dma_wait3A_1692] : memref<8192x16xf32, #tpu.memory_space<vmem_shared>> -> memref<8192x16xf32, #tpu.memory_space<vmem_shared>>
      tpu.wait_indirect_dma semaphore(%arg13 : memref<!tpu.dma_semaphore, #tpu.memory_space<semaphore_mem>>) src(%dma_wait3A_1687 : memref<128x16xf32, #tpu.memory_space<vmem>>) dst(%dma_wait3A_1693 : memref<8192x16xf32, #tpu.memory_space<vmem_shared>>)
      %lt3A_1694 = arith.constant 49 : i32
      %lt3A_1695 = arith.cmpi slt, %add3A_989, %lt3A_1694 : i32
      %convert_element_type3A_1696 = arith.extui %lt3A_1695 : i1 to i32
      %cond3A_1697 = arith.constant 0 : i32
      %cond3A_1698 = arith.cmpi ne, %convert_element_type3A_1696, %cond3A_1697 : i32
      scf.if %cond3A_1698 {
        %dma_start3A_1800 = arith.constant 0 : i32
        %dma_start3A_1801 = arith.constant 1 : i32
        %dma_start3A_1802 = arith.constant 1 : i32
        %dma_start3A_1803 = arith.constant 0 : i32
        %dma_start3A_1804 = arith.constant 0 : i32
        %dma_start3A_1805 = tpu.memref_slice %arg10[%dma_start3A_1802, %dma_start3A_1803, %dma_start3A_1804] : memref<8x128x16xf32, #tpu.memory_space<vmem>> -> memref<1x128x16xf32, #tpu.memory_space<vmem>>
        %dma_start3A_1806 = tpu.memref_squeeze %dma_start3A_1805 : memref<1x128x16xf32, #tpu.memory_space<vmem>> -> memref<128x16xf32, #tpu.memory_space<vmem>>
        %dma_start3A_1807 = arith.constant 0 : i32
        %dma_start3A_1808 = tpu.memref_slice %arg8[%dma_start3A_1800, %dma_start3A_1801, %dma_start3A_1807] : memref<2x16x128xi32, #tpu.memory_space<vmem>> -> memref<1x1x128xi32, #tpu.memory_space<vmem>>
        %dma_start3A_1809 = tpu.memref_squeeze %dma_start3A_1808 : memref<1x1x128xi32, #tpu.memory_space<vmem>> -> memref<128xi32, #tpu.memory_space<vmem>>
        %dma_start3A_1810 = arith.constant 0 : i32
        %dma_start3A_1811 = arith.constant 0 : i32
        %dma_start3A_1812 = tpu.memref_slice %arg2[%dma_start3A_1810, %dma_start3A_1811] : memref<100000x16xf32, #tpu.memory_space<hbm>> -> memref<100000x16xf32, #tpu.memory_space<hbm>>
        tpu.enqueue_indirect_dma source(%dma_start3A_1812 : memref<100000x16xf32, #tpu.memory_space<hbm>>) target(%dma_start3A_1806 : memref<128x16xf32, #tpu.memory_space<vmem>>) offsets(%dma_start3A_1809 : memref<128xi32, #tpu.memory_space<vmem>>) semaphore(%arg12 : memref<!tpu.dma_semaphore, #tpu.memory_space<semaphore_mem>>)
      } else {
      }
      %dma_start3A_1699 = arith.constant 5 : i32
      %dma_start3A_1700 = arith.constant 1 : i32
      %dma_start3A_1701 = arith.constant 13 : i32
      %dma_start3A_1702 = arith.constant 0 : i32
      %dma_start3A_1703 = arith.constant 0 : i32
      %dma_start3A_1704 = tpu.memref_slice %arg10[%dma_start3A_1699, %dma_start3A_1702, %dma_start3A_1703] : memref<8x128x16xf32, #tpu.memory_space<vmem>> -> memref<1x128x16xf32, #tpu.memory_space<vmem>>
      %dma_start3A_1705 = tpu.memref_squeeze %dma_start3A_1704 : memref<1x128x16xf32, #tpu.memory_space<vmem>> -> memref<128x16xf32, #tpu.memory_space<vmem>>
      %dma_start3A_1706 = arith.constant 0 : i32
      %dma_start3A_1707 = tpu.memref_slice %arg9[%dma_start3A_1700, %dma_start3A_1701, %dma_start3A_1706] : memref<2x16x128xi32, #tpu.memory_space<vmem>> -> memref<1x1x128xi32, #tpu.memory_space<vmem>>
      %dma_start3A_1708 = tpu.memref_squeeze %dma_start3A_1707 : memref<1x1x128xi32, #tpu.memory_space<vmem>> -> memref<128xi32, #tpu.memory_space<vmem>>
      %dma_start3A_1709 = arith.constant 0 : i32
      %dma_start3A_1710 = arith.constant 0 : i32
      %dma_start3A_1711 = tpu.memref_slice %arg7[%dma_start3A_1709, %dma_start3A_1710] : memref<8192x16xf32, #tpu.memory_space<vmem_shared>> -> memref<8192x16xf32, #tpu.memory_space<vmem_shared>>
      tpu.enqueue_indirect_dma source(%dma_start3A_1705 : memref<128x16xf32, #tpu.memory_space<vmem>>) target(%dma_start3A_1711 : memref<8192x16xf32, #tpu.memory_space<vmem_shared>>) offsets(%dma_start3A_1708 : memref<128xi32, #tpu.memory_space<vmem>>) semaphore(%arg13 : memref<!tpu.dma_semaphore, #tpu.memory_space<semaphore_mem>>) {add = true}
      %dma_wait3A_1712 = arith.constant 1 : i32
      %dma_wait3A_1713 = arith.constant 14 : i32
      %dma_wait3A_1714 = arith.constant 6 : i32
      %dma_wait3A_1715 = arith.constant 0 : i32
      %dma_wait3A_1716 = arith.constant 0 : i32
      %dma_wait3A_1717 = tpu.memref_slice %arg10[%dma_wait3A_1714, %dma_wait3A_1715, %dma_wait3A_1716] : memref<8x128x16xf32, #tpu.memory_space<vmem>> -> memref<1x128x16xf32, #tpu.memory_space<vmem>>
      %dma_wait3A_1718 = tpu.memref_squeeze %dma_wait3A_1717 : memref<1x128x16xf32, #tpu.memory_space<vmem>> -> memref<128x16xf32, #tpu.memory_space<vmem>>
      %dma_wait3A_1719 = arith.constant 0 : i32
      %dma_wait3A_1720 = tpu.memref_slice %arg8[%dma_wait3A_1712, %dma_wait3A_1713, %dma_wait3A_1719] : memref<2x16x128xi32, #tpu.memory_space<vmem>> -> memref<1x1x128xi32, #tpu.memory_space<vmem>>
      %dma_wait3A_1721 = tpu.memref_squeeze %dma_wait3A_1720 : memref<1x1x128xi32, #tpu.memory_space<vmem>> -> memref<128xi32, #tpu.memory_space<vmem>>
      %dma_wait3A_1722 = arith.constant 0 : i32
      %dma_wait3A_1723 = arith.constant 0 : i32
      %dma_wait3A_1724 = tpu.memref_slice %arg2[%dma_wait3A_1722, %dma_wait3A_1723] : memref<100000x16xf32, #tpu.memory_space<hbm>> -> memref<100000x16xf32, #tpu.memory_space<hbm>>
      tpu.wait_indirect_dma semaphore(%arg12 : memref<!tpu.dma_semaphore, #tpu.memory_space<semaphore_mem>>) src(%dma_wait3A_1724 : memref<100000x16xf32, #tpu.memory_space<hbm>>) dst(%dma_wait3A_1718 : memref<128x16xf32, #tpu.memory_space<vmem>>)
      %dma_wait3A_1725 = arith.constant 5 : i32
      %dma_wait3A_1726 = arith.constant 1 : i32
      %dma_wait3A_1727 = arith.constant 13 : i32
      %dma_wait3A_1728 = arith.constant 0 : i32
      %dma_wait3A_1729 = arith.constant 0 : i32
      %dma_wait3A_1730 = tpu.memref_slice %arg10[%dma_wait3A_1725, %dma_wait3A_1728, %dma_wait3A_1729] : memref<8x128x16xf32, #tpu.memory_space<vmem>> -> memref<1x128x16xf32, #tpu.memory_space<vmem>>
      %dma_wait3A_1731 = tpu.memref_squeeze %dma_wait3A_1730 : memref<1x128x16xf32, #tpu.memory_space<vmem>> -> memref<128x16xf32, #tpu.memory_space<vmem>>
      %dma_wait3A_1732 = arith.constant 0 : i32
      %dma_wait3A_1733 = tpu.memref_slice %arg9[%dma_wait3A_1726, %dma_wait3A_1727, %dma_wait3A_1732] : memref<2x16x128xi32, #tpu.memory_space<vmem>> -> memref<1x1x128xi32, #tpu.memory_space<vmem>>
      %dma_wait3A_1734 = tpu.memref_squeeze %dma_wait3A_1733 : memref<1x1x128xi32, #tpu.memory_space<vmem>> -> memref<128xi32, #tpu.memory_space<vmem>>
      %dma_wait3A_1735 = arith.constant 0 : i32
      %dma_wait3A_1736 = arith.constant 0 : i32
      %dma_wait3A_1737 = tpu.memref_slice %arg7[%dma_wait3A_1735, %dma_wait3A_1736] : memref<8192x16xf32, #tpu.memory_space<vmem_shared>> -> memref<8192x16xf32, #tpu.memory_space<vmem_shared>>
      tpu.wait_indirect_dma semaphore(%arg13 : memref<!tpu.dma_semaphore, #tpu.memory_space<semaphore_mem>>) src(%dma_wait3A_1731 : memref<128x16xf32, #tpu.memory_space<vmem>>) dst(%dma_wait3A_1737 : memref<8192x16xf32, #tpu.memory_space<vmem_shared>>)
      %lt3A_1738 = arith.constant 49 : i32
      %lt3A_1739 = arith.cmpi slt, %add3A_989, %lt3A_1738 : i32
      %convert_element_type3A_1740 = arith.extui %lt3A_1739 : i1 to i32
      %cond3A_1741 = arith.constant 0 : i32
      %cond3A_1742 = arith.cmpi ne, %convert_element_type3A_1740, %cond3A_1741 : i32
      scf.if %cond3A_1742 {
        %dma_start3A_1800 = arith.constant 0 : i32
        %dma_start3A_1801 = arith.constant 2 : i32
        %dma_start3A_1802 = arith.constant 2 : i32
        %dma_start3A_1803 = arith.constant 0 : i32
        %dma_start3A_1804 = arith.constant 0 : i32
        %dma_start3A_1805 = tpu.memref_slice %arg10[%dma_start3A_1802, %dma_start3A_1803, %dma_start3A_1804] : memref<8x128x16xf32, #tpu.memory_space<vmem>> -> memref<1x128x16xf32, #tpu.memory_space<vmem>>
        %dma_start3A_1806 = tpu.memref_squeeze %dma_start3A_1805 : memref<1x128x16xf32, #tpu.memory_space<vmem>> -> memref<128x16xf32, #tpu.memory_space<vmem>>
        %dma_start3A_1807 = arith.constant 0 : i32
        %dma_start3A_1808 = tpu.memref_slice %arg8[%dma_start3A_1800, %dma_start3A_1801, %dma_start3A_1807] : memref<2x16x128xi32, #tpu.memory_space<vmem>> -> memref<1x1x128xi32, #tpu.memory_space<vmem>>
        %dma_start3A_1809 = tpu.memref_squeeze %dma_start3A_1808 : memref<1x1x128xi32, #tpu.memory_space<vmem>> -> memref<128xi32, #tpu.memory_space<vmem>>
        %dma_start3A_1810 = arith.constant 0 : i32
        %dma_start3A_1811 = arith.constant 0 : i32
        %dma_start3A_1812 = tpu.memref_slice %arg2[%dma_start3A_1810, %dma_start3A_1811] : memref<100000x16xf32, #tpu.memory_space<hbm>> -> memref<100000x16xf32, #tpu.memory_space<hbm>>
        tpu.enqueue_indirect_dma source(%dma_start3A_1812 : memref<100000x16xf32, #tpu.memory_space<hbm>>) target(%dma_start3A_1806 : memref<128x16xf32, #tpu.memory_space<vmem>>) offsets(%dma_start3A_1809 : memref<128xi32, #tpu.memory_space<vmem>>) semaphore(%arg12 : memref<!tpu.dma_semaphore, #tpu.memory_space<semaphore_mem>>)
      } else {
      }
      %dma_start3A_1743 = arith.constant 6 : i32
      %dma_start3A_1744 = arith.constant 1 : i32
      %dma_start3A_1745 = arith.constant 14 : i32
      %dma_start3A_1746 = arith.constant 0 : i32
      %dma_start3A_1747 = arith.constant 0 : i32
      %dma_start3A_1748 = tpu.memref_slice %arg10[%dma_start3A_1743, %dma_start3A_1746, %dma_start3A_1747] : memref<8x128x16xf32, #tpu.memory_space<vmem>> -> memref<1x128x16xf32, #tpu.memory_space<vmem>>
      %dma_start3A_1749 = tpu.memref_squeeze %dma_start3A_1748 : memref<1x128x16xf32, #tpu.memory_space<vmem>> -> memref<128x16xf32, #tpu.memory_space<vmem>>
      %dma_start3A_1750 = arith.constant 0 : i32
      %dma_start3A_1751 = tpu.memref_slice %arg9[%dma_start3A_1744, %dma_start3A_1745, %dma_start3A_1750] : memref<2x16x128xi32, #tpu.memory_space<vmem>> -> memref<1x1x128xi32, #tpu.memory_space<vmem>>
      %dma_start3A_1752 = tpu.memref_squeeze %dma_start3A_1751 : memref<1x1x128xi32, #tpu.memory_space<vmem>> -> memref<128xi32, #tpu.memory_space<vmem>>
      %dma_start3A_1753 = arith.constant 0 : i32
      %dma_start3A_1754 = arith.constant 0 : i32
      %dma_start3A_1755 = tpu.memref_slice %arg7[%dma_start3A_1753, %dma_start3A_1754] : memref<8192x16xf32, #tpu.memory_space<vmem_shared>> -> memref<8192x16xf32, #tpu.memory_space<vmem_shared>>
      tpu.enqueue_indirect_dma source(%dma_start3A_1749 : memref<128x16xf32, #tpu.memory_space<vmem>>) target(%dma_start3A_1755 : memref<8192x16xf32, #tpu.memory_space<vmem_shared>>) offsets(%dma_start3A_1752 : memref<128xi32, #tpu.memory_space<vmem>>) semaphore(%arg13 : memref<!tpu.dma_semaphore, #tpu.memory_space<semaphore_mem>>) {add = true}
      %dma_wait3A_1756 = arith.constant 1 : i32
      %dma_wait3A_1757 = arith.constant 15 : i32
      %dma_wait3A_1758 = arith.constant 7 : i32
      %dma_wait3A_1759 = arith.constant 0 : i32
      %dma_wait3A_1760 = arith.constant 0 : i32
      %dma_wait3A_1761 = tpu.memref_slice %arg10[%dma_wait3A_1758, %dma_wait3A_1759, %dma_wait3A_1760] : memref<8x128x16xf32, #tpu.memory_space<vmem>> -> memref<1x128x16xf32, #tpu.memory_space<vmem>>
      %dma_wait3A_1762 = tpu.memref_squeeze %dma_wait3A_1761 : memref<1x128x16xf32, #tpu.memory_space<vmem>> -> memref<128x16xf32, #tpu.memory_space<vmem>>
      %dma_wait3A_1763 = arith.constant 0 : i32
      %dma_wait3A_1764 = tpu.memref_slice %arg8[%dma_wait3A_1756, %dma_wait3A_1757, %dma_wait3A_1763] : memref<2x16x128xi32, #tpu.memory_space<vmem>> -> memref<1x1x128xi32, #tpu.memory_space<vmem>>
      %dma_wait3A_1765 = tpu.memref_squeeze %dma_wait3A_1764 : memref<1x1x128xi32, #tpu.memory_space<vmem>> -> memref<128xi32, #tpu.memory_space<vmem>>
      %dma_wait3A_1766 = arith.constant 0 : i32
      %dma_wait3A_1767 = arith.constant 0 : i32
      %dma_wait3A_1768 = tpu.memref_slice %arg2[%dma_wait3A_1766, %dma_wait3A_1767] : memref<100000x16xf32, #tpu.memory_space<hbm>> -> memref<100000x16xf32, #tpu.memory_space<hbm>>
      tpu.wait_indirect_dma semaphore(%arg12 : memref<!tpu.dma_semaphore, #tpu.memory_space<semaphore_mem>>) src(%dma_wait3A_1768 : memref<100000x16xf32, #tpu.memory_space<hbm>>) dst(%dma_wait3A_1762 : memref<128x16xf32, #tpu.memory_space<vmem>>)
      %dma_wait3A_1769 = arith.constant 6 : i32
      %dma_wait3A_1770 = arith.constant 1 : i32
      %dma_wait3A_1771 = arith.constant 14 : i32
      %dma_wait3A_1772 = arith.constant 0 : i32
      %dma_wait3A_1773 = arith.constant 0 : i32
      %dma_wait3A_1774 = tpu.memref_slice %arg10[%dma_wait3A_1769, %dma_wait3A_1772, %dma_wait3A_1773] : memref<8x128x16xf32, #tpu.memory_space<vmem>> -> memref<1x128x16xf32, #tpu.memory_space<vmem>>
      %dma_wait3A_1775 = tpu.memref_squeeze %dma_wait3A_1774 : memref<1x128x16xf32, #tpu.memory_space<vmem>> -> memref<128x16xf32, #tpu.memory_space<vmem>>
      %dma_wait3A_1776 = arith.constant 0 : i32
      %dma_wait3A_1777 = tpu.memref_slice %arg9[%dma_wait3A_1770, %dma_wait3A_1771, %dma_wait3A_1776] : memref<2x16x128xi32, #tpu.memory_space<vmem>> -> memref<1x1x128xi32, #tpu.memory_space<vmem>>
      %dma_wait3A_1778 = tpu.memref_squeeze %dma_wait3A_1777 : memref<1x1x128xi32, #tpu.memory_space<vmem>> -> memref<128xi32, #tpu.memory_space<vmem>>
      %dma_wait3A_1779 = arith.constant 0 : i32
      %dma_wait3A_1780 = arith.constant 0 : i32
      %dma_wait3A_1781 = tpu.memref_slice %arg7[%dma_wait3A_1779, %dma_wait3A_1780] : memref<8192x16xf32, #tpu.memory_space<vmem_shared>> -> memref<8192x16xf32, #tpu.memory_space<vmem_shared>>
      tpu.wait_indirect_dma semaphore(%arg13 : memref<!tpu.dma_semaphore, #tpu.memory_space<semaphore_mem>>) src(%dma_wait3A_1775 : memref<128x16xf32, #tpu.memory_space<vmem>>) dst(%dma_wait3A_1781 : memref<8192x16xf32, #tpu.memory_space<vmem_shared>>)
      %lt3A_1782 = arith.constant 49 : i32
      %lt3A_1783 = arith.cmpi slt, %add3A_989, %lt3A_1782 : i32
      %convert_element_type3A_1784 = arith.extui %lt3A_1783 : i1 to i32
      %cond3A_1785 = arith.constant 0 : i32
      %cond3A_1786 = arith.cmpi ne, %convert_element_type3A_1784, %cond3A_1785 : i32
      scf.if %cond3A_1786 {
        %dma_start3A_1800 = arith.constant 0 : i32
        %dma_start3A_1801 = arith.constant 3 : i32
        %dma_start3A_1802 = arith.constant 3 : i32
        %dma_start3A_1803 = arith.constant 0 : i32
        %dma_start3A_1804 = arith.constant 0 : i32
        %dma_start3A_1805 = tpu.memref_slice %arg10[%dma_start3A_1802, %dma_start3A_1803, %dma_start3A_1804] : memref<8x128x16xf32, #tpu.memory_space<vmem>> -> memref<1x128x16xf32, #tpu.memory_space<vmem>>
        %dma_start3A_1806 = tpu.memref_squeeze %dma_start3A_1805 : memref<1x128x16xf32, #tpu.memory_space<vmem>> -> memref<128x16xf32, #tpu.memory_space<vmem>>
        %dma_start3A_1807 = arith.constant 0 : i32
        %dma_start3A_1808 = tpu.memref_slice %arg8[%dma_start3A_1800, %dma_start3A_1801, %dma_start3A_1807] : memref<2x16x128xi32, #tpu.memory_space<vmem>> -> memref<1x1x128xi32, #tpu.memory_space<vmem>>
        %dma_start3A_1809 = tpu.memref_squeeze %dma_start3A_1808 : memref<1x1x128xi32, #tpu.memory_space<vmem>> -> memref<128xi32, #tpu.memory_space<vmem>>
        %dma_start3A_1810 = arith.constant 0 : i32
        %dma_start3A_1811 = arith.constant 0 : i32
        %dma_start3A_1812 = tpu.memref_slice %arg2[%dma_start3A_1810, %dma_start3A_1811] : memref<100000x16xf32, #tpu.memory_space<hbm>> -> memref<100000x16xf32, #tpu.memory_space<hbm>>
        tpu.enqueue_indirect_dma source(%dma_start3A_1812 : memref<100000x16xf32, #tpu.memory_space<hbm>>) target(%dma_start3A_1806 : memref<128x16xf32, #tpu.memory_space<vmem>>) offsets(%dma_start3A_1809 : memref<128xi32, #tpu.memory_space<vmem>>) semaphore(%arg12 : memref<!tpu.dma_semaphore, #tpu.memory_space<semaphore_mem>>)
      } else {
      }
      %dma_start3A_1787 = arith.constant 7 : i32
      %dma_start3A_1788 = arith.constant 1 : i32
      %dma_start3A_1789 = arith.constant 15 : i32
      %dma_start3A_1790 = arith.constant 0 : i32
      %dma_start3A_1791 = arith.constant 0 : i32
      %dma_start3A_1792 = tpu.memref_slice %arg10[%dma_start3A_1787, %dma_start3A_1790, %dma_start3A_1791] : memref<8x128x16xf32, #tpu.memory_space<vmem>> -> memref<1x128x16xf32, #tpu.memory_space<vmem>>
      %dma_start3A_1793 = tpu.memref_squeeze %dma_start3A_1792 : memref<1x128x16xf32, #tpu.memory_space<vmem>> -> memref<128x16xf32, #tpu.memory_space<vmem>>
      %dma_start3A_1794 = arith.constant 0 : i32
      %dma_start3A_1795 = tpu.memref_slice %arg9[%dma_start3A_1788, %dma_start3A_1789, %dma_start3A_1794] : memref<2x16x128xi32, #tpu.memory_space<vmem>> -> memref<1x1x128xi32, #tpu.memory_space<vmem>>
      %dma_start3A_1796 = tpu.memref_squeeze %dma_start3A_1795 : memref<1x1x128xi32, #tpu.memory_space<vmem>> -> memref<128xi32, #tpu.memory_space<vmem>>
      %dma_start3A_1797 = arith.constant 0 : i32
      %dma_start3A_1798 = arith.constant 0 : i32
      %dma_start3A_1799 = tpu.memref_slice %arg7[%dma_start3A_1797, %dma_start3A_1798] : memref<8192x16xf32, #tpu.memory_space<vmem_shared>> -> memref<8192x16xf32, #tpu.memory_space<vmem_shared>>
      tpu.enqueue_indirect_dma source(%dma_start3A_1793 : memref<128x16xf32, #tpu.memory_space<vmem>>) target(%dma_start3A_1799 : memref<8192x16xf32, #tpu.memory_space<vmem_shared>>) offsets(%dma_start3A_1796 : memref<128xi32, #tpu.memory_space<vmem>>) semaphore(%arg13 : memref<!tpu.dma_semaphore, #tpu.memory_space<semaphore_mem>>) {add = true}
    }
    %scan3A_158 = arith.constant 25 : i32
    %dma_wait3A_159 = arith.constant 7 : i32
    %dma_wait3A_160 = arith.constant 1 : i32
    %dma_wait3A_161 = arith.constant 15 : i32
    %dma_wait3A_162 = arith.constant 0 : i32
    %dma_wait3A_163 = arith.constant 0 : i32
    %dma_wait3A_164 = tpu.memref_slice %arg10[%dma_wait3A_159, %dma_wait3A_162, %dma_wait3A_163] : memref<8x128x16xf32, #tpu.memory_space<vmem>> -> memref<1x128x16xf32, #tpu.memory_space<vmem>>
    %dma_wait3A_165 = tpu.memref_squeeze %dma_wait3A_164 : memref<1x128x16xf32, #tpu.memory_space<vmem>> -> memref<128x16xf32, #tpu.memory_space<vmem>>
    %dma_wait3A_166 = arith.constant 0 : i32
    %dma_wait3A_167 = tpu.memref_slice %arg9[%dma_wait3A_160, %dma_wait3A_161, %dma_wait3A_166] : memref<2x16x128xi32, #tpu.memory_space<vmem>> -> memref<1x1x128xi32, #tpu.memory_space<vmem>>
    %dma_wait3A_168 = tpu.memref_squeeze %dma_wait3A_167 : memref<1x1x128xi32, #tpu.memory_space<vmem>> -> memref<128xi32, #tpu.memory_space<vmem>>
    %dma_wait3A_169 = arith.constant 0 : i32
    %dma_wait3A_170 = arith.constant 0 : i32
    %dma_wait3A_171 = tpu.memref_slice %arg7[%dma_wait3A_169, %dma_wait3A_170] : memref<8192x16xf32, #tpu.memory_space<vmem_shared>> -> memref<8192x16xf32, #tpu.memory_space<vmem_shared>>
    tpu.wait_indirect_dma semaphore(%arg13 : memref<!tpu.dma_semaphore, #tpu.memory_space<semaphore_mem>>) src(%dma_wait3A_165 : memref<128x16xf32, #tpu.memory_space<vmem>>) dst(%dma_wait3A_171 : memref<8192x16xf32, #tpu.memory_space<vmem_shared>>)
    %mul3A_172 = arith.constant 512 : i32
    %mul3A_173 = arith.muli %arg1, %mul3A_172 : i32
    %mul3A_174 = arith.constant 8192 : i32
    %mul3A_175 = arith.muli %arg0, %mul3A_174 : i32
    %mul3A_176 = arith.constant 512 : i32
    %mul3A_177 = arith.muli %arg1, %mul3A_176 : i32
    %add3A_178 = arith.addi %mul3A_175, %mul3A_177 : i32
    "tpu.region"() ({
      %run_scoped3A = tpu.sem_alloc : memref<!tpu.dma_semaphore, #tpu.memory_space<semaphore_mem>>
      %dma_start3A_179 = arith.constant 0 : i32
      %dma_start3A_180 = tpu.memref_slice %arg6[%add3A_178, %dma_start3A_179] : memref<16384x16xf32, #tpu.memory_space<hbm>> -> memref<512x16xf32, #tpu.memory_space<hbm>>
      %dma_start3A_181 = arith.constant 0 : i32
      %dma_start3A_182 = tpu.memref_slice %arg7[%mul3A_173, %dma_start3A_181] : memref<8192x16xf32, #tpu.memory_space<vmem_shared>> -> memref<512x16xf32, #tpu.memory_space<vmem_shared>>
      tpu.enqueue_dma source(%dma_start3A_182 : memref<512x16xf32, #tpu.memory_space<vmem_shared>>) target(%dma_start3A_180 : memref<512x16xf32, #tpu.memory_space<hbm>>) target_semaphore(%run_scoped3A : memref<!tpu.dma_semaphore, #tpu.memory_space<semaphore_mem>>)
      %dma_wait3A_183 = arith.constant 0 : i32
      %dma_wait3A_184 = tpu.memref_slice %arg6[%add3A_178, %dma_wait3A_183] : memref<16384x16xf32, #tpu.memory_space<hbm>> -> memref<512x16xf32, #tpu.memory_space<hbm>>
      %dma_wait3A_185 = arith.constant 0 : i32
      %dma_wait3A_186 = tpu.memref_slice %arg7[%mul3A_173, %dma_wait3A_185] : memref<8192x16xf32, #tpu.memory_space<vmem_shared>> -> memref<512x16xf32, #tpu.memory_space<vmem_shared>>
      tpu.wait_dma2 semaphore(%run_scoped3A : memref<!tpu.dma_semaphore, #tpu.memory_space<semaphore_mem>>) src(%dma_wait3A_186 : memref<512x16xf32, #tpu.memory_space<vmem_shared>>) dst(%dma_wait3A_184 : memref<512x16xf32, #tpu.memory_space<hbm>>)
      tpu.yield
    }) : () -> ()
    return
  }
}

module attributes {stable_mosaic.version = 14 : i64} {
  func.func @_project_body(%arg0: i32, %arg1: memref<2000x64xf32, #tpu.memory_space<vmem>>, %arg2: memref<64x16xf32, #tpu.memory_space<vmem>>, %arg3: memref<8x16xf32, #tpu.memory_space<vmem>>, %arg4: memref<2000x16xf32, #tpu.memory_space<vmem>>) attributes {dimension_semantics = [#tpu.dimension_semantics<arbitrary>], iteration_bounds = array<i64: 50>, scalar_prefetch = 0 : i64, scratch_operands = 0 : i64, tpu.core_type = #tpu.core_type<tc>, window_params = [{transform_indices = @transform_0, window_bounds = array<i64: 2000, 64>}, {pipeline_mode = #tpu.pipeline_mode<synchronous>, transform_indices = @transform_1, window_bounds = array<i64: 64, 16>}, {pipeline_mode = #tpu.pipeline_mode<synchronous>, transform_indices = @transform_2, window_bounds = array<i64: 8, 16>}, {transform_indices = @transform_3, window_bounds = array<i64: 2000, 16>}]} {
    %get3A = arith.constant 0 : index
    %get3A_0 = arith.constant 0 : index
    %get3A_1 = vector.load %arg1[%get3A, %get3A_0] : memref<2000x64xf32, #tpu.memory_space<vmem>>, vector<2000x64xf32>
    %get3A_2 = arith.constant 0 : index
    %get3A_3 = arith.constant 0 : index
    %get3A_4 = vector.load %arg2[%get3A_2, %get3A_3] : memref<64x16xf32, #tpu.memory_space<vmem>>, vector<64x16xf32>
    %dot_general3A = arith.constant dense<0.000000e+00> : vector<2000x16xf32>
    %dot_general3A_5 = tpu.matmul %get3A_1, %get3A_4, %dot_general3A {dimension_numbers = #tpu.dot_dimension_numbers<[1], [0], [0], [1], [0, 0, 1, 1], [], []>, transpose_lhs_hint = false} : vector<2000x64xf32>, vector<64x16xf32>, vector<2000x16xf32> -> vector<2000x16xf32>
    %get3A_6 = arith.constant 0 : index
    %get3A_7 = arith.constant 0 : index
    %get3A_8 = vector.load %arg3[%get3A_6, %get3A_7] : memref<8x16xf32, #tpu.memory_space<vmem>>, vector<1x16xf32>
    %add3A = vector.broadcast %get3A_8 : vector<1x16xf32> to vector<2000x16xf32>
    %add3A_9 = arith.addf %dot_general3A_5, %add3A : vector<2000x16xf32>
    %swap3A = arith.constant 0 : index
    %swap3A_10 = arith.constant 0 : index
    %swap3A_11 = vector.load %arg4[%swap3A, %swap3A_10] : memref<2000x16xf32, #tpu.memory_space<vmem>>, vector<2000x16xf32>
    tpu.vector_store %arg4[%swap3A, %swap3A_10], %add3A_9 {strides = array<i32>} : memref<2000x16xf32, #tpu.memory_space<vmem>>, vector<2000x16xf32>,
    return
  }
  func.func @transform_0(%arg0: i32) -> (i32, i32) {
    %c0_i32 = arith.constant 0 : i32
    %c0_i32_0 = arith.constant 0 : i32
    return %arg0, %c0_i32 : i32, i32
  }
  func.func @transform_1(%arg0: i32) -> (i32, i32) {
    %c0_i32 = arith.constant 0 : i32
    %c0_i32_0 = arith.constant 0 : i32
    %c0_i32_1 = arith.constant 0 : i32
    return %c0_i32, %c0_i32_0 : i32, i32
  }
  func.func @transform_2(%arg0: i32) -> (i32, i32) {
    %c0_i32 = arith.constant 0 : i32
    %c0_i32_0 = arith.constant 0 : i32
    %c0_i32_1 = arith.constant 0 : i32
    return %c0_i32, %c0_i32_0 : i32, i32
  }
  func.func @transform_3(%arg0: i32) -> (i32, i32) {
    %c0_i32 = arith.constant 0 : i32
    %c0_i32_0 = arith.constant 0 : i32
    return %arg0, %c0_i32 : i32, i32
  }
}

</mosaic_0001>

<sc_bundles>
// kernel: kernel.4.cloned.1.call-start
scs
__scs_entry_jumppad:
0x0: {  	(pc) =	sbr.rel $0x88, $3  }
0x1: {  	(tag) =	ssettag $0x0;
	lr =	simm.s32 $0x1  }
0x2: {  	[smem:$0x3F9D] =	sst lr;
	_ =	strace $0xD0000000  }
0x3: {  	_ = 	snop  }
0x4: {  	_ = 	snop  }
0x5: {  	_ = 	snop  }
0x6: {  	_ = 	snop  }
0x7: {  	_ = 	snop  }
__scs_overlays_trampoline_lowered:
0x8: {  	[smem:$0x3FAC] =	sst s0  }
0x9: {  	[smem:$0x3FAD] =	sst s1  }
0xa: {  	[smem:$0x3FAE] =	sst s2  }
0xb: {  	[smem:$0x3FAF] =	sst s3  }
0xc: {  	[smem:$0x3FB0] =	sst s4  }
0xd: {  	[smem:$0x3FB1] =	sst s5  }
0xe: {  	[smem:$0x3FB2] =	sst s6  }
0xf: {  	[smem:$0x3FB3] =	sst s7  }
0x10: {  	[smem:$0x3FB4] =	sst s8  }
0x11: {  	[smem:$0x3FB5] =	sst s9;
	s0 =	simm.s32 @!p0 $0x0  }
0x12: {  	s1 =	sld [smem:$0x3F9B];
	s0 =	simm.s32 @p0 $0x1  }
0x13: {  	[smem:$0x3FB6] =	sst s0;
	s0 =	simm.s32 @!p1 $0x0  }
0x14: {  	s2 =	sld [smem:$0x3F9A];
	s0 =	simm.s32 @p1 $0x1  }
0x15: {  	[smem:$0x3FB7] =	sst s0;
	s0 =	simm.s32 @!p2 $0x0  }
0x16: {  	s3 =	sld [smem:$0x3FDB];
	s0 =	simm.s32 @p2 $0x1  }
0x17: {  	s4 =	simm.s32 $0x1BF5;
	[smem:$0x3FB9] =	sst s0  }
0x18: {  	s0 =	sld [smem:$0x3F9C];
	_ =	swait.ge [sflag:s4], $0x0  }
0x19: {  	s7 =	sld [smem:$0x3F9D]  }
0x1a: {  	s8 =	sadd.s32 $0xFFFFE003, lr  }
0x1b: {  	s9 =	sadd.s32 $0xFFFFFEF7, lr;
	s5 =	simm.s32 $0xFFFFFFFF;
	p2 =	slt.u32 s8, $0xFFFFF086  }
0x1c: {  	p1 =	slt.u32 s9, $0xF7A;
	s5 =	simm.s32 @!p2 $0x0  }
0x1d: {  	s5 =	simm.s32 @p1 $0x1;
	p0 =	seq.s32 s7, s2  }
0x1e: {  	s7 =	smul.u32 @!p0 $0xF7A, s2;
	p2 =	seq.s32 @!p0 s5, $0x0  }
0x1f: {  	s9 =	smul.u32 $0xF7A, s1;
	s8 =	simm.s32 @!p0 $0x1BF5;
	p2 =	por !p2, p0  }
0x20: {  	[sflag:s8] =	ssyncset.s32 @!p0 $0xFFFFF086;
	s6 =	sadd.s32 @!p0 s3, s7;
	s7 =	simm.s32 @!p0 $0x108  }
0x21: {  	s3 =	sadd.s32 s3, s9;
	s6 =	sadd.s32 @!p0 $0x88, s6;
	s7 =	simm.s32 @p2 $0x1082  }
0x22: {  	[simem:s7], [sflag:s8] =	dma.local @!p0 [hbm:s6], $0xF7A  }
0x23: {  	s9 =	sor.u32 $0xD0000000, s2;
	s6 =	simm.s32 $0x108;
	_ =	swait.ge @!p0 [sflag:s8], $0x0  }
0x24: {  	s3 =	sadd.s32 $0x88, s3;
	s6 =	simm.s32 @!p1 $0x1082;
	[sflag:s4] =	ssyncset.s32 $0xFFFFF086  }
0x25: {  	[simem:s6], [sflag:s4] =	dma.local [hbm:s3], $0xF7A  }
0x26: {  	[smem:$0x3F9D] =	sst s1;
	(tag) =	ssettag s2;
	_ =	strace s9  }
0x27: {  	s1 =	sld [smem:$0x3FAD]  }
0x28: {  	s2 =	sld [smem:$0x3FAE]  }
0x29: {  	s4 =	sld [smem:$0x3FB0]  }
0x2a: {  	p0 =	seq.s32 s5, $0x0;
	s5 =	sld [smem:$0x3FB1]  }
0x2b: {  	s6 =	sld [smem:$0x3FB2]  }
0x2c: {  	s7 =	sld [smem:$0x3FB3]  }
0x2d: {  	s3 =	simm.s32 $0x108;
	s8 =	sld [smem:$0x3FB4]  }
0x2e: {  	s3 =	simm.s32 @!p0 $0x1082;
	s9 =	sld [smem:$0x3FB5]  }
0x2f: {  	lr =	sadd.s32 s0, s3;
	s0 =	sld [smem:$0x3FAC]  }
0x30: {  	s3 =	sld [smem:$0x3FAF]  }
0x31: {  	[smem:$0x3FB8] =	sst s10  }
0x32: {  	s10 =	sld [smem:$0x3FB6];
	_ =	sdelay $0x3  }
0x33: {  	p0 =	seq.s32 s10, $0x1;
	s10 =	sld [smem:$0x3FB8];
	_ =	sdelay $0x3  }
0x34: {  	[smem:$0x3FB8] =	sst s10  }
0x35: {  	s10 =	sld [smem:$0x3FB7];
	_ =	sdelay $0x3  }
0x36: {  	p1 =	seq.s32 s10, $0x1;
	s10 =	sld [smem:$0x3FB8];
	_ =	sdelay $0x3  }
0x37: {  	[smem:$0x3FB8] =	sst s10  }
0x38: {  	s10 =	sld [smem:$0x3FB9]  }
0x39: {  	_ = 	snop;
	(pc) =	sbr.ind lr, $3  }
0x3a: {  	_ = 	snop  }
0x3b: {  	_ = 	snop  }
0x3c: {  	p2 =	seq.s32 s10, $0x1;
	s10 =	sld [smem:$0x3FB8]  }
0x3d: {  	_ =	shalt  }
0x3e: {  	_ =	shalt  }
0x3f: {  	_ =	shalt  }
0x40: {  	_ =	shalt  }
0x41: {  	_ =	shalt  }
0x42: {  	_ =	shalt  }
0x43: {  	_ =	shalt  }
0x44: {  	_ =	shalt  }
0x45: {  	_ =	shalt  }
0x46: {  	_ =	shalt  }
0x47: {  	_ =	shalt  }
0x48: {  	_ =	shalt  }
0x49: {  	_ =	shalt  }
0x4a: {  	_ =	shalt  }
0x4b: {  	_ =	shalt  }
0x4c: {  	_ =	shalt  }
0x4d: {  	_ =	shalt  }
0x4e: {  	_ =	shalt  }
0x4f: {  	_ =	shalt  }
0x50: {  	_ =	shalt  }
0x51: {  	_ =	shalt  }
0x52: {  	_ =	shalt  }
0x53: {  	_ =	shalt  }
0x54: {  	_ =	shalt  }
0x55: {  	_ =	shalt  }
0x56: {  	_ =	shalt  }
0x57: {  	_ =	shalt  }
0x58: {  	_ =	shalt  }
0x59: {  	_ =	shalt  }
0x5a: {  	_ =	shalt  }
0x5b: {  	_ =	shalt  }
0x5c: {  	_ =	shalt  }
0x5d: {  	_ =	shalt  }
0x5e: {  	_ =	shalt  }
0x5f: {  	_ =	shalt  }
0x60: {  	_ =	shalt  }
0x61: {  	_ =	shalt  }
0x62: {  	_ =	shalt  }
0x63: {  	_ =	shalt  }
0x64: {  	_ =	shalt  }
0x65: {  	_ =	shalt  }
0x66: {  	_ =	shalt  }
0x67: {  	_ =	shalt  }
0x68: {  	_ =	shalt  }
0x69: {  	_ =	shalt  }
0x6a: {  	_ =	shalt  }
0x6b: {  	_ =	shalt  }
0x6c: {  	_ =	shalt  }
0x6d: {  	_ =	shalt  }
0x6e: {  	_ =	shalt  }
0x6f: {  	_ =	shalt  }
0x70: {  	_ =	shalt  }
0x71: {  	_ =	shalt  }
0x72: {  	_ =	shalt  }
0x73: {  	_ =	shalt  }
0x74: {  	_ =	shalt  }
0x75: {  	_ =	shalt  }
0x76: {  	_ =	shalt  }
0x77: {  	_ =	shalt  }
0x78: {  	_ =	shalt  }
0x79: {  	_ =	shalt  }
0x7a: {  	_ =	shalt  }
0x7b: {  	_ =	shalt  }
0x7c: {  	_ =	shalt  }
0x7d: {  	_ =	shalt  }
0x7e: {  	_ =	shalt  }
0x7f: {  	_ =	shalt  }
0x80: {  	_ =	shalt  }
0x81: {  	_ =	shalt  }
0x82: {  	_ =	shalt  }
0x83: {  	_ =	shalt  }
0x84: {  	_ =	shalt  }
0x85: {  	_ =	shalt  }
0x86: {  	_ =	shalt  }
0x87: {  	_ =	shalt  }
.Lfunc_end0:
.L_simem_size_0:
called_computation_lowered:
.L_overlay_start_0:
0x88: {  	s2 =	sld [smem:$0x3FD9]  }
0x89: {  	s3 =	sld [smem:$0x3FFE];
	_ =	sdelay $0x1  }
0x8a: {  	s1 =	srdreg.scid  }
0x8b: {  	s0 =	sand.u32 $0x1, s1  }
0x8c: {  	s17 =	sshll.u32 s0, $0xA;
	s2 =	sadd.s32 s3, s2  }
0x8d: {  	s2 =	sadd.s32 s2, s17  }
0x8e: {  	[smem:$0x3FC4] =	sst s2  }
0x8f: {  	_ = 	snop  }
0x90: {  	s2 =	sld [smem:$0x3FD0];
	(tm) =	ssettm $0x1  }
0x91: {  	s18 =	sld [smem:$0x3FFB];
	_ =	sdelay $0x3  }
0x92: {  	_ =	strace s18  }
0x93: {  	s3 =	sld [smem:$0x3FFC];
	_ =	sdelay $0x3  }
0x94: {  	_ =	strace s3  }
0x95: {  	s3 =	sld [smem:$0x3FFD];
	_ =	sdelay $0x3  }
0x96: {  	_ =	strace s3  }
0x97: {  	_ =	strace $0x8FFFFFFF  }
0x98: {  	s19 =	sld [smem:$0x3FDB];
	_ =	sdelay $0x1  }
0x99: {  	s4 =	simm.s32 $_scs_section_size  }
0x9a: {  	s5 =	simm.s32 $_size__tile_overlayer_lowered;
	s6 =	simm.s32 $_tile_overlayer_lowered  }
0x9b: {  	s22 =	simm.s32 $0x1BFF;
	s21 =	sshll.u32 s6, $0x1;
	s3 =	sadd.s32 s4, s19  }
0x9c: {  	s7 =	simm.s32 $0x0;
	s20 =	sshll.u32 s5, $0x1;
	s5 =	sadd.s32 s21, s3  }
0x9d: {  	[timem:s7], [sflag:s22] =	dma.local [hbm:s5], s20  }
0x9e: {  	_ =	swait.ge [sflag:s22], s20  }
0x9f: {  	s4 =	ssub.s32 $0x0, s20;
	[sflag:s22] =	ssyncset.done $0x0  }
0xa0: {  	[sflag:s22] =	ssyncadd.s32 s4;
	_ =	sdelay $0x1  }
0xa1: {  	s23 =	simm.s32 $0x1B8B  }
0xa2: {  	_ =	swait.ge [sflag:s23], $0x1  }
0xa3: {  	[sflag:s23] =	ssyncset.done $0x0  }
0xa4: {  	s25 =	simm.s32 $0x1B8E;
	s24 =	sld [smem:$0x3FFE];
	[sflag:s23] =	ssyncadd.s32 $0xFFFFFFFF  }
0xa5: {  	s26 =	simm.s32 $execute0_lowered;
	[smem:$0x3FD2] =	sst s25  }
0xa6: {  	s5 =	sshll.u32 s26, $0x1;
	_ =	strace $0x80000046;
	[dreg:$0x1] =	wrdreg $0xFFFFFFFF  }
0xa7: {  	s28 =	simm.s32 $_size_execute0_lowered;
	s3 =	sadd.s32 s3, s5;
	[dreg:$0x0] =	wrdreg $0x0  }
0xa8: {  	s5 =	sshll.u32 s28, $0x1;
	[dreg:$0x2] =	wrdreg s3  }
0xa9: {  	[dreg:$0x3] =	wrdreg s5  }
0xaa: {  	[dreg:$0x4] =	wrdreg $0xC0  }
0xab: {  	_ =	task [dreg:s7], $0x5FFFF  }
0xac: {  	[dreg:$0x1] =	wrdreg $0xFFFFFFFF  }
0xad: {  	[dreg:$0x0] =	wrdreg $0x60  }
0xae: {  	[dreg:$0x2] =	wrdreg s24  }
0xaf: {  	[dreg:$0x3] =	wrdreg s2  }
0xb0: {  	[dreg:$0x4] =	wrdreg $0x0  }
0xb1: {  	[dreg:$0x5] =	wrdreg $0x9  }
0xb2: {  	_ =	task.clear_ibuf [dreg:s7], $0x6FFFF;
	_ =	strace $0x90000046  }
0xb3: {  	s29 =	simm.s32 $0x9;
	_ =	strace $0x80000048  }
0xb4: {  	_ =	swait.ge [sflag:s29], $0x1  }
0xb5: {  	[sflag:s29] =	ssyncadd.s32 $0xFFFFFFFF  }
0xb6: {  	_ =	strace $0x90000048  }
0xb7: {  	_ =	sfence  }
0xb8: {  	s30 =	sld [smem:$0x0];
	_ =	sdelay $0x2  }
0xb9: {  	s31 =	sshll.u32 s1, $0xD;
	s1 =	sshrl.u32 s1, $0x2  }
0xba: {  	s3 =	sand.u32 $0x4000, s31;
	s1 =	sadd.s32 s1, s30  }
0xbb: {  	s0 =	sor.u32 s3, s0;
	s1 =	sshll.u32 s1, $0x11  }
0xbc: {  	s0 =	sor.u32 s1, s0  }
0xbd: {  	s0 =	sadd.s32 $0x8F2B, s0  }
0xbe: {  	[sflag:s0] =	ssyncadd.remote.s32 $0x1  }
0xbf: {  	_ =	sfence.sel $0xFFFF  }
0xc0: {  	[dreg:$0x0] =	wrdreg $0xFFFFFFFF;
	(pc) =	sbr.abs _section_cstart, $3  }
0xc1: {  	[dreg:$0x1] =	wrdreg $0xFFFFFFFF  }
0xc2: {  	_ =	task.clear_ibuf [dreg:s7], $0x2FFFF;
	_ =	strace $0x9FFFFFFF  }
0xc3: {  	(tm) =	ssettm $0x7FFFFFFF  }
tec
execute0_lowered:
.L_overlay_start_1:
0x0: {  	(tag) =	ssettag $0x1  }
0x1: {  	s7 =	rddreg [dreg:$0x0]  }
0x2: {  	s3 =	rddreg [dreg:$0x2];
	s5 =	simm.s32 $0x0  }
0x3: {  	s16 =	simm.s32 $0x2200;
	[smem:$0x7FF] =	sst s5  }
0x4: {  	s17 =	simm.s32 $0x2280;
	_ =	strace $0x80000047;
	[dreg:$0x5] =	wrdreg s16  }
0x5: {  	s18 =	simm.s32 $0x3080;
	[dreg:$0x6] =	wrdreg s17  }
0x6: {  	s19 =	simm.s32 $0x2300;
	[dreg:$0x7] =	wrdreg s18  }
0x7: {  	s20 =	simm.s32 $0x3100;
	[dreg:$0x8] =	wrdreg s19  }
0x8: {  	s21 =	simm.s32 $0x2380;
	[dreg:$0x9] =	wrdreg s20  }
0x9: {  	s22 =	simm.s32 $0x3180;
	[dreg:$0xa] =	wrdreg s21  }
0xa: {  	s23 =	simm.s32 $0x2400;
	[dreg:$0xb] =	wrdreg s22  }
0xb: {  	s24 =	simm.s32 $0x3200;
	[dreg:$0xc] =	wrdreg s23  }
0xc: {  	s25 =	simm.s32 $0x2480;
	[dreg:$0xd] =	wrdreg s24  }
0xd: {  	s26 =	simm.s32 $0x3280;
	[dreg:$0xe] =	wrdreg s25  }
0xe: {  	s6 =	simm.s32 $0x2500;
	[dreg:$0xf] =	wrdreg s26  }
0xf: {  	s8 =	simm.s32 $0x3300;
	[dreg:$0x10] =	wrdreg s6  }
0x10: {  	s9 =	simm.s32 $0x2580;
	[dreg:$0x11] =	wrdreg s8  }
0x11: {  	s10 =	simm.s32 $0x3380;
	[dreg:$0x12] =	wrdreg s9  }
0x12: {  	s11 =	simm.s32 $0x2600;
	[dreg:$0x13] =	wrdreg s10  }
0x13: {  	s12 =	simm.s32 $0x3400;
	[dreg:$0x14] =	wrdreg s11  }
0x14: {  	s14 =	simm.s32 $0x2680;
	[dreg:$0x15] =	wrdreg s12  }
0x15: {  	s15 =	simm.s32 $0x3480;
	[dreg:$0x16] =	wrdreg s14  }
0x16: {  	[dreg:$0x17] =	wrdreg s15;
	s16 =	simm.s32 $0x2700  }
0x17: {  	s8 =	simm.s32 $0x3500;
	[dreg:$0x18] =	wrdreg s16  }
0x18: {  	s17 =	simm.s32 $0x2780;
	[dreg:$0x19] =	wrdreg s8  }
0x19: {  	s18 =	simm.s32 $0x3580;
	[dreg:$0x1a] =	wrdreg s17  }
0x1a: {  	s19 =	simm.s32 $0x3600;
	[dreg:$0x1b] =	wrdreg s18  }
0x1b: {  	s21 =	simm.s32 $0x2880;
	[dreg:$0x1c] =	wrdreg s19  }
0x1c: {  	s13 =	stileid.u32;
	s22 =	simm.s32 $0x3680;
	[dreg:$0x1d] =	wrdreg s21  }
0x1d: {  	s0 =	srdreg.scid;
	s23 =	simm.s32 $0x2900;
	[dreg:$0x1e] =	wrdreg s22  }
0x1e: {  	s29 =	simm.s32 $0x5000;
	s25 =	simm.s32 $0x3700;
	[dreg:$0x1f] =	wrdreg s23  }
0x1f: {  	s31 =	simm.s32 $0x5800;
	s26 =	simm.s32 $0x2980;
	[smem:$0x7D9] =	sst s25  }
0x20: {  	s28 =	simm.s32 $0x7000;
	s12 =	simm.s32 $0x3780;
	[smem:$0x7DA] =	sst s26  }
0x21: {  	s30 =	simm.s32 $0x7800;
	s14 =	simm.s32 $0x2A00;
	[smem:$0x7DB] =	sst s12  }
0x22: {  	s1 =	sand.u32 $0x1, s0;
	s15 =	simm.s32 $0x2A80;
	[smem:$0x7DC] =	sst s14  }
0x23: {  	s2 =	smul.u32 $0x19000, s13;
	[smem:$0x7DD] =	sst s15;
	s16 =	simm.s32 $0x3880  }
0x24: {  	s5 =	sadd.s32 $0x31E00, s7;
	s17 =	simm.s32 $0x2B00;
	[smem:$0x7DE] =	sst s16  }
0x25: {  	s0 =	smul.u32 $0x190000, s1;
	s18 =	simm.s32 $0x3900;
	[smem:$0x7DF] =	sst s17  }
0x26: {  	s6 =	sadd.s32 $0x1000, s7;
	s19 =	simm.s32 $0x2B80;
	[smem:$0x7E0] =	sst s18  }
0x27: {  	s9 =	sshll.u32 s13, $0xA;
	s21 =	simm.s32 $0x2C00;
	[smem:$0x7E1] =	sst s19  }
0x28: {  	s20 =	ssub.s32 $0x2, s1;
	s23 =	simm.s32 $0x3A00;
	[smem:$0x7E5] =	sst s21  }
0x29: {  	s24 =	sshll.u32 s1, $0x4;
	s25 =	simm.s32 $0x2C80;
	[smem:$0x7E8] =	sst s23  }
0x2a: {  	s11 =	sshll.u32 s13, $0xD;
	s26 =	simm.s32 $0x3A80;
	[smem:$0x7E9] =	sst s25  }
0x2b: {  	s1 =	sshll.u32 s1, $0xE;
	s8 =	simm.s32 $0x2D00;
	[smem:$0x7EA] =	sst s26  }
0x2c: {  	s10 =	sshrl.u32 s20, $0x1;
	[smem:$0x7EC] =	sst s8;
	s16 =	simm.s32 $0x3B80  }
0x2d: {  	s11 =	sadd.s32 s11, s3;
	s17 =	simm.s32 $0x2E00;
	[smem:$0x7F0] =	sst s16  }
0x2e: {  	s12 =	sshll.u32 s13, $0x6;
	s18 =	simm.s32 $0x3C00;
	[smem:$0x7F2] =	sst s17  }
0x2f: {  	s0 =	sadd.s32 s2, s0;
	s19 =	simm.s32 $0x2E80;
	[smem:$0x7F3] =	sst s18  }
0x30: {  	s12 =	sor.u32 $0x1C04, s12;
	s21 =	simm.s32 $0x2F00;
	[smem:$0x7F4] =	sst s19  }
0x31: {  	s2 =	sshrl.u32 s2, $0x3;
	s23 =	simm.s32 $0x2F80;
	[smem:$0x7F6] =	sst s21  }
0x32: {  	s8 =	simm.s32 $0x4;
	s25 =	simm.s32 $0x3E80;
	[smem:$0x7F8] =	sst s23  }
0x33: {  	s26 =	simm.s32 $0x3F80;
	s4 =	sor.u32 $0x800, s0;
	[smem:$0x7FA] =	sst s25  }
0x34: {  	s0 =	sadd.s32 $0x1000, s0;
	s19 =	simm.s32 $0x3000;
	[smem:$0x7FB] =	sst s26  }
0x35: {  	s21 =	simm.s32 $0x2800;
	[smem:$0x7FC] =	sst s12;
	s4 =	sshrl.u32 s4, $0x3  }
0x36: {  	s23 =	simm.s32 $0x80;
	[smem:$0x7F1] =	sst s0;
	s4 =	sadd.s32 s4, s5  }
0x37: {  	s26 =	simm.s32 $0x4800;
	[dreg:$0x4] =	wrdreg s4;
	s4 =	sadd.s32 $0x95E00, s7  }
0x38: {  	s7 =	sadd.s32 s9, s7;
	s9 =	ssub.s32 s20, s10;
	s20 =	simm.s32 $0x3980  }
0x39: {  	s25 =	simm.s32 $0x6800;
	s14 =	sadd.s32 s4, s2;
	[smem:$0x7E2] =	sst s20  }
0x3a: {  	s0 =	simm.s32 $0x6000;
	s15 =	smax.u32 s9, $0x1;
	[smem:$0x7E6] =	sst s14  }
0x3b: {  	s10 =	sor.u32 s13, s24;
	s20 =	simm.s32 $0x3C80;
	[smem:$0x7EE] =	sst s15  }
0x3c: {  	s1 =	sadd.s32 s1, s7;
	s7 =	sshrl.u32 s11, $0x3;
	[smem:$0x7F5] =	sst s20  }
0x3d: {  	s13 =	smul.u32 $0x3200, s13;
	s24 =	sadd.s32 $0x100, s14;
	[smem:$0x7FD] =	sst s7  }
0x3e: {  	s10 =	smul.u32 $0x19000, s10;
	s1 =	sadd.s32 $0xC7E00, s1;
	[smem:$0x7E7] =	sst s24  }
0x3f: {  	s2 =	simm.s32 $0x3;
	s14 =	simm.s32 $0x2D80;
	[smem:$0x7EB] =	sst s1  }
0x40: {  	s10 =	sshrl.u32 s10, $0x3;
	[smem:$0x7EF] =	sst s14;
	s24 =	simm.s32 $0x3D80  }
0x41: {  	s9 =	simm.s32 $0x0;
	s10 =	sadd.s32 s5, s10;
	[smem:$0x7F9] =	sst s24  }
0x42: {  	s20 =	simm.s32 $0x1;
	[smem:$0x7E3] =	sst s10;
	s22 =	sadd.s32 $0x100, s10  }
0x43: {  	s14 =	sadd.s32 s13, s4;
	s10 =	simm.s32 $0x3B00;
	[smem:$0x7E4] =	sst s22  }
0x44: {  	s1 =	simm.s32 $0x2;
	[smem:$0x7ED] =	sst s10;
	s22 =	simm.s32 $0x3D00  }
0x45: {  	s24 =	simm.s32 $0x4000;
	[smem:$0x7F7] =	sst s22;
	s22 =	simm.s32 $0x3800  }
.LBB2_1:
0x46: {  	[smem:$0x7D8] =	sst s9  }
0x47: {  	s4 =	rddreg [dreg:$0x1]  }
0x48: {  	[spmem:s7], [sflag:s12] =	dma.local [hbm:s4], $0x400  }
0x49: {  	_ =	swait.ge [sflag:s8], $0x400  }
0x4a: {  	s17 =	sld [smem:$0x7E3]  }
0x4b: {  	s16 =	simm.s32 $0x0;
	[sflag:s8] =	ssyncset.done $0x0  }
0x4c: {  	s18 =	simm.s32 $0x2000;
	s9 =	sld [smem:$0x7E6];
	[sflag:s8] =	ssyncadd.s32 $0xFFFFFC00  }
0x4d: {  	[tilespmem:s18], [sflag:$0x1] =	stream.linear.gather [hbm4b:s17+s16], $0x800, $0x38;
	[tilespmem:$0x8000] =	vst v63  }
0x4e: {  	_ = 	snop  }
0x4f: {  	[tilespmem:s19], [sflag:$0x1] =	stream.linear.gather [hbm4b:s9+s16], $0x800, $0x38;
	[tilespmem:$0x8000] =	vst v63  }
0x50: {  	_ =	swait.ge [sflag:s20], $0x800  }
0x51: {  	[sflag:s20] =	ssyncset.done $0x0  }
0x52: {  	[sflag:s20] =	ssyncadd.s32 $0xFFFFF800  }
0x53: {  	_ =	swait.ge [sflag:s20], $0x800  }
0x54: {  	s10 =	sld [smem:$0x7E4]  }
0x55: {  	[sflag:s20] =	ssyncset.done $0x0  }
0x56: {  	s11 =	sld [smem:$0x7E7];
	[sflag:s20] =	ssyncadd.s32 $0xFFFFF800  }
0x57: {  	[tilespmem:s21], [sflag:$0x1] =	stream.linear.gather [hbm4b:s10+s16], $0x800, $0x38;
	[tilespmem:$0x8000] =	vst v63  }
0x58: {  	_ = 	snop  }
0x59: {  	[tilespmem:s22], [sflag:$0x1] =	stream.linear.gather [hbm4b:s11+s16], $0x800, $0x38;
	[tilespmem:$0x8000] =	vst v63  }
0x5a: {  	_ = 	snop  }
0x5b: {  	[tilespmem:s24], [sflag:$0x2] =	stream.indirect.gather [hbm4b:s6+s23], $0x10, s18, s23, $0xb8;
	[tilespmem:$0x8000] =	vst v63  }
0x5c: {  	s12 =	simm.s32 $0x2080  }
0x5d: {  	[tilespmem:s26], [sflag:$0x2] =	stream.indirect.gather [hbm4b:s6+s23], $0x10, s12, s23, $0xb8;
	[tilespmem:$0x8000] =	vst v63  }
0x5e: {  	s13 =	simm.s32 $0x2100  }
0x5f: {  	[tilespmem:s29], [sflag:$0x2] =	stream.indirect.gather [hbm4b:s6+s23], $0x10, s13, s23, $0xb8;
	[tilespmem:$0x8000] =	vst v63  }
0x60: {  	s15 =	simm.s32 $0x2180  }
0x61: {  	[tilespmem:s31], [sflag:$0x2] =	stream.indirect.gather [hbm4b:s6+s23], $0x10, s15, s23, $0xb8;
	[tilespmem:$0x8000] =	vst v63  }
0x62: {  	_ =	swait.ge [sflag:s1], $0x800  }
0x63: {  	p0 =	por $0x1, $0x1;
	[sflag:s1] =	ssyncset.done $0x0  }
0x64: {  	s4 =	simm.s32 @!p0 $0x3;
	[sflag:s1] =	ssyncadd.s32 $0xFFFFF800  }
0x65: {  	s8 =	sadd.s32 @!p0 $0x0, s14;
	_ =	swait.ge @!p0 [sflag:s4], $0x800  }
0x66: {  	s9 =	simm.s32 @!p0 $0x2800;
	s7 =	rddreg [dreg:$0x4];
	[sflag:s4] =	ssyncset.done @!p0 $0x0  }
0x67: {  	[sflag:s4] =	ssyncadd.s32 @!p0 $0xFFFFF800;
	s4 =	simm.s32 @!p0 $0x0;
	s7 =	sadd.s32 @!p0 $0x0, s7  }
0x68: {  	[tilespmem:s9], [sflag:$0x1] =	stream.linear.gather @!p0 [hbm4b:s7+s4], $0x800, $0x38;
	[tilespmem:$0x8000] =	vst v63  }
0x69: {  	s7 =	sadd.s32 @!p0 $0x100, s8;
	s8 =	simm.s32 @!p0 $0x3800  }
0x6a: {  	[tilespmem:s8], [sflag:$0x1] =	stream.linear.gather @!p0 [hbm4b:s7+s4], $0x800, $0x38;
	[tilespmem:$0x8000] =	vst v63  }
0x6b: {  	s16 =	rddreg [dreg:$0x5]  }
0x6c: {  	[tilespmem:s0], [sflag:$0x2] =	stream.indirect.gather [hbm4b:s6+s23], $0x10, s16, s23, $0xb8;
	[tilespmem:$0x8000] =	vst v63  }
0x6d: {  	_ = 	snop  }
0x6e: {  	[spmem:s3] =	stream.indirect.scatter.add.f32 [tilespmem:s24], [sflag:$0x3], $0x10, s19, s23, $0xb8;
	[tilespmem:$0x8000] =	vst v63  }
0x6f: {  	_ =	swait.ge [sflag:s1], $0x800  }
0x70: {  	[sflag:s1] =	ssyncset.done $0x0  }
0x71: {  	[sflag:s1] =	ssyncadd.s32 $0xFFFFF800  }
0x72: {  	_ =	swait.ge [sflag:s2], $0x800  }
0x73: {  	[sflag:s2] =	ssyncset.done $0x0  }
0x74: {  	s17 =	rddreg [dreg:$0x6];
	[sflag:s2] =	ssyncadd.s32 $0xFFFFF800  }
0x75: {  	[tilespmem:s25], [sflag:$0x2] =	stream.indirect.gather [hbm4b:s6+s23], $0x10, s17, s23, $0xb8;
	[tilespmem:$0x8000] =	vst v63  }
0x76: {  	s18 =	rddreg [dreg:$0x7]  }
0x77: {  	[spmem:s3] =	stream.indirect.scatter.add.f32 [tilespmem:s26], [sflag:$0x3], $0x10, s18, s23, $0xb8;
	[tilespmem:$0x8000] =	vst v63  }
0x78: {  	_ =	swait.ge [sflag:s1], $0x800  }
0x79: {  	[sflag:s1] =	ssyncset.done $0x0  }
0x7a: {  	[sflag:s1] =	ssyncadd.s32 $0xFFFFF800  }
0x7b: {  	_ =	swait.ge [sflag:s2], $0x800  }
0x7c: {  	[sflag:s2] =	ssyncset.done $0x0  }
0x7d: {  	s8 =	rddreg [dreg:$0x8];
	[sflag:s2] =	ssyncadd.s32 $0xFFFFF800  }
0x7e: {  	[tilespmem:s28], [sflag:$0x2] =	stream.indirect.gather [hbm4b:s6+s23], $0x10, s8, s23, $0xb8;
	[tilespmem:$0x8000] =	vst v63  }
0x7f: {  	s9 =	rddreg [dreg:$0x9]  }
0x80: {  	[spmem:s3] =	stream.indirect.scatter.add.f32 [tilespmem:s29], [sflag:$0x3], $0x10, s9, s23, $0xb8;
	[tilespmem:$0x8000] =	vst v63  }
0x81: {  	_ =	swait.ge [sflag:s1], $0x800  }
0x82: {  	[sflag:s1] =	ssyncset.done $0x0  }
0x83: {  	[sflag:s1] =	ssyncadd.s32 $0xFFFFF800  }
0x84: {  	_ =	swait.ge [sflag:s2], $0x800  }
0x85: {  	[sflag:s2] =	ssyncset.done $0x0  }
0x86: {  	s10 =	rddreg [dreg:$0xa];
	[sflag:s2] =	ssyncadd.s32 $0xFFFFF800  }
0x87: {  	[tilespmem:s30], [sflag:$0x2] =	stream.indirect.gather [hbm4b:s6+s23], $0x10, s10, s23, $0xb8;
	[tilespmem:$0x8000] =	vst v63  }
0x88: {  	s11 =	rddreg [dreg:$0xb]  }
0x89: {  	[spmem:s3] =	stream.indirect.scatter.add.f32 [tilespmem:s31], [sflag:$0x3], $0x10, s11, s23, $0xb8;
	[tilespmem:$0x8000] =	vst v63  }
0x8a: {  	_ =	swait.ge [sflag:s1], $0x800  }
0x8b: {  	[sflag:s1] =	ssyncset.done $0x0  }
0x8c: {  	[sflag:s1] =	ssyncadd.s32 $0xFFFFF800  }
0x8d: {  	_ =	swait.ge [sflag:s2], $0x800  }
0x8e: {  	[sflag:s2] =	ssyncset.done $0x0  }
0x8f: {  	s12 =	rddreg [dreg:$0xc];
	[sflag:s2] =	ssyncadd.s32 $0xFFFFF800  }
0x90: {  	[tilespmem:s24], [sflag:$0x2] =	stream.indirect.gather [hbm4b:s6+s23], $0x10, s12, s23, $0xb8;
	[tilespmem:$0x8000] =	vst v63  }
0x91: {  	s13 =	rddreg [dreg:$0xd]  }
0x92: {  	[spmem:s3] =	stream.indirect.scatter.add.f32 [tilespmem:s0], [sflag:$0x3], $0x10, s13, s23, $0xb8;
	[tilespmem:$0x8000] =	vst v63  }
0x93: {  	_ =	swait.ge [sflag:s1], $0x800  }
0x94: {  	[sflag:s1] =	ssyncset.done $0x0  }
0x95: {  	[sflag:s1] =	ssyncadd.s32 $0xFFFFF800  }
0x96: {  	_ =	swait.ge [sflag:s2], $0x800  }
0x97: {  	[sflag:s2] =	ssyncset.done $0x0  }
0x98: {  	s15 =	rddreg [dreg:$0xe];
	[sflag:s2] =	ssyncadd.s32 $0xFFFFF800  }
0x99: {  	[tilespmem:s26], [sflag:$0x2] =	stream.indirect.gather [hbm4b:s6+s23], $0x10, s15, s23, $0xb8;
	[tilespmem:$0x8000] =	vst v63  }
0x9a: {  	s16 =	rddreg [dreg:$0xf]  }
0x9b: {  	[spmem:s3] =	stream.indirect.scatter.add.f32 [tilespmem:s25], [sflag:$0x3], $0x10, s16, s23, $0xb8;
	[tilespmem:$0x8000] =	vst v63  }
0x9c: {  	_ =	swait.ge [sflag:s1], $0x800  }
0x9d: {  	[sflag:s1] =	ssyncset.done $0x0  }
0x9e: {  	[sflag:s1] =	ssyncadd.s32 $0xFFFFF800  }
0x9f: {  	_ =	swait.ge [sflag:s2], $0x800  }
0xa0: {  	[sflag:s2] =	ssyncset.done $0x0  }
0xa1: {  	s17 =	rddreg [dreg:$0x10];
	[sflag:s2] =	ssyncadd.s32 $0xFFFFF800  }
0xa2: {  	[tilespmem:s29], [sflag:$0x2] =	stream.indirect.gather [hbm4b:s6+s23], $0x10, s17, s23, $0xb8;
	[tilespmem:$0x8000] =	vst v63  }
0xa3: {  	s18 =	rddreg [dreg:$0x11]  }
0xa4: {  	[spmem:s3] =	stream.indirect.scatter.add.f32 [tilespmem:s28], [sflag:$0x3], $0x10, s18, s23, $0xb8;
	[tilespmem:$0x8000] =	vst v63  }
0xa5: {  	_ =	swait.ge [sflag:s1], $0x800  }
0xa6: {  	[sflag:s1] =	ssyncset.done $0x0  }
0xa7: {  	[sflag:s1] =	ssyncadd.s32 $0xFFFFF800  }
0xa8: {  	_ =	swait.ge [sflag:s2], $0x800  }
0xa9: {  	[sflag:s2] =	ssyncset.done $0x0  }
0xaa: {  	s8 =	rddreg [dreg:$0x12];
	[sflag:s2] =	ssyncadd.s32 $0xFFFFF800  }
0xab: {  	[tilespmem:s31], [sflag:$0x2] =	stream.indirect.gather [hbm4b:s6+s23], $0x10, s8, s23, $0xb8;
	[tilespmem:$0x8000] =	vst v63  }
0xac: {  	s9 =	rddreg [dreg:$0x13]  }
0xad: {  	[spmem:s3] =	stream.indirect.scatter.add.f32 [tilespmem:s30], [sflag:$0x3], $0x10, s9, s23, $0xb8;
	[tilespmem:$0x8000] =	vst v63  }
0xae: {  	_ =	swait.ge [sflag:s1], $0x800  }
0xaf: {  	[sflag:s1] =	ssyncset.done $0x0  }
0xb0: {  	[sflag:s1] =	ssyncadd.s32 $0xFFFFF800  }
0xb1: {  	_ =	swait.ge [sflag:s2], $0x800  }
0xb2: {  	[sflag:s2] =	ssyncset.done $0x0  }
0xb3: {  	s10 =	rddreg [dreg:$0x14];
	[sflag:s2] =	ssyncadd.s32 $0xFFFFF800  }
0xb4: {  	[tilespmem:s0], [sflag:$0x2] =	stream.indirect.gather [hbm4b:s6+s23], $0x10, s10, s23, $0xb8;
	[tilespmem:$0x8000] =	vst v63  }
0xb5: {  	s11 =	rddreg [dreg:$0x15]  }
0xb6: {  	[spmem:s3] =	stream.indirect.scatter.add.f32 [tilespmem:s24], [sflag:$0x3], $0x10, s11, s23, $0xb8;
	[tilespmem:$0x8000] =	vst v63  }
0xb7: {  	_ =	swait.ge [sflag:s1], $0x800  }
0xb8: {  	[sflag:s1] =	ssyncset.done $0x0  }
0xb9: {  	[sflag:s1] =	ssyncadd.s32 $0xFFFFF800  }
0xba: {  	_ =	swait.ge [sflag:s2], $0x800  }
0xbb: {  	[sflag:s2] =	ssyncset.done $0x0  }
0xbc: {  	s12 =	rddreg [dreg:$0x16];
	[sflag:s2] =	ssyncadd.s32 $0xFFFFF800  }
0xbd: {  	[tilespmem:s25], [sflag:$0x2] =	stream.indirect.gather [hbm4b:s6+s23], $0x10, s12, s23, $0xb8;
	[tilespmem:$0x8000] =	vst v63  }
0xbe: {  	s13 =	rddreg [dreg:$0x17]  }
0xbf: {  	[spmem:s3] =	stream.indirect.scatter.add.f32 [tilespmem:s26], [sflag:$0x3], $0x10, s13, s23, $0xb8;
	[tilespmem:$0x8000] =	vst v63  }
0xc0: {  	_ =	swait.ge [sflag:s1], $0x800  }
0xc1: {  	[sflag:s1] =	ssyncset.done $0x0  }
0xc2: {  	[sflag:s1] =	ssyncadd.s32 $0xFFFFF800  }
0xc3: {  	_ =	swait.ge [sflag:s2], $0x800  }
0xc4: {  	[sflag:s2] =	ssyncset.done $0x0  }
0xc5: {  	s15 =	rddreg [dreg:$0x18];
	[sflag:s2] =	ssyncadd.s32 $0xFFFFF800  }
0xc6: {  	[tilespmem:s28], [sflag:$0x2] =	stream.indirect.gather [hbm4b:s6+s23], $0x10, s15, s23, $0xb8;
	[tilespmem:$0x8000] =	vst v63  }
0xc7: {  	s16 =	rddreg [dreg:$0x19]  }
0xc8: {  	[spmem:s3] =	stream.indirect.scatter.add.f32 [tilespmem:s29], [sflag:$0x3], $0x10, s16, s23, $0xb8;
	[tilespmem:$0x8000] =	vst v63  }
0xc9: {  	_ =	swait.ge [sflag:s1], $0x800  }
0xca: {  	[sflag:s1] =	ssyncset.done $0x0  }
0xcb: {  	[sflag:s1] =	ssyncadd.s32 $0xFFFFF800  }
0xcc: {  	_ =	swait.ge [sflag:s2], $0x800  }
0xcd: {  	[sflag:s2] =	ssyncset.done $0x0  }
0xce: {  	s17 =	rddreg [dreg:$0x1a];
	[sflag:s2] =	ssyncadd.s32 $0xFFFFF800  }
0xcf: {  	[tilespmem:s30], [sflag:$0x2] =	stream.indirect.gather [hbm4b:s6+s23], $0x10, s17, s23, $0xb8;
	[tilespmem:$0x8000] =	vst v63  }
0xd0: {  	s18 =	rddreg [dreg:$0x1b]  }
0xd1: {  	[spmem:s3] =	stream.indirect.scatter.add.f32 [tilespmem:s31], [sflag:$0x3], $0x10, s18, s23, $0xb8;
	[tilespmem:$0x8000] =	vst v63  }
0xd2: {  	_ =	swait.ge [sflag:s1], $0x800  }
0xd3: {  	[sflag:s1] =	ssyncset.done $0x0  }
0xd4: {  	[sflag:s1] =	ssyncadd.s32 $0xFFFFF800  }
0xd5: {  	_ =	swait.ge [sflag:s2], $0x800  }
0xd6: {  	[sflag:s2] =	ssyncset.done $0x0  }
0xd7: {  	[sflag:s2] =	ssyncadd.s32 $0xFFFFF800  }
0xd8: {  	_ =	swait.ge [sflag:s20], $0x800  }
0xd9: {  	[sflag:s20] =	ssyncset.done $0x0  }
0xda: {  	[sflag:s20] =	ssyncadd.s32 $0xFFFFF800  }
0xdb: {  	_ =	swait.ge [sflag:s20], $0x800  }
0xdc: {  	[sflag:s20] =	ssyncset.done $0x0  }
0xdd: {  	[sflag:s20] =	ssyncadd.s32 $0xFFFFF800  }
0xde: {  	[tilespmem:s24], [sflag:$0x2] =	stream.indirect.gather [hbm4b:s6+s23], $0x10, s21, s23, $0xb8;
	[tilespmem:$0x8000] =	vst v63  }
0xdf: {  	s8 =	rddreg [dreg:$0x1c]  }
0xe0: {  	[spmem:s3] =	stream.indirect.scatter.add.f32 [tilespmem:s0], [sflag:$0x3], $0x10, s8, s23, $0xb8;
	[tilespmem:$0x8000] =	vst v63  }
0xe1: {  	_ =	swait.ge [sflag:s1], $0x800  }
0xe2: {  	[sflag:s1] =	ssyncset.done $0x0  }
0xe3: {  	[sflag:s1] =	ssyncadd.s32 $0xFFFFF800  }
0xe4: {  	_ =	swait.ge [sflag:s2], $0x800  }
0xe5: {  	[sflag:s2] =	ssyncset.done $0x0  }
0xe6: {  	s9 =	rddreg [dreg:$0x1d];
	[sflag:s2] =	ssyncadd.s32 $0xFFFFF800  }
0xe7: {  	[tilespmem:s26], [sflag:$0x2] =	stream.indirect.gather [hbm4b:s6+s23], $0x10, s9, s23, $0xb8;
	[tilespmem:$0x8000] =	vst v63  }
0xe8: {  	s10 =	rddreg [dreg:$0x1e]  }
0xe9: {  	[spmem:s3] =	stream.indirect.scatter.add.f32 [tilespmem:s25], [sflag:$0x3], $0x10, s10, s23, $0xb8;
	[tilespmem:$0x8000] =	vst v63  }
0xea: {  	_ =	swait.ge [sflag:s1], $0x800  }
0xeb: {  	[sflag:s1] =	ssyncset.done $0x0  }
0xec: {  	[sflag:s1] =	ssyncadd.s32 $0xFFFFF800  }
0xed: {  	_ =	swait.ge [sflag:s2], $0x800  }
0xee: {  	s11 =	rddreg [dreg:$0x1f];
	[sflag:s2] =	ssyncset.done $0x0  }
0xef: {  	s12 =	sld [smem:$0x7D9];
	[sflag:s2] =	ssyncadd.s32 $0xFFFFF800  }
0xf0: {  	[tilespmem:s29], [sflag:$0x2] =	stream.indirect.gather [hbm4b:s6+s23], $0x10, s11, s23, $0xb8;
	[tilespmem:$0x8000] =	vst v63  }
0xf1: {  	_ = 	snop  }
0xf2: {  	[spmem:s3] =	stream.indirect.scatter.add.f32 [tilespmem:s28], [sflag:$0x3], $0x10, s12, s23, $0xb8;
	[tilespmem:$0x8000] =	vst v63  }
0xf3: {  	_ =	swait.ge [sflag:s1], $0x800  }
0xf4: {  	[sflag:s1] =	ssyncset.done $0x0  }
0xf5: {  	[sflag:s1] =	ssyncadd.s32 $0xFFFFF800  }
0xf6: {  	_ =	swait.ge [sflag:s2], $0x800  }
0xf7: {  	s13 =	sld [smem:$0x7DA]  }
0xf8: {  	[sflag:s2] =	ssyncset.done $0x0  }
0xf9: {  	s15 =	sld [smem:$0x7DB];
	[sflag:s2] =	ssyncadd.s32 $0xFFFFF800  }
0xfa: {  	[tilespmem:s31], [sflag:$0x2] =	stream.indirect.gather [hbm4b:s6+s23], $0x10, s13, s23, $0xb8;
	[tilespmem:$0x8000] =	vst v63  }
0xfb: {  	_ = 	snop  }
0xfc: {  	[spmem:s3] =	stream.indirect.scatter.add.f32 [tilespmem:s30], [sflag:$0x3], $0x10, s15, s23, $0xb8;
	[tilespmem:$0x8000] =	vst v63  }
0xfd: {  	_ =	swait.ge [sflag:s1], $0x800  }
0xfe: {  	[sflag:s1] =	ssyncset.done $0x0  }
0xff: {  	[sflag:s1] =	ssyncadd.s32 $0xFFFFF800  }
0x100: {  	_ =	swait.ge [sflag:s2], $0x800  }
0x101: {  	s10 =	sld [smem:$0x7F1]  }
0x102: {  	p0 =	por $0x0, $0x0  }
0x103: {  	s7 =	simm.s32 @!p0 $0x0  }
0x104: {  	s8 =	simm.s32 @!p0 $0x2000;
	[sflag:s2] =	ssyncset.done $0x0;
	s4 =	sshrl.u32 @!p0 s10, $0x3  }
0x105: {  	s9 =	sadd.s32 @!p0 $0x0, s14;
	[sflag:s2] =	ssyncadd.s32 $0xFFFFF800;
	s4 =	sadd.s32 @!p0 s5, s4  }
0x106: {  	[tilespmem:s8], [sflag:$0x1] =	stream.linear.gather @!p0 [hbm4b:s4+s7], $0x800, $0x38;
	[tilespmem:$0x8000] =	vst v63  }
0x107: {  	s16 =	sld [smem:$0x7DC];
	s4 =	simm.s32 @!p0 $0x3000;
	s8 =	sadd.s32 @!p0 $0x200, s9  }
0x108: {  	[tilespmem:s4], [sflag:$0x1] =	stream.linear.gather @!p0 [hbm4b:s8+s7], $0x800, $0x38;
	[tilespmem:$0x8000] =	vst v63  }
0x109: {  	_ = 	snop  }
0x10a: {  	[tilespmem:s0], [sflag:$0x2] =	stream.indirect.gather [hbm4b:s6+s23], $0x10, s16, s23, $0xb8;
	[tilespmem:$0x8000] =	vst v63  }
0x10b: {  	_ = 	snop  }
0x10c: {  	[spmem:s3] =	stream.indirect.scatter.add.f32 [tilespmem:s24], [sflag:$0x3], $0x10, s22, s23, $0xb8;
	[tilespmem:$0x8000] =	vst v63  }
0x10d: {  	_ =	swait.ge [sflag:s1], $0x800  }
0x10e: {  	[sflag:s1] =	ssyncset.done $0x0  }
0x10f: {  	[sflag:s1] =	ssyncadd.s32 $0xFFFFF800  }
0x110: {  	_ =	swait.ge [sflag:s2], $0x800  }
0x111: {  	s17 =	sld [smem:$0x7DD]  }
0x112: {  	[sflag:s2] =	ssyncset.done $0x0  }
0x113: {  	s18 =	sld [smem:$0x7DE];
	[sflag:s2] =	ssyncadd.s32 $0xFFFFF800  }
0x114: {  	[tilespmem:s25], [sflag:$0x2] =	stream.indirect.gather [hbm4b:s6+s23], $0x10, s17, s23, $0xb8;
	[tilespmem:$0x8000] =	vst v63  }
0x115: {  	_ = 	snop  }
0x116: {  	[spmem:s3] =	stream.indirect.scatter.add.f32 [tilespmem:s26], [sflag:$0x3], $0x10, s18, s23, $0xb8;
	[tilespmem:$0x8000] =	vst v63  }
0x117: {  	_ =	swait.ge [sflag:s1], $0x800  }
0x118: {  	[sflag:s1] =	ssyncset.done $0x0  }
0x119: {  	[sflag:s1] =	ssyncadd.s32 $0xFFFFF800  }
0x11a: {  	_ =	swait.ge [sflag:s2], $0x800  }
0x11b: {  	s7 =	sld [smem:$0x7DF]  }
0x11c: {  	[sflag:s2] =	ssyncset.done $0x0  }
0x11d: {  	s8 =	sld [smem:$0x7E0];
	[sflag:s2] =	ssyncadd.s32 $0xFFFFF800  }
0x11e: {  	[tilespmem:s28], [sflag:$0x2] =	stream.indirect.gather [hbm4b:s6+s23], $0x10, s7, s23, $0xb8;
	[tilespmem:$0x8000] =	vst v63  }
0x11f: {  	_ = 	snop  }
0x120: {  	[spmem:s3] =	stream.indirect.scatter.add.f32 [tilespmem:s29], [sflag:$0x3], $0x10, s8, s23, $0xb8;
	[tilespmem:$0x8000] =	vst v63  }
0x121: {  	_ =	swait.ge [sflag:s1], $0x800  }
0x122: {  	[sflag:s1] =	ssyncset.done $0x0  }
0x123: {  	[sflag:s1] =	ssyncadd.s32 $0xFFFFF800  }
0x124: {  	_ =	swait.ge [sflag:s2], $0x800  }
0x125: {  	s9 =	sld [smem:$0x7E1]  }
0x126: {  	[sflag:s2] =	ssyncset.done $0x0  }
0x127: {  	s11 =	sld [smem:$0x7E2];
	[sflag:s2] =	ssyncadd.s32 $0xFFFFF800  }
0x128: {  	[tilespmem:s30], [sflag:$0x2] =	stream.indirect.gather [hbm4b:s6+s23], $0x10, s9, s23, $0xb8;
	[tilespmem:$0x8000] =	vst v63  }
0x129: {  	_ = 	snop  }
0x12a: {  	[spmem:s3] =	stream.indirect.scatter.add.f32 [tilespmem:s31], [sflag:$0x3], $0x10, s11, s23, $0xb8;
	[tilespmem:$0x8000] =	vst v63  }
0x12b: {  	_ =	swait.ge [sflag:s1], $0x800  }
0x12c: {  	[sflag:s1] =	ssyncset.done $0x0  }
0x12d: {  	[sflag:s1] =	ssyncadd.s32 $0xFFFFF800  }
0x12e: {  	_ =	swait.ge [sflag:s2], $0x800  }
0x12f: {  	s12 =	sld [smem:$0x7E5]  }
0x130: {  	[sflag:s2] =	ssyncset.done $0x0  }
0x131: {  	s13 =	sld [smem:$0x7E8];
	[sflag:s2] =	ssyncadd.s32 $0xFFFFF800  }
0x132: {  	[tilespmem:s24], [sflag:$0x2] =	stream.indirect.gather [hbm4b:s6+s23], $0x10, s12, s23, $0xb8;
	[tilespmem:$0x8000] =	vst v63  }
0x133: {  	_ = 	snop  }
0x134: {  	[spmem:s3] =	stream.indirect.scatter.add.f32 [tilespmem:s0], [sflag:$0x3], $0x10, s13, s23, $0xb8;
	[tilespmem:$0x8000] =	vst v63  }
0x135: {  	_ =	swait.ge [sflag:s1], $0x800  }
0x136: {  	[sflag:s1] =	ssyncset.done $0x0  }
0x137: {  	[sflag:s1] =	ssyncadd.s32 $0xFFFFF800  }
0x138: {  	_ =	swait.ge [sflag:s2], $0x800  }
0x139: {  	s15 =	sld [smem:$0x7E9]  }
0x13a: {  	[sflag:s2] =	ssyncset.done $0x0  }
0x13b: {  	s16 =	sld [smem:$0x7EA];
	[sflag:s2] =	ssyncadd.s32 $0xFFFFF800  }
0x13c: {  	[tilespmem:s26], [sflag:$0x2] =	stream.indirect.gather [hbm4b:s6+s23], $0x10, s15, s23, $0xb8;
	[tilespmem:$0x8000] =	vst v63  }
0x13d: {  	_ = 	snop  }
0x13e: {  	[spmem:s3] =	stream.indirect.scatter.add.f32 [tilespmem:s25], [sflag:$0x3], $0x10, s16, s23, $0xb8;
	[tilespmem:$0x8000] =	vst v63  }
0x13f: {  	_ =	swait.ge [sflag:s1], $0x800  }
0x140: {  	[sflag:s1] =	ssyncset.done $0x0  }
0x141: {  	[sflag:s1] =	ssyncadd.s32 $0xFFFFF800  }
0x142: {  	_ =	swait.ge [sflag:s2], $0x800  }
0x143: {  	s17 =	sld [smem:$0x7EC]  }
0x144: {  	[sflag:s2] =	ssyncset.done $0x0  }
0x145: {  	s18 =	sld [smem:$0x7ED];
	[sflag:s2] =	ssyncadd.s32 $0xFFFFF800  }
0x146: {  	[tilespmem:s29], [sflag:$0x2] =	stream.indirect.gather [hbm4b:s6+s23], $0x10, s17, s23, $0xb8;
	[tilespmem:$0x8000] =	vst v63  }
0x147: {  	_ = 	snop  }
0x148: {  	[spmem:s3] =	stream.indirect.scatter.add.f32 [tilespmem:s28], [sflag:$0x3], $0x10, s18, s23, $0xb8;
	[tilespmem:$0x8000] =	vst v63  }
0x149: {  	_ =	swait.ge [sflag:s1], $0x800  }
0x14a: {  	[sflag:s1] =	ssyncset.done $0x0  }
0x14b: {  	[sflag:s1] =	ssyncadd.s32 $0xFFFFF800  }
0x14c: {  	_ =	swait.ge [sflag:s2], $0x800  }
0x14d: {  	s7 =	sld [smem:$0x7EF]  }
0x14e: {  	[sflag:s2] =	ssyncset.done $0x0  }
0x14f: {  	s8 =	sld [smem:$0x7F0];
	[sflag:s2] =	ssyncadd.s32 $0xFFFFF800  }
0x150: {  	[tilespmem:s31], [sflag:$0x2] =	stream.indirect.gather [hbm4b:s6+s23], $0x10, s7, s23, $0xb8;
	[tilespmem:$0x8000] =	vst v63  }
0x151: {  	_ = 	snop  }
0x152: {  	[spmem:s3] =	stream.indirect.scatter.add.f32 [tilespmem:s30], [sflag:$0x3], $0x10, s8, s23, $0xb8;
	[tilespmem:$0x8000] =	vst v63  }
0x153: {  	_ =	swait.ge [sflag:s1], $0x800  }
0x154: {  	[sflag:s1] =	ssyncset.done $0x0  }
0x155: {  	[sflag:s1] =	ssyncadd.s32 $0xFFFFF800  }
0x156: {  	_ =	swait.ge [sflag:s2], $0x800  }
0x157: {  	s9 =	sld [smem:$0x7F2]  }
0x158: {  	[sflag:s2] =	ssyncset.done $0x0  }
0x159: {  	s11 =	sld [smem:$0x7F3];
	[sflag:s2] =	ssyncadd.s32 $0xFFFFF800  }
0x15a: {  	[tilespmem:s0], [sflag:$0x2] =	stream.indirect.gather [hbm4b:s6+s23], $0x10, s9, s23, $0xb8;
	[tilespmem:$0x8000] =	vst v63  }
0x15b: {  	_ = 	snop  }
0x15c: {  	[spmem:s3] =	stream.indirect.scatter.add.f32 [tilespmem:s24], [sflag:$0x3], $0x10, s11, s23, $0xb8;
	[tilespmem:$0x8000] =	vst v63  }
0x15d: {  	_ =	swait.ge [sflag:s1], $0x800  }
0x15e: {  	[sflag:s1] =	ssyncset.done $0x0  }
0x15f: {  	[sflag:s1] =	ssyncadd.s32 $0xFFFFF800  }
0x160: {  	_ =	swait.ge [sflag:s2], $0x800  }
0x161: {  	s12 =	sld [smem:$0x7F4]  }
0x162: {  	[sflag:s2] =	ssyncset.done $0x0  }
0x163: {  	s13 =	sld [smem:$0x7F5];
	[sflag:s2] =	ssyncadd.s32 $0xFFFFF800  }
0x164: {  	[tilespmem:s25], [sflag:$0x2] =	stream.indirect.gather [hbm4b:s6+s23], $0x10, s12, s23, $0xb8;
	[tilespmem:$0x8000] =	vst v63  }
0x165: {  	_ = 	snop  }
0x166: {  	[spmem:s3] =	stream.indirect.scatter.add.f32 [tilespmem:s26], [sflag:$0x3], $0x10, s13, s23, $0xb8;
	[tilespmem:$0x8000] =	vst v63  }
0x167: {  	_ =	swait.ge [sflag:s1], $0x800  }
0x168: {  	[sflag:s1] =	ssyncset.done $0x0  }
0x169: {  	[sflag:s1] =	ssyncadd.s32 $0xFFFFF800  }
0x16a: {  	_ =	swait.ge [sflag:s2], $0x800  }
0x16b: {  	s15 =	sld [smem:$0x7F6]  }
0x16c: {  	[sflag:s2] =	ssyncset.done $0x0  }
0x16d: {  	s16 =	sld [smem:$0x7F7];
	[sflag:s2] =	ssyncadd.s32 $0xFFFFF800  }
0x16e: {  	[tilespmem:s28], [sflag:$0x2] =	stream.indirect.gather [hbm4b:s6+s23], $0x10, s15, s23, $0xb8;
	[tilespmem:$0x8000] =	vst v63  }
0x16f: {  	_ = 	snop  }
0x170: {  	[spmem:s3] =	stream.indirect.scatter.add.f32 [tilespmem:s29], [sflag:$0x3], $0x10, s16, s23, $0xb8;
	[tilespmem:$0x8000] =	vst v63  }
0x171: {  	_ =	swait.ge [sflag:s1], $0x800  }
0x172: {  	[sflag:s1] =	ssyncset.done $0x0  }
0x173: {  	[sflag:s1] =	ssyncadd.s32 $0xFFFFF800  }
0x174: {  	_ =	swait.ge [sflag:s2], $0x800  }
0x175: {  	s17 =	sld [smem:$0x7F8]  }
0x176: {  	[sflag:s2] =	ssyncset.done $0x0  }
0x177: {  	s18 =	sld [smem:$0x7F9];
	[sflag:s2] =	ssyncadd.s32 $0xFFFFF800  }
0x178: {  	[tilespmem:s30], [sflag:$0x2] =	stream.indirect.gather [hbm4b:s6+s23], $0x10, s17, s23, $0xb8;
	[tilespmem:$0x8000] =	vst v63  }
0x179: {  	_ = 	snop  }
0x17a: {  	[spmem:s3] =	stream.indirect.scatter.add.f32 [tilespmem:s31], [sflag:$0x3], $0x10, s18, s23, $0xb8;
	[tilespmem:$0x8000] =	vst v63  }
0x17b: {  	_ =	swait.ge [sflag:s1], $0x800  }
0x17c: {  	[sflag:s1] =	ssyncset.done $0x0  }
0x17d: {  	[sflag:s1] =	ssyncadd.s32 $0xFFFFF800  }
0x17e: {  	p0 =	por $0x0, $0x0;
	_ =	swait.ge [sflag:s2], $0x800  }
0x17f: {  	s4 =	simm.s32 @p0 $0x80;
	s7 =	simm.s32 @p0 $0x6000;
	[sflag:s2] =	ssyncset.done $0x0  }
0x180: {  	s8 =	simm.s32 @p0 $0x3E00;
	s9 =	simm.s32 @p0 $0x2;
	[sflag:s2] =	ssyncadd.s32 $0xFFFFF800  }
0x181: {  	[spmem:s3] =	stream.indirect.scatter.add.f32 @p0 [tilespmem:s7], [sflag:$0x3], $0x10, s8, s4, $0xb8;
	[tilespmem:$0x8000] =	vst v63  }
0x182: {  	_ =	swait.ge @p0 [sflag:s9], $0x800  }
0x183: {  	[sflag:s9] =	ssyncset.done @p0 $0x0  }
0x184: {  	s7 =	simm.s32 @p0 $0x3;
	[sflag:s9] =	ssyncadd.s32 @p0 $0xFFFFF800  }
0x185: {  	_ =	swait.ge @p0 [sflag:s7], $0x800  }
0x186: {  	[sflag:s7] =	ssyncset.done @p0 $0x0  }
0x187: {  	s8 =	simm.s32 @!p0 $0x1;
	[sflag:s7] =	ssyncadd.s32 @p0 $0xFFFFF800  }
0x188: {  	_ =	swait.ge @!p0 [sflag:s8], $0x800  }
0x189: {  	[sflag:s8] =	ssyncset.done @!p0 $0x0  }
0x18a: {  	[sflag:s8] =	ssyncadd.s32 @!p0 $0xFFFFF800  }
0x18b: {  	_ =	swait.ge @!p0 [sflag:s8], $0x800  }
0x18c: {  	s11 =	simm.s32 @!p0 $0x4000;
	[sflag:s8] =	ssyncset.done @!p0 $0x0  }
0x18d: {  	s12 =	simm.s32 @!p0 $0x80;
	s13 =	simm.s32 @!p0 $0x2000;
	[sflag:s8] =	ssyncadd.s32 @!p0 $0xFFFFF800  }
0x18e: {  	[tilespmem:s11], [sflag:$0x2] =	stream.indirect.gather @!p0 [hbm4b:s6+s12], $0x10, s13, s12, $0xb8;
	[tilespmem:$0x8000] =	vst v63  }
0x18f: {  	s8 =	simm.s32 @!p0 $0x3E00;
	s11 =	simm.s32 @!p0 $0x6000;
	s13 =	simm.s32 @!p0 $0x2  }
0x190: {  	[spmem:s3] =	stream.indirect.scatter.add.f32 @!p0 [tilespmem:s11], [sflag:$0x3], $0x10, s8, s12, $0xb8;
	[tilespmem:$0x8000] =	vst v63  }
0x191: {  	_ =	swait.ge @!p0 [sflag:s13], $0x800  }
0x192: {  	[sflag:s13] =	ssyncset.done @!p0 $0x0  }
0x193: {  	s8 =	simm.s32 @!p0 $0x3;
	[sflag:s13] =	ssyncadd.s32 @!p0 $0xFFFFF800  }
0x194: {  	_ =	swait.ge @!p0 [sflag:s8], $0x800  }
0x195: {  	s15 =	simm.s32 @!p0 $0x2080;
	[sflag:s8] =	ssyncset.done @!p0 $0x0  }
0x196: {  	s11 =	simm.s32 @!p0 $0x4800;
	s16 =	sld [smem:$0x7FA];
	[sflag:s8] =	ssyncadd.s32 @!p0 $0xFFFFF800  }
0x197: {  	[tilespmem:s11], [sflag:$0x2] =	stream.indirect.gather @!p0 [hbm4b:s6+s12], $0x10, s15, s12, $0xb8;
	[tilespmem:$0x8000] =	vst v63  }
0x198: {  	_ = 	snop  }
0x199: {  	[spmem:s3] =	stream.indirect.scatter.add.f32 [tilespmem:s25], [sflag:$0x3], $0x10, s16, s23, $0xb8;
	[tilespmem:$0x8000] =	vst v63  }
0x19a: {  	_ =	swait.ge [sflag:s1], $0x800  }
0x19b: {  	[sflag:s1] =	ssyncset.done $0x0  }
0x19c: {  	[sflag:s1] =	ssyncadd.s32 $0xFFFFF800  }
0x19d: {  	_ =	swait.ge [sflag:s2], $0x800  }
0x19e: {  	[sflag:s2] =	ssyncset.done $0x0  }
0x19f: {  	s11 =	simm.s32 @p0 $0x3F00;
	s15 =	simm.s32 @p0 $0x7000;
	[sflag:s2] =	ssyncadd.s32 $0xFFFFF800  }
0x1a0: {  	[spmem:s3] =	stream.indirect.scatter.add.f32 @p0 [tilespmem:s15], [sflag:$0x3], $0x10, s11, s4, $0xb8;
	[tilespmem:$0x8000] =	vst v63  }
0x1a1: {  	_ =	swait.ge @p0 [sflag:s9], $0x800  }
0x1a2: {  	[sflag:s9] =	ssyncset.done @p0 $0x0  }
0x1a3: {  	[sflag:s9] =	ssyncadd.s32 @p0 $0xFFFFF800  }
0x1a4: {  	_ =	swait.ge @p0 [sflag:s7], $0x800  }
0x1a5: {  	[sflag:s7] =	ssyncset.done @p0 $0x0  }
0x1a6: {  	s4 =	simm.s32 @!p0 $0x2100;
	[sflag:s7] =	ssyncadd.s32 @p0 $0xFFFFF800;
	s7 =	simm.s32 @!p0 $0x5000  }
0x1a7: {  	[tilespmem:s7], [sflag:$0x2] =	stream.indirect.gather @!p0 [hbm4b:s6+s12], $0x10, s4, s12, $0xb8;
	[tilespmem:$0x8000] =	vst v63  }
0x1a8: {  	s4 =	simm.s32 @!p0 $0x3F00;
	s7 =	simm.s32 @!p0 $0x7000  }
0x1a9: {  	[spmem:s3] =	stream.indirect.scatter.add.f32 @!p0 [tilespmem:s7], [sflag:$0x3], $0x10, s4, s12, $0xb8;
	[tilespmem:$0x8000] =	vst v63  }
0x1aa: {  	_ =	swait.ge @!p0 [sflag:s13], $0x800  }
0x1ab: {  	[sflag:s13] =	ssyncset.done @!p0 $0x0  }
0x1ac: {  	[sflag:s13] =	ssyncadd.s32 @!p0 $0xFFFFF800  }
0x1ad: {  	_ =	swait.ge @!p0 [sflag:s8], $0x800  }
0x1ae: {  	[sflag:s8] =	ssyncset.done @!p0 $0x0  }
0x1af: {  	s4 =	simm.s32 @!p0 $0x5800;
	s7 =	simm.s32 @!p0 $0x2180;
	[sflag:s8] =	ssyncadd.s32 @!p0 $0xFFFFF800  }
0x1b0: {  	[tilespmem:s4], [sflag:$0x2] =	stream.indirect.gather @!p0 [hbm4b:s6+s12], $0x10, s7, s12, $0xb8;
	[tilespmem:$0x8000] =	vst v63  }
0x1b1: {  	s4 =	sld [smem:$0x7FB]  }
0x1b2: {  	s11 =	simm.s32 $0x200;
	s15 =	smov.u32 s10;
	s12 =	simm.s32 $0x0  }
.LBB2_2:
0x1b3: {  	_ = 	snop  }
0x1b4: {  	[spmem:s3] =	stream.indirect.scatter.add.f32 [tilespmem:s30], [sflag:$0x3], $0x10, s4, s23, $0xb8;
	[tilespmem:$0x8000] =	vst v63  }
0x1b5: {  	s13 =	smov.u32 s11;
	_ =	swait.ge [sflag:s1], $0x800  }
0x1b6: {  	p1 =	seq.s32 s13, $0x0;
	[sflag:s1] =	ssyncset.done $0x0  }
0x1b7: {  	s4 =	simm.s32 @!p1 $0x3;
	[sflag:s1] =	ssyncadd.s32 $0xFFFFF800  }
0x1b8: {  	s7 =	sadd.s32 @!p1 s13, s14;
	_ =	swait.ge @!p1 [sflag:s4], $0x800  }
0x1b9: {  	s9 =	simm.s32 @!p1 $0x2800;
	s8 =	rddreg [dreg:$0x4];
	[sflag:s4] =	ssyncset.done @!p1 $0x0  }
0x1ba: {  	[sflag:s4] =	ssyncadd.s32 @!p1 $0xFFFFF800;
	s4 =	simm.s32 @!p1 $0x0;
	s8 =	sadd.s32 @!p1 s13, s8  }
0x1bb: {  	[tilespmem:s9], [sflag:$0x1] =	stream.linear.gather @!p1 [hbm4b:s8+s4], $0x800, $0x38;
	[tilespmem:$0x8000] =	vst v63  }
0x1bc: {  	s7 =	sadd.s32 @!p1 $0x100, s7;
	s8 =	simm.s32 @!p1 $0x3800  }
0x1bd: {  	[tilespmem:s8], [sflag:$0x1] =	stream.linear.gather @!p1 [hbm4b:s7+s4], $0x800, $0x38;
	[tilespmem:$0x8000] =	vst v63  }
0x1be: {  	s18 =	rddreg [dreg:$0x5]  }
0x1bf: {  	[tilespmem:s0], [sflag:$0x2] =	stream.indirect.gather [hbm4b:s6+s23], $0x10, s18, s23, $0xb8;
	[tilespmem:$0x8000] =	vst v63  }
0x1c0: {  	_ = 	snop  }
0x1c1: {  	[spmem:s3] =	stream.indirect.scatter.add.f32 [tilespmem:s24], [sflag:$0x3], $0x10, s19, s23, $0xb8;
	[tilespmem:$0x8000] =	vst v63  }
0x1c2: {  	_ =	swait.ge [sflag:s1], $0x800  }
0x1c3: {  	[sflag:s1] =	ssyncset.done $0x0  }
0x1c4: {  	[sflag:s1] =	ssyncadd.s32 $0xFFFFF800  }
0x1c5: {  	_ =	swait.ge [sflag:s2], $0x800  }
0x1c6: {  	[sflag:s2] =	ssyncset.done $0x0  }
0x1c7: {  	s10 =	rddreg [dreg:$0x6];
	[sflag:s2] =	ssyncadd.s32 $0xFFFFF800  }
0x1c8: {  	[tilespmem:s25], [sflag:$0x2] =	stream.indirect.gather [hbm4b:s6+s23], $0x10, s10, s23, $0xb8;
	[tilespmem:$0x8000] =	vst v63  }
0x1c9: {  	s16 =	rddreg [dreg:$0x7]  }
0x1ca: {  	[spmem:s3] =	stream.indirect.scatter.add.f32 [tilespmem:s26], [sflag:$0x3], $0x10, s16, s23, $0xb8;
	[tilespmem:$0x8000] =	vst v63  }
0x1cb: {  	_ =	swait.ge [sflag:s1], $0x800  }
0x1cc: {  	[sflag:s1] =	ssyncset.done $0x0  }
0x1cd: {  	[sflag:s1] =	ssyncadd.s32 $0xFFFFF800  }
0x1ce: {  	_ =	swait.ge [sflag:s2], $0x800  }
0x1cf: {  	[sflag:s2] =	ssyncset.done $0x0  }
0x1d0: {  	s17 =	rddreg [dreg:$0x8];
	[sflag:s2] =	ssyncadd.s32 $0xFFFFF800  }
0x1d1: {  	[tilespmem:s28], [sflag:$0x2] =	stream.indirect.gather [hbm4b:s6+s23], $0x10, s17, s23, $0xb8;
	[tilespmem:$0x8000] =	vst v63  }
0x1d2: {  	s18 =	rddreg [dreg:$0x9]  }
0x1d3: {  	[spmem:s3] =	stream.indirect.scatter.add.f32 [tilespmem:s29], [sflag:$0x3], $0x10, s18, s23, $0xb8;
	[tilespmem:$0x8000] =	vst v63  }
0x1d4: {  	_ =	swait.ge [sflag:s1], $0x800  }
0x1d5: {  	[sflag:s1] =	ssyncset.done $0x0  }
0x1d6: {  	[sflag:s1] =	ssyncadd.s32 $0xFFFFF800  }
0x1d7: {  	_ =	swait.ge [sflag:s2], $0x800  }
0x1d8: {  	[sflag:s2] =	ssyncset.done $0x0  }
0x1d9: {  	s8 =	rddreg [dreg:$0xa];
	[sflag:s2] =	ssyncadd.s32 $0xFFFFF800  }
0x1da: {  	[tilespmem:s30], [sflag:$0x2] =	stream.indirect.gather [hbm4b:s6+s23], $0x10, s8, s23, $0xb8;
	[tilespmem:$0x8000] =	vst v63  }
0x1db: {  	s9 =	rddreg [dreg:$0xb]  }
0x1dc: {  	[spmem:s3] =	stream.indirect.scatter.add.f32 [tilespmem:s31], [sflag:$0x3], $0x10, s9, s23, $0xb8;
	[tilespmem:$0x8000] =	vst v63  }
0x1dd: {  	_ =	swait.ge [sflag:s1], $0x800  }
0x1de: {  	[sflag:s1] =	ssyncset.done $0x0  }
0x1df: {  	[sflag:s1] =	ssyncadd.s32 $0xFFFFF800  }
0x1e0: {  	_ =	swait.ge [sflag:s2], $0x800  }
0x1e1: {  	[sflag:s2] =	ssyncset.done $0x0  }
0x1e2: {  	s10 =	rddreg [dreg:$0xc];
	[sflag:s2] =	ssyncadd.s32 $0xFFFFF800  }
0x1e3: {  	[tilespmem:s24], [sflag:$0x2] =	stream.indirect.gather [hbm4b:s6+s23], $0x10, s10, s23, $0xb8;
	[tilespmem:$0x8000] =	vst v63  }
0x1e4: {  	s16 =	rddreg [dreg:$0xd]  }
0x1e5: {  	[spmem:s3] =	stream.indirect.scatter.add.f32 [tilespmem:s0], [sflag:$0x3], $0x10, s16, s23, $0xb8;
	[tilespmem:$0x8000] =	vst v63  }
0x1e6: {  	_ =	swait.ge [sflag:s1], $0x800  }
0x1e7: {  	[sflag:s1] =	ssyncset.done $0x0  }
0x1e8: {  	[sflag:s1] =	ssyncadd.s32 $0xFFFFF800  }
0x1e9: {  	_ =	swait.ge [sflag:s2], $0x800  }
0x1ea: {  	[sflag:s2] =	ssyncset.done $0x0  }
0x1eb: {  	s17 =	rddreg [dreg:$0xe];
	[sflag:s2] =	ssyncadd.s32 $0xFFFFF800  }
0x1ec: {  	[tilespmem:s26], [sflag:$0x2] =	stream.indirect.gather [hbm4b:s6+s23], $0x10, s17, s23, $0xb8;
	[tilespmem:$0x8000] =	vst v63  }
0x1ed: {  	s18 =	rddreg [dreg:$0xf]  }
0x1ee: {  	[spmem:s3] =	stream.indirect.scatter.add.f32 [tilespmem:s25], [sflag:$0x3], $0x10, s18, s23, $0xb8;
	[tilespmem:$0x8000] =	vst v63  }
0x1ef: {  	_ =	swait.ge [sflag:s1], $0x800  }
0x1f0: {  	[sflag:s1] =	ssyncset.done $0x0  }
0x1f1: {  	[sflag:s1] =	ssyncadd.s32 $0xFFFFF800  }
0x1f2: {  	_ =	swait.ge [sflag:s2], $0x800  }
0x1f3: {  	[sflag:s2] =	ssyncset.done $0x0  }
0x1f4: {  	s8 =	rddreg [dreg:$0x10];
	[sflag:s2] =	ssyncadd.s32 $0xFFFFF800  }
0x1f5: {  	[tilespmem:s29], [sflag:$0x2] =	stream.indirect.gather [hbm4b:s6+s23], $0x10, s8, s23, $0xb8;
	[tilespmem:$0x8000] =	vst v63  }
0x1f6: {  	s9 =	rddreg [dreg:$0x11]  }
0x1f7: {  	[spmem:s3] =	stream.indirect.scatter.add.f32 [tilespmem:s28], [sflag:$0x3], $0x10, s9, s23, $0xb8;
	[tilespmem:$0x8000] =	vst v63  }
0x1f8: {  	_ =	swait.ge [sflag:s1], $0x800  }
0x1f9: {  	[sflag:s1] =	ssyncset.done $0x0  }
0x1fa: {  	[sflag:s1] =	ssyncadd.s32 $0xFFFFF800  }
0x1fb: {  	_ =	swait.ge [sflag:s2], $0x800  }
0x1fc: {  	[sflag:s2] =	ssyncset.done $0x0  }
0x1fd: {  	s10 =	rddreg [dreg:$0x12];
	[sflag:s2] =	ssyncadd.s32 $0xFFFFF800  }
0x1fe: {  	[tilespmem:s31], [sflag:$0x2] =	stream.indirect.gather [hbm4b:s6+s23], $0x10, s10, s23, $0xb8;
	[tilespmem:$0x8000] =	vst v63  }
0x1ff: {  	s16 =	rddreg [dreg:$0x13]  }
0x200: {  	[spmem:s3] =	stream.indirect.scatter.add.f32 [tilespmem:s30], [sflag:$0x3], $0x10, s16, s23, $0xb8;
	[tilespmem:$0x8000] =	vst v63  }
0x201: {  	_ =	swait.ge [sflag:s1], $0x800  }
0x202: {  	[sflag:s1] =	ssyncset.done $0x0  }
0x203: {  	[sflag:s1] =	ssyncadd.s32 $0xFFFFF800  }
0x204: {  	_ =	swait.ge [sflag:s2], $0x800  }
0x205: {  	[sflag:s2] =	ssyncset.done $0x0  }
0x206: {  	s17 =	rddreg [dreg:$0x14];
	[sflag:s2] =	ssyncadd.s32 $0xFFFFF800  }
0x207: {  	[tilespmem:s0], [sflag:$0x2] =	stream.indirect.gather [hbm4b:s6+s23], $0x10, s17, s23, $0xb8;
	[tilespmem:$0x8000] =	vst v63  }
0x208: {  	s18 =	rddreg [dreg:$0x15]  }
0x209: {  	[spmem:s3] =	stream.indirect.scatter.add.f32 [tilespmem:s24], [sflag:$0x3], $0x10, s18, s23, $0xb8;
	[tilespmem:$0x8000] =	vst v63  }
0x20a: {  	_ =	swait.ge [sflag:s1], $0x800  }
0x20b: {  	[sflag:s1] =	ssyncset.done $0x0  }
0x20c: {  	[sflag:s1] =	ssyncadd.s32 $0xFFFFF800  }
0x20d: {  	_ =	swait.ge [sflag:s2], $0x800  }
0x20e: {  	[sflag:s2] =	ssyncset.done $0x0  }
0x20f: {  	s7 =	rddreg [dreg:$0x16];
	[sflag:s2] =	ssyncadd.s32 $0xFFFFF800  }
0x210: {  	[tilespmem:s25], [sflag:$0x2] =	stream.indirect.gather [hbm4b:s6+s23], $0x10, s7, s23, $0xb8;
	[tilespmem:$0x8000] =	vst v63  }
0x211: {  	s8 =	rddreg [dreg:$0x17]  }
0x212: {  	[spmem:s3] =	stream.indirect.scatter.add.f32 [tilespmem:s26], [sflag:$0x3], $0x10, s8, s23, $0xb8;
	[tilespmem:$0x8000] =	vst v63  }
0x213: {  	_ =	swait.ge [sflag:s1], $0x800  }
0x214: {  	[sflag:s1] =	ssyncset.done $0x0  }
0x215: {  	[sflag:s1] =	ssyncadd.s32 $0xFFFFF800  }
0x216: {  	_ =	swait.ge [sflag:s2], $0x800  }
0x217: {  	[sflag:s2] =	ssyncset.done $0x0  }
0x218: {  	s9 =	rddreg [dreg:$0x18];
	[sflag:s2] =	ssyncadd.s32 $0xFFFFF800  }
0x219: {  	[tilespmem:s28], [sflag:$0x2] =	stream.indirect.gather [hbm4b:s6+s23], $0x10, s9, s23, $0xb8;
	[tilespmem:$0x8000] =	vst v63  }
0x21a: {  	s10 =	rddreg [dreg:$0x19]  }
0x21b: {  	[spmem:s3] =	stream.indirect.scatter.add.f32 [tilespmem:s29], [sflag:$0x3], $0x10, s10, s23, $0xb8;
	[tilespmem:$0x8000] =	vst v63  }
0x21c: {  	_ =	swait.ge [sflag:s1], $0x800  }
0x21d: {  	[sflag:s1] =	ssyncset.done $0x0  }
0x21e: {  	[sflag:s1] =	ssyncadd.s32 $0xFFFFF800  }
0x21f: {  	_ =	swait.ge [sflag:s2], $0x800  }
0x220: {  	[sflag:s2] =	ssyncset.done $0x0  }
0x221: {  	s16 =	rddreg [dreg:$0x1a];
	[sflag:s2] =	ssyncadd.s32 $0xFFFFF800  }
0x222: {  	[tilespmem:s30], [sflag:$0x2] =	stream.indirect.gather [hbm4b:s6+s23], $0x10, s16, s23, $0xb8;
	[tilespmem:$0x8000] =	vst v63  }
0x223: {  	s17 =	rddreg [dreg:$0x1b]  }
0x224: {  	[spmem:s3] =	stream.indirect.scatter.add.f32 [tilespmem:s31], [sflag:$0x3], $0x10, s17, s23, $0xb8;
	[tilespmem:$0x8000] =	vst v63  }
0x225: {  	_ =	swait.ge [sflag:s1], $0x800  }
0x226: {  	[sflag:s1] =	ssyncset.done $0x0  }
0x227: {  	[sflag:s1] =	ssyncadd.s32 $0xFFFFF800  }
0x228: {  	_ =	swait.ge [sflag:s2], $0x800  }
0x229: {  	[sflag:s2] =	ssyncset.done $0x0  }
0x22a: {  	[sflag:s2] =	ssyncadd.s32 $0xFFFFF800  }
0x22b: {  	_ =	swait.ge [sflag:s20], $0x800  }
0x22c: {  	[sflag:s20] =	ssyncset.done $0x0  }
0x22d: {  	[sflag:s20] =	ssyncadd.s32 $0xFFFFF800  }
0x22e: {  	_ =	swait.ge [sflag:s20], $0x800  }
0x22f: {  	[sflag:s20] =	ssyncset.done $0x0  }
0x230: {  	[sflag:s20] =	ssyncadd.s32 $0xFFFFF800  }
0x231: {  	[tilespmem:s24], [sflag:$0x2] =	stream.indirect.gather [hbm4b:s6+s23], $0x10, s21, s23, $0xb8;
	[tilespmem:$0x8000] =	vst v63  }
0x232: {  	s18 =	rddreg [dreg:$0x1c]  }
0x233: {  	[spmem:s3] =	stream.indirect.scatter.add.f32 [tilespmem:s0], [sflag:$0x3], $0x10, s18, s23, $0xb8;
	[tilespmem:$0x8000] =	vst v63  }
0x234: {  	_ =	swait.ge [sflag:s1], $0x800  }
0x235: {  	[sflag:s1] =	ssyncset.done $0x0  }
0x236: {  	[sflag:s1] =	ssyncadd.s32 $0xFFFFF800  }
0x237: {  	_ =	swait.ge [sflag:s2], $0x800  }
0x238: {  	[sflag:s2] =	ssyncset.done $0x0  }
0x239: {  	s7 =	rddreg [dreg:$0x1d];
	[sflag:s2] =	ssyncadd.s32 $0xFFFFF800  }
0x23a: {  	[tilespmem:s26], [sflag:$0x2] =	stream.indirect.gather [hbm4b:s6+s23], $0x10, s7, s23, $0xb8;
	[tilespmem:$0x8000] =	vst v63  }
0x23b: {  	s8 =	rddreg [dreg:$0x1e]  }
0x23c: {  	[spmem:s3] =	stream.indirect.scatter.add.f32 [tilespmem:s25], [sflag:$0x3], $0x10, s8, s23, $0xb8;
	[tilespmem:$0x8000] =	vst v63  }
0x23d: {  	_ =	swait.ge [sflag:s1], $0x800  }
0x23e: {  	[sflag:s1] =	ssyncset.done $0x0  }
0x23f: {  	[sflag:s1] =	ssyncadd.s32 $0xFFFFF800  }
0x240: {  	_ =	swait.ge [sflag:s2], $0x800  }
0x241: {  	[sflag:s2] =	ssyncset.done $0x0;
	s9 =	rddreg [dreg:$0x1f]  }
0x242: {  	s10 =	sld [smem:$0x7D9];
	[sflag:s2] =	ssyncadd.s32 $0xFFFFF800  }
0x243: {  	[tilespmem:s29], [sflag:$0x2] =	stream.indirect.gather [hbm4b:s6+s23], $0x10, s9, s23, $0xb8;
	[tilespmem:$0x8000] =	vst v63  }
0x244: {  	_ = 	snop  }
0x245: {  	[spmem:s3] =	stream.indirect.scatter.add.f32 [tilespmem:s28], [sflag:$0x3], $0x10, s10, s23, $0xb8;
	[tilespmem:$0x8000] =	vst v63  }
0x246: {  	_ =	swait.ge [sflag:s1], $0x800  }
0x247: {  	[sflag:s1] =	ssyncset.done $0x0  }
0x248: {  	[sflag:s1] =	ssyncadd.s32 $0xFFFFF800  }
0x249: {  	_ =	swait.ge [sflag:s2], $0x800  }
0x24a: {  	s16 =	sld [smem:$0x7DA]  }
0x24b: {  	[sflag:s2] =	ssyncset.done $0x0  }
0x24c: {  	s17 =	sld [smem:$0x7DB];
	[sflag:s2] =	ssyncadd.s32 $0xFFFFF800  }
0x24d: {  	[tilespmem:s31], [sflag:$0x2] =	stream.indirect.gather [hbm4b:s6+s23], $0x10, s16, s23, $0xb8;
	[tilespmem:$0x8000] =	vst v63  }
0x24e: {  	_ = 	snop  }
0x24f: {  	[spmem:s3] =	stream.indirect.scatter.add.f32 [tilespmem:s30], [sflag:$0x3], $0x10, s17, s23, $0xb8;
	[tilespmem:$0x8000] =	vst v63  }
0x250: {  	_ =	swait.ge [sflag:s1], $0x800  }
0x251: {  	[sflag:s1] =	ssyncset.done $0x0  }
0x252: {  	s15 =	sadd.s32 $0x1000, s15;
	p1 =	seq.s32 s13, $0x3000;
	[sflag:s1] =	ssyncadd.s32 $0xFFFFF800  }
0x253: {  	s4 =	sshrl.u32 @!p1 s15, $0x3;
	_ =	swait.ge [sflag:s2], $0x800  }
0x254: {  	s4 =	sadd.s32 @!p1 s5, s4;
	s7 =	simm.s32 @!p1 $0x0;
	[sflag:s2] =	ssyncset.done $0x0  }
0x255: {  	s8 =	simm.s32 @!p1 $0x2000;
	s9 =	sadd.s32 @!p1 s13, s14;
	[sflag:s2] =	ssyncadd.s32 $0xFFFFF800  }
0x256: {  	[tilespmem:s8], [sflag:$0x1] =	stream.linear.gather @!p1 [hbm4b:s4+s7], $0x800, $0x38;
	[tilespmem:$0x8000] =	vst v63  }
0x257: {  	s13 =	simm.s32 @!p1 $0x3000;
	s18 =	sld [smem:$0x7DC];
	s4 =	sadd.s32 @!p1 $0x200, s9  }
0x258: {  	[tilespmem:s13], [sflag:$0x1] =	stream.linear.gather @!p1 [hbm4b:s4+s7], $0x800, $0x38;
	[tilespmem:$0x8000] =	vst v63  }
0x259: {  	_ = 	snop  }
0x25a: {  	[tilespmem:s0], [sflag:$0x2] =	stream.indirect.gather [hbm4b:s6+s23], $0x10, s18, s23, $0xb8;
	[tilespmem:$0x8000] =	vst v63  }
0x25b: {  	_ = 	snop  }
0x25c: {  	[spmem:s3] =	stream.indirect.scatter.add.f32 [tilespmem:s24], [sflag:$0x3], $0x10, s22, s23, $0xb8;
	[tilespmem:$0x8000] =	vst v63  }
0x25d: {  	_ =	swait.ge [sflag:s1], $0x800  }
0x25e: {  	[sflag:s1] =	ssyncset.done $0x0  }
0x25f: {  	[sflag:s1] =	ssyncadd.s32 $0xFFFFF800  }
0x260: {  	_ =	swait.ge [sflag:s2], $0x800  }
0x261: {  	s9 =	sld [smem:$0x7DD]  }
0x262: {  	[sflag:s2] =	ssyncset.done $0x0  }
0x263: {  	s10 =	sld [smem:$0x7DE];
	[sflag:s2] =	ssyncadd.s32 $0xFFFFF800  }
0x264: {  	[tilespmem:s25], [sflag:$0x2] =	stream.indirect.gather [hbm4b:s6+s23], $0x10, s9, s23, $0xb8;
	[tilespmem:$0x8000] =	vst v63  }
0x265: {  	_ = 	snop  }
0x266: {  	[spmem:s3] =	stream.indirect.scatter.add.f32 [tilespmem:s26], [sflag:$0x3], $0x10, s10, s23, $0xb8;
	[tilespmem:$0x8000] =	vst v63  }
0x267: {  	_ =	swait.ge [sflag:s1], $0x800  }
0x268: {  	[sflag:s1] =	ssyncset.done $0x0  }
0x269: {  	[sflag:s1] =	ssyncadd.s32 $0xFFFFF800  }
0x26a: {  	_ =	swait.ge [sflag:s2], $0x800  }
0x26b: {  	s13 =	sld [smem:$0x7DF]  }
0x26c: {  	[sflag:s2] =	ssyncset.done $0x0  }
0x26d: {  	s16 =	sld [smem:$0x7E0];
	[sflag:s2] =	ssyncadd.s32 $0xFFFFF800  }
0x26e: {  	[tilespmem:s28], [sflag:$0x2] =	stream.indirect.gather [hbm4b:s6+s23], $0x10, s13, s23, $0xb8;
	[tilespmem:$0x8000] =	vst v63  }
0x26f: {  	_ = 	snop  }
0x270: {  	[spmem:s3] =	stream.indirect.scatter.add.f32 [tilespmem:s29], [sflag:$0x3], $0x10, s16, s23, $0xb8;
	[tilespmem:$0x8000] =	vst v63  }
0x271: {  	_ =	swait.ge [sflag:s1], $0x800  }
0x272: {  	[sflag:s1] =	ssyncset.done $0x0  }
0x273: {  	[sflag:s1] =	ssyncadd.s32 $0xFFFFF800  }
0x274: {  	_ =	swait.ge [sflag:s2], $0x800  }
0x275: {  	s17 =	sld [smem:$0x7E1]  }
0x276: {  	[sflag:s2] =	ssyncset.done $0x0  }
0x277: {  	s18 =	sld [smem:$0x7E2];
	[sflag:s2] =	ssyncadd.s32 $0xFFFFF800  }
0x278: {  	[tilespmem:s30], [sflag:$0x2] =	stream.indirect.gather [hbm4b:s6+s23], $0x10, s17, s23, $0xb8;
	[tilespmem:$0x8000] =	vst v63  }
0x279: {  	_ = 	snop  }
0x27a: {  	[spmem:s3] =	stream.indirect.scatter.add.f32 [tilespmem:s31], [sflag:$0x3], $0x10, s18, s23, $0xb8;
	[tilespmem:$0x8000] =	vst v63  }
0x27b: {  	_ =	swait.ge [sflag:s1], $0x800  }
0x27c: {  	[sflag:s1] =	ssyncset.done $0x0  }
0x27d: {  	[sflag:s1] =	ssyncadd.s32 $0xFFFFF800  }
0x27e: {  	_ =	swait.ge [sflag:s2], $0x800  }
0x27f: {  	s7 =	sld [smem:$0x7E5]  }
0x280: {  	[sflag:s2] =	ssyncset.done $0x0  }
0x281: {  	s8 =	sld [smem:$0x7E8];
	[sflag:s2] =	ssyncadd.s32 $0xFFFFF800  }
0x282: {  	[tilespmem:s24], [sflag:$0x2] =	stream.indirect.gather [hbm4b:s6+s23], $0x10, s7, s23, $0xb8;
	[tilespmem:$0x8000] =	vst v63  }
0x283: {  	_ = 	snop  }
0x284: {  	[spmem:s3] =	stream.indirect.scatter.add.f32 [tilespmem:s0], [sflag:$0x3], $0x10, s8, s23, $0xb8;
	[tilespmem:$0x8000] =	vst v63  }
0x285: {  	_ =	swait.ge [sflag:s1], $0x800  }
0x286: {  	[sflag:s1] =	ssyncset.done $0x0  }
0x287: {  	[sflag:s1] =	ssyncadd.s32 $0xFFFFF800  }
0x288: {  	_ =	swait.ge [sflag:s2], $0x800  }
0x289: {  	s9 =	sld [smem:$0x7E9]  }
0x28a: {  	[sflag:s2] =	ssyncset.done $0x0  }
0x28b: {  	s10 =	sld [smem:$0x7EA];
	[sflag:s2] =	ssyncadd.s32 $0xFFFFF800  }
0x28c: {  	[tilespmem:s26], [sflag:$0x2] =	stream.indirect.gather [hbm4b:s6+s23], $0x10, s9, s23, $0xb8;
	[tilespmem:$0x8000] =	vst v63  }
0x28d: {  	_ = 	snop  }
0x28e: {  	[spmem:s3] =	stream.indirect.scatter.add.f32 [tilespmem:s25], [sflag:$0x3], $0x10, s10, s23, $0xb8;
	[tilespmem:$0x8000] =	vst v63  }
0x28f: {  	_ =	swait.ge [sflag:s1], $0x800  }
0x290: {  	[sflag:s1] =	ssyncset.done $0x0  }
0x291: {  	[sflag:s1] =	ssyncadd.s32 $0xFFFFF800  }
0x292: {  	_ =	swait.ge [sflag:s2], $0x800  }
0x293: {  	s13 =	sld [smem:$0x7EC]  }
0x294: {  	[sflag:s2] =	ssyncset.done $0x0  }
0x295: {  	s16 =	sld [smem:$0x7ED];
	[sflag:s2] =	ssyncadd.s32 $0xFFFFF800  }
0x296: {  	[tilespmem:s29], [sflag:$0x2] =	stream.indirect.gather [hbm4b:s6+s23], $0x10, s13, s23, $0xb8;
	[tilespmem:$0x8000] =	vst v63  }
0x297: {  	_ = 	snop  }
0x298: {  	[spmem:s3] =	stream.indirect.scatter.add.f32 [tilespmem:s28], [sflag:$0x3], $0x10, s16, s23, $0xb8;
	[tilespmem:$0x8000] =	vst v63  }
0x299: {  	_ =	swait.ge [sflag:s1], $0x800  }
0x29a: {  	[sflag:s1] =	ssyncset.done $0x0  }
0x29b: {  	[sflag:s1] =	ssyncadd.s32 $0xFFFFF800  }
0x29c: {  	_ =	swait.ge [sflag:s2], $0x800  }
0x29d: {  	s17 =	sld [smem:$0x7EF]  }
0x29e: {  	[sflag:s2] =	ssyncset.done $0x0  }
0x29f: {  	s18 =	sld [smem:$0x7F0];
	[sflag:s2] =	ssyncadd.s32 $0xFFFFF800  }
0x2a0: {  	[tilespmem:s31], [sflag:$0x2] =	stream.indirect.gather [hbm4b:s6+s23], $0x10, s17, s23, $0xb8;
	[tilespmem:$0x8000] =	vst v63  }
0x2a1: {  	_ = 	snop  }
0x2a2: {  	[spmem:s3] =	stream.indirect.scatter.add.f32 [tilespmem:s30], [sflag:$0x3], $0x10, s18, s23, $0xb8;
	[tilespmem:$0x8000] =	vst v63  }
0x2a3: {  	_ =	swait.ge [sflag:s1], $0x800  }
0x2a4: {  	[sflag:s1] =	ssyncset.done $0x0  }
0x2a5: {  	[sflag:s1] =	ssyncadd.s32 $0xFFFFF800  }
0x2a6: {  	_ =	swait.ge [sflag:s2], $0x800  }
0x2a7: {  	s7 =	sld [smem:$0x7F2]  }
0x2a8: {  	[sflag:s2] =	ssyncset.done $0x0  }
0x2a9: {  	s8 =	sld [smem:$0x7F3];
	[sflag:s2] =	ssyncadd.s32 $0xFFFFF800  }
0x2aa: {  	[tilespmem:s0], [sflag:$0x2] =	stream.indirect.gather [hbm4b:s6+s23], $0x10, s7, s23, $0xb8;
	[tilespmem:$0x8000] =	vst v63  }
0x2ab: {  	_ = 	snop  }
0x2ac: {  	[spmem:s3] =	stream.indirect.scatter.add.f32 [tilespmem:s24], [sflag:$0x3], $0x10, s8, s23, $0xb8;
	[tilespmem:$0x8000] =	vst v63  }
0x2ad: {  	_ =	swait.ge [sflag:s1], $0x800  }
0x2ae: {  	[sflag:s1] =	ssyncset.done $0x0  }
0x2af: {  	[sflag:s1] =	ssyncadd.s32 $0xFFFFF800  }
0x2b0: {  	_ =	swait.ge [sflag:s2], $0x800  }
0x2b1: {  	s9 =	sld [smem:$0x7F4]  }
0x2b2: {  	[sflag:s2] =	ssyncset.done $0x0  }
0x2b3: {  	s10 =	sld [smem:$0x7F5];
	[sflag:s2] =	ssyncadd.s32 $0xFFFFF800  }
0x2b4: {  	[tilespmem:s25], [sflag:$0x2] =	stream.indirect.gather [hbm4b:s6+s23], $0x10, s9, s23, $0xb8;
	[tilespmem:$0x8000] =	vst v63  }
0x2b5: {  	_ = 	snop  }
0x2b6: {  	[spmem:s3] =	stream.indirect.scatter.add.f32 [tilespmem:s26], [sflag:$0x3], $0x10, s10, s23, $0xb8;
	[tilespmem:$0x8000] =	vst v63  }
0x2b7: {  	_ =	swait.ge [sflag:s1], $0x800  }
0x2b8: {  	[sflag:s1] =	ssyncset.done $0x0  }
0x2b9: {  	[sflag:s1] =	ssyncadd.s32 $0xFFFFF800  }
0x2ba: {  	_ =	swait.ge [sflag:s2], $0x800  }
0x2bb: {  	s13 =	sld [smem:$0x7F6]  }
0x2bc: {  	[sflag:s2] =	ssyncset.done $0x0  }
0x2bd: {  	s16 =	sld [smem:$0x7F7];
	[sflag:s2] =	ssyncadd.s32 $0xFFFFF800  }
0x2be: {  	[tilespmem:s28], [sflag:$0x2] =	stream.indirect.gather [hbm4b:s6+s23], $0x10, s13, s23, $0xb8;
	[tilespmem:$0x8000] =	vst v63  }
0x2bf: {  	_ = 	snop  }
0x2c0: {  	[spmem:s3] =	stream.indirect.scatter.add.f32 [tilespmem:s29], [sflag:$0x3], $0x10, s16, s23, $0xb8;
	[tilespmem:$0x8000] =	vst v63  }
0x2c1: {  	_ =	swait.ge [sflag:s1], $0x800  }
0x2c2: {  	[sflag:s1] =	ssyncset.done $0x0  }
0x2c3: {  	[sflag:s1] =	ssyncadd.s32 $0xFFFFF800  }
0x2c4: {  	_ =	swait.ge [sflag:s2], $0x800  }
0x2c5: {  	s17 =	sld [smem:$0x7F8]  }
0x2c6: {  	[sflag:s2] =	ssyncset.done $0x0  }
0x2c7: {  	s18 =	sld [smem:$0x7F9];
	[sflag:s2] =	ssyncadd.s32 $0xFFFFF800  }
0x2c8: {  	[tilespmem:s30], [sflag:$0x2] =	stream.indirect.gather [hbm4b:s6+s23], $0x10, s17, s23, $0xb8;
	[tilespmem:$0x8000] =	vst v63  }
0x2c9: {  	_ = 	snop  }
0x2ca: {  	[spmem:s3] =	stream.indirect.scatter.add.f32 [tilespmem:s31], [sflag:$0x3], $0x10, s18, s23, $0xb8;
	[tilespmem:$0x8000] =	vst v63  }
0x2cb: {  	_ =	swait.ge [sflag:s1], $0x800  }
0x2cc: {  	[sflag:s1] =	ssyncset.done $0x0  }
0x2cd: {  	s12 =	sadd.s32 $0x1, s12;
	[sflag:s1] =	ssyncadd.s32 $0xFFFFF800  }
0x2ce: {  	p1 =	sgt.u32 s12, $0x17;
	_ =	swait.ge [sflag:s2], $0x800  }
0x2cf: {  	s4 =	simm.s32 @p1 $0x80;
	s7 =	simm.s32 @p1 $0x6000;
	[sflag:s2] =	ssyncset.done $0x0  }
0x2d0: {  	s8 =	simm.s32 @p1 $0x3E00;
	s9 =	simm.s32 @p1 $0x2;
	[sflag:s2] =	ssyncadd.s32 $0xFFFFF800  }
0x2d1: {  	[spmem:s3] =	stream.indirect.scatter.add.f32 @p1 [tilespmem:s7], [sflag:$0x3], $0x10, s8, s4, $0xb8;
	[tilespmem:$0x8000] =	vst v63  }
0x2d2: {  	_ =	swait.ge @p1 [sflag:s9], $0x800  }
0x2d3: {  	[sflag:s9] =	ssyncset.done @p1 $0x0  }
0x2d4: {  	s8 =	simm.s32 @p1 $0x3;
	[sflag:s9] =	ssyncadd.s32 @p1 $0xFFFFF800  }
0x2d5: {  	_ =	swait.ge @p1 [sflag:s8], $0x800  }
0x2d6: {  	[sflag:s8] =	ssyncset.done @p1 $0x0  }
0x2d7: {  	s7 =	simm.s32 @!p1 $0x1;
	[sflag:s8] =	ssyncadd.s32 @p1 $0xFFFFF800  }
0x2d8: {  	_ =	swait.ge @!p1 [sflag:s7], $0x800  }
0x2d9: {  	[sflag:s7] =	ssyncset.done @!p1 $0x0  }
0x2da: {  	[sflag:s7] =	ssyncadd.s32 @!p1 $0xFFFFF800  }
0x2db: {  	_ =	swait.ge @!p1 [sflag:s7], $0x800  }
0x2dc: {  	s13 =	simm.s32 @!p1 $0x80;
	[sflag:s7] =	ssyncset.done @!p1 $0x0  }
0x2dd: {  	s16 =	simm.s32 @!p1 $0x4000;
	s18 =	simm.s32 @!p1 $0x2000;
	[sflag:s7] =	ssyncadd.s32 @!p1 $0xFFFFF800  }
0x2de: {  	[tilespmem:s16], [sflag:$0x2] =	stream.indirect.gather @!p1 [hbm4b:s6+s13], $0x10, s18, s13, $0xb8;
	[tilespmem:$0x8000] =	vst v63  }
0x2df: {  	s17 =	simm.s32 @!p1 $0x6000;
	s7 =	simm.s32 @!p1 $0x3E00;
	s16 =	simm.s32 @!p1 $0x2  }
0x2e0: {  	[spmem:s3] =	stream.indirect.scatter.add.f32 @!p1 [tilespmem:s17], [sflag:$0x3], $0x10, s7, s13, $0xb8;
	[tilespmem:$0x8000] =	vst v63  }
0x2e1: {  	_ =	swait.ge @!p1 [sflag:s16], $0x800  }
0x2e2: {  	[sflag:s16] =	ssyncset.done @!p1 $0x0  }
0x2e3: {  	s7 =	simm.s32 @!p1 $0x3;
	[sflag:s16] =	ssyncadd.s32 @!p1 $0xFFFFF800  }
0x2e4: {  	_ =	swait.ge @!p1 [sflag:s7], $0x800  }
0x2e5: {  	s18 =	simm.s32 @!p1 $0x2080;
	[sflag:s7] =	ssyncset.done @!p1 $0x0  }
0x2e6: {  	s17 =	simm.s32 @!p1 $0x4800;
	s10 =	sld [smem:$0x7FA];
	[sflag:s7] =	ssyncadd.s32 @!p1 $0xFFFFF800  }
0x2e7: {  	[tilespmem:s17], [sflag:$0x2] =	stream.indirect.gather @!p1 [hbm4b:s6+s13], $0x10, s18, s13, $0xb8;
	[tilespmem:$0x8000] =	vst v63  }
0x2e8: {  	_ = 	snop  }
0x2e9: {  	[spmem:s3] =	stream.indirect.scatter.add.f32 [tilespmem:s25], [sflag:$0x3], $0x10, s10, s23, $0xb8;
	[tilespmem:$0x8000] =	vst v63  }
0x2ea: {  	_ =	swait.ge [sflag:s1], $0x800  }
0x2eb: {  	[sflag:s1] =	ssyncset.done $0x0  }
0x2ec: {  	[sflag:s1] =	ssyncadd.s32 $0xFFFFF800  }
0x2ed: {  	_ =	swait.ge [sflag:s2], $0x800  }
0x2ee: {  	[sflag:s2] =	ssyncset.done $0x0  }
0x2ef: {  	s17 =	simm.s32 @p1 $0x7000;
	s10 =	simm.s32 @p1 $0x3F00;
	[sflag:s2] =	ssyncadd.s32 $0xFFFFF800  }
0x2f0: {  	[spmem:s3] =	stream.indirect.scatter.add.f32 @p1 [tilespmem:s17], [sflag:$0x3], $0x10, s10, s4, $0xb8;
	[tilespmem:$0x8000] =	vst v63  }
0x2f1: {  	_ =	swait.ge @p1 [sflag:s9], $0x800  }
0x2f2: {  	[sflag:s9] =	ssyncset.done @p1 $0x0  }
0x2f3: {  	[sflag:s9] =	ssyncadd.s32 @p1 $0xFFFFF800  }
0x2f4: {  	_ =	swait.ge @p1 [sflag:s8], $0x800  }
0x2f5: {  	[sflag:s8] =	ssyncset.done @p1 $0x0  }
0x2f6: {  	s4 =	simm.s32 @!p1 $0x2100;
	s9 =	simm.s32 @!p1 $0x5000;
	[sflag:s8] =	ssyncadd.s32 @p1 $0xFFFFF800  }
0x2f7: {  	[tilespmem:s9], [sflag:$0x2] =	stream.indirect.gather @!p1 [hbm4b:s6+s13], $0x10, s4, s13, $0xb8;
	[tilespmem:$0x8000] =	vst v63  }
0x2f8: {  	s10 =	simm.s32 @!p1 $0x7000;
	s8 =	simm.s32 @!p1 $0x3F00  }
0x2f9: {  	[spmem:s3] =	stream.indirect.scatter.add.f32 @!p1 [tilespmem:s10], [sflag:$0x3], $0x10, s8, s13, $0xb8;
	[tilespmem:$0x8000] =	vst v63  }
0x2fa: {  	s11 =	sadd.s32 $0x200, s11;
	_ =	swait.ge @!p1 [sflag:s16], $0x800  }
0x2fb: {  	p0 =	sne.s32 s11, $0x3200;
	[sflag:s16] =	ssyncset.done @!p1 $0x0  }
.Ltmp0:
0x2fc: {  	[sflag:s16] =	ssyncadd.s32 @!p1 $0xFFFFF800;
	(pc) =	sbr.rel @p0 .LBB2_2-.Ltmp0, $4  }
0x2fd: {  	_ =	swait.ge @!p1 [sflag:s7], $0x800  }
0x2fe: {  	s9 =	simm.s32 @!p1 $0x2180;
	[sflag:s7] =	ssyncset.done @!p1 $0x0  }
0x2ff: {  	s8 =	simm.s32 @!p1 $0x5800;
	s4 =	sld [smem:$0x7FB];
	[sflag:s7] =	ssyncadd.s32 @!p1 $0xFFFFF800  }
0x300: {  	[tilespmem:s8], [sflag:$0x2] =	stream.indirect.gather @!p1 [hbm4b:s6+s13], $0x10, s9, s13, $0xb8;
	[tilespmem:$0x8000] =	vst v63  }
0x301: {  	_ = 	snop  }
0x302: {  	[spmem:s3] =	stream.indirect.scatter.add.f32 [tilespmem:s30], [sflag:$0x3], $0x10, s4, s23, $0xb8;
	[tilespmem:$0x8000] =	vst v63  }
0x303: {  	_ =	swait.ge [sflag:s2], $0x800  }
0x304: {  	s12 =	sld [smem:$0x7FC]  }
0x305: {  	s17 =	sld [smem:$0x7EB]  }
0x306: {  	s7 =	sld [smem:$0x7FD]  }
0x307: {  	[sflag:s2] =	ssyncset.done $0x0  }
0x308: {  	s8 =	simm.s32 $0x4;
	[sflag:s2] =	ssyncadd.s32 $0xFFFFF800  }
0x309: {  	[hbm:s17], [sflag:s12] =	dma.local [spmem:s7], $0x400  }
0x30a: {  	_ =	swait.ge [sflag:s8], $0x400  }
0x30b: {  	s9 =	sld [smem:$0x7D8]  }
0x30c: {  	s18 =	sld [smem:$0x7EE];
	_ =	sdelay $0x1  }
0x30d: {  	s9 =	sadd.s32 $0x1, s9  }
0x30e: {  	p0 =	sne.s32 s9, s18  }
.Ltmp1:
0x30f: {  	_ = 	snop;
	(pc) =	sbr.rel @p0 .LBB2_1-.Ltmp1, $3  }
0x310: {  	_ =	sdelay $0x1  }
0x311: {  	[sflag:s8] =	ssyncset.done $0x0  }
0x312: {  	[sflag:s8] =	ssyncadd.s32 $0xFFFFFC00  }
0x313: {  	_ =	sfence.sel $0x180000  }
0x314: {  	[bflag:$0x0] =	sbarrier.arrive $0xFFFF  }
0x315: {  	_ =	strace $0x90000047  }
0x316: {  	s0 =	stileid.u32;
	[bflag:$0x2] =	sbarrier.arrive $0xFFFF  }
0x317: {  	p0 =	sne.s32 s0, $0x0;
	s0 =	rddreg [dreg:$0x3]  }
0x318: {  	s0 =	sadd.s32 @!p0 $0x100000, s0  }
0x319: {  	[sflag:s0] =	ssyncadd.tile.s32 @!p0 $0x1;
	_ =	shalt  }
.Lfunc_end2:
_tile_overlayer_lowered:
.L_overlay_start_2:
0x31a: {  	(tag) =	ssettag $0x2  }
0x31b: {  	s0 =	rddreg [dreg:$0x0];
	s2 =	stileid.u32  }
0x31c: {  	s1 =	rddreg [dreg:$0x1];
	p0 =	sne.s32 s2, $0x0  }
0x31d: {  	s3 =	rddreg [dreg:$0x2];
	[bflag:$0x3] =	sbarrier.arrive $0xFFFF;
	s2 =	simm.s32 @!p0 $0x1C04  }
0x31e: {  	[timem:s3], [sflag:s2] =	dma.local @!p0 [hbm:s0], s1  }
0x31f: {  	s0 =	simm.s32 @!p0 $0x4  }
0x320: {  	_ =	swait.ge @!p0 [sflag:s0], s1  }
0x321: {  	s1 =	ssub.s32 @!p0 $0x0, s1;
	[sflag:s0] =	ssyncset.done @!p0 $0x0  }
0x322: {  	[sflag:s0] =	ssyncadd.s32 @!p0 s1  }
0x323: {  	[bflag:$0x3] =	sbarrier.arrive $0xFFFF  }
0x324: {  	_ =	shalt  }

</sc_bundles>
